<compile_context>
chip_gen: v7x
topology: tpu7x:2x2x1
jax: 0.10.2.dev20260603
libtpu: 0.0.44.dev20260713+nightly
codegen_flags: <defaults>
</compile_context>

<pallas_src>
import functools

import jax
import jax.numpy as jnp
from jax import lax
from jax.experimental import pallas as pl
from jax.experimental.pallas import tpu as pltpu
from jax.experimental.pallas import tpu_sc as plsc

B, L, D = 4, 4096, 1024
CHUNK = 8
NBUF = 3
UNROLL = 8


def _sc_add(x, table):
    info = plsc.get_sparse_core_info()
    nc, ns = info.num_cores, info.num_subcores
    nw = nc * ns
    rows_w = L // nw
    nch = rows_w // CHUNK

    mesh = plsc.VectorSubcoreMesh(core_axis_name="c", subcore_axis_name="s")

    scratch = (
        [pltpu.VMEM((B, CHUNK, D), jnp.float32) for _ in range(NBUF)]
        + [pltpu.VMEM((CHUNK, D), jnp.float32) for _ in range(NBUF)]
        + [pltpu.SemaphoreType.DMA for _ in range(3 * NBUF)]
    )

    @functools.partial(
        pl.kernel,
        mesh=mesh,
        out_type=jax.ShapeDtypeStruct((B, L, D), jnp.float32),
        scratch_types=scratch,
    )
    def k(x_hbm, t_hbm, o_hbm, *s):
        xbuf = list(s[:NBUF])
        tbuf = list(s[NBUF:2 * NBUF])
        sems = list(s[2 * NBUF:])
        xin = sems[:NBUF]
        xout = sems[NBUF:2 * NBUF]
        tin = sems[2 * NBUF:]

        w = lax.axis_index("s") * nc + lax.axis_index("c")
        row0 = w * rows_w

        def trow(c):
            return row0 + c * CHUNK

        def start_xload(c):
            pltpu.async_copy(
                x_hbm.at[:, pl.ds(trow(c), CHUNK), :], xbuf[c % NBUF],
                xin[c % NBUF])

        def start_tload(c):
            pltpu.async_copy(
                t_hbm.at[pl.ds(trow(c), CHUNK), :], tbuf[c % NBUF],
                tin[c % NBUF])

        def start_xstore(c):
            pltpu.async_copy(
                xbuf[c % NBUF], o_hbm.at[:, pl.ds(trow(c), CHUNK), :],
                xout[c % NBUF])

        def wait_xin(c):
            pltpu.make_async_copy(
                x_hbm.at[:, pl.ds(0, CHUNK), :], xbuf[c % NBUF],
                xin[c % NBUF]).wait()

        def wait_xout(c):
            pltpu.make_async_copy(
                xbuf[c % NBUF], o_hbm.at[:, pl.ds(0, CHUNK), :],
                xout[c % NBUF]).wait()

        def wait_tin(c):
            pltpu.make_async_copy(
                t_hbm.at[pl.ds(0, CHUNK), :], tbuf[c % NBUF],
                tin[c % NBUF]).wait()

        for c0 in range(NBUF):
            start_tload(c0)
            start_xload(c0)

        nvec = CHUNK * D // 16
        cpr = D // 16

        for c in range(nch):
            if c >= NBUF - 1 and c + 1 < nch:
                wait_xout(c + 1 - NBUF)
                start_xload(c + 1)

            wait_tin(c)
            wait_xin(c)

            tb = tbuf[c % NBUF]
            xb = xbuf[c % NBUF]

            @plsc.parallel_loop(0, nvec, 1, unroll=UNROLL)
            def _(j, tb=tb, xb=xb):
                i = jax.lax.div(j, cpr)
                sl = pl.ds(jax.lax.rem(j, cpr) * 16, 16)
                tv = tb[i, sl]
                for b in range(B):
                    xb[b, i, sl] = xb[b, i, sl] + tv

            start_xstore(c)
            if c + NBUF < nch:
                start_tload(c + NBUF)

        for c in range(max(0, nch - NBUF), nch):
            wait_xout(c)

    return k(x, table)


def kernel(x, table):
    return _sc_add(x, table)

# --- scband reference (transcript-rebuilt; emitter-appended) ---
"""Pipeline reference for scband-learnable-absolute-position-embedding-3985729651227 (READ-ONLY COPY).

The authoritative reference and input builder live on the scoring server;
editing this copy changes nothing except your own understanding.
"""

import jax, jax.numpy as jnp
import numpy as np

MAX_POS = 8192
HIDDEN = 1024
B, L, D = 4, 4096, 1024

def setup_inputs(seed: int = 0) -> dict:
    key = jax.random.key(seed)
    k1, k2 = jax.random.split(key)
    x = jax.random.normal(k1, (B, L, D), dtype=jnp.float32)
    table = jax.random.normal(k2, (MAX_POS, HIDDEN), dtype=jnp.float32) * 0.02
    return {"x": x, "table": table}

def reference(x, table):
    # position_ids = arange(max_pos)[:L]
    position_ids = jnp.arange(x.shape[-2])
    pos_emb = jnp.take(table, position_ids, axis=0)  # [L, D]
    return x + pos_emb[None, :, :]

if __name__ == "__main__":
    import jax
    _d = setup_inputs()
    print(jax.jit(kernel)(*tuple(_d.values())))

</pallas_src>

<mosaic_0001>
#map = affine_map<(d0, d1) -> (0, 0, 0)>
#map1 = affine_map<(d0, d1) -> (0, 0)>
module attributes {stable_mosaic.version = 14 : i64} {
  func.func @k(%arg0: i32, %arg1: i32, %arg2: memref<4x4096x1024xf32, #tpu.memory_space<hbm>>, %arg3: memref<8192x1024xf32, #tpu.memory_space<hbm>>, %arg4: memref<4x4096x1024xf32, #tpu.memory_space<hbm>>, %arg5: memref<4x8x1024xf32, #tpu.memory_space<vmem>>, %arg6: memref<4x8x1024xf32, #tpu.memory_space<vmem>>, %arg7: memref<4x8x1024xf32, #tpu.memory_space<vmem>>, %arg8: memref<8x1024xf32, #tpu.memory_space<vmem>>, %arg9: memref<8x1024xf32, #tpu.memory_space<vmem>>, %arg10: memref<8x1024xf32, #tpu.memory_space<vmem>>, %arg11: memref<!tpu.dma_semaphore, #tpu.memory_space<semaphore_mem>>, %arg12: memref<!tpu.dma_semaphore, #tpu.memory_space<semaphore_mem>>, %arg13: memref<!tpu.dma_semaphore, #tpu.memory_space<semaphore_mem>>, %arg14: memref<!tpu.dma_semaphore, #tpu.memory_space<semaphore_mem>>, %arg15: memref<!tpu.dma_semaphore, #tpu.memory_space<semaphore_mem>>, %arg16: memref<!tpu.dma_semaphore, #tpu.memory_space<semaphore_mem>>, %arg17: memref<!tpu.dma_semaphore, #tpu.memory_space<semaphore_mem>>, %arg18: memref<!tpu.dma_semaphore, #tpu.memory_space<semaphore_mem>>, %arg19: memref<!tpu.dma_semaphore, #tpu.memory_space<semaphore_mem>>) attributes {dimension_semantics = [#tpu.dimension_semantics<core_parallel>, #tpu.dimension_semantics<subcore_parallel>], iteration_bounds = array<i64: 2, 16>, scalar_prefetch = 0 : i64, scratch_operands = 15 : i64, tpu.core_type = #tpu.core_type<sc_vector_subcore>, window_params = [{transform_indices = #map}, {transform_indices = #map1}, {transform_indices = #map}]} {
    %mul3A = arith.constant 2 : i32
    %mul3A_0 = arith.muli %arg1, %mul3A : i32
    %add3A = arith.addi %mul3A_0, %arg0 : i32
    %mul3A_1 = arith.constant 128 : i32
    %mul3A_2 = arith.muli %add3A, %mul3A_1 : i32
    %add3A_3 = arith.constant 0 : i32
    %add3A_4 = arith.addi %mul3A_2, %add3A_3 : i32
    %dma_start3A = arith.constant 0 : i32
    %dma_start3A_5 = tpu.memref_slice %arg3[%add3A_4, %dma_start3A] : memref<8192x1024xf32, #tpu.memory_space<hbm>> -> memref<8x1024xf32, #tpu.memory_space<hbm>>
    %dma_start3A_6 = arith.constant 0 : i32
    %dma_start3A_7 = tpu.memref_slice %arg3[%add3A_4, %dma_start3A_6] : memref<8192x1024xf32, #tpu.memory_space<hbm>> -> memref<8x1024xf32, #tpu.memory_space<hbm>>
    tpu.enqueue_dma source(%dma_start3A_7 : memref<8x1024xf32, #tpu.memory_space<hbm>>) target(%arg8 : memref<8x1024xf32, #tpu.memory_space<vmem>>) target_semaphore(%arg17 : memref<!tpu.dma_semaphore, #tpu.memory_space<semaphore_mem>>)
    %add3A_8 = arith.constant 0 : i32
    %add3A_9 = arith.addi %mul3A_2, %add3A_8 : i32
    %dma_start3A_10 = arith.constant 0 : i32
    %dma_start3A_11 = arith.constant 0 : i32
    %dma_start3A_12 = tpu.memref_slice %arg2[%dma_start3A_10, %add3A_9, %dma_start3A_11] : memref<4x4096x1024xf32, #tpu.memory_space<hbm>> -> memref<4x8x1024xf32, #tpu.memory_space<hbm>>
    %dma_start3A_13 = arith.constant 0 : i32
    %dma_start3A_14 = arith.constant 0 : i32
    %dma_start3A_15 = tpu.memref_slice %arg2[%dma_start3A_13, %add3A_9, %dma_start3A_14] : memref<4x4096x1024xf32, #tpu.memory_space<hbm>> -> memref<4x8x1024xf32, #tpu.memory_space<hbm>>
    tpu.enqueue_dma source(%dma_start3A_15 : memref<4x8x1024xf32, #tpu.memory_space<hbm>>) target(%arg5 : memref<4x8x1024xf32, #tpu.memory_space<vmem>>) target_semaphore(%arg11 : memref<!tpu.dma_semaphore, #tpu.memory_space<semaphore_mem>>)
    %add3A_16 = arith.constant 8 : i32
    %add3A_17 = arith.addi %mul3A_2, %add3A_16 : i32
    %dma_start3A_18 = arith.constant 0 : i32
    %dma_start3A_19 = tpu.memref_slice %arg3[%add3A_17, %dma_start3A_18] : memref<8192x1024xf32, #tpu.memory_space<hbm>> -> memref<8x1024xf32, #tpu.memory_space<hbm>>
    %dma_start3A_20 = arith.constant 0 : i32
    %dma_start3A_21 = tpu.memref_slice %arg3[%add3A_17, %dma_start3A_20] : memref<8192x1024xf32, #tpu.memory_space<hbm>> -> memref<8x1024xf32, #tpu.memory_space<hbm>>
    tpu.enqueue_dma source(%dma_start3A_21 : memref<8x1024xf32, #tpu.memory_space<hbm>>) target(%arg9 : memref<8x1024xf32, #tpu.memory_space<vmem>>) target_semaphore(%arg18 : memref<!tpu.dma_semaphore, #tpu.memory_space<semaphore_mem>>)
    %add3A_22 = arith.constant 8 : i32
    %add3A_23 = arith.addi %mul3A_2, %add3A_22 : i32
    %dma_start3A_24 = arith.constant 0 : i32
    %dma_start3A_25 = arith.constant 0 : i32
    %dma_start3A_26 = tpu.memref_slice %arg2[%dma_start3A_24, %add3A_23, %dma_start3A_25] : memref<4x4096x1024xf32, #tpu.memory_space<hbm>> -> memref<4x8x1024xf32, #tpu.memory_space<hbm>>
    %dma_start3A_27 = arith.constant 0 : i32
    %dma_start3A_28 = arith.constant 0 : i32
    %dma_start3A_29 = tpu.memref_slice %arg2[%dma_start3A_27, %add3A_23, %dma_start3A_28] : memref<4x4096x1024xf32, #tpu.memory_space<hbm>> -> memref<4x8x1024xf32, #tpu.memory_space<hbm>>
    tpu.enqueue_dma source(%dma_start3A_29 : memref<4x8x1024xf32, #tpu.memory_space<hbm>>) target(%arg6 : memref<4x8x1024xf32, #tpu.memory_space<vmem>>) target_semaphore(%arg12 : memref<!tpu.dma_semaphore, #tpu.memory_space<semaphore_mem>>)
    %add3A_30 = arith.constant 16 : i32
    %add3A_31 = arith.addi %mul3A_2, %add3A_30 : i32
    %dma_start3A_32 = arith.constant 0 : i32
    %dma_start3A_33 = tpu.memref_slice %arg3[%add3A_31, %dma_start3A_32] : memref<8192x1024xf32, #tpu.memory_space<hbm>> -> memref<8x1024xf32, #tpu.memory_space<hbm>>
    %dma_start3A_34 = arith.constant 0 : i32
    %dma_start3A_35 = tpu.memref_slice %arg3[%add3A_31, %dma_start3A_34] : memref<8192x1024xf32, #tpu.memory_space<hbm>> -> memref<8x1024xf32, #tpu.memory_space<hbm>>
    tpu.enqueue_dma source(%dma_start3A_35 : memref<8x1024xf32, #tpu.memory_space<hbm>>) target(%arg10 : memref<8x1024xf32, #tpu.memory_space<vmem>>) target_semaphore(%arg19 : memref<!tpu.dma_semaphore, #tpu.memory_space<semaphore_mem>>)
    %add3A_36 = arith.constant 16 : i32
    %add3A_37 = arith.addi %mul3A_2, %add3A_36 : i32
    %dma_start3A_38 = arith.constant 0 : i32
    %dma_start3A_39 = arith.constant 0 : i32
    %dma_start3A_40 = tpu.memref_slice %arg2[%dma_start3A_38, %add3A_37, %dma_start3A_39] : memref<4x4096x1024xf32, #tpu.memory_space<hbm>> -> memref<4x8x1024xf32, #tpu.memory_space<hbm>>
    %dma_start3A_41 = arith.constant 0 : i32
    %dma_start3A_42 = arith.constant 0 : i32
    %dma_start3A_43 = tpu.memref_slice %arg2[%dma_start3A_41, %add3A_37, %dma_start3A_42] : memref<4x4096x1024xf32, #tpu.memory_space<hbm>> -> memref<4x8x1024xf32, #tpu.memory_space<hbm>>
    tpu.enqueue_dma source(%dma_start3A_43 : memref<4x8x1024xf32, #tpu.memory_space<hbm>>) target(%arg7 : memref<4x8x1024xf32, #tpu.memory_space<vmem>>) target_semaphore(%arg13 : memref<!tpu.dma_semaphore, #tpu.memory_space<semaphore_mem>>)
    %dma_wait3A = arith.constant 0 : i32
    %dma_wait3A_44 = arith.constant 0 : i32
    %dma_wait3A_45 = tpu.memref_slice %arg3[%dma_wait3A, %dma_wait3A_44] : memref<8192x1024xf32, #tpu.memory_space<hbm>> -> memref<8x1024xf32, #tpu.memory_space<hbm>>
    %dma_wait3A_46 = arith.constant 0 : i32
    %dma_wait3A_47 = arith.constant 0 : i32
    %dma_wait3A_48 = tpu.memref_slice %arg3[%dma_wait3A_46, %dma_wait3A_47] : memref<8192x1024xf32, #tpu.memory_space<hbm>> -> memref<8x1024xf32, #tpu.memory_space<hbm>>
    tpu.wait_dma2 semaphore(%arg17 : memref<!tpu.dma_semaphore, #tpu.memory_space<semaphore_mem>>) src(%dma_wait3A_48 : memref<8x1024xf32, #tpu.memory_space<hbm>>) dst(%arg8 : memref<8x1024xf32, #tpu.memory_space<vmem>>)
    %dma_wait3A_49 = arith.constant 0 : i32
    %dma_wait3A_50 = arith.constant 0 : i32
    %dma_wait3A_51 = arith.constant 0 : i32
    %dma_wait3A_52 = tpu.memref_slice %arg2[%dma_wait3A_49, %dma_wait3A_50, %dma_wait3A_51] : memref<4x4096x1024xf32, #tpu.memory_space<hbm>> -> memref<4x8x1024xf32, #tpu.memory_space<hbm>>
    %dma_wait3A_53 = arith.constant 0 : i32
    %dma_wait3A_54 = arith.constant 0 : i32
    %dma_wait3A_55 = arith.constant 0 : i32
    %dma_wait3A_56 = tpu.memref_slice %arg2[%dma_wait3A_53, %dma_wait3A_54, %dma_wait3A_55] : memref<4x4096x1024xf32, #tpu.memory_space<hbm>> -> memref<4x8x1024xf32, #tpu.memory_space<hbm>>
    tpu.wait_dma2 semaphore(%arg11 : memref<!tpu.dma_semaphore, #tpu.memory_space<semaphore_mem>>) src(%dma_wait3A_56 : memref<4x8x1024xf32, #tpu.memory_space<hbm>>) dst(%arg5 : memref<4x8x1024xf32, #tpu.memory_space<vmem>>)
    %parallel_loop3A = arith.constant 0 : i32
    %parallel_loop3A_57 = arith.constant 512 : i32
    %parallel_loop3A_58 = arith.constant 1 : i32
    scf.for %parallel_loop3A_752 = %parallel_loop3A to %parallel_loop3A_57 step %parallel_loop3A_58  : i32 {
      %parallel_loop3A_753 = arith.constant 64 : i32
      %parallel_loop3A_754 = arith.divsi %parallel_loop3A_752, %parallel_loop3A_753 : i32
      %parallel_loop3A_755 = arith.constant 64 : i32
      %parallel_loop3A_756 = arith.remsi %parallel_loop3A_752, %parallel_loop3A_755 : i32
      %parallel_loop3A_757 = arith.constant 16 : i32
      %parallel_loop3A_758 = arith.muli %parallel_loop3A_756, %parallel_loop3A_757 : i32
      %parallel_loop3A_759 = arith.index_cast %parallel_loop3A_754 : i32 to index
      %parallel_loop3A_760 = arith.index_cast %parallel_loop3A_758 : i32 to index
      %parallel_loop3A_761 = tpu.vector_load %arg8[%parallel_loop3A_759, %parallel_loop3A_760] {strides = array<i32>} : memref<8x1024xf32, #tpu.memory_space<vmem>>, vector<1x16xf32>,
      %parallel_loop3A_762 = vector.shape_cast %parallel_loop3A_761 : vector<1x16xf32> to vector<16xf32>
      %parallel_loop3A_763 = arith.constant 0 : i32
      %parallel_loop3A_764 = arith.index_cast %parallel_loop3A_763 : i32 to index
      %parallel_loop3A_765 = arith.index_cast %parallel_loop3A_754 : i32 to index
      %parallel_loop3A_766 = arith.index_cast %parallel_loop3A_758 : i32 to index
      %parallel_loop3A_767 = tpu.vector_load %arg5[%parallel_loop3A_764, %parallel_loop3A_765, %parallel_loop3A_766] {strides = array<i32>} : memref<4x8x1024xf32, #tpu.memory_space<vmem>>, vector<1x1x16xf32>,
      %parallel_loop3A_768 = vector.shape_cast %parallel_loop3A_767 : vector<1x1x16xf32> to vector<16xf32>
      %parallel_loop3A_769 = arith.addf %parallel_loop3A_768, %parallel_loop3A_762 : vector<16xf32>
      %parallel_loop3A_770 = arith.constant 0 : i32
      %parallel_loop3A_771 = arith.index_cast %parallel_loop3A_770 : i32 to index
      %parallel_loop3A_772 = arith.index_cast %parallel_loop3A_754 : i32 to index
      %parallel_loop3A_773 = arith.index_cast %parallel_loop3A_758 : i32 to index
      %parallel_loop3A_774 = tpu.vector_load %arg5[%parallel_loop3A_771, %parallel_loop3A_772, %parallel_loop3A_773] {strides = array<i32>} : memref<4x8x1024xf32, #tpu.memory_space<vmem>>, vector<1x1x16xf32>,
      %parallel_loop3A_775 = vector.shape_cast %parallel_loop3A_774 : vector<1x1x16xf32> to vector<16xf32>
      %parallel_loop3A_776 = vector.shape_cast %parallel_loop3A_769 : vector<16xf32> to vector<1x1x16xf32>
      tpu.vector_store %arg5[%parallel_loop3A_771, %parallel_loop3A_772, %parallel_loop3A_773], %parallel_loop3A_776 {strides = array<i32>} : memref<4x8x1024xf32, #tpu.memory_space<vmem>>, vector<1x1x16xf32>,
      %parallel_loop3A_777 = arith.constant 1 : i32
      %parallel_loop3A_778 = arith.index_cast %parallel_loop3A_777 : i32 to index
      %parallel_loop3A_779 = arith.index_cast %parallel_loop3A_754 : i32 to index
      %parallel_loop3A_780 = arith.index_cast %parallel_loop3A_758 : i32 to index
      %parallel_loop3A_781 = tpu.vector_load %arg5[%parallel_loop3A_778, %parallel_loop3A_779, %parallel_loop3A_780] {strides = array<i32>} : memref<4x8x1024xf32, #tpu.memory_space<vmem>>, vector<1x1x16xf32>,
      %parallel_loop3A_782 = vector.shape_cast %parallel_loop3A_781 : vector<1x1x16xf32> to vector<16xf32>
      %parallel_loop3A_783 = arith.addf %parallel_loop3A_782, %parallel_loop3A_762 : vector<16xf32>
      %parallel_loop3A_784 = arith.constant 1 : i32
      %parallel_loop3A_785 = arith.index_cast %parallel_loop3A_784 : i32 to index
      %parallel_loop3A_786 = arith.index_cast %parallel_loop3A_754 : i32 to index
      %parallel_loop3A_787 = arith.index_cast %parallel_loop3A_758 : i32 to index
      %parallel_loop3A_788 = tpu.vector_load %arg5[%parallel_loop3A_785, %parallel_loop3A_786, %parallel_loop3A_787] {strides = array<i32>} : memref<4x8x1024xf32, #tpu.memory_space<vmem>>, vector<1x1x16xf32>,
      %parallel_loop3A_789 = vector.shape_cast %parallel_loop3A_788 : vector<1x1x16xf32> to vector<16xf32>
      %parallel_loop3A_790 = vector.shape_cast %parallel_loop3A_783 : vector<16xf32> to vector<1x1x16xf32>
      tpu.vector_store %arg5[%parallel_loop3A_785, %parallel_loop3A_786, %parallel_loop3A_787], %parallel_loop3A_790 {strides = array<i32>} : memref<4x8x1024xf32, #tpu.memory_space<vmem>>, vector<1x1x16xf32>,
      %parallel_loop3A_791 = arith.constant 2 : i32
      %parallel_loop3A_792 = arith.index_cast %parallel_loop3A_791 : i32 to index
      %parallel_loop3A_793 = arith.index_cast %parallel_loop3A_754 : i32 to index
      %parallel_loop3A_794 = arith.index_cast %parallel_loop3A_758 : i32 to index
      %parallel_loop3A_795 = tpu.vector_load %arg5[%parallel_loop3A_792, %parallel_loop3A_793, %parallel_loop3A_794] {strides = array<i32>} : memref<4x8x1024xf32, #tpu.memory_space<vmem>>, vector<1x1x16xf32>,
      %parallel_loop3A_796 = vector.shape_cast %parallel_loop3A_795 : vector<1x1x16xf32> to vector<16xf32>
      %parallel_loop3A_797 = arith.addf %parallel_loop3A_796, %parallel_loop3A_762 : vector<16xf32>
      %parallel_loop3A_798 = arith.constant 2 : i32
      %parallel_loop3A_799 = arith.index_cast %parallel_loop3A_798 : i32 to index
      %parallel_loop3A_800 = arith.index_cast %parallel_loop3A_754 : i32 to index
      %parallel_loop3A_801 = arith.index_cast %parallel_loop3A_758 : i32 to index
      %parallel_loop3A_802 = tpu.vector_load %arg5[%parallel_loop3A_799, %parallel_loop3A_800, %parallel_loop3A_801] {strides = array<i32>} : memref<4x8x1024xf32, #tpu.memory_space<vmem>>, vector<1x1x16xf32>,
      %parallel_loop3A_803 = vector.shape_cast %parallel_loop3A_802 : vector<1x1x16xf32> to vector<16xf32>
      %parallel_loop3A_804 = vector.shape_cast %parallel_loop3A_797 : vector<16xf32> to vector<1x1x16xf32>
      tpu.vector_store %arg5[%parallel_loop3A_799, %parallel_loop3A_800, %parallel_loop3A_801], %parallel_loop3A_804 {strides = array<i32>} : memref<4x8x1024xf32, #tpu.memory_space<vmem>>, vector<1x1x16xf32>,
      %parallel_loop3A_805 = arith.constant 3 : i32
      %parallel_loop3A_806 = arith.index_cast %parallel_loop3A_805 : i32 to index
      %parallel_loop3A_807 = arith.index_cast %parallel_loop3A_754 : i32 to index
      %parallel_loop3A_808 = arith.index_cast %parallel_loop3A_758 : i32 to index
      %parallel_loop3A_809 = tpu.vector_load %arg5[%parallel_loop3A_806, %parallel_loop3A_807, %parallel_loop3A_808] {strides = array<i32>} : memref<4x8x1024xf32, #tpu.memory_space<vmem>>, vector<1x1x16xf32>,
      %parallel_loop3A_810 = vector.shape_cast %parallel_loop3A_809 : vector<1x1x16xf32> to vector<16xf32>
      %parallel_loop3A_811 = arith.addf %parallel_loop3A_810, %parallel_loop3A_762 : vector<16xf32>
      %parallel_loop3A_812 = arith.constant 3 : i32
      %parallel_loop3A_813 = arith.index_cast %parallel_loop3A_812 : i32 to index
      %parallel_loop3A_814 = arith.index_cast %parallel_loop3A_754 : i32 to index
      %parallel_loop3A_815 = arith.index_cast %parallel_loop3A_758 : i32 to index
      %parallel_loop3A_816 = tpu.vector_load %arg5[%parallel_loop3A_813, %parallel_loop3A_814, %parallel_loop3A_815] {strides = array<i32>} : memref<4x8x1024xf32, #tpu.memory_space<vmem>>, vector<1x1x16xf32>,
      %parallel_loop3A_817 = vector.shape_cast %parallel_loop3A_816 : vector<1x1x16xf32> to vector<16xf32>
      %parallel_loop3A_818 = vector.shape_cast %parallel_loop3A_811 : vector<16xf32> to vector<1x1x16xf32>
      tpu.vector_store %arg5[%parallel_loop3A_813, %parallel_loop3A_814, %parallel_loop3A_815], %parallel_loop3A_818 {strides = array<i32>} : memref<4x8x1024xf32, #tpu.memory_space<vmem>>, vector<1x1x16xf32>,
    } {sc.loop_unroll_factor = 8 : i64, sc.parallel_access}
    %add3A_59 = arith.constant 0 : i32
    %add3A_60 = arith.addi %mul3A_2, %add3A_59 : i32
    %dma_start3A_61 = arith.constant 0 : i32
    %dma_start3A_62 = arith.constant 0 : i32
    %dma_start3A_63 = tpu.memref_slice %arg4[%dma_start3A_61, %add3A_60, %dma_start3A_62] : memref<4x4096x1024xf32, #tpu.memory_space<hbm>> -> memref<4x8x1024xf32, #tpu.memory_space<hbm>>
    %dma_start3A_64 = arith.constant 0 : i32
    %dma_start3A_65 = arith.constant 0 : i32
    %dma_start3A_66 = tpu.memref_slice %arg4[%dma_start3A_64, %add3A_60, %dma_start3A_65] : memref<4x4096x1024xf32, #tpu.memory_space<hbm>> -> memref<4x8x1024xf32, #tpu.memory_space<hbm>>
    tpu.enqueue_dma source(%arg5 : memref<4x8x1024xf32, #tpu.memory_space<vmem>>) target(%dma_start3A_66 : memref<4x8x1024xf32, #tpu.memory_space<hbm>>) target_semaphore(%arg14 : memref<!tpu.dma_semaphore, #tpu.memory_space<semaphore_mem>>)
    %add3A_67 = arith.constant 24 : i32
    %add3A_68 = arith.addi %mul3A_2, %add3A_67 : i32
    %dma_start3A_69 = arith.constant 0 : i32
    %dma_start3A_70 = tpu.memref_slice %arg3[%add3A_68, %dma_start3A_69] : memref<8192x1024xf32, #tpu.memory_space<hbm>> -> memref<8x1024xf32, #tpu.memory_space<hbm>>
    %dma_start3A_71 = arith.constant 0 : i32
    %dma_start3A_72 = tpu.memref_slice %arg3[%add3A_68, %dma_start3A_71] : memref<8192x1024xf32, #tpu.memory_space<hbm>> -> memref<8x1024xf32, #tpu.memory_space<hbm>>
    tpu.enqueue_dma source(%dma_start3A_72 : memref<8x1024xf32, #tpu.memory_space<hbm>>) target(%arg8 : memref<8x1024xf32, #tpu.memory_space<vmem>>) target_semaphore(%arg17 : memref<!tpu.dma_semaphore, #tpu.memory_space<semaphore_mem>>)
    %dma_wait3A_73 = arith.constant 0 : i32
    %dma_wait3A_74 = arith.constant 0 : i32
    %dma_wait3A_75 = tpu.memref_slice %arg3[%dma_wait3A_73, %dma_wait3A_74] : memref<8192x1024xf32, #tpu.memory_space<hbm>> -> memref<8x1024xf32, #tpu.memory_space<hbm>>
    %dma_wait3A_76 = arith.constant 0 : i32
    %dma_wait3A_77 = arith.constant 0 : i32
    %dma_wait3A_78 = tpu.memref_slice %arg3[%dma_wait3A_76, %dma_wait3A_77] : memref<8192x1024xf32, #tpu.memory_space<hbm>> -> memref<8x1024xf32, #tpu.memory_space<hbm>>
    tpu.wait_dma2 semaphore(%arg18 : memref<!tpu.dma_semaphore, #tpu.memory_space<semaphore_mem>>) src(%dma_wait3A_78 : memref<8x1024xf32, #tpu.memory_space<hbm>>) dst(%arg9 : memref<8x1024xf32, #tpu.memory_space<vmem>>)
    %dma_wait3A_79 = arith.constant 0 : i32
    %dma_wait3A_80 = arith.constant 0 : i32
    %dma_wait3A_81 = arith.constant 0 : i32
    %dma_wait3A_82 = tpu.memref_slice %arg2[%dma_wait3A_79, %dma_wait3A_80, %dma_wait3A_81] : memref<4x4096x1024xf32, #tpu.memory_space<hbm>> -> memref<4x8x1024xf32, #tpu.memory_space<hbm>>
    %dma_wait3A_83 = arith.constant 0 : i32
    %dma_wait3A_84 = arith.constant 0 : i32
    %dma_wait3A_85 = arith.constant 0 : i32
    %dma_wait3A_86 = tpu.memref_slice %arg2[%dma_wait3A_83, %dma_wait3A_84, %dma_wait3A_85] : memref<4x4096x1024xf32, #tpu.memory_space<hbm>> -> memref<4x8x1024xf32, #tpu.memory_space<hbm>>
    tpu.wait_dma2 semaphore(%arg12 : memref<!tpu.dma_semaphore, #tpu.memory_space<semaphore_mem>>) src(%dma_wait3A_86 : memref<4x8x1024xf32, #tpu.memory_space<hbm>>) dst(%arg6 : memref<4x8x1024xf32, #tpu.memory_space<vmem>>)
    %parallel_loop3A_87 = arith.constant 0 : i32
    %parallel_loop3A_88 = arith.constant 512 : i32
    %parallel_loop3A_89 = arith.constant 1 : i32
    scf.for %parallel_loop3A_752 = %parallel_loop3A_87 to %parallel_loop3A_88 step %parallel_loop3A_89  : i32 {
      %parallel_loop3A_753 = arith.constant 64 : i32
      %parallel_loop3A_754 = arith.divsi %parallel_loop3A_752, %parallel_loop3A_753 : i32
      %parallel_loop3A_755 = arith.constant 64 : i32
      %parallel_loop3A_756 = arith.remsi %parallel_loop3A_752, %parallel_loop3A_755 : i32
      %parallel_loop3A_757 = arith.constant 16 : i32
      %parallel_loop3A_758 = arith.muli %parallel_loop3A_756, %parallel_loop3A_757 : i32
      %parallel_loop3A_759 = arith.index_cast %parallel_loop3A_754 : i32 to index
      %parallel_loop3A_760 = arith.index_cast %parallel_loop3A_758 : i32 to index
      %parallel_loop3A_761 = tpu.vector_load %arg9[%parallel_loop3A_759, %parallel_loop3A_760] {strides = array<i32>} : memref<8x1024xf32, #tpu.memory_space<vmem>>, vector<1x16xf32>,
      %parallel_loop3A_762 = vector.shape_cast %parallel_loop3A_761 : vector<1x16xf32> to vector<16xf32>
      %parallel_loop3A_763 = arith.constant 0 : i32
      %parallel_loop3A_764 = arith.index_cast %parallel_loop3A_763 : i32 to index
      %parallel_loop3A_765 = arith.index_cast %parallel_loop3A_754 : i32 to index
      %parallel_loop3A_766 = arith.index_cast %parallel_loop3A_758 : i32 to index
      %parallel_loop3A_767 = tpu.vector_load %arg6[%parallel_loop3A_764, %parallel_loop3A_765, %parallel_loop3A_766] {strides = array<i32>} : memref<4x8x1024xf32, #tpu.memory_space<vmem>>, vector<1x1x16xf32>,
      %parallel_loop3A_768 = vector.shape_cast %parallel_loop3A_767 : vector<1x1x16xf32> to vector<16xf32>
      %parallel_loop3A_769 = arith.addf %parallel_loop3A_768, %parallel_loop3A_762 : vector<16xf32>
      %parallel_loop3A_770 = arith.constant 0 : i32
      %parallel_loop3A_771 = arith.index_cast %parallel_loop3A_770 : i32 to index
      %parallel_loop3A_772 = arith.index_cast %parallel_loop3A_754 : i32 to index
      %parallel_loop3A_773 = arith.index_cast %parallel_loop3A_758 : i32 to index
      %parallel_loop3A_774 = tpu.vector_load %arg6[%parallel_loop3A_771, %parallel_loop3A_772, %parallel_loop3A_773] {strides = array<i32>} : memref<4x8x1024xf32, #tpu.memory_space<vmem>>, vector<1x1x16xf32>,
      %parallel_loop3A_775 = vector.shape_cast %parallel_loop3A_774 : vector<1x1x16xf32> to vector<16xf32>
      %parallel_loop3A_776 = vector.shape_cast %parallel_loop3A_769 : vector<16xf32> to vector<1x1x16xf32>
      tpu.vector_store %arg6[%parallel_loop3A_771, %parallel_loop3A_772, %parallel_loop3A_773], %parallel_loop3A_776 {strides = array<i32>} : memref<4x8x1024xf32, #tpu.memory_space<vmem>>, vector<1x1x16xf32>,
      %parallel_loop3A_777 = arith.constant 1 : i32
      %parallel_loop3A_778 = arith.index_cast %parallel_loop3A_777 : i32 to index
      %parallel_loop3A_779 = arith.index_cast %parallel_loop3A_754 : i32 to index
      %parallel_loop3A_780 = arith.index_cast %parallel_loop3A_758 : i32 to index
      %parallel_loop3A_781 = tpu.vector_load %arg6[%parallel_loop3A_778, %parallel_loop3A_779, %parallel_loop3A_780] {strides = array<i32>} : memref<4x8x1024xf32, #tpu.memory_space<vmem>>, vector<1x1x16xf32>,
      %parallel_loop3A_782 = vector.shape_cast %parallel_loop3A_781 : vector<1x1x16xf32> to vector<16xf32>
      %parallel_loop3A_783 = arith.addf %parallel_loop3A_782, %parallel_loop3A_762 : vector<16xf32>
      %parallel_loop3A_784 = arith.constant 1 : i32
      %parallel_loop3A_785 = arith.index_cast %parallel_loop3A_784 : i32 to index
      %parallel_loop3A_786 = arith.index_cast %parallel_loop3A_754 : i32 to index
      %parallel_loop3A_787 = arith.index_cast %parallel_loop3A_758 : i32 to index
      %parallel_loop3A_788 = tpu.vector_load %arg6[%parallel_loop3A_785, %parallel_loop3A_786, %parallel_loop3A_787] {strides = array<i32>} : memref<4x8x1024xf32, #tpu.memory_space<vmem>>, vector<1x1x16xf32>,
      %parallel_loop3A_789 = vector.shape_cast %parallel_loop3A_788 : vector<1x1x16xf32> to vector<16xf32>
      %parallel_loop3A_790 = vector.shape_cast %parallel_loop3A_783 : vector<16xf32> to vector<1x1x16xf32>
      tpu.vector_store %arg6[%parallel_loop3A_785, %parallel_loop3A_786, %parallel_loop3A_787], %parallel_loop3A_790 {strides = array<i32>} : memref<4x8x1024xf32, #tpu.memory_space<vmem>>, vector<1x1x16xf32>,
      %parallel_loop3A_791 = arith.constant 2 : i32
      %parallel_loop3A_792 = arith.index_cast %parallel_loop3A_791 : i32 to index
      %parallel_loop3A_793 = arith.index_cast %parallel_loop3A_754 : i32 to index
      %parallel_loop3A_794 = arith.index_cast %parallel_loop3A_758 : i32 to index
      %parallel_loop3A_795 = tpu.vector_load %arg6[%parallel_loop3A_792, %parallel_loop3A_793, %parallel_loop3A_794] {strides = array<i32>} : memref<4x8x1024xf32, #tpu.memory_space<vmem>>, vector<1x1x16xf32>,
      %parallel_loop3A_796 = vector.shape_cast %parallel_loop3A_795 : vector<1x1x16xf32> to vector<16xf32>
      %parallel_loop3A_797 = arith.addf %parallel_loop3A_796, %parallel_loop3A_762 : vector<16xf32>
      %parallel_loop3A_798 = arith.constant 2 : i32
      %parallel_loop3A_799 = arith.index_cast %parallel_loop3A_798 : i32 to index
      %parallel_loop3A_800 = arith.index_cast %parallel_loop3A_754 : i32 to index
      %parallel_loop3A_801 = arith.index_cast %parallel_loop3A_758 : i32 to index
      %parallel_loop3A_802 = tpu.vector_load %arg6[%parallel_loop3A_799, %parallel_loop3A_800, %parallel_loop3A_801] {strides = array<i32>} : memref<4x8x1024xf32, #tpu.memory_space<vmem>>, vector<1x1x16xf32>,
      %parallel_loop3A_803 = vector.shape_cast %parallel_loop3A_802 : vector<1x1x16xf32> to vector<16xf32>
      %parallel_loop3A_804 = vector.shape_cast %parallel_loop3A_797 : vector<16xf32> to vector<1x1x16xf32>
      tpu.vector_store %arg6[%parallel_loop3A_799, %parallel_loop3A_800, %parallel_loop3A_801], %parallel_loop3A_804 {strides = array<i32>} : memref<4x8x1024xf32, #tpu.memory_space<vmem>>, vector<1x1x16xf32>,
      %parallel_loop3A_805 = arith.constant 3 : i32
      %parallel_loop3A_806 = arith.index_cast %parallel_loop3A_805 : i32 to index
      %parallel_loop3A_807 = arith.index_cast %parallel_loop3A_754 : i32 to index
      %parallel_loop3A_808 = arith.index_cast %parallel_loop3A_758 : i32 to index
      %parallel_loop3A_809 = tpu.vector_load %arg6[%parallel_loop3A_806, %parallel_loop3A_807, %parallel_loop3A_808] {strides = array<i32>} : memref<4x8x1024xf32, #tpu.memory_space<vmem>>, vector<1x1x16xf32>,
      %parallel_loop3A_810 = vector.shape_cast %parallel_loop3A_809 : vector<1x1x16xf32> to vector<16xf32>
      %parallel_loop3A_811 = arith.addf %parallel_loop3A_810, %parallel_loop3A_762 : vector<16xf32>
      %parallel_loop3A_812 = arith.constant 3 : i32
      %parallel_loop3A_813 = arith.index_cast %parallel_loop3A_812 : i32 to index
      %parallel_loop3A_814 = arith.index_cast %parallel_loop3A_754 : i32 to index
      %parallel_loop3A_815 = arith.index_cast %parallel_loop3A_758 : i32 to index
      %parallel_loop3A_816 = tpu.vector_load %arg6[%parallel_loop3A_813, %parallel_loop3A_814, %parallel_loop3A_815] {strides = array<i32>} : memref<4x8x1024xf32, #tpu.memory_space<vmem>>, vector<1x1x16xf32>,
      %parallel_loop3A_817 = vector.shape_cast %parallel_loop3A_816 : vector<1x1x16xf32> to vector<16xf32>
      %parallel_loop3A_818 = vector.shape_cast %parallel_loop3A_811 : vector<16xf32> to vector<1x1x16xf32>
      tpu.vector_store %arg6[%parallel_loop3A_813, %parallel_loop3A_814, %parallel_loop3A_815], %parallel_loop3A_818 {strides = array<i32>} : memref<4x8x1024xf32, #tpu.memory_space<vmem>>, vector<1x1x16xf32>,
    } {sc.loop_unroll_factor = 8 : i64, sc.parallel_access}
    %add3A_90 = arith.constant 8 : i32
    %add3A_91 = arith.addi %mul3A_2, %add3A_90 : i32
    %dma_start3A_92 = arith.constant 0 : i32
    %dma_start3A_93 = arith.constant 0 : i32
    %dma_start3A_94 = tpu.memref_slice %arg4[%dma_start3A_92, %add3A_91, %dma_start3A_93] : memref<4x4096x1024xf32, #tpu.memory_space<hbm>> -> memref<4x8x1024xf32, #tpu.memory_space<hbm>>
    %dma_start3A_95 = arith.constant 0 : i32
    %dma_start3A_96 = arith.constant 0 : i32
    %dma_start3A_97 = tpu.memref_slice %arg4[%dma_start3A_95, %add3A_91, %dma_start3A_96] : memref<4x4096x1024xf32, #tpu.memory_space<hbm>> -> memref<4x8x1024xf32, #tpu.memory_space<hbm>>
    tpu.enqueue_dma source(%arg6 : memref<4x8x1024xf32, #tpu.memory_space<vmem>>) target(%dma_start3A_97 : memref<4x8x1024xf32, #tpu.memory_space<hbm>>) target_semaphore(%arg15 : memref<!tpu.dma_semaphore, #tpu.memory_space<semaphore_mem>>)
    %add3A_98 = arith.constant 32 : i32
    %add3A_99 = arith.addi %mul3A_2, %add3A_98 : i32
    %dma_start3A_100 = arith.constant 0 : i32
    %dma_start3A_101 = tpu.memref_slice %arg3[%add3A_99, %dma_start3A_100] : memref<8192x1024xf32, #tpu.memory_space<hbm>> -> memref<8x1024xf32, #tpu.memory_space<hbm>>
    %dma_start3A_102 = arith.constant 0 : i32
    %dma_start3A_103 = tpu.memref_slice %arg3[%add3A_99, %dma_start3A_102] : memref<8192x1024xf32, #tpu.memory_space<hbm>> -> memref<8x1024xf32, #tpu.memory_space<hbm>>
    tpu.enqueue_dma source(%dma_start3A_103 : memref<8x1024xf32, #tpu.memory_space<hbm>>) target(%arg9 : memref<8x1024xf32, #tpu.memory_space<vmem>>) target_semaphore(%arg18 : memref<!tpu.dma_semaphore, #tpu.memory_space<semaphore_mem>>)
    %dma_wait3A_104 = arith.constant 0 : i32
    %dma_wait3A_105 = arith.constant 0 : i32
    %dma_wait3A_106 = arith.constant 0 : i32
    %dma_wait3A_107 = tpu.memref_slice %arg4[%dma_wait3A_104, %dma_wait3A_105, %dma_wait3A_106] : memref<4x4096x1024xf32, #tpu.memory_space<hbm>> -> memref<4x8x1024xf32, #tpu.memory_space<hbm>>
    %dma_wait3A_108 = arith.constant 0 : i32
    %dma_wait3A_109 = arith.constant 0 : i32
    %dma_wait3A_110 = arith.constant 0 : i32
    %dma_wait3A_111 = tpu.memref_slice %arg4[%dma_wait3A_108, %dma_wait3A_109, %dma_wait3A_110] : memref<4x4096x1024xf32, #tpu.memory_space<hbm>> -> memref<4x8x1024xf32, #tpu.memory_space<hbm>>
    tpu.wait_dma2 semaphore(%arg14 : memref<!tpu.dma_semaphore, #tpu.memory_space<semaphore_mem>>) src(%arg5 : memref<4x8x1024xf32, #tpu.memory_space<vmem>>) dst(%dma_wait3A_111 : memref<4x8x1024xf32, #tpu.memory_space<hbm>>)
    %add3A_112 = arith.constant 24 : i32
    %add3A_113 = arith.addi %mul3A_2, %add3A_112 : i32
    %dma_start3A_114 = arith.constant 0 : i32
    %dma_start3A_115 = arith.constant 0 : i32
    %dma_start3A_116 = tpu.memref_slice %arg2[%dma_start3A_114, %add3A_113, %dma_start3A_115] : memref<4x4096x1024xf32, #tpu.memory_space<hbm>> -> memref<4x8x1024xf32, #tpu.memory_space<hbm>>
    %dma_start3A_117 = arith.constant 0 : i32
    %dma_start3A_118 = arith.constant 0 : i32
    %dma_start3A_119 = tpu.memref_slice %arg2[%dma_start3A_117, %add3A_113, %dma_start3A_118] : memref<4x4096x1024xf32, #tpu.memory_space<hbm>> -> memref<4x8x1024xf32, #tpu.memory_space<hbm>>
    tpu.enqueue_dma source(%dma_start3A_119 : memref<4x8x1024xf32, #tpu.memory_space<hbm>>) target(%arg5 : memref<4x8x1024xf32, #tpu.memory_space<vmem>>) target_semaphore(%arg11 : memref<!tpu.dma_semaphore, #tpu.memory_space<semaphore_mem>>)
    %dma_wait3A_120 = arith.constant 0 : i32
    %dma_wait3A_121 = arith.constant 0 : i32
    %dma_wait3A_122 = tpu.memref_slice %arg3[%dma_wait3A_120, %dma_wait3A_121] : memref<8192x1024xf32, #tpu.memory_space<hbm>> -> memref<8x1024xf32, #tpu.memory_space<hbm>>
    %dma_wait3A_123 = arith.constant 0 : i32
    %dma_wait3A_124 = arith.constant 0 : i32
    %dma_wait3A_125 = tpu.memref_slice %arg3[%dma_wait3A_123, %dma_wait3A_124] : memref<8192x1024xf32, #tpu.memory_space<hbm>> -> memref<8x1024xf32, #tpu.memory_space<hbm>>
    tpu.wait_dma2 semaphore(%arg19 : memref<!tpu.dma_semaphore, #tpu.memory_space<semaphore_mem>>) src(%dma_wait3A_125 : memref<8x1024xf32, #tpu.memory_space<hbm>>) dst(%arg10 : memref<8x1024xf32, #tpu.memory_space<vmem>>)
    %dma_wait3A_126 = arith.constant 0 : i32
    %dma_wait3A_127 = arith.constant 0 : i32
    %dma_wait3A_128 = arith.constant 0 : i32
    %dma_wait3A_129 = tpu.memref_slice %arg2[%dma_wait3A_126, %dma_wait3A_127, %dma_wait3A_128] : memref<4x4096x1024xf32, #tpu.memory_space<hbm>> -> memref<4x8x1024xf32, #tpu.memory_space<hbm>>
    %dma_wait3A_130 = arith.constant 0 : i32
    %dma_wait3A_131 = arith.constant 0 : i32
    %dma_wait3A_132 = arith.constant 0 : i32
    %dma_wait3A_133 = tpu.memref_slice %arg2[%dma_wait3A_130, %dma_wait3A_131, %dma_wait3A_132] : memref<4x4096x1024xf32, #tpu.memory_space<hbm>> -> memref<4x8x1024xf32, #tpu.memory_space<hbm>>
    tpu.wait_dma2 semaphore(%arg13 : memref<!tpu.dma_semaphore, #tpu.memory_space<semaphore_mem>>) src(%dma_wait3A_133 : memref<4x8x1024xf32, #tpu.memory_space<hbm>>) dst(%arg7 : memref<4x8x1024xf32, #tpu.memory_space<vmem>>)
    %parallel_loop3A_134 = arith.constant 0 : i32
    %parallel_loop3A_135 = arith.constant 512 : i32
    %parallel_loop3A_136 = arith.constant 1 : i32
    scf.for %parallel_loop3A_752 = %parallel_loop3A_134 to %parallel_loop3A_135 step %parallel_loop3A_136  : i32 {
      %parallel_loop3A_753 = arith.constant 64 : i32
      %parallel_loop3A_754 = arith.divsi %parallel_loop3A_752, %parallel_loop3A_753 : i32
      %parallel_loop3A_755 = arith.constant 64 : i32
      %parallel_loop3A_756 = arith.remsi %parallel_loop3A_752, %parallel_loop3A_755 : i32
      %parallel_loop3A_757 = arith.constant 16 : i32
      %parallel_loop3A_758 = arith.muli %parallel_loop3A_756, %parallel_loop3A_757 : i32
      %parallel_loop3A_759 = arith.index_cast %parallel_loop3A_754 : i32 to index
      %parallel_loop3A_760 = arith.index_cast %parallel_loop3A_758 : i32 to index
      %parallel_loop3A_761 = tpu.vector_load %arg10[%parallel_loop3A_759, %parallel_loop3A_760] {strides = array<i32>} : memref<8x1024xf32, #tpu.memory_space<vmem>>, vector<1x16xf32>,
      %parallel_loop3A_762 = vector.shape_cast %parallel_loop3A_761 : vector<1x16xf32> to vector<16xf32>
      %parallel_loop3A_763 = arith.constant 0 : i32
      %parallel_loop3A_764 = arith.index_cast %parallel_loop3A_763 : i32 to index
      %parallel_loop3A_765 = arith.index_cast %parallel_loop3A_754 : i32 to index
      %parallel_loop3A_766 = arith.index_cast %parallel_loop3A_758 : i32 to index
      %parallel_loop3A_767 = tpu.vector_load %arg7[%parallel_loop3A_764, %parallel_loop3A_765, %parallel_loop3A_766] {strides = array<i32>} : memref<4x8x1024xf32, #tpu.memory_space<vmem>>, vector<1x1x16xf32>,
      %parallel_loop3A_768 = vector.shape_cast %parallel_loop3A_767 : vector<1x1x16xf32> to vector<16xf32>
      %parallel_loop3A_769 = arith.addf %parallel_loop3A_768, %parallel_loop3A_762 : vector<16xf32>
      %parallel_loop3A_770 = arith.constant 0 : i32
      %parallel_loop3A_771 = arith.index_cast %parallel_loop3A_770 : i32 to index
      %parallel_loop3A_772 = arith.index_cast %parallel_loop3A_754 : i32 to index
      %parallel_loop3A_773 = arith.index_cast %parallel_loop3A_758 : i32 to index
      %parallel_loop3A_774 = tpu.vector_load %arg7[%parallel_loop3A_771, %parallel_loop3A_772, %parallel_loop3A_773] {strides = array<i32>} : memref<4x8x1024xf32, #tpu.memory_space<vmem>>, vector<1x1x16xf32>,
      %parallel_loop3A_775 = vector.shape_cast %parallel_loop3A_774 : vector<1x1x16xf32> to vector<16xf32>
      %parallel_loop3A_776 = vector.shape_cast %parallel_loop3A_769 : vector<16xf32> to vector<1x1x16xf32>
      tpu.vector_store %arg7[%parallel_loop3A_771, %parallel_loop3A_772, %parallel_loop3A_773], %parallel_loop3A_776 {strides = array<i32>} : memref<4x8x1024xf32, #tpu.memory_space<vmem>>, vector<1x1x16xf32>,
      %parallel_loop3A_777 = arith.constant 1 : i32
      %parallel_loop3A_778 = arith.index_cast %parallel_loop3A_777 : i32 to index
      %parallel_loop3A_779 = arith.index_cast %parallel_loop3A_754 : i32 to index
      %parallel_loop3A_780 = arith.index_cast %parallel_loop3A_758 : i32 to index
      %parallel_loop3A_781 = tpu.vector_load %arg7[%parallel_loop3A_778, %parallel_loop3A_779, %parallel_loop3A_780] {strides = array<i32>} : memref<4x8x1024xf32, #tpu.memory_space<vmem>>, vector<1x1x16xf32>,
      %parallel_loop3A_782 = vector.shape_cast %parallel_loop3A_781 : vector<1x1x16xf32> to vector<16xf32>
      %parallel_loop3A_783 = arith.addf %parallel_loop3A_782, %parallel_loop3A_762 : vector<16xf32>
      %parallel_loop3A_784 = arith.constant 1 : i32
      %parallel_loop3A_785 = arith.index_cast %parallel_loop3A_784 : i32 to index
      %parallel_loop3A_786 = arith.index_cast %parallel_loop3A_754 : i32 to index
      %parallel_loop3A_787 = arith.index_cast %parallel_loop3A_758 : i32 to index
      %parallel_loop3A_788 = tpu.vector_load %arg7[%parallel_loop3A_785, %parallel_loop3A_786, %parallel_loop3A_787] {strides = array<i32>} : memref<4x8x1024xf32, #tpu.memory_space<vmem>>, vector<1x1x16xf32>,
      %parallel_loop3A_789 = vector.shape_cast %parallel_loop3A_788 : vector<1x1x16xf32> to vector<16xf32>
      %parallel_loop3A_790 = vector.shape_cast %parallel_loop3A_783 : vector<16xf32> to vector<1x1x16xf32>
      tpu.vector_store %arg7[%parallel_loop3A_785, %parallel_loop3A_786, %parallel_loop3A_787], %parallel_loop3A_790 {strides = array<i32>} : memref<4x8x1024xf32, #tpu.memory_space<vmem>>, vector<1x1x16xf32>,
      %parallel_loop3A_791 = arith.constant 2 : i32
      %parallel_loop3A_792 = arith.index_cast %parallel_loop3A_791 : i32 to index
      %parallel_loop3A_793 = arith.index_cast %parallel_loop3A_754 : i32 to index
      %parallel_loop3A_794 = arith.index_cast %parallel_loop3A_758 : i32 to index
      %parallel_loop3A_795 = tpu.vector_load %arg7[%parallel_loop3A_792, %parallel_loop3A_793, %parallel_loop3A_794] {strides = array<i32>} : memref<4x8x1024xf32, #tpu.memory_space<vmem>>, vector<1x1x16xf32>,
      %parallel_loop3A_796 = vector.shape_cast %parallel_loop3A_795 : vector<1x1x16xf32> to vector<16xf32>
      %parallel_loop3A_797 = arith.addf %parallel_loop3A_796, %parallel_loop3A_762 : vector<16xf32>
      %parallel_loop3A_798 = arith.constant 2 : i32
      %parallel_loop3A_799 = arith.index_cast %parallel_loop3A_798 : i32 to index
      %parallel_loop3A_800 = arith.index_cast %parallel_loop3A_754 : i32 to index
      %parallel_loop3A_801 = arith.index_cast %parallel_loop3A_758 : i32 to index
      %parallel_loop3A_802 = tpu.vector_load %arg7[%parallel_loop3A_799, %parallel_loop3A_800, %parallel_loop3A_801] {strides = array<i32>} : memref<4x8x1024xf32, #tpu.memory_space<vmem>>, vector<1x1x16xf32>,
      %parallel_loop3A_803 = vector.shape_cast %parallel_loop3A_802 : vector<1x1x16xf32> to vector<16xf32>
      %parallel_loop3A_804 = vector.shape_cast %parallel_loop3A_797 : vector<16xf32> to vector<1x1x16xf32>
      tpu.vector_store %arg7[%parallel_loop3A_799, %parallel_loop3A_800, %parallel_loop3A_801], %parallel_loop3A_804 {strides = array<i32>} : memref<4x8x1024xf32, #tpu.memory_space<vmem>>, vector<1x1x16xf32>,
      %parallel_loop3A_805 = arith.constant 3 : i32
      %parallel_loop3A_806 = arith.index_cast %parallel_loop3A_805 : i32 to index
      %parallel_loop3A_807 = arith.index_cast %parallel_loop3A_754 : i32 to index
      %parallel_loop3A_808 = arith.index_cast %parallel_loop3A_758 : i32 to index
      %parallel_loop3A_809 = tpu.vector_load %arg7[%parallel_loop3A_806, %parallel_loop3A_807, %parallel_loop3A_808] {strides = array<i32>} : memref<4x8x1024xf32, #tpu.memory_space<vmem>>, vector<1x1x16xf32>,
      %parallel_loop3A_810 = vector.shape_cast %parallel_loop3A_809 : vector<1x1x16xf32> to vector<16xf32>
      %parallel_loop3A_811 = arith.addf %parallel_loop3A_810, %parallel_loop3A_762 : vector<16xf32>
      %parallel_loop3A_812 = arith.constant 3 : i32
      %parallel_loop3A_813 = arith.index_cast %parallel_loop3A_812 : i32 to index
      %parallel_loop3A_814 = arith.index_cast %parallel_loop3A_754 : i32 to index
      %parallel_loop3A_815 = arith.index_cast %parallel_loop3A_758 : i32 to index
      %parallel_loop3A_816 = tpu.vector_load %arg7[%parallel_loop3A_813, %parallel_loop3A_814, %parallel_loop3A_815] {strides = array<i32>} : memref<4x8x1024xf32, #tpu.memory_space<vmem>>, vector<1x1x16xf32>,
      %parallel_loop3A_817 = vector.shape_cast %parallel_loop3A_816 : vector<1x1x16xf32> to vector<16xf32>
      %parallel_loop3A_818 = vector.shape_cast %parallel_loop3A_811 : vector<16xf32> to vector<1x1x16xf32>
      tpu.vector_store %arg7[%parallel_loop3A_813, %parallel_loop3A_814, %parallel_loop3A_815], %parallel_loop3A_818 {strides = array<i32>} : memref<4x8x1024xf32, #tpu.memory_space<vmem>>, vector<1x1x16xf32>,
    } {sc.loop_unroll_factor = 8 : i64, sc.parallel_access}
    %add3A_137 = arith.constant 16 : i32
    %add3A_138 = arith.addi %mul3A_2, %add3A_137 : i32
    %dma_start3A_139 = arith.constant 0 : i32
    %dma_start3A_140 = arith.constant 0 : i32
    %dma_start3A_141 = tpu.memref_slice %arg4[%dma_start3A_139, %add3A_138, %dma_start3A_140] : memref<4x4096x1024xf32, #tpu.memory_space<hbm>> -> memref<4x8x1024xf32, #tpu.memory_space<hbm>>
    %dma_start3A_142 = arith.constant 0 : i32
    %dma_start3A_143 = arith.constant 0 : i32
    %dma_start3A_144 = tpu.memref_slice %arg4[%dma_start3A_142, %add3A_138, %dma_start3A_143] : memref<4x4096x1024xf32, #tpu.memory_space<hbm>> -> memref<4x8x1024xf32, #tpu.memory_space<hbm>>
    tpu.enqueue_dma source(%arg7 : memref<4x8x1024xf32, #tpu.memory_space<vmem>>) target(%dma_start3A_144 : memref<4x8x1024xf32, #tpu.memory_space<hbm>>) target_semaphore(%arg16 : memref<!tpu.dma_semaphore, #tpu.memory_space<semaphore_mem>>)
    %add3A_145 = arith.constant 40 : i32
    %add3A_146 = arith.addi %mul3A_2, %add3A_145 : i32
    %dma_start3A_147 = arith.constant 0 : i32
    %dma_start3A_148 = tpu.memref_slice %arg3[%add3A_146, %dma_start3A_147] : memref<8192x1024xf32, #tpu.memory_space<hbm>> -> memref<8x1024xf32, #tpu.memory_space<hbm>>
    %dma_start3A_149 = arith.constant 0 : i32
    %dma_start3A_150 = tpu.memref_slice %arg3[%add3A_146, %dma_start3A_149] : memref<8192x1024xf32, #tpu.memory_space<hbm>> -> memref<8x1024xf32, #tpu.memory_space<hbm>>
    tpu.enqueue_dma source(%dma_start3A_150 : memref<8x1024xf32, #tpu.memory_space<hbm>>) target(%arg10 : memref<8x1024xf32, #tpu.memory_space<vmem>>) target_semaphore(%arg19 : memref<!tpu.dma_semaphore, #tpu.memory_space<semaphore_mem>>)
    %dma_wait3A_151 = arith.constant 0 : i32
    %dma_wait3A_152 = arith.constant 0 : i32
    %dma_wait3A_153 = arith.constant 0 : i32
    %dma_wait3A_154 = tpu.memref_slice %arg4[%dma_wait3A_151, %dma_wait3A_152, %dma_wait3A_153] : memref<4x4096x1024xf32, #tpu.memory_space<hbm>> -> memref<4x8x1024xf32, #tpu.memory_space<hbm>>
    %dma_wait3A_155 = arith.constant 0 : i32
    %dma_wait3A_156 = arith.constant 0 : i32
    %dma_wait3A_157 = arith.constant 0 : i32
    %dma_wait3A_158 = tpu.memref_slice %arg4[%dma_wait3A_155, %dma_wait3A_156, %dma_wait3A_157] : memref<4x4096x1024xf32, #tpu.memory_space<hbm>> -> memref<4x8x1024xf32, #tpu.memory_space<hbm>>
    tpu.wait_dma2 semaphore(%arg15 : memref<!tpu.dma_semaphore, #tpu.memory_space<semaphore_mem>>) src(%arg6 : memref<4x8x1024xf32, #tpu.memory_space<vmem>>) dst(%dma_wait3A_158 : memref<4x8x1024xf32, #tpu.memory_space<hbm>>)
    %add3A_159 = arith.constant 32 : i32
    %add3A_160 = arith.addi %mul3A_2, %add3A_159 : i32
    %dma_start3A_161 = arith.constant 0 : i32
    %dma_start3A_162 = arith.constant 0 : i32
    %dma_start3A_163 = tpu.memref_slice %arg2[%dma_start3A_161, %add3A_160, %dma_start3A_162] : memref<4x4096x1024xf32, #tpu.memory_space<hbm>> -> memref<4x8x1024xf32, #tpu.memory_space<hbm>>
    %dma_start3A_164 = arith.constant 0 : i32
    %dma_start3A_165 = arith.constant 0 : i32
    %dma_start3A_166 = tpu.memref_slice %arg2[%dma_start3A_164, %add3A_160, %dma_start3A_165] : memref<4x4096x1024xf32, #tpu.memory_space<hbm>> -> memref<4x8x1024xf32, #tpu.memory_space<hbm>>
    tpu.enqueue_dma source(%dma_start3A_166 : memref<4x8x1024xf32, #tpu.memory_space<hbm>>) target(%arg6 : memref<4x8x1024xf32, #tpu.memory_space<vmem>>) target_semaphore(%arg12 : memref<!tpu.dma_semaphore, #tpu.memory_space<semaphore_mem>>)
    %dma_wait3A_167 = arith.constant 0 : i32
    %dma_wait3A_168 = arith.constant 0 : i32
    %dma_wait3A_169 = tpu.memref_slice %arg3[%dma_wait3A_167, %dma_wait3A_168] : memref<8192x1024xf32, #tpu.memory_space<hbm>> -> memref<8x1024xf32, #tpu.memory_space<hbm>>
    %dma_wait3A_170 = arith.constant 0 : i32
    %dma_wait3A_171 = arith.constant 0 : i32
    %dma_wait3A_172 = tpu.memref_slice %arg3[%dma_wait3A_170, %dma_wait3A_171] : memref<8192x1024xf32, #tpu.memory_space<hbm>> -> memref<8x1024xf32, #tpu.memory_space<hbm>>
    tpu.wait_dma2 semaphore(%arg17 : memref<!tpu.dma_semaphore, #tpu.memory_space<semaphore_mem>>) src(%dma_wait3A_172 : memref<8x1024xf32, #tpu.memory_space<hbm>>) dst(%arg8 : memref<8x1024xf32, #tpu.memory_space<vmem>>)
    %dma_wait3A_173 = arith.constant 0 : i32
    %dma_wait3A_174 = arith.constant 0 : i32
    %dma_wait3A_175 = arith.constant 0 : i32
    %dma_wait3A_176 = tpu.memref_slice %arg2[%dma_wait3A_173, %dma_wait3A_174, %dma_wait3A_175] : memref<4x4096x1024xf32, #tpu.memory_space<hbm>> -> memref<4x8x1024xf32, #tpu.memory_space<hbm>>
    %dma_wait3A_177 = arith.constant 0 : i32
    %dma_wait3A_178 = arith.constant 0 : i32
    %dma_wait3A_179 = arith.constant 0 : i32
    %dma_wait3A_180 = tpu.memref_slice %arg2[%dma_wait3A_177, %dma_wait3A_178, %dma_wait3A_179] : memref<4x4096x1024xf32, #tpu.memory_space<hbm>> -> memref<4x8x1024xf32, #tpu.memory_space<hbm>>
    tpu.wait_dma2 semaphore(%arg11 : memref<!tpu.dma_semaphore, #tpu.memory_space<semaphore_mem>>) src(%dma_wait3A_180 : memref<4x8x1024xf32, #tpu.memory_space<hbm>>) dst(%arg5 : memref<4x8x1024xf32, #tpu.memory_space<vmem>>)
    %parallel_loop3A_181 = arith.constant 0 : i32
    %parallel_loop3A_182 = arith.constant 512 : i32
    %parallel_loop3A_183 = arith.constant 1 : i32
    scf.for %parallel_loop3A_752 = %parallel_loop3A_181 to %parallel_loop3A_182 step %parallel_loop3A_183  : i32 {
      %parallel_loop3A_753 = arith.constant 64 : i32
      %parallel_loop3A_754 = arith.divsi %parallel_loop3A_752, %parallel_loop3A_753 : i32
      %parallel_loop3A_755 = arith.constant 64 : i32
      %parallel_loop3A_756 = arith.remsi %parallel_loop3A_752, %parallel_loop3A_755 : i32
      %parallel_loop3A_757 = arith.constant 16 : i32
      %parallel_loop3A_758 = arith.muli %parallel_loop3A_756, %parallel_loop3A_757 : i32
      %parallel_loop3A_759 = arith.index_cast %parallel_loop3A_754 : i32 to index
      %parallel_loop3A_760 = arith.index_cast %parallel_loop3A_758 : i32 to index
      %parallel_loop3A_761 = tpu.vector_load %arg8[%parallel_loop3A_759, %parallel_loop3A_760] {strides = array<i32>} : memref<8x1024xf32, #tpu.memory_space<vmem>>, vector<1x16xf32>,
      %parallel_loop3A_762 = vector.shape_cast %parallel_loop3A_761 : vector<1x16xf32> to vector<16xf32>
      %parallel_loop3A_763 = arith.constant 0 : i32
      %parallel_loop3A_764 = arith.index_cast %parallel_loop3A_763 : i32 to index
      %parallel_loop3A_765 = arith.index_cast %parallel_loop3A_754 : i32 to index
      %parallel_loop3A_766 = arith.index_cast %parallel_loop3A_758 : i32 to index
      %parallel_loop3A_767 = tpu.vector_load %arg5[%parallel_loop3A_764, %parallel_loop3A_765, %parallel_loop3A_766] {strides = array<i32>} : memref<4x8x1024xf32, #tpu.memory_space<vmem>>, vector<1x1x16xf32>,
      %parallel_loop3A_768 = vector.shape_cast %parallel_loop3A_767 : vector<1x1x16xf32> to vector<16xf32>
      %parallel_loop3A_769 = arith.addf %parallel_loop3A_768, %parallel_loop3A_762 : vector<16xf32>
      %parallel_loop3A_770 = arith.constant 0 : i32
      %parallel_loop3A_771 = arith.index_cast %parallel_loop3A_770 : i32 to index
      %parallel_loop3A_772 = arith.index_cast %parallel_loop3A_754 : i32 to index
      %parallel_loop3A_773 = arith.index_cast %parallel_loop3A_758 : i32 to index
      %parallel_loop3A_774 = tpu.vector_load %arg5[%parallel_loop3A_771, %parallel_loop3A_772, %parallel_loop3A_773] {strides = array<i32>} : memref<4x8x1024xf32, #tpu.memory_space<vmem>>, vector<1x1x16xf32>,
      %parallel_loop3A_775 = vector.shape_cast %parallel_loop3A_774 : vector<1x1x16xf32> to vector<16xf32>
      %parallel_loop3A_776 = vector.shape_cast %parallel_loop3A_769 : vector<16xf32> to vector<1x1x16xf32>
      tpu.vector_store %arg5[%parallel_loop3A_771, %parallel_loop3A_772, %parallel_loop3A_773], %parallel_loop3A_776 {strides = array<i32>} : memref<4x8x1024xf32, #tpu.memory_space<vmem>>, vector<1x1x16xf32>,
      %parallel_loop3A_777 = arith.constant 1 : i32
      %parallel_loop3A_778 = arith.index_cast %parallel_loop3A_777 : i32 to index
      %parallel_loop3A_779 = arith.index_cast %parallel_loop3A_754 : i32 to index
      %parallel_loop3A_780 = arith.index_cast %parallel_loop3A_758 : i32 to index
      %parallel_loop3A_781 = tpu.vector_load %arg5[%parallel_loop3A_778, %parallel_loop3A_779, %parallel_loop3A_780] {strides = array<i32>} : memref<4x8x1024xf32, #tpu.memory_space<vmem>>, vector<1x1x16xf32>,
      %parallel_loop3A_782 = vector.shape_cast %parallel_loop3A_781 : vector<1x1x16xf32> to vector<16xf32>
      %parallel_loop3A_783 = arith.addf %parallel_loop3A_782, %parallel_loop3A_762 : vector<16xf32>
      %parallel_loop3A_784 = arith.constant 1 : i32
      %parallel_loop3A_785 = arith.index_cast %parallel_loop3A_784 : i32 to index
      %parallel_loop3A_786 = arith.index_cast %parallel_loop3A_754 : i32 to index
      %parallel_loop3A_787 = arith.index_cast %parallel_loop3A_758 : i32 to index
      %parallel_loop3A_788 = tpu.vector_load %arg5[%parallel_loop3A_785, %parallel_loop3A_786, %parallel_loop3A_787] {strides = array<i32>} : memref<4x8x1024xf32, #tpu.memory_space<vmem>>, vector<1x1x16xf32>,
      %parallel_loop3A_789 = vector.shape_cast %parallel_loop3A_788 : vector<1x1x16xf32> to vector<16xf32>
      %parallel_loop3A_790 = vector.shape_cast %parallel_loop3A_783 : vector<16xf32> to vector<1x1x16xf32>
      tpu.vector_store %arg5[%parallel_loop3A_785, %parallel_loop3A_786, %parallel_loop3A_787], %parallel_loop3A_790 {strides = array<i32>} : memref<4x8x1024xf32, #tpu.memory_space<vmem>>, vector<1x1x16xf32>,
      %parallel_loop3A_791 = arith.constant 2 : i32
      %parallel_loop3A_792 = arith.index_cast %parallel_loop3A_791 : i32 to index
      %parallel_loop3A_793 = arith.index_cast %parallel_loop3A_754 : i32 to index
      %parallel_loop3A_794 = arith.index_cast %parallel_loop3A_758 : i32 to index
      %parallel_loop3A_795 = tpu.vector_load %arg5[%parallel_loop3A_792, %parallel_loop3A_793, %parallel_loop3A_794] {strides = array<i32>} : memref<4x8x1024xf32, #tpu.memory_space<vmem>>, vector<1x1x16xf32>,
      %parallel_loop3A_796 = vector.shape_cast %parallel_loop3A_795 : vector<1x1x16xf32> to vector<16xf32>
      %parallel_loop3A_797 = arith.addf %parallel_loop3A_796, %parallel_loop3A_762 : vector<16xf32>
      %parallel_loop3A_798 = arith.constant 2 : i32
      %parallel_loop3A_799 = arith.index_cast %parallel_loop3A_798 : i32 to index
      %parallel_loop3A_800 = arith.index_cast %parallel_loop3A_754 : i32 to index
      %parallel_loop3A_801 = arith.index_cast %parallel_loop3A_758 : i32 to index
      %parallel_loop3A_802 = tpu.vector_load %arg5[%parallel_loop3A_799, %parallel_loop3A_800, %parallel_loop3A_801] {strides = array<i32>} : memref<4x8x1024xf32, #tpu.memory_space<vmem>>, vector<1x1x16xf32>,
      %parallel_loop3A_803 = vector.shape_cast %parallel_loop3A_802 : vector<1x1x16xf32> to vector<16xf32>
      %parallel_loop3A_804 = vector.shape_cast %parallel_loop3A_797 : vector<16xf32> to vector<1x1x16xf32>
      tpu.vector_store %arg5[%parallel_loop3A_799, %parallel_loop3A_800, %parallel_loop3A_801], %parallel_loop3A_804 {strides = array<i32>} : memref<4x8x1024xf32, #tpu.memory_space<vmem>>, vector<1x1x16xf32>,
      %parallel_loop3A_805 = arith.constant 3 : i32
      %parallel_loop3A_806 = arith.index_cast %parallel_loop3A_805 : i32 to index
      %parallel_loop3A_807 = arith.index_cast %parallel_loop3A_754 : i32 to index
      %parallel_loop3A_808 = arith.index_cast %parallel_loop3A_758 : i32 to index
      %parallel_loop3A_809 = tpu.vector_load %arg5[%parallel_loop3A_806, %parallel_loop3A_807, %parallel_loop3A_808] {strides = array<i32>} : memref<4x8x1024xf32, #tpu.memory_space<vmem>>, vector<1x1x16xf32>,
      %parallel_loop3A_810 = vector.shape_cast %parallel_loop3A_809 : vector<1x1x16xf32> to vector<16xf32>
      %parallel_loop3A_811 = arith.addf %parallel_loop3A_810, %parallel_loop3A_762 : vector<16xf32>
      %parallel_loop3A_812 = arith.constant 3 : i32
      %parallel_loop3A_813 = arith.index_cast %parallel_loop3A_812 : i32 to index
      %parallel_loop3A_814 = arith.index_cast %parallel_loop3A_754 : i32 to index
      %parallel_loop3A_815 = arith.index_cast %parallel_loop3A_758 : i32 to index
      %parallel_loop3A_816 = tpu.vector_load %arg5[%parallel_loop3A_813, %parallel_loop3A_814, %parallel_loop3A_815] {strides = array<i32>} : memref<4x8x1024xf32, #tpu.memory_space<vmem>>, vector<1x1x16xf32>,
      %parallel_loop3A_817 = vector.shape_cast %parallel_loop3A_816 : vector<1x1x16xf32> to vector<16xf32>
      %parallel_loop3A_818 = vector.shape_cast %parallel_loop3A_811 : vector<16xf32> to vector<1x1x16xf32>
      tpu.vector_store %arg5[%parallel_loop3A_813, %parallel_loop3A_814, %parallel_loop3A_815], %parallel_loop3A_818 {strides = array<i32>} : memref<4x8x1024xf32, #tpu.memory_space<vmem>>, vector<1x1x16xf32>,
    } {sc.loop_unroll_factor = 8 : i64, sc.parallel_access}
    %add3A_184 = arith.constant 24 : i32
    %add3A_185 = arith.addi %mul3A_2, %add3A_184 : i32
    %dma_start3A_186 = arith.constant 0 : i32
    %dma_start3A_187 = arith.constant 0 : i32
    %dma_start3A_188 = tpu.memref_slice %arg4[%dma_start3A_186, %add3A_185, %dma_start3A_187] : memref<4x4096x1024xf32, #tpu.memory_space<hbm>> -> memref<4x8x1024xf32, #tpu.memory_space<hbm>>
    %dma_start3A_189 = arith.constant 0 : i32
    %dma_start3A_190 = arith.constant 0 : i32
    %dma_start3A_191 = tpu.memref_slice %arg4[%dma_start3A_189, %add3A_185, %dma_start3A_190] : memref<4x4096x1024xf32, #tpu.memory_space<hbm>> -> memref<4x8x1024xf32, #tpu.memory_space<hbm>>
    tpu.enqueue_dma source(%arg5 : memref<4x8x1024xf32, #tpu.memory_space<vmem>>) target(%dma_start3A_191 : memref<4x8x1024xf32, #tpu.memory_space<hbm>>) target_semaphore(%arg14 : memref<!tpu.dma_semaphore, #tpu.memory_space<semaphore_mem>>)
    %add3A_192 = arith.constant 48 : i32
    %add3A_193 = arith.addi %mul3A_2, %add3A_192 : i32
    %dma_start3A_194 = arith.constant 0 : i32
    %dma_start3A_195 = tpu.memref_slice %arg3[%add3A_193, %dma_start3A_194] : memref<8192x1024xf32, #tpu.memory_space<hbm>> -> memref<8x1024xf32, #tpu.memory_space<hbm>>
    %dma_start3A_196 = arith.constant 0 : i32
    %dma_start3A_197 = tpu.memref_slice %arg3[%add3A_193, %dma_start3A_196] : memref<8192x1024xf32, #tpu.memory_space<hbm>> -> memref<8x1024xf32, #tpu.memory_space<hbm>>
    tpu.enqueue_dma source(%dma_start3A_197 : memref<8x1024xf32, #tpu.memory_space<hbm>>) target(%arg8 : memref<8x1024xf32, #tpu.memory_space<vmem>>) target_semaphore(%arg17 : memref<!tpu.dma_semaphore, #tpu.memory_space<semaphore_mem>>)
    %dma_wait3A_198 = arith.constant 0 : i32
    %dma_wait3A_199 = arith.constant 0 : i32
    %dma_wait3A_200 = arith.constant 0 : i32
    %dma_wait3A_201 = tpu.memref_slice %arg4[%dma_wait3A_198, %dma_wait3A_199, %dma_wait3A_200] : memref<4x4096x1024xf32, #tpu.memory_space<hbm>> -> memref<4x8x1024xf32, #tpu.memory_space<hbm>>
    %dma_wait3A_202 = arith.constant 0 : i32
    %dma_wait3A_203 = arith.constant 0 : i32
    %dma_wait3A_204 = arith.constant 0 : i32
    %dma_wait3A_205 = tpu.memref_slice %arg4[%dma_wait3A_202, %dma_wait3A_203, %dma_wait3A_204] : memref<4x4096x1024xf32, #tpu.memory_space<hbm>> -> memref<4x8x1024xf32, #tpu.memory_space<hbm>>
    tpu.wait_dma2 semaphore(%arg16 : memref<!tpu.dma_semaphore, #tpu.memory_space<semaphore_mem>>) src(%arg7 : memref<4x8x1024xf32, #tpu.memory_space<vmem>>) dst(%dma_wait3A_205 : memref<4x8x1024xf32, #tpu.memory_space<hbm>>)
    %add3A_206 = arith.constant 40 : i32
    %add3A_207 = arith.addi %mul3A_2, %add3A_206 : i32
    %dma_start3A_208 = arith.constant 0 : i32
    %dma_start3A_209 = arith.constant 0 : i32
    %dma_start3A_210 = tpu.memref_slice %arg2[%dma_start3A_208, %add3A_207, %dma_start3A_209] : memref<4x4096x1024xf32, #tpu.memory_space<hbm>> -> memref<4x8x1024xf32, #tpu.memory_space<hbm>>
    %dma_start3A_211 = arith.constant 0 : i32
    %dma_start3A_212 = arith.constant 0 : i32
    %dma_start3A_213 = tpu.memref_slice %arg2[%dma_start3A_211, %add3A_207, %dma_start3A_212] : memref<4x4096x1024xf32, #tpu.memory_space<hbm>> -> memref<4x8x1024xf32, #tpu.memory_space<hbm>>
    tpu.enqueue_dma source(%dma_start3A_213 : memref<4x8x1024xf32, #tpu.memory_space<hbm>>) target(%arg7 : memref<4x8x1024xf32, #tpu.memory_space<vmem>>) target_semaphore(%arg13 : memref<!tpu.dma_semaphore, #tpu.memory_space<semaphore_mem>>)
    %dma_wait3A_214 = arith.constant 0 : i32
    %dma_wait3A_215 = arith.constant 0 : i32
    %dma_wait3A_216 = tpu.memref_slice %arg3[%dma_wait3A_214, %dma_wait3A_215] : memref<8192x1024xf32, #tpu.memory_space<hbm>> -> memref<8x1024xf32, #tpu.memory_space<hbm>>
    %dma_wait3A_217 = arith.constant 0 : i32
    %dma_wait3A_218 = arith.constant 0 : i32
    %dma_wait3A_219 = tpu.memref_slice %arg3[%dma_wait3A_217, %dma_wait3A_218] : memref<8192x1024xf32, #tpu.memory_space<hbm>> -> memref<8x1024xf32, #tpu.memory_space<hbm>>
    tpu.wait_dma2 semaphore(%arg18 : memref<!tpu.dma_semaphore, #tpu.memory_space<semaphore_mem>>) src(%dma_wait3A_219 : memref<8x1024xf32, #tpu.memory_space<hbm>>) dst(%arg9 : memref<8x1024xf32, #tpu.memory_space<vmem>>)
    %dma_wait3A_220 = arith.constant 0 : i32
    %dma_wait3A_221 = arith.constant 0 : i32
    %dma_wait3A_222 = arith.constant 0 : i32
    %dma_wait3A_223 = tpu.memref_slice %arg2[%dma_wait3A_220, %dma_wait3A_221, %dma_wait3A_222] : memref<4x4096x1024xf32, #tpu.memory_space<hbm>> -> memref<4x8x1024xf32, #tpu.memory_space<hbm>>
    %dma_wait3A_224 = arith.constant 0 : i32
    %dma_wait3A_225 = arith.constant 0 : i32
    %dma_wait3A_226 = arith.constant 0 : i32
    %dma_wait3A_227 = tpu.memref_slice %arg2[%dma_wait3A_224, %dma_wait3A_225, %dma_wait3A_226] : memref<4x4096x1024xf32, #tpu.memory_space<hbm>> -> memref<4x8x1024xf32, #tpu.memory_space<hbm>>
    tpu.wait_dma2 semaphore(%arg12 : memref<!tpu.dma_semaphore, #tpu.memory_space<semaphore_mem>>) src(%dma_wait3A_227 : memref<4x8x1024xf32, #tpu.memory_space<hbm>>) dst(%arg6 : memref<4x8x1024xf32, #tpu.memory_space<vmem>>)
    %parallel_loop3A_228 = arith.constant 0 : i32
    %parallel_loop3A_229 = arith.constant 512 : i32
    %parallel_loop3A_230 = arith.constant 1 : i32
    scf.for %parallel_loop3A_752 = %parallel_loop3A_228 to %parallel_loop3A_229 step %parallel_loop3A_230  : i32 {
      %parallel_loop3A_753 = arith.constant 64 : i32
      %parallel_loop3A_754 = arith.divsi %parallel_loop3A_752, %parallel_loop3A_753 : i32
      %parallel_loop3A_755 = arith.constant 64 : i32
      %parallel_loop3A_756 = arith.remsi %parallel_loop3A_752, %parallel_loop3A_755 : i32
      %parallel_loop3A_757 = arith.constant 16 : i32
      %parallel_loop3A_758 = arith.muli %parallel_loop3A_756, %parallel_loop3A_757 : i32
      %parallel_loop3A_759 = arith.index_cast %parallel_loop3A_754 : i32 to index
      %parallel_loop3A_760 = arith.index_cast %parallel_loop3A_758 : i32 to index
      %parallel_loop3A_761 = tpu.vector_load %arg9[%parallel_loop3A_759, %parallel_loop3A_760] {strides = array<i32>} : memref<8x1024xf32, #tpu.memory_space<vmem>>, vector<1x16xf32>,
      %parallel_loop3A_762 = vector.shape_cast %parallel_loop3A_761 : vector<1x16xf32> to vector<16xf32>
      %parallel_loop3A_763 = arith.constant 0 : i32
      %parallel_loop3A_764 = arith.index_cast %parallel_loop3A_763 : i32 to index
      %parallel_loop3A_765 = arith.index_cast %parallel_loop3A_754 : i32 to index
      %parallel_loop3A_766 = arith.index_cast %parallel_loop3A_758 : i32 to index
      %parallel_loop3A_767 = tpu.vector_load %arg6[%parallel_loop3A_764, %parallel_loop3A_765, %parallel_loop3A_766] {strides = array<i32>} : memref<4x8x1024xf32, #tpu.memory_space<vmem>>, vector<1x1x16xf32>,
      %parallel_loop3A_768 = vector.shape_cast %parallel_loop3A_767 : vector<1x1x16xf32> to vector<16xf32>
      %parallel_loop3A_769 = arith.addf %parallel_loop3A_768, %parallel_loop3A_762 : vector<16xf32>
      %parallel_loop3A_770 = arith.constant 0 : i32
      %parallel_loop3A_771 = arith.index_cast %parallel_loop3A_770 : i32 to index
      %parallel_loop3A_772 = arith.index_cast %parallel_loop3A_754 : i32 to index
      %parallel_loop3A_773 = arith.index_cast %parallel_loop3A_758 : i32 to index
      %parallel_loop3A_774 = tpu.vector_load %arg6[%parallel_loop3A_771, %parallel_loop3A_772, %parallel_loop3A_773] {strides = array<i32>} : memref<4x8x1024xf32, #tpu.memory_space<vmem>>, vector<1x1x16xf32>,
      %parallel_loop3A_775 = vector.shape_cast %parallel_loop3A_774 : vector<1x1x16xf32> to vector<16xf32>
      %parallel_loop3A_776 = vector.shape_cast %parallel_loop3A_769 : vector<16xf32> to vector<1x1x16xf32>
      tpu.vector_store %arg6[%parallel_loop3A_771, %parallel_loop3A_772, %parallel_loop3A_773], %parallel_loop3A_776 {strides = array<i32>} : memref<4x8x1024xf32, #tpu.memory_space<vmem>>, vector<1x1x16xf32>,
      %parallel_loop3A_777 = arith.constant 1 : i32
      %parallel_loop3A_778 = arith.index_cast %parallel_loop3A_777 : i32 to index
      %parallel_loop3A_779 = arith.index_cast %parallel_loop3A_754 : i32 to index
      %parallel_loop3A_780 = arith.index_cast %parallel_loop3A_758 : i32 to index
      %parallel_loop3A_781 = tpu.vector_load %arg6[%parallel_loop3A_778, %parallel_loop3A_779, %parallel_loop3A_780] {strides = array<i32>} : memref<4x8x1024xf32, #tpu.memory_space<vmem>>, vector<1x1x16xf32>,
      %parallel_loop3A_782 = vector.shape_cast %parallel_loop3A_781 : vector<1x1x16xf32> to vector<16xf32>
      %parallel_loop3A_783 = arith.addf %parallel_loop3A_782, %parallel_loop3A_762 : vector<16xf32>
      %parallel_loop3A_784 = arith.constant 1 : i32
      %parallel_loop3A_785 = arith.index_cast %parallel_loop3A_784 : i32 to index
      %parallel_loop3A_786 = arith.index_cast %parallel_loop3A_754 : i32 to index
      %parallel_loop3A_787 = arith.index_cast %parallel_loop3A_758 : i32 to index
      %parallel_loop3A_788 = tpu.vector_load %arg6[%parallel_loop3A_785, %parallel_loop3A_786, %parallel_loop3A_787] {strides = array<i32>} : memref<4x8x1024xf32, #tpu.memory_space<vmem>>, vector<1x1x16xf32>,
      %parallel_loop3A_789 = vector.shape_cast %parallel_loop3A_788 : vector<1x1x16xf32> to vector<16xf32>
      %parallel_loop3A_790 = vector.shape_cast %parallel_loop3A_783 : vector<16xf32> to vector<1x1x16xf32>
      tpu.vector_store %arg6[%parallel_loop3A_785, %parallel_loop3A_786, %parallel_loop3A_787], %parallel_loop3A_790 {strides = array<i32>} : memref<4x8x1024xf32, #tpu.memory_space<vmem>>, vector<1x1x16xf32>,
      %parallel_loop3A_791 = arith.constant 2 : i32
      %parallel_loop3A_792 = arith.index_cast %parallel_loop3A_791 : i32 to index
      %parallel_loop3A_793 = arith.index_cast %parallel_loop3A_754 : i32 to index
      %parallel_loop3A_794 = arith.index_cast %parallel_loop3A_758 : i32 to index
      %parallel_loop3A_795 = tpu.vector_load %arg6[%parallel_loop3A_792, %parallel_loop3A_793, %parallel_loop3A_794] {strides = array<i32>} : memref<4x8x1024xf32, #tpu.memory_space<vmem>>, vector<1x1x16xf32>,
      %parallel_loop3A_796 = vector.shape_cast %parallel_loop3A_795 : vector<1x1x16xf32> to vector<16xf32>
      %parallel_loop3A_797 = arith.addf %parallel_loop3A_796, %parallel_loop3A_762 : vector<16xf32>
      %parallel_loop3A_798 = arith.constant 2 : i32
      %parallel_loop3A_799 = arith.index_cast %parallel_loop3A_798 : i32 to index
      %parallel_loop3A_800 = arith.index_cast %parallel_loop3A_754 : i32 to index
      %parallel_loop3A_801 = arith.index_cast %parallel_loop3A_758 : i32 to index
      %parallel_loop3A_802 = tpu.vector_load %arg6[%parallel_loop3A_799, %parallel_loop3A_800, %parallel_loop3A_801] {strides = array<i32>} : memref<4x8x1024xf32, #tpu.memory_space<vmem>>, vector<1x1x16xf32>,
      %parallel_loop3A_803 = vector.shape_cast %parallel_loop3A_802 : vector<1x1x16xf32> to vector<16xf32>
      %parallel_loop3A_804 = vector.shape_cast %parallel_loop3A_797 : vector<16xf32> to vector<1x1x16xf32>
      tpu.vector_store %arg6[%parallel_loop3A_799, %parallel_loop3A_800, %parallel_loop3A_801], %parallel_loop3A_804 {strides = array<i32>} : memref<4x8x1024xf32, #tpu.memory_space<vmem>>, vector<1x1x16xf32>,
      %parallel_loop3A_805 = arith.constant 3 : i32
      %parallel_loop3A_806 = arith.index_cast %parallel_loop3A_805 : i32 to index
      %parallel_loop3A_807 = arith.index_cast %parallel_loop3A_754 : i32 to index
      %parallel_loop3A_808 = arith.index_cast %parallel_loop3A_758 : i32 to index
      %parallel_loop3A_809 = tpu.vector_load %arg6[%parallel_loop3A_806, %parallel_loop3A_807, %parallel_loop3A_808] {strides = array<i32>} : memref<4x8x1024xf32, #tpu.memory_space<vmem>>, vector<1x1x16xf32>,
      %parallel_loop3A_810 = vector.shape_cast %parallel_loop3A_809 : vector<1x1x16xf32> to vector<16xf32>
      %parallel_loop3A_811 = arith.addf %parallel_loop3A_810, %parallel_loop3A_762 : vector<16xf32>
      %parallel_loop3A_812 = arith.constant 3 : i32
      %parallel_loop3A_813 = arith.index_cast %parallel_loop3A_812 : i32 to index
      %parallel_loop3A_814 = arith.index_cast %parallel_loop3A_754 : i32 to index
      %parallel_loop3A_815 = arith.index_cast %parallel_loop3A_758 : i32 to index
      %parallel_loop3A_816 = tpu.vector_load %arg6[%parallel_loop3A_813, %parallel_loop3A_814, %parallel_loop3A_815] {strides = array<i32>} : memref<4x8x1024xf32, #tpu.memory_space<vmem>>, vector<1x1x16xf32>,
      %parallel_loop3A_817 = vector.shape_cast %parallel_loop3A_816 : vector<1x1x16xf32> to vector<16xf32>
      %parallel_loop3A_818 = vector.shape_cast %parallel_loop3A_811 : vector<16xf32> to vector<1x1x16xf32>
      tpu.vector_store %arg6[%parallel_loop3A_813, %parallel_loop3A_814, %parallel_loop3A_815], %parallel_loop3A_818 {strides = array<i32>} : memref<4x8x1024xf32, #tpu.memory_space<vmem>>, vector<1x1x16xf32>,
    } {sc.loop_unroll_factor = 8 : i64, sc.parallel_access}
    %add3A_231 = arith.constant 32 : i32
    %add3A_232 = arith.addi %mul3A_2, %add3A_231 : i32
    %dma_start3A_233 = arith.constant 0 : i32
    %dma_start3A_234 = arith.constant 0 : i32
    %dma_start3A_235 = tpu.memref_slice %arg4[%dma_start3A_233, %add3A_232, %dma_start3A_234] : memref<4x4096x1024xf32, #tpu.memory_space<hbm>> -> memref<4x8x1024xf32, #tpu.memory_space<hbm>>
    %dma_start3A_236 = arith.constant 0 : i32
    %dma_start3A_237 = arith.constant 0 : i32
    %dma_start3A_238 = tpu.memref_slice %arg4[%dma_start3A_236, %add3A_232, %dma_start3A_237] : memref<4x4096x1024xf32, #tpu.memory_space<hbm>> -> memref<4x8x1024xf32, #tpu.memory_space<hbm>>
    tpu.enqueue_dma source(%arg6 : memref<4x8x1024xf32, #tpu.memory_space<vmem>>) target(%dma_start3A_238 : memref<4x8x1024xf32, #tpu.memory_space<hbm>>) target_semaphore(%arg15 : memref<!tpu.dma_semaphore, #tpu.memory_space<semaphore_mem>>)
    %add3A_239 = arith.constant 56 : i32
    %add3A_240 = arith.addi %mul3A_2, %add3A_239 : i32
    %dma_start3A_241 = arith.constant 0 : i32
    %dma_start3A_242 = tpu.memref_slice %arg3[%add3A_240, %dma_start3A_241] : memref<8192x1024xf32, #tpu.memory_space<hbm>> -> memref<8x1024xf32, #tpu.memory_space<hbm>>
    %dma_start3A_243 = arith.constant 0 : i32
    %dma_start3A_244 = tpu.memref_slice %arg3[%add3A_240, %dma_start3A_243] : memref<8192x1024xf32, #tpu.memory_space<hbm>> -> memref<8x1024xf32, #tpu.memory_space<hbm>>
    tpu.enqueue_dma source(%dma_start3A_244 : memref<8x1024xf32, #tpu.memory_space<hbm>>) target(%arg9 : memref<8x1024xf32, #tpu.memory_space<vmem>>) target_semaphore(%arg18 : memref<!tpu.dma_semaphore, #tpu.memory_space<semaphore_mem>>)
    %dma_wait3A_245 = arith.constant 0 : i32
    %dma_wait3A_246 = arith.constant 0 : i32
    %dma_wait3A_247 = arith.constant 0 : i32
    %dma_wait3A_248 = tpu.memref_slice %arg4[%dma_wait3A_245, %dma_wait3A_246, %dma_wait3A_247] : memref<4x4096x1024xf32, #tpu.memory_space<hbm>> -> memref<4x8x1024xf32, #tpu.memory_space<hbm>>
    %dma_wait3A_249 = arith.constant 0 : i32
    %dma_wait3A_250 = arith.constant 0 : i32
    %dma_wait3A_251 = arith.constant 0 : i32
    %dma_wait3A_252 = tpu.memref_slice %arg4[%dma_wait3A_249, %dma_wait3A_250, %dma_wait3A_251] : memref<4x4096x1024xf32, #tpu.memory_space<hbm>> -> memref<4x8x1024xf32, #tpu.memory_space<hbm>>
    tpu.wait_dma2 semaphore(%arg14 : memref<!tpu.dma_semaphore, #tpu.memory_space<semaphore_mem>>) src(%arg5 : memref<4x8x1024xf32, #tpu.memory_space<vmem>>) dst(%dma_wait3A_252 : memref<4x8x1024xf32, #tpu.memory_space<hbm>>)
    %add3A_253 = arith.constant 48 : i32
    %add3A_254 = arith.addi %mul3A_2, %add3A_253 : i32
    %dma_start3A_255 = arith.constant 0 : i32
    %dma_start3A_256 = arith.constant 0 : i32
    %dma_start3A_257 = tpu.memref_slice %arg2[%dma_start3A_255, %add3A_254, %dma_start3A_256] : memref<4x4096x1024xf32, #tpu.memory_space<hbm>> -> memref<4x8x1024xf32, #tpu.memory_space<hbm>>
    %dma_start3A_258 = arith.constant 0 : i32
    %dma_start3A_259 = arith.constant 0 : i32
    %dma_start3A_260 = tpu.memref_slice %arg2[%dma_start3A_258, %add3A_254, %dma_start3A_259] : memref<4x4096x1024xf32, #tpu.memory_space<hbm>> -> memref<4x8x1024xf32, #tpu.memory_space<hbm>>
    tpu.enqueue_dma source(%dma_start3A_260 : memref<4x8x1024xf32, #tpu.memory_space<hbm>>) target(%arg5 : memref<4x8x1024xf32, #tpu.memory_space<vmem>>) target_semaphore(%arg11 : memref<!tpu.dma_semaphore, #tpu.memory_space<semaphore_mem>>)
    %dma_wait3A_261 = arith.constant 0 : i32
    %dma_wait3A_262 = arith.constant 0 : i32
    %dma_wait3A_263 = tpu.memref_slice %arg3[%dma_wait3A_261, %dma_wait3A_262] : memref<8192x1024xf32, #tpu.memory_space<hbm>> -> memref<8x1024xf32, #tpu.memory_space<hbm>>
    %dma_wait3A_264 = arith.constant 0 : i32
    %dma_wait3A_265 = arith.constant 0 : i32
    %dma_wait3A_266 = tpu.memref_slice %arg3[%dma_wait3A_264, %dma_wait3A_265] : memref<8192x1024xf32, #tpu.memory_space<hbm>> -> memref<8x1024xf32, #tpu.memory_space<hbm>>
    tpu.wait_dma2 semaphore(%arg19 : memref<!tpu.dma_semaphore, #tpu.memory_space<semaphore_mem>>) src(%dma_wait3A_266 : memref<8x1024xf32, #tpu.memory_space<hbm>>) dst(%arg10 : memref<8x1024xf32, #tpu.memory_space<vmem>>)
    %dma_wait3A_267 = arith.constant 0 : i32
    %dma_wait3A_268 = arith.constant 0 : i32
    %dma_wait3A_269 = arith.constant 0 : i32
    %dma_wait3A_270 = tpu.memref_slice %arg2[%dma_wait3A_267, %dma_wait3A_268, %dma_wait3A_269] : memref<4x4096x1024xf32, #tpu.memory_space<hbm>> -> memref<4x8x1024xf32, #tpu.memory_space<hbm>>
    %dma_wait3A_271 = arith.constant 0 : i32
    %dma_wait3A_272 = arith.constant 0 : i32
    %dma_wait3A_273 = arith.constant 0 : i32
    %dma_wait3A_274 = tpu.memref_slice %arg2[%dma_wait3A_271, %dma_wait3A_272, %dma_wait3A_273] : memref<4x4096x1024xf32, #tpu.memory_space<hbm>> -> memref<4x8x1024xf32, #tpu.memory_space<hbm>>
    tpu.wait_dma2 semaphore(%arg13 : memref<!tpu.dma_semaphore, #tpu.memory_space<semaphore_mem>>) src(%dma_wait3A_274 : memref<4x8x1024xf32, #tpu.memory_space<hbm>>) dst(%arg7 : memref<4x8x1024xf32, #tpu.memory_space<vmem>>)
    %parallel_loop3A_275 = arith.constant 0 : i32
    %parallel_loop3A_276 = arith.constant 512 : i32
    %parallel_loop3A_277 = arith.constant 1 : i32
    scf.for %parallel_loop3A_752 = %parallel_loop3A_275 to %parallel_loop3A_276 step %parallel_loop3A_277  : i32 {
      %parallel_loop3A_753 = arith.constant 64 : i32
      %parallel_loop3A_754 = arith.divsi %parallel_loop3A_752, %parallel_loop3A_753 : i32
      %parallel_loop3A_755 = arith.constant 64 : i32
      %parallel_loop3A_756 = arith.remsi %parallel_loop3A_752, %parallel_loop3A_755 : i32
      %parallel_loop3A_757 = arith.constant 16 : i32
      %parallel_loop3A_758 = arith.muli %parallel_loop3A_756, %parallel_loop3A_757 : i32
      %parallel_loop3A_759 = arith.index_cast %parallel_loop3A_754 : i32 to index
      %parallel_loop3A_760 = arith.index_cast %parallel_loop3A_758 : i32 to index
      %parallel_loop3A_761 = tpu.vector_load %arg10[%parallel_loop3A_759, %parallel_loop3A_760] {strides = array<i32>} : memref<8x1024xf32, #tpu.memory_space<vmem>>, vector<1x16xf32>,
      %parallel_loop3A_762 = vector.shape_cast %parallel_loop3A_761 : vector<1x16xf32> to vector<16xf32>
      %parallel_loop3A_763 = arith.constant 0 : i32
      %parallel_loop3A_764 = arith.index_cast %parallel_loop3A_763 : i32 to index
      %parallel_loop3A_765 = arith.index_cast %parallel_loop3A_754 : i32 to index
      %parallel_loop3A_766 = arith.index_cast %parallel_loop3A_758 : i32 to index
      %parallel_loop3A_767 = tpu.vector_load %arg7[%parallel_loop3A_764, %parallel_loop3A_765, %parallel_loop3A_766] {strides = array<i32>} : memref<4x8x1024xf32, #tpu.memory_space<vmem>>, vector<1x1x16xf32>,
      %parallel_loop3A_768 = vector.shape_cast %parallel_loop3A_767 : vector<1x1x16xf32> to vector<16xf32>
      %parallel_loop3A_769 = arith.addf %parallel_loop3A_768, %parallel_loop3A_762 : vector<16xf32>
      %parallel_loop3A_770 = arith.constant 0 : i32
      %parallel_loop3A_771 = arith.index_cast %parallel_loop3A_770 : i32 to index
      %parallel_loop3A_772 = arith.index_cast %parallel_loop3A_754 : i32 to index
      %parallel_loop3A_773 = arith.index_cast %parallel_loop3A_758 : i32 to index
      %parallel_loop3A_774 = tpu.vector_load %arg7[%parallel_loop3A_771, %parallel_loop3A_772, %parallel_loop3A_773] {strides = array<i32>} : memref<4x8x1024xf32, #tpu.memory_space<vmem>>, vector<1x1x16xf32>,
      %parallel_loop3A_775 = vector.shape_cast %parallel_loop3A_774 : vector<1x1x16xf32> to vector<16xf32>
      %parallel_loop3A_776 = vector.shape_cast %parallel_loop3A_769 : vector<16xf32> to vector<1x1x16xf32>
      tpu.vector_store %arg7[%parallel_loop3A_771, %parallel_loop3A_772, %parallel_loop3A_773], %parallel_loop3A_776 {strides = array<i32>} : memref<4x8x1024xf32, #tpu.memory_space<vmem>>, vector<1x1x16xf32>,
      %parallel_loop3A_777 = arith.constant 1 : i32
      %parallel_loop3A_778 = arith.index_cast %parallel_loop3A_777 : i32 to index
      %parallel_loop3A_779 = arith.index_cast %parallel_loop3A_754 : i32 to index
      %parallel_loop3A_780 = arith.index_cast %parallel_loop3A_758 : i32 to index
      %parallel_loop3A_781 = tpu.vector_load %arg7[%parallel_loop3A_778, %parallel_loop3A_779, %parallel_loop3A_780] {strides = array<i32>} : memref<4x8x1024xf32, #tpu.memory_space<vmem>>, vector<1x1x16xf32>,
      %parallel_loop3A_782 = vector.shape_cast %parallel_loop3A_781 : vector<1x1x16xf32> to vector<16xf32>
      %parallel_loop3A_783 = arith.addf %parallel_loop3A_782, %parallel_loop3A_762 : vector<16xf32>
      %parallel_loop3A_784 = arith.constant 1 : i32
      %parallel_loop3A_785 = arith.index_cast %parallel_loop3A_784 : i32 to index
      %parallel_loop3A_786 = arith.index_cast %parallel_loop3A_754 : i32 to index
      %parallel_loop3A_787 = arith.index_cast %parallel_loop3A_758 : i32 to index
      %parallel_loop3A_788 = tpu.vector_load %arg7[%parallel_loop3A_785, %parallel_loop3A_786, %parallel_loop3A_787] {strides = array<i32>} : memref<4x8x1024xf32, #tpu.memory_space<vmem>>, vector<1x1x16xf32>,
      %parallel_loop3A_789 = vector.shape_cast %parallel_loop3A_788 : vector<1x1x16xf32> to vector<16xf32>
      %parallel_loop3A_790 = vector.shape_cast %parallel_loop3A_783 : vector<16xf32> to vector<1x1x16xf32>
      tpu.vector_store %arg7[%parallel_loop3A_785, %parallel_loop3A_786, %parallel_loop3A_787], %parallel_loop3A_790 {strides = array<i32>} : memref<4x8x1024xf32, #tpu.memory_space<vmem>>, vector<1x1x16xf32>,
      %parallel_loop3A_791 = arith.constant 2 : i32
      %parallel_loop3A_792 = arith.index_cast %parallel_loop3A_791 : i32 to index
      %parallel_loop3A_793 = arith.index_cast %parallel_loop3A_754 : i32 to index
      %parallel_loop3A_794 = arith.index_cast %parallel_loop3A_758 : i32 to index
      %parallel_loop3A_795 = tpu.vector_load %arg7[%parallel_loop3A_792, %parallel_loop3A_793, %parallel_loop3A_794] {strides = array<i32>} : memref<4x8x1024xf32, #tpu.memory_space<vmem>>, vector<1x1x16xf32>,
      %parallel_loop3A_796 = vector.shape_cast %parallel_loop3A_795 : vector<1x1x16xf32> to vector<16xf32>
      %parallel_loop3A_797 = arith.addf %parallel_loop3A_796, %parallel_loop3A_762 : vector<16xf32>
      %parallel_loop3A_798 = arith.constant 2 : i32
      %parallel_loop3A_799 = arith.index_cast %parallel_loop3A_798 : i32 to index
      %parallel_loop3A_800 = arith.index_cast %parallel_loop3A_754 : i32 to index
      %parallel_loop3A_801 = arith.index_cast %parallel_loop3A_758 : i32 to index
      %parallel_loop3A_802 = tpu.vector_load %arg7[%parallel_loop3A_799, %parallel_loop3A_800, %parallel_loop3A_801] {strides = array<i32>} : memref<4x8x1024xf32, #tpu.memory_space<vmem>>, vector<1x1x16xf32>,
      %parallel_loop3A_803 = vector.shape_cast %parallel_loop3A_802 : vector<1x1x16xf32> to vector<16xf32>
      %parallel_loop3A_804 = vector.shape_cast %parallel_loop3A_797 : vector<16xf32> to vector<1x1x16xf32>
      tpu.vector_store %arg7[%parallel_loop3A_799, %parallel_loop3A_800, %parallel_loop3A_801], %parallel_loop3A_804 {strides = array<i32>} : memref<4x8x1024xf32, #tpu.memory_space<vmem>>, vector<1x1x16xf32>,
      %parallel_loop3A_805 = arith.constant 3 : i32
      %parallel_loop3A_806 = arith.index_cast %parallel_loop3A_805 : i32 to index
      %parallel_loop3A_807 = arith.index_cast %parallel_loop3A_754 : i32 to index
      %parallel_loop3A_808 = arith.index_cast %parallel_loop3A_758 : i32 to index
      %parallel_loop3A_809 = tpu.vector_load %arg7[%parallel_loop3A_806, %parallel_loop3A_807, %parallel_loop3A_808] {strides = array<i32>} : memref<4x8x1024xf32, #tpu.memory_space<vmem>>, vector<1x1x16xf32>,
      %parallel_loop3A_810 = vector.shape_cast %parallel_loop3A_809 : vector<1x1x16xf32> to vector<16xf32>
      %parallel_loop3A_811 = arith.addf %parallel_loop3A_810, %parallel_loop3A_762 : vector<16xf32>
      %parallel_loop3A_812 = arith.constant 3 : i32
      %parallel_loop3A_813 = arith.index_cast %parallel_loop3A_812 : i32 to index
      %parallel_loop3A_814 = arith.index_cast %parallel_loop3A_754 : i32 to index
      %parallel_loop3A_815 = arith.index_cast %parallel_loop3A_758 : i32 to index
      %parallel_loop3A_816 = tpu.vector_load %arg7[%parallel_loop3A_813, %parallel_loop3A_814, %parallel_loop3A_815] {strides = array<i32>} : memref<4x8x1024xf32, #tpu.memory_space<vmem>>, vector<1x1x16xf32>,
      %parallel_loop3A_817 = vector.shape_cast %parallel_loop3A_816 : vector<1x1x16xf32> to vector<16xf32>
      %parallel_loop3A_818 = vector.shape_cast %parallel_loop3A_811 : vector<16xf32> to vector<1x1x16xf32>
      tpu.vector_store %arg7[%parallel_loop3A_813, %parallel_loop3A_814, %parallel_loop3A_815], %parallel_loop3A_818 {strides = array<i32>} : memref<4x8x1024xf32, #tpu.memory_space<vmem>>, vector<1x1x16xf32>,
    } {sc.loop_unroll_factor = 8 : i64, sc.parallel_access}
    %add3A_278 = arith.constant 40 : i32
    %add3A_279 = arith.addi %mul3A_2, %add3A_278 : i32
    %dma_start3A_280 = arith.constant 0 : i32
    %dma_start3A_281 = arith.constant 0 : i32
    %dma_start3A_282 = tpu.memref_slice %arg4[%dma_start3A_280, %add3A_279, %dma_start3A_281] : memref<4x4096x1024xf32, #tpu.memory_space<hbm>> -> memref<4x8x1024xf32, #tpu.memory_space<hbm>>
    %dma_start3A_283 = arith.constant 0 : i32
    %dma_start3A_284 = arith.constant 0 : i32
    %dma_start3A_285 = tpu.memref_slice %arg4[%dma_start3A_283, %add3A_279, %dma_start3A_284] : memref<4x4096x1024xf32, #tpu.memory_space<hbm>> -> memref<4x8x1024xf32, #tpu.memory_space<hbm>>
    tpu.enqueue_dma source(%arg7 : memref<4x8x1024xf32, #tpu.memory_space<vmem>>) target(%dma_start3A_285 : memref<4x8x1024xf32, #tpu.memory_space<hbm>>) target_semaphore(%arg16 : memref<!tpu.dma_semaphore, #tpu.memory_space<semaphore_mem>>)
    %add3A_286 = arith.constant 64 : i32
    %add3A_287 = arith.addi %mul3A_2, %add3A_286 : i32
    %dma_start3A_288 = arith.constant 0 : i32
    %dma_start3A_289 = tpu.memref_slice %arg3[%add3A_287, %dma_start3A_288] : memref<8192x1024xf32, #tpu.memory_space<hbm>> -> memref<8x1024xf32, #tpu.memory_space<hbm>>
    %dma_start3A_290 = arith.constant 0 : i32
    %dma_start3A_291 = tpu.memref_slice %arg3[%add3A_287, %dma_start3A_290] : memref<8192x1024xf32, #tpu.memory_space<hbm>> -> memref<8x1024xf32, #tpu.memory_space<hbm>>
    tpu.enqueue_dma source(%dma_start3A_291 : memref<8x1024xf32, #tpu.memory_space<hbm>>) target(%arg10 : memref<8x1024xf32, #tpu.memory_space<vmem>>) target_semaphore(%arg19 : memref<!tpu.dma_semaphore, #tpu.memory_space<semaphore_mem>>)
    %dma_wait3A_292 = arith.constant 0 : i32
    %dma_wait3A_293 = arith.constant 0 : i32
    %dma_wait3A_294 = arith.constant 0 : i32
    %dma_wait3A_295 = tpu.memref_slice %arg4[%dma_wait3A_292, %dma_wait3A_293, %dma_wait3A_294] : memref<4x4096x1024xf32, #tpu.memory_space<hbm>> -> memref<4x8x1024xf32, #tpu.memory_space<hbm>>
    %dma_wait3A_296 = arith.constant 0 : i32
    %dma_wait3A_297 = arith.constant 0 : i32
    %dma_wait3A_298 = arith.constant 0 : i32
    %dma_wait3A_299 = tpu.memref_slice %arg4[%dma_wait3A_296, %dma_wait3A_297, %dma_wait3A_298] : memref<4x4096x1024xf32, #tpu.memory_space<hbm>> -> memref<4x8x1024xf32, #tpu.memory_space<hbm>>
    tpu.wait_dma2 semaphore(%arg15 : memref<!tpu.dma_semaphore, #tpu.memory_space<semaphore_mem>>) src(%arg6 : memref<4x8x1024xf32, #tpu.memory_space<vmem>>) dst(%dma_wait3A_299 : memref<4x8x1024xf32, #tpu.memory_space<hbm>>)
    %add3A_300 = arith.constant 56 : i32
    %add3A_301 = arith.addi %mul3A_2, %add3A_300 : i32
    %dma_start3A_302 = arith.constant 0 : i32
    %dma_start3A_303 = arith.constant 0 : i32
    %dma_start3A_304 = tpu.memref_slice %arg2[%dma_start3A_302, %add3A_301, %dma_start3A_303] : memref<4x4096x1024xf32, #tpu.memory_space<hbm>> -> memref<4x8x1024xf32, #tpu.memory_space<hbm>>
    %dma_start3A_305 = arith.constant 0 : i32
    %dma_start3A_306 = arith.constant 0 : i32
    %dma_start3A_307 = tpu.memref_slice %arg2[%dma_start3A_305, %add3A_301, %dma_start3A_306] : memref<4x4096x1024xf32, #tpu.memory_space<hbm>> -> memref<4x8x1024xf32, #tpu.memory_space<hbm>>
    tpu.enqueue_dma source(%dma_start3A_307 : memref<4x8x1024xf32, #tpu.memory_space<hbm>>) target(%arg6 : memref<4x8x1024xf32, #tpu.memory_space<vmem>>) target_semaphore(%arg12 : memref<!tpu.dma_semaphore, #tpu.memory_space<semaphore_mem>>)
    %dma_wait3A_308 = arith.constant 0 : i32
    %dma_wait3A_309 = arith.constant 0 : i32
    %dma_wait3A_310 = tpu.memref_slice %arg3[%dma_wait3A_308, %dma_wait3A_309] : memref<8192x1024xf32, #tpu.memory_space<hbm>> -> memref<8x1024xf32, #tpu.memory_space<hbm>>
    %dma_wait3A_311 = arith.constant 0 : i32
    %dma_wait3A_312 = arith.constant 0 : i32
    %dma_wait3A_313 = tpu.memref_slice %arg3[%dma_wait3A_311, %dma_wait3A_312] : memref<8192x1024xf32, #tpu.memory_space<hbm>> -> memref<8x1024xf32, #tpu.memory_space<hbm>>
    tpu.wait_dma2 semaphore(%arg17 : memref<!tpu.dma_semaphore, #tpu.memory_space<semaphore_mem>>) src(%dma_wait3A_313 : memref<8x1024xf32, #tpu.memory_space<hbm>>) dst(%arg8 : memref<8x1024xf32, #tpu.memory_space<vmem>>)
    %dma_wait3A_314 = arith.constant 0 : i32
    %dma_wait3A_315 = arith.constant 0 : i32
    %dma_wait3A_316 = arith.constant 0 : i32
    %dma_wait3A_317 = tpu.memref_slice %arg2[%dma_wait3A_314, %dma_wait3A_315, %dma_wait3A_316] : memref<4x4096x1024xf32, #tpu.memory_space<hbm>> -> memref<4x8x1024xf32, #tpu.memory_space<hbm>>
    %dma_wait3A_318 = arith.constant 0 : i32
    %dma_wait3A_319 = arith.constant 0 : i32
    %dma_wait3A_320 = arith.constant 0 : i32
    %dma_wait3A_321 = tpu.memref_slice %arg2[%dma_wait3A_318, %dma_wait3A_319, %dma_wait3A_320] : memref<4x4096x1024xf32, #tpu.memory_space<hbm>> -> memref<4x8x1024xf32, #tpu.memory_space<hbm>>
    tpu.wait_dma2 semaphore(%arg11 : memref<!tpu.dma_semaphore, #tpu.memory_space<semaphore_mem>>) src(%dma_wait3A_321 : memref<4x8x1024xf32, #tpu.memory_space<hbm>>) dst(%arg5 : memref<4x8x1024xf32, #tpu.memory_space<vmem>>)
    %parallel_loop3A_322 = arith.constant 0 : i32
    %parallel_loop3A_323 = arith.constant 512 : i32
    %parallel_loop3A_324 = arith.constant 1 : i32
    scf.for %parallel_loop3A_752 = %parallel_loop3A_322 to %parallel_loop3A_323 step %parallel_loop3A_324  : i32 {
      %parallel_loop3A_753 = arith.constant 64 : i32
      %parallel_loop3A_754 = arith.divsi %parallel_loop3A_752, %parallel_loop3A_753 : i32
      %parallel_loop3A_755 = arith.constant 64 : i32
      %parallel_loop3A_756 = arith.remsi %parallel_loop3A_752, %parallel_loop3A_755 : i32
      %parallel_loop3A_757 = arith.constant 16 : i32
      %parallel_loop3A_758 = arith.muli %parallel_loop3A_756, %parallel_loop3A_757 : i32
      %parallel_loop3A_759 = arith.index_cast %parallel_loop3A_754 : i32 to index
      %parallel_loop3A_760 = arith.index_cast %parallel_loop3A_758 : i32 to index
      %parallel_loop3A_761 = tpu.vector_load %arg8[%parallel_loop3A_759, %parallel_loop3A_760] {strides = array<i32>} : memref<8x1024xf32, #tpu.memory_space<vmem>>, vector<1x16xf32>,
      %parallel_loop3A_762 = vector.shape_cast %parallel_loop3A_761 : vector<1x16xf32> to vector<16xf32>
      %parallel_loop3A_763 = arith.constant 0 : i32
      %parallel_loop3A_764 = arith.index_cast %parallel_loop3A_763 : i32 to index
      %parallel_loop3A_765 = arith.index_cast %parallel_loop3A_754 : i32 to index
      %parallel_loop3A_766 = arith.index_cast %parallel_loop3A_758 : i32 to index
      %parallel_loop3A_767 = tpu.vector_load %arg5[%parallel_loop3A_764, %parallel_loop3A_765, %parallel_loop3A_766] {strides = array<i32>} : memref<4x8x1024xf32, #tpu.memory_space<vmem>>, vector<1x1x16xf32>,
      %parallel_loop3A_768 = vector.shape_cast %parallel_loop3A_767 : vector<1x1x16xf32> to vector<16xf32>
      %parallel_loop3A_769 = arith.addf %parallel_loop3A_768, %parallel_loop3A_762 : vector<16xf32>
      %parallel_loop3A_770 = arith.constant 0 : i32
      %parallel_loop3A_771 = arith.index_cast %parallel_loop3A_770 : i32 to index
      %parallel_loop3A_772 = arith.index_cast %parallel_loop3A_754 : i32 to index
      %parallel_loop3A_773 = arith.index_cast %parallel_loop3A_758 : i32 to index
      %parallel_loop3A_774 = tpu.vector_load %arg5[%parallel_loop3A_771, %parallel_loop3A_772, %parallel_loop3A_773] {strides = array<i32>} : memref<4x8x1024xf32, #tpu.memory_space<vmem>>, vector<1x1x16xf32>,
      %parallel_loop3A_775 = vector.shape_cast %parallel_loop3A_774 : vector<1x1x16xf32> to vector<16xf32>
      %parallel_loop3A_776 = vector.shape_cast %parallel_loop3A_769 : vector<16xf32> to vector<1x1x16xf32>
      tpu.vector_store %arg5[%parallel_loop3A_771, %parallel_loop3A_772, %parallel_loop3A_773], %parallel_loop3A_776 {strides = array<i32>} : memref<4x8x1024xf32, #tpu.memory_space<vmem>>, vector<1x1x16xf32>,
      %parallel_loop3A_777 = arith.constant 1 : i32
      %parallel_loop3A_778 = arith.index_cast %parallel_loop3A_777 : i32 to index
      %parallel_loop3A_779 = arith.index_cast %parallel_loop3A_754 : i32 to index
      %parallel_loop3A_780 = arith.index_cast %parallel_loop3A_758 : i32 to index
      %parallel_loop3A_781 = tpu.vector_load %arg5[%parallel_loop3A_778, %parallel_loop3A_779, %parallel_loop3A_780] {strides = array<i32>} : memref<4x8x1024xf32, #tpu.memory_space<vmem>>, vector<1x1x16xf32>,
      %parallel_loop3A_782 = vector.shape_cast %parallel_loop3A_781 : vector<1x1x16xf32> to vector<16xf32>
      %parallel_loop3A_783 = arith.addf %parallel_loop3A_782, %parallel_loop3A_762 : vector<16xf32>
      %parallel_loop3A_784 = arith.constant 1 : i32
      %parallel_loop3A_785 = arith.index_cast %parallel_loop3A_784 : i32 to index
      %parallel_loop3A_786 = arith.index_cast %parallel_loop3A_754 : i32 to index
      %parallel_loop3A_787 = arith.index_cast %parallel_loop3A_758 : i32 to index
      %parallel_loop3A_788 = tpu.vector_load %arg5[%parallel_loop3A_785, %parallel_loop3A_786, %parallel_loop3A_787] {strides = array<i32>} : memref<4x8x1024xf32, #tpu.memory_space<vmem>>, vector<1x1x16xf32>,
      %parallel_loop3A_789 = vector.shape_cast %parallel_loop3A_788 : vector<1x1x16xf32> to vector<16xf32>
      %parallel_loop3A_790 = vector.shape_cast %parallel_loop3A_783 : vector<16xf32> to vector<1x1x16xf32>
      tpu.vector_store %arg5[%parallel_loop3A_785, %parallel_loop3A_786, %parallel_loop3A_787], %parallel_loop3A_790 {strides = array<i32>} : memref<4x8x1024xf32, #tpu.memory_space<vmem>>, vector<1x1x16xf32>,
      %parallel_loop3A_791 = arith.constant 2 : i32
      %parallel_loop3A_792 = arith.index_cast %parallel_loop3A_791 : i32 to index
      %parallel_loop3A_793 = arith.index_cast %parallel_loop3A_754 : i32 to index
      %parallel_loop3A_794 = arith.index_cast %parallel_loop3A_758 : i32 to index
      %parallel_loop3A_795 = tpu.vector_load %arg5[%parallel_loop3A_792, %parallel_loop3A_793, %parallel_loop3A_794] {strides = array<i32>} : memref<4x8x1024xf32, #tpu.memory_space<vmem>>, vector<1x1x16xf32>,
      %parallel_loop3A_796 = vector.shape_cast %parallel_loop3A_795 : vector<1x1x16xf32> to vector<16xf32>
      %parallel_loop3A_797 = arith.addf %parallel_loop3A_796, %parallel_loop3A_762 : vector<16xf32>
      %parallel_loop3A_798 = arith.constant 2 : i32
      %parallel_loop3A_799 = arith.index_cast %parallel_loop3A_798 : i32 to index
      %parallel_loop3A_800 = arith.index_cast %parallel_loop3A_754 : i32 to index
      %parallel_loop3A_801 = arith.index_cast %parallel_loop3A_758 : i32 to index
      %parallel_loop3A_802 = tpu.vector_load %arg5[%parallel_loop3A_799, %parallel_loop3A_800, %parallel_loop3A_801] {strides = array<i32>} : memref<4x8x1024xf32, #tpu.memory_space<vmem>>, vector<1x1x16xf32>,
      %parallel_loop3A_803 = vector.shape_cast %parallel_loop3A_802 : vector<1x1x16xf32> to vector<16xf32>
      %parallel_loop3A_804 = vector.shape_cast %parallel_loop3A_797 : vector<16xf32> to vector<1x1x16xf32>
      tpu.vector_store %arg5[%parallel_loop3A_799, %parallel_loop3A_800, %parallel_loop3A_801], %parallel_loop3A_804 {strides = array<i32>} : memref<4x8x1024xf32, #tpu.memory_space<vmem>>, vector<1x1x16xf32>,
      %parallel_loop3A_805 = arith.constant 3 : i32
      %parallel_loop3A_806 = arith.index_cast %parallel_loop3A_805 : i32 to index
      %parallel_loop3A_807 = arith.index_cast %parallel_loop3A_754 : i32 to index
      %parallel_loop3A_808 = arith.index_cast %parallel_loop3A_758 : i32 to index
      %parallel_loop3A_809 = tpu.vector_load %arg5[%parallel_loop3A_806, %parallel_loop3A_807, %parallel_loop3A_808] {strides = array<i32>} : memref<4x8x1024xf32, #tpu.memory_space<vmem>>, vector<1x1x16xf32>,
      %parallel_loop3A_810 = vector.shape_cast %parallel_loop3A_809 : vector<1x1x16xf32> to vector<16xf32>
      %parallel_loop3A_811 = arith.addf %parallel_loop3A_810, %parallel_loop3A_762 : vector<16xf32>
      %parallel_loop3A_812 = arith.constant 3 : i32
      %parallel_loop3A_813 = arith.index_cast %parallel_loop3A_812 : i32 to index
      %parallel_loop3A_814 = arith.index_cast %parallel_loop3A_754 : i32 to index
      %parallel_loop3A_815 = arith.index_cast %parallel_loop3A_758 : i32 to index
      %parallel_loop3A_816 = tpu.vector_load %arg5[%parallel_loop3A_813, %parallel_loop3A_814, %parallel_loop3A_815] {strides = array<i32>} : memref<4x8x1024xf32, #tpu.memory_space<vmem>>, vector<1x1x16xf32>,
      %parallel_loop3A_817 = vector.shape_cast %parallel_loop3A_816 : vector<1x1x16xf32> to vector<16xf32>
      %parallel_loop3A_818 = vector.shape_cast %parallel_loop3A_811 : vector<16xf32> to vector<1x1x16xf32>
      tpu.vector_store %arg5[%parallel_loop3A_813, %parallel_loop3A_814, %parallel_loop3A_815], %parallel_loop3A_818 {strides = array<i32>} : memref<4x8x1024xf32, #tpu.memory_space<vmem>>, vector<1x1x16xf32>,
    } {sc.loop_unroll_factor = 8 : i64, sc.parallel_access}
    %add3A_325 = arith.constant 48 : i32
    %add3A_326 = arith.addi %mul3A_2, %add3A_325 : i32
    %dma_start3A_327 = arith.constant 0 : i32
    %dma_start3A_328 = arith.constant 0 : i32
    %dma_start3A_329 = tpu.memref_slice %arg4[%dma_start3A_327, %add3A_326, %dma_start3A_328] : memref<4x4096x1024xf32, #tpu.memory_space<hbm>> -> memref<4x8x1024xf32, #tpu.memory_space<hbm>>
    %dma_start3A_330 = arith.constant 0 : i32
    %dma_start3A_331 = arith.constant 0 : i32
    %dma_start3A_332 = tpu.memref_slice %arg4[%dma_start3A_330, %add3A_326, %dma_start3A_331] : memref<4x4096x1024xf32, #tpu.memory_space<hbm>> -> memref<4x8x1024xf32, #tpu.memory_space<hbm>>
    tpu.enqueue_dma source(%arg5 : memref<4x8x1024xf32, #tpu.memory_space<vmem>>) target(%dma_start3A_332 : memref<4x8x1024xf32, #tpu.memory_space<hbm>>) target_semaphore(%arg14 : memref<!tpu.dma_semaphore, #tpu.memory_space<semaphore_mem>>)
    %add3A_333 = arith.constant 72 : i32
    %add3A_334 = arith.addi %mul3A_2, %add3A_333 : i32
    %dma_start3A_335 = arith.constant 0 : i32
    %dma_start3A_336 = tpu.memref_slice %arg3[%add3A_334, %dma_start3A_335] : memref<8192x1024xf32, #tpu.memory_space<hbm>> -> memref<8x1024xf32, #tpu.memory_space<hbm>>
    %dma_start3A_337 = arith.constant 0 : i32
    %dma_start3A_338 = tpu.memref_slice %arg3[%add3A_334, %dma_start3A_337] : memref<8192x1024xf32, #tpu.memory_space<hbm>> -> memref<8x1024xf32, #tpu.memory_space<hbm>>
    tpu.enqueue_dma source(%dma_start3A_338 : memref<8x1024xf32, #tpu.memory_space<hbm>>) target(%arg8 : memref<8x1024xf32, #tpu.memory_space<vmem>>) target_semaphore(%arg17 : memref<!tpu.dma_semaphore, #tpu.memory_space<semaphore_mem>>)
    %dma_wait3A_339 = arith.constant 0 : i32
    %dma_wait3A_340 = arith.constant 0 : i32
    %dma_wait3A_341 = arith.constant 0 : i32
    %dma_wait3A_342 = tpu.memref_slice %arg4[%dma_wait3A_339, %dma_wait3A_340, %dma_wait3A_341] : memref<4x4096x1024xf32, #tpu.memory_space<hbm>> -> memref<4x8x1024xf32, #tpu.memory_space<hbm>>
    %dma_wait3A_343 = arith.constant 0 : i32
    %dma_wait3A_344 = arith.constant 0 : i32
    %dma_wait3A_345 = arith.constant 0 : i32
    %dma_wait3A_346 = tpu.memref_slice %arg4[%dma_wait3A_343, %dma_wait3A_344, %dma_wait3A_345] : memref<4x4096x1024xf32, #tpu.memory_space<hbm>> -> memref<4x8x1024xf32, #tpu.memory_space<hbm>>
    tpu.wait_dma2 semaphore(%arg16 : memref<!tpu.dma_semaphore, #tpu.memory_space<semaphore_mem>>) src(%arg7 : memref<4x8x1024xf32, #tpu.memory_space<vmem>>) dst(%dma_wait3A_346 : memref<4x8x1024xf32, #tpu.memory_space<hbm>>)
    %add3A_347 = arith.constant 64 : i32
    %add3A_348 = arith.addi %mul3A_2, %add3A_347 : i32
    %dma_start3A_349 = arith.constant 0 : i32
    %dma_start3A_350 = arith.constant 0 : i32
    %dma_start3A_351 = tpu.memref_slice %arg2[%dma_start3A_349, %add3A_348, %dma_start3A_350] : memref<4x4096x1024xf32, #tpu.memory_space<hbm>> -> memref<4x8x1024xf32, #tpu.memory_space<hbm>>
    %dma_start3A_352 = arith.constant 0 : i32
    %dma_start3A_353 = arith.constant 0 : i32
    %dma_start3A_354 = tpu.memref_slice %arg2[%dma_start3A_352, %add3A_348, %dma_start3A_353] : memref<4x4096x1024xf32, #tpu.memory_space<hbm>> -> memref<4x8x1024xf32, #tpu.memory_space<hbm>>
    tpu.enqueue_dma source(%dma_start3A_354 : memref<4x8x1024xf32, #tpu.memory_space<hbm>>) target(%arg7 : memref<4x8x1024xf32, #tpu.memory_space<vmem>>) target_semaphore(%arg13 : memref<!tpu.dma_semaphore, #tpu.memory_space<semaphore_mem>>)
    %dma_wait3A_355 = arith.constant 0 : i32
    %dma_wait3A_356 = arith.constant 0 : i32
    %dma_wait3A_357 = tpu.memref_slice %arg3[%dma_wait3A_355, %dma_wait3A_356] : memref<8192x1024xf32, #tpu.memory_space<hbm>> -> memref<8x1024xf32, #tpu.memory_space<hbm>>
    %dma_wait3A_358 = arith.constant 0 : i32
    %dma_wait3A_359 = arith.constant 0 : i32
    %dma_wait3A_360 = tpu.memref_slice %arg3[%dma_wait3A_358, %dma_wait3A_359] : memref<8192x1024xf32, #tpu.memory_space<hbm>> -> memref<8x1024xf32, #tpu.memory_space<hbm>>
    tpu.wait_dma2 semaphore(%arg18 : memref<!tpu.dma_semaphore, #tpu.memory_space<semaphore_mem>>) src(%dma_wait3A_360 : memref<8x1024xf32, #tpu.memory_space<hbm>>) dst(%arg9 : memref<8x1024xf32, #tpu.memory_space<vmem>>)
    %dma_wait3A_361 = arith.constant 0 : i32
    %dma_wait3A_362 = arith.constant 0 : i32
    %dma_wait3A_363 = arith.constant 0 : i32
    %dma_wait3A_364 = tpu.memref_slice %arg2[%dma_wait3A_361, %dma_wait3A_362, %dma_wait3A_363] : memref<4x4096x1024xf32, #tpu.memory_space<hbm>> -> memref<4x8x1024xf32, #tpu.memory_space<hbm>>
    %dma_wait3A_365 = arith.constant 0 : i32
    %dma_wait3A_366 = arith.constant 0 : i32
    %dma_wait3A_367 = arith.constant 0 : i32
    %dma_wait3A_368 = tpu.memref_slice %arg2[%dma_wait3A_365, %dma_wait3A_366, %dma_wait3A_367] : memref<4x4096x1024xf32, #tpu.memory_space<hbm>> -> memref<4x8x1024xf32, #tpu.memory_space<hbm>>
    tpu.wait_dma2 semaphore(%arg12 : memref<!tpu.dma_semaphore, #tpu.memory_space<semaphore_mem>>) src(%dma_wait3A_368 : memref<4x8x1024xf32, #tpu.memory_space<hbm>>) dst(%arg6 : memref<4x8x1024xf32, #tpu.memory_space<vmem>>)
    %parallel_loop3A_369 = arith.constant 0 : i32
    %parallel_loop3A_370 = arith.constant 512 : i32
    %parallel_loop3A_371 = arith.constant 1 : i32
    scf.for %parallel_loop3A_752 = %parallel_loop3A_369 to %parallel_loop3A_370 step %parallel_loop3A_371  : i32 {
      %parallel_loop3A_753 = arith.constant 64 : i32
      %parallel_loop3A_754 = arith.divsi %parallel_loop3A_752, %parallel_loop3A_753 : i32
      %parallel_loop3A_755 = arith.constant 64 : i32
      %parallel_loop3A_756 = arith.remsi %parallel_loop3A_752, %parallel_loop3A_755 : i32
      %parallel_loop3A_757 = arith.constant 16 : i32
      %parallel_loop3A_758 = arith.muli %parallel_loop3A_756, %parallel_loop3A_757 : i32
      %parallel_loop3A_759 = arith.index_cast %parallel_loop3A_754 : i32 to index
      %parallel_loop3A_760 = arith.index_cast %parallel_loop3A_758 : i32 to index
      %parallel_loop3A_761 = tpu.vector_load %arg9[%parallel_loop3A_759, %parallel_loop3A_760] {strides = array<i32>} : memref<8x1024xf32, #tpu.memory_space<vmem>>, vector<1x16xf32>,
      %parallel_loop3A_762 = vector.shape_cast %parallel_loop3A_761 : vector<1x16xf32> to vector<16xf32>
      %parallel_loop3A_763 = arith.constant 0 : i32
      %parallel_loop3A_764 = arith.index_cast %parallel_loop3A_763 : i32 to index
      %parallel_loop3A_765 = arith.index_cast %parallel_loop3A_754 : i32 to index
      %parallel_loop3A_766 = arith.index_cast %parallel_loop3A_758 : i32 to index
      %parallel_loop3A_767 = tpu.vector_load %arg6[%parallel_loop3A_764, %parallel_loop3A_765, %parallel_loop3A_766] {strides = array<i32>} : memref<4x8x1024xf32, #tpu.memory_space<vmem>>, vector<1x1x16xf32>,
      %parallel_loop3A_768 = vector.shape_cast %parallel_loop3A_767 : vector<1x1x16xf32> to vector<16xf32>
      %parallel_loop3A_769 = arith.addf %parallel_loop3A_768, %parallel_loop3A_762 : vector<16xf32>
      %parallel_loop3A_770 = arith.constant 0 : i32
      %parallel_loop3A_771 = arith.index_cast %parallel_loop3A_770 : i32 to index
      %parallel_loop3A_772 = arith.index_cast %parallel_loop3A_754 : i32 to index
      %parallel_loop3A_773 = arith.index_cast %parallel_loop3A_758 : i32 to index
      %parallel_loop3A_774 = tpu.vector_load %arg6[%parallel_loop3A_771, %parallel_loop3A_772, %parallel_loop3A_773] {strides = array<i32>} : memref<4x8x1024xf32, #tpu.memory_space<vmem>>, vector<1x1x16xf32>,
      %parallel_loop3A_775 = vector.shape_cast %parallel_loop3A_774 : vector<1x1x16xf32> to vector<16xf32>
      %parallel_loop3A_776 = vector.shape_cast %parallel_loop3A_769 : vector<16xf32> to vector<1x1x16xf32>
      tpu.vector_store %arg6[%parallel_loop3A_771, %parallel_loop3A_772, %parallel_loop3A_773], %parallel_loop3A_776 {strides = array<i32>} : memref<4x8x1024xf32, #tpu.memory_space<vmem>>, vector<1x1x16xf32>,
      %parallel_loop3A_777 = arith.constant 1 : i32
      %parallel_loop3A_778 = arith.index_cast %parallel_loop3A_777 : i32 to index
      %parallel_loop3A_779 = arith.index_cast %parallel_loop3A_754 : i32 to index
      %parallel_loop3A_780 = arith.index_cast %parallel_loop3A_758 : i32 to index
      %parallel_loop3A_781 = tpu.vector_load %arg6[%parallel_loop3A_778, %parallel_loop3A_779, %parallel_loop3A_780] {strides = array<i32>} : memref<4x8x1024xf32, #tpu.memory_space<vmem>>, vector<1x1x16xf32>,
      %parallel_loop3A_782 = vector.shape_cast %parallel_loop3A_781 : vector<1x1x16xf32> to vector<16xf32>
      %parallel_loop3A_783 = arith.addf %parallel_loop3A_782, %parallel_loop3A_762 : vector<16xf32>
      %parallel_loop3A_784 = arith.constant 1 : i32
      %parallel_loop3A_785 = arith.index_cast %parallel_loop3A_784 : i32 to index
      %parallel_loop3A_786 = arith.index_cast %parallel_loop3A_754 : i32 to index
      %parallel_loop3A_787 = arith.index_cast %parallel_loop3A_758 : i32 to index
      %parallel_loop3A_788 = tpu.vector_load %arg6[%parallel_loop3A_785, %parallel_loop3A_786, %parallel_loop3A_787] {strides = array<i32>} : memref<4x8x1024xf32, #tpu.memory_space<vmem>>, vector<1x1x16xf32>,
      %parallel_loop3A_789 = vector.shape_cast %parallel_loop3A_788 : vector<1x1x16xf32> to vector<16xf32>
      %parallel_loop3A_790 = vector.shape_cast %parallel_loop3A_783 : vector<16xf32> to vector<1x1x16xf32>
      tpu.vector_store %arg6[%parallel_loop3A_785, %parallel_loop3A_786, %parallel_loop3A_787], %parallel_loop3A_790 {strides = array<i32>} : memref<4x8x1024xf32, #tpu.memory_space<vmem>>, vector<1x1x16xf32>,
      %parallel_loop3A_791 = arith.constant 2 : i32
      %parallel_loop3A_792 = arith.index_cast %parallel_loop3A_791 : i32 to index
      %parallel_loop3A_793 = arith.index_cast %parallel_loop3A_754 : i32 to index
      %parallel_loop3A_794 = arith.index_cast %parallel_loop3A_758 : i32 to index
      %parallel_loop3A_795 = tpu.vector_load %arg6[%parallel_loop3A_792, %parallel_loop3A_793, %parallel_loop3A_794] {strides = array<i32>} : memref<4x8x1024xf32, #tpu.memory_space<vmem>>, vector<1x1x16xf32>,
      %parallel_loop3A_796 = vector.shape_cast %parallel_loop3A_795 : vector<1x1x16xf32> to vector<16xf32>
      %parallel_loop3A_797 = arith.addf %parallel_loop3A_796, %parallel_loop3A_762 : vector<16xf32>
      %parallel_loop3A_798 = arith.constant 2 : i32
      %parallel_loop3A_799 = arith.index_cast %parallel_loop3A_798 : i32 to index
      %parallel_loop3A_800 = arith.index_cast %parallel_loop3A_754 : i32 to index
      %parallel_loop3A_801 = arith.index_cast %parallel_loop3A_758 : i32 to index
      %parallel_loop3A_802 = tpu.vector_load %arg6[%parallel_loop3A_799, %parallel_loop3A_800, %parallel_loop3A_801] {strides = array<i32>} : memref<4x8x1024xf32, #tpu.memory_space<vmem>>, vector<1x1x16xf32>,
      %parallel_loop3A_803 = vector.shape_cast %parallel_loop3A_802 : vector<1x1x16xf32> to vector<16xf32>
      %parallel_loop3A_804 = vector.shape_cast %parallel_loop3A_797 : vector<16xf32> to vector<1x1x16xf32>
      tpu.vector_store %arg6[%parallel_loop3A_799, %parallel_loop3A_800, %parallel_loop3A_801], %parallel_loop3A_804 {strides = array<i32>} : memref<4x8x1024xf32, #tpu.memory_space<vmem>>, vector<1x1x16xf32>,
      %parallel_loop3A_805 = arith.constant 3 : i32
      %parallel_loop3A_806 = arith.index_cast %parallel_loop3A_805 : i32 to index
      %parallel_loop3A_807 = arith.index_cast %parallel_loop3A_754 : i32 to index
      %parallel_loop3A_808 = arith.index_cast %parallel_loop3A_758 : i32 to index
      %parallel_loop3A_809 = tpu.vector_load %arg6[%parallel_loop3A_806, %parallel_loop3A_807, %parallel_loop3A_808] {strides = array<i32>} : memref<4x8x1024xf32, #tpu.memory_space<vmem>>, vector<1x1x16xf32>,
      %parallel_loop3A_810 = vector.shape_cast %parallel_loop3A_809 : vector<1x1x16xf32> to vector<16xf32>
      %parallel_loop3A_811 = arith.addf %parallel_loop3A_810, %parallel_loop3A_762 : vector<16xf32>
      %parallel_loop3A_812 = arith.constant 3 : i32
      %parallel_loop3A_813 = arith.index_cast %parallel_loop3A_812 : i32 to index
      %parallel_loop3A_814 = arith.index_cast %parallel_loop3A_754 : i32 to index
      %parallel_loop3A_815 = arith.index_cast %parallel_loop3A_758 : i32 to index
      %parallel_loop3A_816 = tpu.vector_load %arg6[%parallel_loop3A_813, %parallel_loop3A_814, %parallel_loop3A_815] {strides = array<i32>} : memref<4x8x1024xf32, #tpu.memory_space<vmem>>, vector<1x1x16xf32>,
      %parallel_loop3A_817 = vector.shape_cast %parallel_loop3A_816 : vector<1x1x16xf32> to vector<16xf32>
      %parallel_loop3A_818 = vector.shape_cast %parallel_loop3A_811 : vector<16xf32> to vector<1x1x16xf32>
      tpu.vector_store %arg6[%parallel_loop3A_813, %parallel_loop3A_814, %parallel_loop3A_815], %parallel_loop3A_818 {strides = array<i32>} : memref<4x8x1024xf32, #tpu.memory_space<vmem>>, vector<1x1x16xf32>,
    } {sc.loop_unroll_factor = 8 : i64, sc.parallel_access}
    %add3A_372 = arith.constant 56 : i32
    %add3A_373 = arith.addi %mul3A_2, %add3A_372 : i32
    %dma_start3A_374 = arith.constant 0 : i32
    %dma_start3A_375 = arith.constant 0 : i32
    %dma_start3A_376 = tpu.memref_slice %arg4[%dma_start3A_374, %add3A_373, %dma_start3A_375] : memref<4x4096x1024xf32, #tpu.memory_space<hbm>> -> memref<4x8x1024xf32, #tpu.memory_space<hbm>>
    %dma_start3A_377 = arith.constant 0 : i32
    %dma_start3A_378 = arith.constant 0 : i32
    %dma_start3A_379 = tpu.memref_slice %arg4[%dma_start3A_377, %add3A_373, %dma_start3A_378] : memref<4x4096x1024xf32, #tpu.memory_space<hbm>> -> memref<4x8x1024xf32, #tpu.memory_space<hbm>>
    tpu.enqueue_dma source(%arg6 : memref<4x8x1024xf32, #tpu.memory_space<vmem>>) target(%dma_start3A_379 : memref<4x8x1024xf32, #tpu.memory_space<hbm>>) target_semaphore(%arg15 : memref<!tpu.dma_semaphore, #tpu.memory_space<semaphore_mem>>)
    %add3A_380 = arith.constant 80 : i32
    %add3A_381 = arith.addi %mul3A_2, %add3A_380 : i32
    %dma_start3A_382 = arith.constant 0 : i32
    %dma_start3A_383 = tpu.memref_slice %arg3[%add3A_381, %dma_start3A_382] : memref<8192x1024xf32, #tpu.memory_space<hbm>> -> memref<8x1024xf32, #tpu.memory_space<hbm>>
    %dma_start3A_384 = arith.constant 0 : i32
    %dma_start3A_385 = tpu.memref_slice %arg3[%add3A_381, %dma_start3A_384] : memref<8192x1024xf32, #tpu.memory_space<hbm>> -> memref<8x1024xf32, #tpu.memory_space<hbm>>
    tpu.enqueue_dma source(%dma_start3A_385 : memref<8x1024xf32, #tpu.memory_space<hbm>>) target(%arg9 : memref<8x1024xf32, #tpu.memory_space<vmem>>) target_semaphore(%arg18 : memref<!tpu.dma_semaphore, #tpu.memory_space<semaphore_mem>>)
    %dma_wait3A_386 = arith.constant 0 : i32
    %dma_wait3A_387 = arith.constant 0 : i32
    %dma_wait3A_388 = arith.constant 0 : i32
    %dma_wait3A_389 = tpu.memref_slice %arg4[%dma_wait3A_386, %dma_wait3A_387, %dma_wait3A_388] : memref<4x4096x1024xf32, #tpu.memory_space<hbm>> -> memref<4x8x1024xf32, #tpu.memory_space<hbm>>
    %dma_wait3A_390 = arith.constant 0 : i32
    %dma_wait3A_391 = arith.constant 0 : i32
    %dma_wait3A_392 = arith.constant 0 : i32
    %dma_wait3A_393 = tpu.memref_slice %arg4[%dma_wait3A_390, %dma_wait3A_391, %dma_wait3A_392] : memref<4x4096x1024xf32, #tpu.memory_space<hbm>> -> memref<4x8x1024xf32, #tpu.memory_space<hbm>>
    tpu.wait_dma2 semaphore(%arg14 : memref<!tpu.dma_semaphore, #tpu.memory_space<semaphore_mem>>) src(%arg5 : memref<4x8x1024xf32, #tpu.memory_space<vmem>>) dst(%dma_wait3A_393 : memref<4x8x1024xf32, #tpu.memory_space<hbm>>)
    %add3A_394 = arith.constant 72 : i32
    %add3A_395 = arith.addi %mul3A_2, %add3A_394 : i32
    %dma_start3A_396 = arith.constant 0 : i32
    %dma_start3A_397 = arith.constant 0 : i32
    %dma_start3A_398 = tpu.memref_slice %arg2[%dma_start3A_396, %add3A_395, %dma_start3A_397] : memref<4x4096x1024xf32, #tpu.memory_space<hbm>> -> memref<4x8x1024xf32, #tpu.memory_space<hbm>>
    %dma_start3A_399 = arith.constant 0 : i32
    %dma_start3A_400 = arith.constant 0 : i32
    %dma_start3A_401 = tpu.memref_slice %arg2[%dma_start3A_399, %add3A_395, %dma_start3A_400] : memref<4x4096x1024xf32, #tpu.memory_space<hbm>> -> memref<4x8x1024xf32, #tpu.memory_space<hbm>>
    tpu.enqueue_dma source(%dma_start3A_401 : memref<4x8x1024xf32, #tpu.memory_space<hbm>>) target(%arg5 : memref<4x8x1024xf32, #tpu.memory_space<vmem>>) target_semaphore(%arg11 : memref<!tpu.dma_semaphore, #tpu.memory_space<semaphore_mem>>)
    %dma_wait3A_402 = arith.constant 0 : i32
    %dma_wait3A_403 = arith.constant 0 : i32
    %dma_wait3A_404 = tpu.memref_slice %arg3[%dma_wait3A_402, %dma_wait3A_403] : memref<8192x1024xf32, #tpu.memory_space<hbm>> -> memref<8x1024xf32, #tpu.memory_space<hbm>>
    %dma_wait3A_405 = arith.constant 0 : i32
    %dma_wait3A_406 = arith.constant 0 : i32
    %dma_wait3A_407 = tpu.memref_slice %arg3[%dma_wait3A_405, %dma_wait3A_406] : memref<8192x1024xf32, #tpu.memory_space<hbm>> -> memref<8x1024xf32, #tpu.memory_space<hbm>>
    tpu.wait_dma2 semaphore(%arg19 : memref<!tpu.dma_semaphore, #tpu.memory_space<semaphore_mem>>) src(%dma_wait3A_407 : memref<8x1024xf32, #tpu.memory_space<hbm>>) dst(%arg10 : memref<8x1024xf32, #tpu.memory_space<vmem>>)
    %dma_wait3A_408 = arith.constant 0 : i32
    %dma_wait3A_409 = arith.constant 0 : i32
    %dma_wait3A_410 = arith.constant 0 : i32
    %dma_wait3A_411 = tpu.memref_slice %arg2[%dma_wait3A_408, %dma_wait3A_409, %dma_wait3A_410] : memref<4x4096x1024xf32, #tpu.memory_space<hbm>> -> memref<4x8x1024xf32, #tpu.memory_space<hbm>>
    %dma_wait3A_412 = arith.constant 0 : i32
    %dma_wait3A_413 = arith.constant 0 : i32
    %dma_wait3A_414 = arith.constant 0 : i32
    %dma_wait3A_415 = tpu.memref_slice %arg2[%dma_wait3A_412, %dma_wait3A_413, %dma_wait3A_414] : memref<4x4096x1024xf32, #tpu.memory_space<hbm>> -> memref<4x8x1024xf32, #tpu.memory_space<hbm>>
    tpu.wait_dma2 semaphore(%arg13 : memref<!tpu.dma_semaphore, #tpu.memory_space<semaphore_mem>>) src(%dma_wait3A_415 : memref<4x8x1024xf32, #tpu.memory_space<hbm>>) dst(%arg7 : memref<4x8x1024xf32, #tpu.memory_space<vmem>>)
    %parallel_loop3A_416 = arith.constant 0 : i32
    %parallel_loop3A_417 = arith.constant 512 : i32
    %parallel_loop3A_418 = arith.constant 1 : i32
    scf.for %parallel_loop3A_752 = %parallel_loop3A_416 to %parallel_loop3A_417 step %parallel_loop3A_418  : i32 {
      %parallel_loop3A_753 = arith.constant 64 : i32
      %parallel_loop3A_754 = arith.divsi %parallel_loop3A_752, %parallel_loop3A_753 : i32
      %parallel_loop3A_755 = arith.constant 64 : i32
      %parallel_loop3A_756 = arith.remsi %parallel_loop3A_752, %parallel_loop3A_755 : i32
      %parallel_loop3A_757 = arith.constant 16 : i32
      %parallel_loop3A_758 = arith.muli %parallel_loop3A_756, %parallel_loop3A_757 : i32
      %parallel_loop3A_759 = arith.index_cast %parallel_loop3A_754 : i32 to index
      %parallel_loop3A_760 = arith.index_cast %parallel_loop3A_758 : i32 to index
      %parallel_loop3A_761 = tpu.vector_load %arg10[%parallel_loop3A_759, %parallel_loop3A_760] {strides = array<i32>} : memref<8x1024xf32, #tpu.memory_space<vmem>>, vector<1x16xf32>,
      %parallel_loop3A_762 = vector.shape_cast %parallel_loop3A_761 : vector<1x16xf32> to vector<16xf32>
      %parallel_loop3A_763 = arith.constant 0 : i32
      %parallel_loop3A_764 = arith.index_cast %parallel_loop3A_763 : i32 to index
      %parallel_loop3A_765 = arith.index_cast %parallel_loop3A_754 : i32 to index
      %parallel_loop3A_766 = arith.index_cast %parallel_loop3A_758 : i32 to index
      %parallel_loop3A_767 = tpu.vector_load %arg7[%parallel_loop3A_764, %parallel_loop3A_765, %parallel_loop3A_766] {strides = array<i32>} : memref<4x8x1024xf32, #tpu.memory_space<vmem>>, vector<1x1x16xf32>,
      %parallel_loop3A_768 = vector.shape_cast %parallel_loop3A_767 : vector<1x1x16xf32> to vector<16xf32>
      %parallel_loop3A_769 = arith.addf %parallel_loop3A_768, %parallel_loop3A_762 : vector<16xf32>
      %parallel_loop3A_770 = arith.constant 0 : i32
      %parallel_loop3A_771 = arith.index_cast %parallel_loop3A_770 : i32 to index
      %parallel_loop3A_772 = arith.index_cast %parallel_loop3A_754 : i32 to index
      %parallel_loop3A_773 = arith.index_cast %parallel_loop3A_758 : i32 to index
      %parallel_loop3A_774 = tpu.vector_load %arg7[%parallel_loop3A_771, %parallel_loop3A_772, %parallel_loop3A_773] {strides = array<i32>} : memref<4x8x1024xf32, #tpu.memory_space<vmem>>, vector<1x1x16xf32>,
      %parallel_loop3A_775 = vector.shape_cast %parallel_loop3A_774 : vector<1x1x16xf32> to vector<16xf32>
      %parallel_loop3A_776 = vector.shape_cast %parallel_loop3A_769 : vector<16xf32> to vector<1x1x16xf32>
      tpu.vector_store %arg7[%parallel_loop3A_771, %parallel_loop3A_772, %parallel_loop3A_773], %parallel_loop3A_776 {strides = array<i32>} : memref<4x8x1024xf32, #tpu.memory_space<vmem>>, vector<1x1x16xf32>,
      %parallel_loop3A_777 = arith.constant 1 : i32
      %parallel_loop3A_778 = arith.index_cast %parallel_loop3A_777 : i32 to index
      %parallel_loop3A_779 = arith.index_cast %parallel_loop3A_754 : i32 to index
      %parallel_loop3A_780 = arith.index_cast %parallel_loop3A_758 : i32 to index
      %parallel_loop3A_781 = tpu.vector_load %arg7[%parallel_loop3A_778, %parallel_loop3A_779, %parallel_loop3A_780] {strides = array<i32>} : memref<4x8x1024xf32, #tpu.memory_space<vmem>>, vector<1x1x16xf32>,
      %parallel_loop3A_782 = vector.shape_cast %parallel_loop3A_781 : vector<1x1x16xf32> to vector<16xf32>
      %parallel_loop3A_783 = arith.addf %parallel_loop3A_782, %parallel_loop3A_762 : vector<16xf32>
      %parallel_loop3A_784 = arith.constant 1 : i32
      %parallel_loop3A_785 = arith.index_cast %parallel_loop3A_784 : i32 to index
      %parallel_loop3A_786 = arith.index_cast %parallel_loop3A_754 : i32 to index
      %parallel_loop3A_787 = arith.index_cast %parallel_loop3A_758 : i32 to index
      %parallel_loop3A_788 = tpu.vector_load %arg7[%parallel_loop3A_785, %parallel_loop3A_786, %parallel_loop3A_787] {strides = array<i32>} : memref<4x8x1024xf32, #tpu.memory_space<vmem>>, vector<1x1x16xf32>,
      %parallel_loop3A_789 = vector.shape_cast %parallel_loop3A_788 : vector<1x1x16xf32> to vector<16xf32>
      %parallel_loop3A_790 = vector.shape_cast %parallel_loop3A_783 : vector<16xf32> to vector<1x1x16xf32>
      tpu.vector_store %arg7[%parallel_loop3A_785, %parallel_loop3A_786, %parallel_loop3A_787], %parallel_loop3A_790 {strides = array<i32>} : memref<4x8x1024xf32, #tpu.memory_space<vmem>>, vector<1x1x16xf32>,
      %parallel_loop3A_791 = arith.constant 2 : i32
      %parallel_loop3A_792 = arith.index_cast %parallel_loop3A_791 : i32 to index
      %parallel_loop3A_793 = arith.index_cast %parallel_loop3A_754 : i32 to index
      %parallel_loop3A_794 = arith.index_cast %parallel_loop3A_758 : i32 to index
      %parallel_loop3A_795 = tpu.vector_load %arg7[%parallel_loop3A_792, %parallel_loop3A_793, %parallel_loop3A_794] {strides = array<i32>} : memref<4x8x1024xf32, #tpu.memory_space<vmem>>, vector<1x1x16xf32>,
      %parallel_loop3A_796 = vector.shape_cast %parallel_loop3A_795 : vector<1x1x16xf32> to vector<16xf32>
      %parallel_loop3A_797 = arith.addf %parallel_loop3A_796, %parallel_loop3A_762 : vector<16xf32>
      %parallel_loop3A_798 = arith.constant 2 : i32
      %parallel_loop3A_799 = arith.index_cast %parallel_loop3A_798 : i32 to index
      %parallel_loop3A_800 = arith.index_cast %parallel_loop3A_754 : i32 to index
      %parallel_loop3A_801 = arith.index_cast %parallel_loop3A_758 : i32 to index
      %parallel_loop3A_802 = tpu.vector_load %arg7[%parallel_loop3A_799, %parallel_loop3A_800, %parallel_loop3A_801] {strides = array<i32>} : memref<4x8x1024xf32, #tpu.memory_space<vmem>>, vector<1x1x16xf32>,
      %parallel_loop3A_803 = vector.shape_cast %parallel_loop3A_802 : vector<1x1x16xf32> to vector<16xf32>
      %parallel_loop3A_804 = vector.shape_cast %parallel_loop3A_797 : vector<16xf32> to vector<1x1x16xf32>
      tpu.vector_store %arg7[%parallel_loop3A_799, %parallel_loop3A_800, %parallel_loop3A_801], %parallel_loop3A_804 {strides = array<i32>} : memref<4x8x1024xf32, #tpu.memory_space<vmem>>, vector<1x1x16xf32>,
      %parallel_loop3A_805 = arith.constant 3 : i32
      %parallel_loop3A_806 = arith.index_cast %parallel_loop3A_805 : i32 to index
      %parallel_loop3A_807 = arith.index_cast %parallel_loop3A_754 : i32 to index
      %parallel_loop3A_808 = arith.index_cast %parallel_loop3A_758 : i32 to index
      %parallel_loop3A_809 = tpu.vector_load %arg7[%parallel_loop3A_806, %parallel_loop3A_807, %parallel_loop3A_808] {strides = array<i32>} : memref<4x8x1024xf32, #tpu.memory_space<vmem>>, vector<1x1x16xf32>,
      %parallel_loop3A_810 = vector.shape_cast %parallel_loop3A_809 : vector<1x1x16xf32> to vector<16xf32>
      %parallel_loop3A_811 = arith.addf %parallel_loop3A_810, %parallel_loop3A_762 : vector<16xf32>
      %parallel_loop3A_812 = arith.constant 3 : i32
      %parallel_loop3A_813 = arith.index_cast %parallel_loop3A_812 : i32 to index
      %parallel_loop3A_814 = arith.index_cast %parallel_loop3A_754 : i32 to index
      %parallel_loop3A_815 = arith.index_cast %parallel_loop3A_758 : i32 to index
      %parallel_loop3A_816 = tpu.vector_load %arg7[%parallel_loop3A_813, %parallel_loop3A_814, %parallel_loop3A_815] {strides = array<i32>} : memref<4x8x1024xf32, #tpu.memory_space<vmem>>, vector<1x1x16xf32>,
      %parallel_loop3A_817 = vector.shape_cast %parallel_loop3A_816 : vector<1x1x16xf32> to vector<16xf32>
      %parallel_loop3A_818 = vector.shape_cast %parallel_loop3A_811 : vector<16xf32> to vector<1x1x16xf32>
      tpu.vector_store %arg7[%parallel_loop3A_813, %parallel_loop3A_814, %parallel_loop3A_815], %parallel_loop3A_818 {strides = array<i32>} : memref<4x8x1024xf32, #tpu.memory_space<vmem>>, vector<1x1x16xf32>,
    } {sc.loop_unroll_factor = 8 : i64, sc.parallel_access}
    %add3A_419 = arith.constant 64 : i32
    %add3A_420 = arith.addi %mul3A_2, %add3A_419 : i32
    %dma_start3A_421 = arith.constant 0 : i32
    %dma_start3A_422 = arith.constant 0 : i32
    %dma_start3A_423 = tpu.memref_slice %arg4[%dma_start3A_421, %add3A_420, %dma_start3A_422] : memref<4x4096x1024xf32, #tpu.memory_space<hbm>> -> memref<4x8x1024xf32, #tpu.memory_space<hbm>>
    %dma_start3A_424 = arith.constant 0 : i32
    %dma_start3A_425 = arith.constant 0 : i32
    %dma_start3A_426 = tpu.memref_slice %arg4[%dma_start3A_424, %add3A_420, %dma_start3A_425] : memref<4x4096x1024xf32, #tpu.memory_space<hbm>> -> memref<4x8x1024xf32, #tpu.memory_space<hbm>>
    tpu.enqueue_dma source(%arg7 : memref<4x8x1024xf32, #tpu.memory_space<vmem>>) target(%dma_start3A_426 : memref<4x8x1024xf32, #tpu.memory_space<hbm>>) target_semaphore(%arg16 : memref<!tpu.dma_semaphore, #tpu.memory_space<semaphore_mem>>)
    %add3A_427 = arith.constant 88 : i32
    %add3A_428 = arith.addi %mul3A_2, %add3A_427 : i32
    %dma_start3A_429 = arith.constant 0 : i32
    %dma_start3A_430 = tpu.memref_slice %arg3[%add3A_428, %dma_start3A_429] : memref<8192x1024xf32, #tpu.memory_space<hbm>> -> memref<8x1024xf32, #tpu.memory_space<hbm>>
    %dma_start3A_431 = arith.constant 0 : i32
    %dma_start3A_432 = tpu.memref_slice %arg3[%add3A_428, %dma_start3A_431] : memref<8192x1024xf32, #tpu.memory_space<hbm>> -> memref<8x1024xf32, #tpu.memory_space<hbm>>
    tpu.enqueue_dma source(%dma_start3A_432 : memref<8x1024xf32, #tpu.memory_space<hbm>>) target(%arg10 : memref<8x1024xf32, #tpu.memory_space<vmem>>) target_semaphore(%arg19 : memref<!tpu.dma_semaphore, #tpu.memory_space<semaphore_mem>>)
    %dma_wait3A_433 = arith.constant 0 : i32
    %dma_wait3A_434 = arith.constant 0 : i32
    %dma_wait3A_435 = arith.constant 0 : i32
    %dma_wait3A_436 = tpu.memref_slice %arg4[%dma_wait3A_433, %dma_wait3A_434, %dma_wait3A_435] : memref<4x4096x1024xf32, #tpu.memory_space<hbm>> -> memref<4x8x1024xf32, #tpu.memory_space<hbm>>
    %dma_wait3A_437 = arith.constant 0 : i32
    %dma_wait3A_438 = arith.constant 0 : i32
    %dma_wait3A_439 = arith.constant 0 : i32
    %dma_wait3A_440 = tpu.memref_slice %arg4[%dma_wait3A_437, %dma_wait3A_438, %dma_wait3A_439] : memref<4x4096x1024xf32, #tpu.memory_space<hbm>> -> memref<4x8x1024xf32, #tpu.memory_space<hbm>>
    tpu.wait_dma2 semaphore(%arg15 : memref<!tpu.dma_semaphore, #tpu.memory_space<semaphore_mem>>) src(%arg6 : memref<4x8x1024xf32, #tpu.memory_space<vmem>>) dst(%dma_wait3A_440 : memref<4x8x1024xf32, #tpu.memory_space<hbm>>)
    %add3A_441 = arith.constant 80 : i32
    %add3A_442 = arith.addi %mul3A_2, %add3A_441 : i32
    %dma_start3A_443 = arith.constant 0 : i32
    %dma_start3A_444 = arith.constant 0 : i32
    %dma_start3A_445 = tpu.memref_slice %arg2[%dma_start3A_443, %add3A_442, %dma_start3A_444] : memref<4x4096x1024xf32, #tpu.memory_space<hbm>> -> memref<4x8x1024xf32, #tpu.memory_space<hbm>>
    %dma_start3A_446 = arith.constant 0 : i32
    %dma_start3A_447 = arith.constant 0 : i32
    %dma_start3A_448 = tpu.memref_slice %arg2[%dma_start3A_446, %add3A_442, %dma_start3A_447] : memref<4x4096x1024xf32, #tpu.memory_space<hbm>> -> memref<4x8x1024xf32, #tpu.memory_space<hbm>>
    tpu.enqueue_dma source(%dma_start3A_448 : memref<4x8x1024xf32, #tpu.memory_space<hbm>>) target(%arg6 : memref<4x8x1024xf32, #tpu.memory_space<vmem>>) target_semaphore(%arg12 : memref<!tpu.dma_semaphore, #tpu.memory_space<semaphore_mem>>)
    %dma_wait3A_449 = arith.constant 0 : i32
    %dma_wait3A_450 = arith.constant 0 : i32
    %dma_wait3A_451 = tpu.memref_slice %arg3[%dma_wait3A_449, %dma_wait3A_450] : memref<8192x1024xf32, #tpu.memory_space<hbm>> -> memref<8x1024xf32, #tpu.memory_space<hbm>>
    %dma_wait3A_452 = arith.constant 0 : i32
    %dma_wait3A_453 = arith.constant 0 : i32
    %dma_wait3A_454 = tpu.memref_slice %arg3[%dma_wait3A_452, %dma_wait3A_453] : memref<8192x1024xf32, #tpu.memory_space<hbm>> -> memref<8x1024xf32, #tpu.memory_space<hbm>>
    tpu.wait_dma2 semaphore(%arg17 : memref<!tpu.dma_semaphore, #tpu.memory_space<semaphore_mem>>) src(%dma_wait3A_454 : memref<8x1024xf32, #tpu.memory_space<hbm>>) dst(%arg8 : memref<8x1024xf32, #tpu.memory_space<vmem>>)
    %dma_wait3A_455 = arith.constant 0 : i32
    %dma_wait3A_456 = arith.constant 0 : i32
    %dma_wait3A_457 = arith.constant 0 : i32
    %dma_wait3A_458 = tpu.memref_slice %arg2[%dma_wait3A_455, %dma_wait3A_456, %dma_wait3A_457] : memref<4x4096x1024xf32, #tpu.memory_space<hbm>> -> memref<4x8x1024xf32, #tpu.memory_space<hbm>>
    %dma_wait3A_459 = arith.constant 0 : i32
    %dma_wait3A_460 = arith.constant 0 : i32
    %dma_wait3A_461 = arith.constant 0 : i32
    %dma_wait3A_462 = tpu.memref_slice %arg2[%dma_wait3A_459, %dma_wait3A_460, %dma_wait3A_461] : memref<4x4096x1024xf32, #tpu.memory_space<hbm>> -> memref<4x8x1024xf32, #tpu.memory_space<hbm>>
    tpu.wait_dma2 semaphore(%arg11 : memref<!tpu.dma_semaphore, #tpu.memory_space<semaphore_mem>>) src(%dma_wait3A_462 : memref<4x8x1024xf32, #tpu.memory_space<hbm>>) dst(%arg5 : memref<4x8x1024xf32, #tpu.memory_space<vmem>>)
    %parallel_loop3A_463 = arith.constant 0 : i32
    %parallel_loop3A_464 = arith.constant 512 : i32
    %parallel_loop3A_465 = arith.constant 1 : i32
    scf.for %parallel_loop3A_752 = %parallel_loop3A_463 to %parallel_loop3A_464 step %parallel_loop3A_465  : i32 {
      %parallel_loop3A_753 = arith.constant 64 : i32
      %parallel_loop3A_754 = arith.divsi %parallel_loop3A_752, %parallel_loop3A_753 : i32
      %parallel_loop3A_755 = arith.constant 64 : i32
      %parallel_loop3A_756 = arith.remsi %parallel_loop3A_752, %parallel_loop3A_755 : i32
      %parallel_loop3A_757 = arith.constant 16 : i32
      %parallel_loop3A_758 = arith.muli %parallel_loop3A_756, %parallel_loop3A_757 : i32
      %parallel_loop3A_759 = arith.index_cast %parallel_loop3A_754 : i32 to index
      %parallel_loop3A_760 = arith.index_cast %parallel_loop3A_758 : i32 to index
      %parallel_loop3A_761 = tpu.vector_load %arg8[%parallel_loop3A_759, %parallel_loop3A_760] {strides = array<i32>} : memref<8x1024xf32, #tpu.memory_space<vmem>>, vector<1x16xf32>,
      %parallel_loop3A_762 = vector.shape_cast %parallel_loop3A_761 : vector<1x16xf32> to vector<16xf32>
      %parallel_loop3A_763 = arith.constant 0 : i32
      %parallel_loop3A_764 = arith.index_cast %parallel_loop3A_763 : i32 to index
      %parallel_loop3A_765 = arith.index_cast %parallel_loop3A_754 : i32 to index
      %parallel_loop3A_766 = arith.index_cast %parallel_loop3A_758 : i32 to index
      %parallel_loop3A_767 = tpu.vector_load %arg5[%parallel_loop3A_764, %parallel_loop3A_765, %parallel_loop3A_766] {strides = array<i32>} : memref<4x8x1024xf32, #tpu.memory_space<vmem>>, vector<1x1x16xf32>,
      %parallel_loop3A_768 = vector.shape_cast %parallel_loop3A_767 : vector<1x1x16xf32> to vector<16xf32>
      %parallel_loop3A_769 = arith.addf %parallel_loop3A_768, %parallel_loop3A_762 : vector<16xf32>
      %parallel_loop3A_770 = arith.constant 0 : i32
      %parallel_loop3A_771 = arith.index_cast %parallel_loop3A_770 : i32 to index
      %parallel_loop3A_772 = arith.index_cast %parallel_loop3A_754 : i32 to index
      %parallel_loop3A_773 = arith.index_cast %parallel_loop3A_758 : i32 to index
      %parallel_loop3A_774 = tpu.vector_load %arg5[%parallel_loop3A_771, %parallel_loop3A_772, %parallel_loop3A_773] {strides = array<i32>} : memref<4x8x1024xf32, #tpu.memory_space<vmem>>, vector<1x1x16xf32>,
      %parallel_loop3A_775 = vector.shape_cast %parallel_loop3A_774 : vector<1x1x16xf32> to vector<16xf32>
      %parallel_loop3A_776 = vector.shape_cast %parallel_loop3A_769 : vector<16xf32> to vector<1x1x16xf32>
      tpu.vector_store %arg5[%parallel_loop3A_771, %parallel_loop3A_772, %parallel_loop3A_773], %parallel_loop3A_776 {strides = array<i32>} : memref<4x8x1024xf32, #tpu.memory_space<vmem>>, vector<1x1x16xf32>,
      %parallel_loop3A_777 = arith.constant 1 : i32
      %parallel_loop3A_778 = arith.index_cast %parallel_loop3A_777 : i32 to index
      %parallel_loop3A_779 = arith.index_cast %parallel_loop3A_754 : i32 to index
      %parallel_loop3A_780 = arith.index_cast %parallel_loop3A_758 : i32 to index
      %parallel_loop3A_781 = tpu.vector_load %arg5[%parallel_loop3A_778, %parallel_loop3A_779, %parallel_loop3A_780] {strides = array<i32>} : memref<4x8x1024xf32, #tpu.memory_space<vmem>>, vector<1x1x16xf32>,
      %parallel_loop3A_782 = vector.shape_cast %parallel_loop3A_781 : vector<1x1x16xf32> to vector<16xf32>
      %parallel_loop3A_783 = arith.addf %parallel_loop3A_782, %parallel_loop3A_762 : vector<16xf32>
      %parallel_loop3A_784 = arith.constant 1 : i32
      %parallel_loop3A_785 = arith.index_cast %parallel_loop3A_784 : i32 to index
      %parallel_loop3A_786 = arith.index_cast %parallel_loop3A_754 : i32 to index
      %parallel_loop3A_787 = arith.index_cast %parallel_loop3A_758 : i32 to index
      %parallel_loop3A_788 = tpu.vector_load %arg5[%parallel_loop3A_785, %parallel_loop3A_786, %parallel_loop3A_787] {strides = array<i32>} : memref<4x8x1024xf32, #tpu.memory_space<vmem>>, vector<1x1x16xf32>,
      %parallel_loop3A_789 = vector.shape_cast %parallel_loop3A_788 : vector<1x1x16xf32> to vector<16xf32>
      %parallel_loop3A_790 = vector.shape_cast %parallel_loop3A_783 : vector<16xf32> to vector<1x1x16xf32>
      tpu.vector_store %arg5[%parallel_loop3A_785, %parallel_loop3A_786, %parallel_loop3A_787], %parallel_loop3A_790 {strides = array<i32>} : memref<4x8x1024xf32, #tpu.memory_space<vmem>>, vector<1x1x16xf32>,
      %parallel_loop3A_791 = arith.constant 2 : i32
      %parallel_loop3A_792 = arith.index_cast %parallel_loop3A_791 : i32 to index
      %parallel_loop3A_793 = arith.index_cast %parallel_loop3A_754 : i32 to index
      %parallel_loop3A_794 = arith.index_cast %parallel_loop3A_758 : i32 to index
      %parallel_loop3A_795 = tpu.vector_load %arg5[%parallel_loop3A_792, %parallel_loop3A_793, %parallel_loop3A_794] {strides = array<i32>} : memref<4x8x1024xf32, #tpu.memory_space<vmem>>, vector<1x1x16xf32>,
      %parallel_loop3A_796 = vector.shape_cast %parallel_loop3A_795 : vector<1x1x16xf32> to vector<16xf32>
      %parallel_loop3A_797 = arith.addf %parallel_loop3A_796, %parallel_loop3A_762 : vector<16xf32>
      %parallel_loop3A_798 = arith.constant 2 : i32
      %parallel_loop3A_799 = arith.index_cast %parallel_loop3A_798 : i32 to index
      %parallel_loop3A_800 = arith.index_cast %parallel_loop3A_754 : i32 to index
      %parallel_loop3A_801 = arith.index_cast %parallel_loop3A_758 : i32 to index
      %parallel_loop3A_802 = tpu.vector_load %arg5[%parallel_loop3A_799, %parallel_loop3A_800, %parallel_loop3A_801] {strides = array<i32>} : memref<4x8x1024xf32, #tpu.memory_space<vmem>>, vector<1x1x16xf32>,
      %parallel_loop3A_803 = vector.shape_cast %parallel_loop3A_802 : vector<1x1x16xf32> to vector<16xf32>
      %parallel_loop3A_804 = vector.shape_cast %parallel_loop3A_797 : vector<16xf32> to vector<1x1x16xf32>
      tpu.vector_store %arg5[%parallel_loop3A_799, %parallel_loop3A_800, %parallel_loop3A_801], %parallel_loop3A_804 {strides = array<i32>} : memref<4x8x1024xf32, #tpu.memory_space<vmem>>, vector<1x1x16xf32>,
      %parallel_loop3A_805 = arith.constant 3 : i32
      %parallel_loop3A_806 = arith.index_cast %parallel_loop3A_805 : i32 to index
      %parallel_loop3A_807 = arith.index_cast %parallel_loop3A_754 : i32 to index
      %parallel_loop3A_808 = arith.index_cast %parallel_loop3A_758 : i32 to index
      %parallel_loop3A_809 = tpu.vector_load %arg5[%parallel_loop3A_806, %parallel_loop3A_807, %parallel_loop3A_808] {strides = array<i32>} : memref<4x8x1024xf32, #tpu.memory_space<vmem>>, vector<1x1x16xf32>,
      %parallel_loop3A_810 = vector.shape_cast %parallel_loop3A_809 : vector<1x1x16xf32> to vector<16xf32>
      %parallel_loop3A_811 = arith.addf %parallel_loop3A_810, %parallel_loop3A_762 : vector<16xf32>
      %parallel_loop3A_812 = arith.constant 3 : i32
      %parallel_loop3A_813 = arith.index_cast %parallel_loop3A_812 : i32 to index
      %parallel_loop3A_814 = arith.index_cast %parallel_loop3A_754 : i32 to index
      %parallel_loop3A_815 = arith.index_cast %parallel_loop3A_758 : i32 to index
      %parallel_loop3A_816 = tpu.vector_load %arg5[%parallel_loop3A_813, %parallel_loop3A_814, %parallel_loop3A_815] {strides = array<i32>} : memref<4x8x1024xf32, #tpu.memory_space<vmem>>, vector<1x1x16xf32>,
      %parallel_loop3A_817 = vector.shape_cast %parallel_loop3A_816 : vector<1x1x16xf32> to vector<16xf32>
      %parallel_loop3A_818 = vector.shape_cast %parallel_loop3A_811 : vector<16xf32> to vector<1x1x16xf32>
      tpu.vector_store %arg5[%parallel_loop3A_813, %parallel_loop3A_814, %parallel_loop3A_815], %parallel_loop3A_818 {strides = array<i32>} : memref<4x8x1024xf32, #tpu.memory_space<vmem>>, vector<1x1x16xf32>,
    } {sc.loop_unroll_factor = 8 : i64, sc.parallel_access}
    %add3A_466 = arith.constant 72 : i32
    %add3A_467 = arith.addi %mul3A_2, %add3A_466 : i32
    %dma_start3A_468 = arith.constant 0 : i32
    %dma_start3A_469 = arith.constant 0 : i32
    %dma_start3A_470 = tpu.memref_slice %arg4[%dma_start3A_468, %add3A_467, %dma_start3A_469] : memref<4x4096x1024xf32, #tpu.memory_space<hbm>> -> memref<4x8x1024xf32, #tpu.memory_space<hbm>>
    %dma_start3A_471 = arith.constant 0 : i32
    %dma_start3A_472 = arith.constant 0 : i32
    %dma_start3A_473 = tpu.memref_slice %arg4[%dma_start3A_471, %add3A_467, %dma_start3A_472] : memref<4x4096x1024xf32, #tpu.memory_space<hbm>> -> memref<4x8x1024xf32, #tpu.memory_space<hbm>>
    tpu.enqueue_dma source(%arg5 : memref<4x8x1024xf32, #tpu.memory_space<vmem>>) target(%dma_start3A_473 : memref<4x8x1024xf32, #tpu.memory_space<hbm>>) target_semaphore(%arg14 : memref<!tpu.dma_semaphore, #tpu.memory_space<semaphore_mem>>)
    %add3A_474 = arith.constant 96 : i32
    %add3A_475 = arith.addi %mul3A_2, %add3A_474 : i32
    %dma_start3A_476 = arith.constant 0 : i32
    %dma_start3A_477 = tpu.memref_slice %arg3[%add3A_475, %dma_start3A_476] : memref<8192x1024xf32, #tpu.memory_space<hbm>> -> memref<8x1024xf32, #tpu.memory_space<hbm>>
    %dma_start3A_478 = arith.constant 0 : i32
    %dma_start3A_479 = tpu.memref_slice %arg3[%add3A_475, %dma_start3A_478] : memref<8192x1024xf32, #tpu.memory_space<hbm>> -> memref<8x1024xf32, #tpu.memory_space<hbm>>
    tpu.enqueue_dma source(%dma_start3A_479 : memref<8x1024xf32, #tpu.memory_space<hbm>>) target(%arg8 : memref<8x1024xf32, #tpu.memory_space<vmem>>) target_semaphore(%arg17 : memref<!tpu.dma_semaphore, #tpu.memory_space<semaphore_mem>>)
    %dma_wait3A_480 = arith.constant 0 : i32
    %dma_wait3A_481 = arith.constant 0 : i32
    %dma_wait3A_482 = arith.constant 0 : i32
    %dma_wait3A_483 = tpu.memref_slice %arg4[%dma_wait3A_480, %dma_wait3A_481, %dma_wait3A_482] : memref<4x4096x1024xf32, #tpu.memory_space<hbm>> -> memref<4x8x1024xf32, #tpu.memory_space<hbm>>
    %dma_wait3A_484 = arith.constant 0 : i32
    %dma_wait3A_485 = arith.constant 0 : i32
    %dma_wait3A_486 = arith.constant 0 : i32
    %dma_wait3A_487 = tpu.memref_slice %arg4[%dma_wait3A_484, %dma_wait3A_485, %dma_wait3A_486] : memref<4x4096x1024xf32, #tpu.memory_space<hbm>> -> memref<4x8x1024xf32, #tpu.memory_space<hbm>>
    tpu.wait_dma2 semaphore(%arg16 : memref<!tpu.dma_semaphore, #tpu.memory_space<semaphore_mem>>) src(%arg7 : memref<4x8x1024xf32, #tpu.memory_space<vmem>>) dst(%dma_wait3A_487 : memref<4x8x1024xf32, #tpu.memory_space<hbm>>)
    %add3A_488 = arith.constant 88 : i32
    %add3A_489 = arith.addi %mul3A_2, %add3A_488 : i32
    %dma_start3A_490 = arith.constant 0 : i32
    %dma_start3A_491 = arith.constant 0 : i32
    %dma_start3A_492 = tpu.memref_slice %arg2[%dma_start3A_490, %add3A_489, %dma_start3A_491] : memref<4x4096x1024xf32, #tpu.memory_space<hbm>> -> memref<4x8x1024xf32, #tpu.memory_space<hbm>>
    %dma_start3A_493 = arith.constant 0 : i32
    %dma_start3A_494 = arith.constant 0 : i32
    %dma_start3A_495 = tpu.memref_slice %arg2[%dma_start3A_493, %add3A_489, %dma_start3A_494] : memref<4x4096x1024xf32, #tpu.memory_space<hbm>> -> memref<4x8x1024xf32, #tpu.memory_space<hbm>>
    tpu.enqueue_dma source(%dma_start3A_495 : memref<4x8x1024xf32, #tpu.memory_space<hbm>>) target(%arg7 : memref<4x8x1024xf32, #tpu.memory_space<vmem>>) target_semaphore(%arg13 : memref<!tpu.dma_semaphore, #tpu.memory_space<semaphore_mem>>)
    %dma_wait3A_496 = arith.constant 0 : i32
    %dma_wait3A_497 = arith.constant 0 : i32
    %dma_wait3A_498 = tpu.memref_slice %arg3[%dma_wait3A_496, %dma_wait3A_497] : memref<8192x1024xf32, #tpu.memory_space<hbm>> -> memref<8x1024xf32, #tpu.memory_space<hbm>>
    %dma_wait3A_499 = arith.constant 0 : i32
    %dma_wait3A_500 = arith.constant 0 : i32
    %dma_wait3A_501 = tpu.memref_slice %arg3[%dma_wait3A_499, %dma_wait3A_500] : memref<8192x1024xf32, #tpu.memory_space<hbm>> -> memref<8x1024xf32, #tpu.memory_space<hbm>>
    tpu.wait_dma2 semaphore(%arg18 : memref<!tpu.dma_semaphore, #tpu.memory_space<semaphore_mem>>) src(%dma_wait3A_501 : memref<8x1024xf32, #tpu.memory_space<hbm>>) dst(%arg9 : memref<8x1024xf32, #tpu.memory_space<vmem>>)
    %dma_wait3A_502 = arith.constant 0 : i32
    %dma_wait3A_503 = arith.constant 0 : i32
    %dma_wait3A_504 = arith.constant 0 : i32
    %dma_wait3A_505 = tpu.memref_slice %arg2[%dma_wait3A_502, %dma_wait3A_503, %dma_wait3A_504] : memref<4x4096x1024xf32, #tpu.memory_space<hbm>> -> memref<4x8x1024xf32, #tpu.memory_space<hbm>>
    %dma_wait3A_506 = arith.constant 0 : i32
    %dma_wait3A_507 = arith.constant 0 : i32
    %dma_wait3A_508 = arith.constant 0 : i32
    %dma_wait3A_509 = tpu.memref_slice %arg2[%dma_wait3A_506, %dma_wait3A_507, %dma_wait3A_508] : memref<4x4096x1024xf32, #tpu.memory_space<hbm>> -> memref<4x8x1024xf32, #tpu.memory_space<hbm>>
    tpu.wait_dma2 semaphore(%arg12 : memref<!tpu.dma_semaphore, #tpu.memory_space<semaphore_mem>>) src(%dma_wait3A_509 : memref<4x8x1024xf32, #tpu.memory_space<hbm>>) dst(%arg6 : memref<4x8x1024xf32, #tpu.memory_space<vmem>>)
    %parallel_loop3A_510 = arith.constant 0 : i32
    %parallel_loop3A_511 = arith.constant 512 : i32
    %parallel_loop3A_512 = arith.constant 1 : i32
    scf.for %parallel_loop3A_752 = %parallel_loop3A_510 to %parallel_loop3A_511 step %parallel_loop3A_512  : i32 {
      %parallel_loop3A_753 = arith.constant 64 : i32
      %parallel_loop3A_754 = arith.divsi %parallel_loop3A_752, %parallel_loop3A_753 : i32
      %parallel_loop3A_755 = arith.constant 64 : i32
      %parallel_loop3A_756 = arith.remsi %parallel_loop3A_752, %parallel_loop3A_755 : i32
      %parallel_loop3A_757 = arith.constant 16 : i32
      %parallel_loop3A_758 = arith.muli %parallel_loop3A_756, %parallel_loop3A_757 : i32
      %parallel_loop3A_759 = arith.index_cast %parallel_loop3A_754 : i32 to index
      %parallel_loop3A_760 = arith.index_cast %parallel_loop3A_758 : i32 to index
      %parallel_loop3A_761 = tpu.vector_load %arg9[%parallel_loop3A_759, %parallel_loop3A_760] {strides = array<i32>} : memref<8x1024xf32, #tpu.memory_space<vmem>>, vector<1x16xf32>,
      %parallel_loop3A_762 = vector.shape_cast %parallel_loop3A_761 : vector<1x16xf32> to vector<16xf32>
      %parallel_loop3A_763 = arith.constant 0 : i32
      %parallel_loop3A_764 = arith.index_cast %parallel_loop3A_763 : i32 to index
      %parallel_loop3A_765 = arith.index_cast %parallel_loop3A_754 : i32 to index
      %parallel_loop3A_766 = arith.index_cast %parallel_loop3A_758 : i32 to index
      %parallel_loop3A_767 = tpu.vector_load %arg6[%parallel_loop3A_764, %parallel_loop3A_765, %parallel_loop3A_766] {strides = array<i32>} : memref<4x8x1024xf32, #tpu.memory_space<vmem>>, vector<1x1x16xf32>,
      %parallel_loop3A_768 = vector.shape_cast %parallel_loop3A_767 : vector<1x1x16xf32> to vector<16xf32>
      %parallel_loop3A_769 = arith.addf %parallel_loop3A_768, %parallel_loop3A_762 : vector<16xf32>
      %parallel_loop3A_770 = arith.constant 0 : i32
      %parallel_loop3A_771 = arith.index_cast %parallel_loop3A_770 : i32 to index
      %parallel_loop3A_772 = arith.index_cast %parallel_loop3A_754 : i32 to index
      %parallel_loop3A_773 = arith.index_cast %parallel_loop3A_758 : i32 to index
      %parallel_loop3A_774 = tpu.vector_load %arg6[%parallel_loop3A_771, %parallel_loop3A_772, %parallel_loop3A_773] {strides = array<i32>} : memref<4x8x1024xf32, #tpu.memory_space<vmem>>, vector<1x1x16xf32>,
      %parallel_loop3A_775 = vector.shape_cast %parallel_loop3A_774 : vector<1x1x16xf32> to vector<16xf32>
      %parallel_loop3A_776 = vector.shape_cast %parallel_loop3A_769 : vector<16xf32> to vector<1x1x16xf32>
      tpu.vector_store %arg6[%parallel_loop3A_771, %parallel_loop3A_772, %parallel_loop3A_773], %parallel_loop3A_776 {strides = array<i32>} : memref<4x8x1024xf32, #tpu.memory_space<vmem>>, vector<1x1x16xf32>,
      %parallel_loop3A_777 = arith.constant 1 : i32
      %parallel_loop3A_778 = arith.index_cast %parallel_loop3A_777 : i32 to index
      %parallel_loop3A_779 = arith.index_cast %parallel_loop3A_754 : i32 to index
      %parallel_loop3A_780 = arith.index_cast %parallel_loop3A_758 : i32 to index
      %parallel_loop3A_781 = tpu.vector_load %arg6[%parallel_loop3A_778, %parallel_loop3A_779, %parallel_loop3A_780] {strides = array<i32>} : memref<4x8x1024xf32, #tpu.memory_space<vmem>>, vector<1x1x16xf32>,
      %parallel_loop3A_782 = vector.shape_cast %parallel_loop3A_781 : vector<1x1x16xf32> to vector<16xf32>
      %parallel_loop3A_783 = arith.addf %parallel_loop3A_782, %parallel_loop3A_762 : vector<16xf32>
      %parallel_loop3A_784 = arith.constant 1 : i32
      %parallel_loop3A_785 = arith.index_cast %parallel_loop3A_784 : i32 to index
      %parallel_loop3A_786 = arith.index_cast %parallel_loop3A_754 : i32 to index
      %parallel_loop3A_787 = arith.index_cast %parallel_loop3A_758 : i32 to index
      %parallel_loop3A_788 = tpu.vector_load %arg6[%parallel_loop3A_785, %parallel_loop3A_786, %parallel_loop3A_787] {strides = array<i32>} : memref<4x8x1024xf32, #tpu.memory_space<vmem>>, vector<1x1x16xf32>,
      %parallel_loop3A_789 = vector.shape_cast %parallel_loop3A_788 : vector<1x1x16xf32> to vector<16xf32>
      %parallel_loop3A_790 = vector.shape_cast %parallel_loop3A_783 : vector<16xf32> to vector<1x1x16xf32>
      tpu.vector_store %arg6[%parallel_loop3A_785, %parallel_loop3A_786, %parallel_loop3A_787], %parallel_loop3A_790 {strides = array<i32>} : memref<4x8x1024xf32, #tpu.memory_space<vmem>>, vector<1x1x16xf32>,
      %parallel_loop3A_791 = arith.constant 2 : i32
      %parallel_loop3A_792 = arith.index_cast %parallel_loop3A_791 : i32 to index
      %parallel_loop3A_793 = arith.index_cast %parallel_loop3A_754 : i32 to index
      %parallel_loop3A_794 = arith.index_cast %parallel_loop3A_758 : i32 to index
      %parallel_loop3A_795 = tpu.vector_load %arg6[%parallel_loop3A_792, %parallel_loop3A_793, %parallel_loop3A_794] {strides = array<i32>} : memref<4x8x1024xf32, #tpu.memory_space<vmem>>, vector<1x1x16xf32>,
      %parallel_loop3A_796 = vector.shape_cast %parallel_loop3A_795 : vector<1x1x16xf32> to vector<16xf32>
      %parallel_loop3A_797 = arith.addf %parallel_loop3A_796, %parallel_loop3A_762 : vector<16xf32>
      %parallel_loop3A_798 = arith.constant 2 : i32
      %parallel_loop3A_799 = arith.index_cast %parallel_loop3A_798 : i32 to index
      %parallel_loop3A_800 = arith.index_cast %parallel_loop3A_754 : i32 to index
      %parallel_loop3A_801 = arith.index_cast %parallel_loop3A_758 : i32 to index
      %parallel_loop3A_802 = tpu.vector_load %arg6[%parallel_loop3A_799, %parallel_loop3A_800, %parallel_loop3A_801] {strides = array<i32>} : memref<4x8x1024xf32, #tpu.memory_space<vmem>>, vector<1x1x16xf32>,
      %parallel_loop3A_803 = vector.shape_cast %parallel_loop3A_802 : vector<1x1x16xf32> to vector<16xf32>
      %parallel_loop3A_804 = vector.shape_cast %parallel_loop3A_797 : vector<16xf32> to vector<1x1x16xf32>
      tpu.vector_store %arg6[%parallel_loop3A_799, %parallel_loop3A_800, %parallel_loop3A_801], %parallel_loop3A_804 {strides = array<i32>} : memref<4x8x1024xf32, #tpu.memory_space<vmem>>, vector<1x1x16xf32>,
      %parallel_loop3A_805 = arith.constant 3 : i32
      %parallel_loop3A_806 = arith.index_cast %parallel_loop3A_805 : i32 to index
      %parallel_loop3A_807 = arith.index_cast %parallel_loop3A_754 : i32 to index
      %parallel_loop3A_808 = arith.index_cast %parallel_loop3A_758 : i32 to index
      %parallel_loop3A_809 = tpu.vector_load %arg6[%parallel_loop3A_806, %parallel_loop3A_807, %parallel_loop3A_808] {strides = array<i32>} : memref<4x8x1024xf32, #tpu.memory_space<vmem>>, vector<1x1x16xf32>,
      %parallel_loop3A_810 = vector.shape_cast %parallel_loop3A_809 : vector<1x1x16xf32> to vector<16xf32>
      %parallel_loop3A_811 = arith.addf %parallel_loop3A_810, %parallel_loop3A_762 : vector<16xf32>
      %parallel_loop3A_812 = arith.constant 3 : i32
      %parallel_loop3A_813 = arith.index_cast %parallel_loop3A_812 : i32 to index
      %parallel_loop3A_814 = arith.index_cast %parallel_loop3A_754 : i32 to index
      %parallel_loop3A_815 = arith.index_cast %parallel_loop3A_758 : i32 to index
      %parallel_loop3A_816 = tpu.vector_load %arg6[%parallel_loop3A_813, %parallel_loop3A_814, %parallel_loop3A_815] {strides = array<i32>} : memref<4x8x1024xf32, #tpu.memory_space<vmem>>, vector<1x1x16xf32>,
      %parallel_loop3A_817 = vector.shape_cast %parallel_loop3A_816 : vector<1x1x16xf32> to vector<16xf32>
      %parallel_loop3A_818 = vector.shape_cast %parallel_loop3A_811 : vector<16xf32> to vector<1x1x16xf32>
      tpu.vector_store %arg6[%parallel_loop3A_813, %parallel_loop3A_814, %parallel_loop3A_815], %parallel_loop3A_818 {strides = array<i32>} : memref<4x8x1024xf32, #tpu.memory_space<vmem>>, vector<1x1x16xf32>,
    } {sc.loop_unroll_factor = 8 : i64, sc.parallel_access}
    %add3A_513 = arith.constant 80 : i32
    %add3A_514 = arith.addi %mul3A_2, %add3A_513 : i32
    %dma_start3A_515 = arith.constant 0 : i32
    %dma_start3A_516 = arith.constant 0 : i32
    %dma_start3A_517 = tpu.memref_slice %arg4[%dma_start3A_515, %add3A_514, %dma_start3A_516] : memref<4x4096x1024xf32, #tpu.memory_space<hbm>> -> memref<4x8x1024xf32, #tpu.memory_space<hbm>>
    %dma_start3A_518 = arith.constant 0 : i32
    %dma_start3A_519 = arith.constant 0 : i32
    %dma_start3A_520 = tpu.memref_slice %arg4[%dma_start3A_518, %add3A_514, %dma_start3A_519] : memref<4x4096x1024xf32, #tpu.memory_space<hbm>> -> memref<4x8x1024xf32, #tpu.memory_space<hbm>>
    tpu.enqueue_dma source(%arg6 : memref<4x8x1024xf32, #tpu.memory_space<vmem>>) target(%dma_start3A_520 : memref<4x8x1024xf32, #tpu.memory_space<hbm>>) target_semaphore(%arg15 : memref<!tpu.dma_semaphore, #tpu.memory_space<semaphore_mem>>)
    %add3A_521 = arith.constant 104 : i32
    %add3A_522 = arith.addi %mul3A_2, %add3A_521 : i32
    %dma_start3A_523 = arith.constant 0 : i32
    %dma_start3A_524 = tpu.memref_slice %arg3[%add3A_522, %dma_start3A_523] : memref<8192x1024xf32, #tpu.memory_space<hbm>> -> memref<8x1024xf32, #tpu.memory_space<hbm>>
    %dma_start3A_525 = arith.constant 0 : i32
    %dma_start3A_526 = tpu.memref_slice %arg3[%add3A_522, %dma_start3A_525] : memref<8192x1024xf32, #tpu.memory_space<hbm>> -> memref<8x1024xf32, #tpu.memory_space<hbm>>
    tpu.enqueue_dma source(%dma_start3A_526 : memref<8x1024xf32, #tpu.memory_space<hbm>>) target(%arg9 : memref<8x1024xf32, #tpu.memory_space<vmem>>) target_semaphore(%arg18 : memref<!tpu.dma_semaphore, #tpu.memory_space<semaphore_mem>>)
    %dma_wait3A_527 = arith.constant 0 : i32
    %dma_wait3A_528 = arith.constant 0 : i32
    %dma_wait3A_529 = arith.constant 0 : i32
    %dma_wait3A_530 = tpu.memref_slice %arg4[%dma_wait3A_527, %dma_wait3A_528, %dma_wait3A_529] : memref<4x4096x1024xf32, #tpu.memory_space<hbm>> -> memref<4x8x1024xf32, #tpu.memory_space<hbm>>
    %dma_wait3A_531 = arith.constant 0 : i32
    %dma_wait3A_532 = arith.constant 0 : i32
    %dma_wait3A_533 = arith.constant 0 : i32
    %dma_wait3A_534 = tpu.memref_slice %arg4[%dma_wait3A_531, %dma_wait3A_532, %dma_wait3A_533] : memref<4x4096x1024xf32, #tpu.memory_space<hbm>> -> memref<4x8x1024xf32, #tpu.memory_space<hbm>>
    tpu.wait_dma2 semaphore(%arg14 : memref<!tpu.dma_semaphore, #tpu.memory_space<semaphore_mem>>) src(%arg5 : memref<4x8x1024xf32, #tpu.memory_space<vmem>>) dst(%dma_wait3A_534 : memref<4x8x1024xf32, #tpu.memory_space<hbm>>)
    %add3A_535 = arith.constant 96 : i32
    %add3A_536 = arith.addi %mul3A_2, %add3A_535 : i32
    %dma_start3A_537 = arith.constant 0 : i32
    %dma_start3A_538 = arith.constant 0 : i32
    %dma_start3A_539 = tpu.memref_slice %arg2[%dma_start3A_537, %add3A_536, %dma_start3A_538] : memref<4x4096x1024xf32, #tpu.memory_space<hbm>> -> memref<4x8x1024xf32, #tpu.memory_space<hbm>>
    %dma_start3A_540 = arith.constant 0 : i32
    %dma_start3A_541 = arith.constant 0 : i32
    %dma_start3A_542 = tpu.memref_slice %arg2[%dma_start3A_540, %add3A_536, %dma_start3A_541] : memref<4x4096x1024xf32, #tpu.memory_space<hbm>> -> memref<4x8x1024xf32, #tpu.memory_space<hbm>>
    tpu.enqueue_dma source(%dma_start3A_542 : memref<4x8x1024xf32, #tpu.memory_space<hbm>>) target(%arg5 : memref<4x8x1024xf32, #tpu.memory_space<vmem>>) target_semaphore(%arg11 : memref<!tpu.dma_semaphore, #tpu.memory_space<semaphore_mem>>)
    %dma_wait3A_543 = arith.constant 0 : i32
    %dma_wait3A_544 = arith.constant 0 : i32
    %dma_wait3A_545 = tpu.memref_slice %arg3[%dma_wait3A_543, %dma_wait3A_544] : memref<8192x1024xf32, #tpu.memory_space<hbm>> -> memref<8x1024xf32, #tpu.memory_space<hbm>>
    %dma_wait3A_546 = arith.constant 0 : i32
    %dma_wait3A_547 = arith.constant 0 : i32
    %dma_wait3A_548 = tpu.memref_slice %arg3[%dma_wait3A_546, %dma_wait3A_547] : memref<8192x1024xf32, #tpu.memory_space<hbm>> -> memref<8x1024xf32, #tpu.memory_space<hbm>>
    tpu.wait_dma2 semaphore(%arg19 : memref<!tpu.dma_semaphore, #tpu.memory_space<semaphore_mem>>) src(%dma_wait3A_548 : memref<8x1024xf32, #tpu.memory_space<hbm>>) dst(%arg10 : memref<8x1024xf32, #tpu.memory_space<vmem>>)
    %dma_wait3A_549 = arith.constant 0 : i32
    %dma_wait3A_550 = arith.constant 0 : i32
    %dma_wait3A_551 = arith.constant 0 : i32
    %dma_wait3A_552 = tpu.memref_slice %arg2[%dma_wait3A_549, %dma_wait3A_550, %dma_wait3A_551] : memref<4x4096x1024xf32, #tpu.memory_space<hbm>> -> memref<4x8x1024xf32, #tpu.memory_space<hbm>>
    %dma_wait3A_553 = arith.constant 0 : i32
    %dma_wait3A_554 = arith.constant 0 : i32
    %dma_wait3A_555 = arith.constant 0 : i32
    %dma_wait3A_556 = tpu.memref_slice %arg2[%dma_wait3A_553, %dma_wait3A_554, %dma_wait3A_555] : memref<4x4096x1024xf32, #tpu.memory_space<hbm>> -> memref<4x8x1024xf32, #tpu.memory_space<hbm>>
    tpu.wait_dma2 semaphore(%arg13 : memref<!tpu.dma_semaphore, #tpu.memory_space<semaphore_mem>>) src(%dma_wait3A_556 : memref<4x8x1024xf32, #tpu.memory_space<hbm>>) dst(%arg7 : memref<4x8x1024xf32, #tpu.memory_space<vmem>>)
    %parallel_loop3A_557 = arith.constant 0 : i32
    %parallel_loop3A_558 = arith.constant 512 : i32
    %parallel_loop3A_559 = arith.constant 1 : i32
    scf.for %parallel_loop3A_752 = %parallel_loop3A_557 to %parallel_loop3A_558 step %parallel_loop3A_559  : i32 {
      %parallel_loop3A_753 = arith.constant 64 : i32
      %parallel_loop3A_754 = arith.divsi %parallel_loop3A_752, %parallel_loop3A_753 : i32
      %parallel_loop3A_755 = arith.constant 64 : i32
      %parallel_loop3A_756 = arith.remsi %parallel_loop3A_752, %parallel_loop3A_755 : i32
      %parallel_loop3A_757 = arith.constant 16 : i32
      %parallel_loop3A_758 = arith.muli %parallel_loop3A_756, %parallel_loop3A_757 : i32
      %parallel_loop3A_759 = arith.index_cast %parallel_loop3A_754 : i32 to index
      %parallel_loop3A_760 = arith.index_cast %parallel_loop3A_758 : i32 to index
      %parallel_loop3A_761 = tpu.vector_load %arg10[%parallel_loop3A_759, %parallel_loop3A_760] {strides = array<i32>} : memref<8x1024xf32, #tpu.memory_space<vmem>>, vector<1x16xf32>,
      %parallel_loop3A_762 = vector.shape_cast %parallel_loop3A_761 : vector<1x16xf32> to vector<16xf32>
      %parallel_loop3A_763 = arith.constant 0 : i32
      %parallel_loop3A_764 = arith.index_cast %parallel_loop3A_763 : i32 to index
      %parallel_loop3A_765 = arith.index_cast %parallel_loop3A_754 : i32 to index
      %parallel_loop3A_766 = arith.index_cast %parallel_loop3A_758 : i32 to index
      %parallel_loop3A_767 = tpu.vector_load %arg7[%parallel_loop3A_764, %parallel_loop3A_765, %parallel_loop3A_766] {strides = array<i32>} : memref<4x8x1024xf32, #tpu.memory_space<vmem>>, vector<1x1x16xf32>,
      %parallel_loop3A_768 = vector.shape_cast %parallel_loop3A_767 : vector<1x1x16xf32> to vector<16xf32>
      %parallel_loop3A_769 = arith.addf %parallel_loop3A_768, %parallel_loop3A_762 : vector<16xf32>
      %parallel_loop3A_770 = arith.constant 0 : i32
      %parallel_loop3A_771 = arith.index_cast %parallel_loop3A_770 : i32 to index
      %parallel_loop3A_772 = arith.index_cast %parallel_loop3A_754 : i32 to index
      %parallel_loop3A_773 = arith.index_cast %parallel_loop3A_758 : i32 to index
      %parallel_loop3A_774 = tpu.vector_load %arg7[%parallel_loop3A_771, %parallel_loop3A_772, %parallel_loop3A_773] {strides = array<i32>} : memref<4x8x1024xf32, #tpu.memory_space<vmem>>, vector<1x1x16xf32>,
      %parallel_loop3A_775 = vector.shape_cast %parallel_loop3A_774 : vector<1x1x16xf32> to vector<16xf32>
      %parallel_loop3A_776 = vector.shape_cast %parallel_loop3A_769 : vector<16xf32> to vector<1x1x16xf32>
      tpu.vector_store %arg7[%parallel_loop3A_771, %parallel_loop3A_772, %parallel_loop3A_773], %parallel_loop3A_776 {strides = array<i32>} : memref<4x8x1024xf32, #tpu.memory_space<vmem>>, vector<1x1x16xf32>,
      %parallel_loop3A_777 = arith.constant 1 : i32
      %parallel_loop3A_778 = arith.index_cast %parallel_loop3A_777 : i32 to index
      %parallel_loop3A_779 = arith.index_cast %parallel_loop3A_754 : i32 to index
      %parallel_loop3A_780 = arith.index_cast %parallel_loop3A_758 : i32 to index
      %parallel_loop3A_781 = tpu.vector_load %arg7[%parallel_loop3A_778, %parallel_loop3A_779, %parallel_loop3A_780] {strides = array<i32>} : memref<4x8x1024xf32, #tpu.memory_space<vmem>>, vector<1x1x16xf32>,
      %parallel_loop3A_782 = vector.shape_cast %parallel_loop3A_781 : vector<1x1x16xf32> to vector<16xf32>
      %parallel_loop3A_783 = arith.addf %parallel_loop3A_782, %parallel_loop3A_762 : vector<16xf32>
      %parallel_loop3A_784 = arith.constant 1 : i32
      %parallel_loop3A_785 = arith.index_cast %parallel_loop3A_784 : i32 to index
      %parallel_loop3A_786 = arith.index_cast %parallel_loop3A_754 : i32 to index
      %parallel_loop3A_787 = arith.index_cast %parallel_loop3A_758 : i32 to index
      %parallel_loop3A_788 = tpu.vector_load %arg7[%parallel_loop3A_785, %parallel_loop3A_786, %parallel_loop3A_787] {strides = array<i32>} : memref<4x8x1024xf32, #tpu.memory_space<vmem>>, vector<1x1x16xf32>,
      %parallel_loop3A_789 = vector.shape_cast %parallel_loop3A_788 : vector<1x1x16xf32> to vector<16xf32>
      %parallel_loop3A_790 = vector.shape_cast %parallel_loop3A_783 : vector<16xf32> to vector<1x1x16xf32>
      tpu.vector_store %arg7[%parallel_loop3A_785, %parallel_loop3A_786, %parallel_loop3A_787], %parallel_loop3A_790 {strides = array<i32>} : memref<4x8x1024xf32, #tpu.memory_space<vmem>>, vector<1x1x16xf32>,
      %parallel_loop3A_791 = arith.constant 2 : i32
      %parallel_loop3A_792 = arith.index_cast %parallel_loop3A_791 : i32 to index
      %parallel_loop3A_793 = arith.index_cast %parallel_loop3A_754 : i32 to index
      %parallel_loop3A_794 = arith.index_cast %parallel_loop3A_758 : i32 to index
      %parallel_loop3A_795 = tpu.vector_load %arg7[%parallel_loop3A_792, %parallel_loop3A_793, %parallel_loop3A_794] {strides = array<i32>} : memref<4x8x1024xf32, #tpu.memory_space<vmem>>, vector<1x1x16xf32>,
      %parallel_loop3A_796 = vector.shape_cast %parallel_loop3A_795 : vector<1x1x16xf32> to vector<16xf32>
      %parallel_loop3A_797 = arith.addf %parallel_loop3A_796, %parallel_loop3A_762 : vector<16xf32>
      %parallel_loop3A_798 = arith.constant 2 : i32
      %parallel_loop3A_799 = arith.index_cast %parallel_loop3A_798 : i32 to index
      %parallel_loop3A_800 = arith.index_cast %parallel_loop3A_754 : i32 to index
      %parallel_loop3A_801 = arith.index_cast %parallel_loop3A_758 : i32 to index
      %parallel_loop3A_802 = tpu.vector_load %arg7[%parallel_loop3A_799, %parallel_loop3A_800, %parallel_loop3A_801] {strides = array<i32>} : memref<4x8x1024xf32, #tpu.memory_space<vmem>>, vector<1x1x16xf32>,
      %parallel_loop3A_803 = vector.shape_cast %parallel_loop3A_802 : vector<1x1x16xf32> to vector<16xf32>
      %parallel_loop3A_804 = vector.shape_cast %parallel_loop3A_797 : vector<16xf32> to vector<1x1x16xf32>
      tpu.vector_store %arg7[%parallel_loop3A_799, %parallel_loop3A_800, %parallel_loop3A_801], %parallel_loop3A_804 {strides = array<i32>} : memref<4x8x1024xf32, #tpu.memory_space<vmem>>, vector<1x1x16xf32>,
      %parallel_loop3A_805 = arith.constant 3 : i32
      %parallel_loop3A_806 = arith.index_cast %parallel_loop3A_805 : i32 to index
      %parallel_loop3A_807 = arith.index_cast %parallel_loop3A_754 : i32 to index
      %parallel_loop3A_808 = arith.index_cast %parallel_loop3A_758 : i32 to index
      %parallel_loop3A_809 = tpu.vector_load %arg7[%parallel_loop3A_806, %parallel_loop3A_807, %parallel_loop3A_808] {strides = array<i32>} : memref<4x8x1024xf32, #tpu.memory_space<vmem>>, vector<1x1x16xf32>,
      %parallel_loop3A_810 = vector.shape_cast %parallel_loop3A_809 : vector<1x1x16xf32> to vector<16xf32>
      %parallel_loop3A_811 = arith.addf %parallel_loop3A_810, %parallel_loop3A_762 : vector<16xf32>
      %parallel_loop3A_812 = arith.constant 3 : i32
      %parallel_loop3A_813 = arith.index_cast %parallel_loop3A_812 : i32 to index
      %parallel_loop3A_814 = arith.index_cast %parallel_loop3A_754 : i32 to index
      %parallel_loop3A_815 = arith.index_cast %parallel_loop3A_758 : i32 to index
      %parallel_loop3A_816 = tpu.vector_load %arg7[%parallel_loop3A_813, %parallel_loop3A_814, %parallel_loop3A_815] {strides = array<i32>} : memref<4x8x1024xf32, #tpu.memory_space<vmem>>, vector<1x1x16xf32>,
      %parallel_loop3A_817 = vector.shape_cast %parallel_loop3A_816 : vector<1x1x16xf32> to vector<16xf32>
      %parallel_loop3A_818 = vector.shape_cast %parallel_loop3A_811 : vector<16xf32> to vector<1x1x16xf32>
      tpu.vector_store %arg7[%parallel_loop3A_813, %parallel_loop3A_814, %parallel_loop3A_815], %parallel_loop3A_818 {strides = array<i32>} : memref<4x8x1024xf32, #tpu.memory_space<vmem>>, vector<1x1x16xf32>,
    } {sc.loop_unroll_factor = 8 : i64, sc.parallel_access}
    %add3A_560 = arith.constant 88 : i32
    %add3A_561 = arith.addi %mul3A_2, %add3A_560 : i32
    %dma_start3A_562 = arith.constant 0 : i32
    %dma_start3A_563 = arith.constant 0 : i32
    %dma_start3A_564 = tpu.memref_slice %arg4[%dma_start3A_562, %add3A_561, %dma_start3A_563] : memref<4x4096x1024xf32, #tpu.memory_space<hbm>> -> memref<4x8x1024xf32, #tpu.memory_space<hbm>>
    %dma_start3A_565 = arith.constant 0 : i32
    %dma_start3A_566 = arith.constant 0 : i32
    %dma_start3A_567 = tpu.memref_slice %arg4[%dma_start3A_565, %add3A_561, %dma_start3A_566] : memref<4x4096x1024xf32, #tpu.memory_space<hbm>> -> memref<4x8x1024xf32, #tpu.memory_space<hbm>>
    tpu.enqueue_dma source(%arg7 : memref<4x8x1024xf32, #tpu.memory_space<vmem>>) target(%dma_start3A_567 : memref<4x8x1024xf32, #tpu.memory_space<hbm>>) target_semaphore(%arg16 : memref<!tpu.dma_semaphore, #tpu.memory_space<semaphore_mem>>)
    %add3A_568 = arith.constant 112 : i32
    %add3A_569 = arith.addi %mul3A_2, %add3A_568 : i32
    %dma_start3A_570 = arith.constant 0 : i32
    %dma_start3A_571 = tpu.memref_slice %arg3[%add3A_569, %dma_start3A_570] : memref<8192x1024xf32, #tpu.memory_space<hbm>> -> memref<8x1024xf32, #tpu.memory_space<hbm>>
    %dma_start3A_572 = arith.constant 0 : i32
    %dma_start3A_573 = tpu.memref_slice %arg3[%add3A_569, %dma_start3A_572] : memref<8192x1024xf32, #tpu.memory_space<hbm>> -> memref<8x1024xf32, #tpu.memory_space<hbm>>
    tpu.enqueue_dma source(%dma_start3A_573 : memref<8x1024xf32, #tpu.memory_space<hbm>>) target(%arg10 : memref<8x1024xf32, #tpu.memory_space<vmem>>) target_semaphore(%arg19 : memref<!tpu.dma_semaphore, #tpu.memory_space<semaphore_mem>>)
    %dma_wait3A_574 = arith.constant 0 : i32
    %dma_wait3A_575 = arith.constant 0 : i32
    %dma_wait3A_576 = arith.constant 0 : i32
    %dma_wait3A_577 = tpu.memref_slice %arg4[%dma_wait3A_574, %dma_wait3A_575, %dma_wait3A_576] : memref<4x4096x1024xf32, #tpu.memory_space<hbm>> -> memref<4x8x1024xf32, #tpu.memory_space<hbm>>
    %dma_wait3A_578 = arith.constant 0 : i32
    %dma_wait3A_579 = arith.constant 0 : i32
    %dma_wait3A_580 = arith.constant 0 : i32
    %dma_wait3A_581 = tpu.memref_slice %arg4[%dma_wait3A_578, %dma_wait3A_579, %dma_wait3A_580] : memref<4x4096x1024xf32, #tpu.memory_space<hbm>> -> memref<4x8x1024xf32, #tpu.memory_space<hbm>>
    tpu.wait_dma2 semaphore(%arg15 : memref<!tpu.dma_semaphore, #tpu.memory_space<semaphore_mem>>) src(%arg6 : memref<4x8x1024xf32, #tpu.memory_space<vmem>>) dst(%dma_wait3A_581 : memref<4x8x1024xf32, #tpu.memory_space<hbm>>)
    %add3A_582 = arith.constant 104 : i32
    %add3A_583 = arith.addi %mul3A_2, %add3A_582 : i32
    %dma_start3A_584 = arith.constant 0 : i32
    %dma_start3A_585 = arith.constant 0 : i32
    %dma_start3A_586 = tpu.memref_slice %arg2[%dma_start3A_584, %add3A_583, %dma_start3A_585] : memref<4x4096x1024xf32, #tpu.memory_space<hbm>> -> memref<4x8x1024xf32, #tpu.memory_space<hbm>>
    %dma_start3A_587 = arith.constant 0 : i32
    %dma_start3A_588 = arith.constant 0 : i32
    %dma_start3A_589 = tpu.memref_slice %arg2[%dma_start3A_587, %add3A_583, %dma_start3A_588] : memref<4x4096x1024xf32, #tpu.memory_space<hbm>> -> memref<4x8x1024xf32, #tpu.memory_space<hbm>>
    tpu.enqueue_dma source(%dma_start3A_589 : memref<4x8x1024xf32, #tpu.memory_space<hbm>>) target(%arg6 : memref<4x8x1024xf32, #tpu.memory_space<vmem>>) target_semaphore(%arg12 : memref<!tpu.dma_semaphore, #tpu.memory_space<semaphore_mem>>)
    %dma_wait3A_590 = arith.constant 0 : i32
    %dma_wait3A_591 = arith.constant 0 : i32
    %dma_wait3A_592 = tpu.memref_slice %arg3[%dma_wait3A_590, %dma_wait3A_591] : memref<8192x1024xf32, #tpu.memory_space<hbm>> -> memref<8x1024xf32, #tpu.memory_space<hbm>>
    %dma_wait3A_593 = arith.constant 0 : i32
    %dma_wait3A_594 = arith.constant 0 : i32
    %dma_wait3A_595 = tpu.memref_slice %arg3[%dma_wait3A_593, %dma_wait3A_594] : memref<8192x1024xf32, #tpu.memory_space<hbm>> -> memref<8x1024xf32, #tpu.memory_space<hbm>>
    tpu.wait_dma2 semaphore(%arg17 : memref<!tpu.dma_semaphore, #tpu.memory_space<semaphore_mem>>) src(%dma_wait3A_595 : memref<8x1024xf32, #tpu.memory_space<hbm>>) dst(%arg8 : memref<8x1024xf32, #tpu.memory_space<vmem>>)
    %dma_wait3A_596 = arith.constant 0 : i32
    %dma_wait3A_597 = arith.constant 0 : i32
    %dma_wait3A_598 = arith.constant 0 : i32
    %dma_wait3A_599 = tpu.memref_slice %arg2[%dma_wait3A_596, %dma_wait3A_597, %dma_wait3A_598] : memref<4x4096x1024xf32, #tpu.memory_space<hbm>> -> memref<4x8x1024xf32, #tpu.memory_space<hbm>>
    %dma_wait3A_600 = arith.constant 0 : i32
    %dma_wait3A_601 = arith.constant 0 : i32
    %dma_wait3A_602 = arith.constant 0 : i32
    %dma_wait3A_603 = tpu.memref_slice %arg2[%dma_wait3A_600, %dma_wait3A_601, %dma_wait3A_602] : memref<4x4096x1024xf32, #tpu.memory_space<hbm>> -> memref<4x8x1024xf32, #tpu.memory_space<hbm>>
    tpu.wait_dma2 semaphore(%arg11 : memref<!tpu.dma_semaphore, #tpu.memory_space<semaphore_mem>>) src(%dma_wait3A_603 : memref<4x8x1024xf32, #tpu.memory_space<hbm>>) dst(%arg5 : memref<4x8x1024xf32, #tpu.memory_space<vmem>>)
    %parallel_loop3A_604 = arith.constant 0 : i32
    %parallel_loop3A_605 = arith.constant 512 : i32
    %parallel_loop3A_606 = arith.constant 1 : i32
    scf.for %parallel_loop3A_752 = %parallel_loop3A_604 to %parallel_loop3A_605 step %parallel_loop3A_606  : i32 {
      %parallel_loop3A_753 = arith.constant 64 : i32
      %parallel_loop3A_754 = arith.divsi %parallel_loop3A_752, %parallel_loop3A_753 : i32
      %parallel_loop3A_755 = arith.constant 64 : i32
      %parallel_loop3A_756 = arith.remsi %parallel_loop3A_752, %parallel_loop3A_755 : i32
      %parallel_loop3A_757 = arith.constant 16 : i32
      %parallel_loop3A_758 = arith.muli %parallel_loop3A_756, %parallel_loop3A_757 : i32
      %parallel_loop3A_759 = arith.index_cast %parallel_loop3A_754 : i32 to index
      %parallel_loop3A_760 = arith.index_cast %parallel_loop3A_758 : i32 to index
      %parallel_loop3A_761 = tpu.vector_load %arg8[%parallel_loop3A_759, %parallel_loop3A_760] {strides = array<i32>} : memref<8x1024xf32, #tpu.memory_space<vmem>>, vector<1x16xf32>,
      %parallel_loop3A_762 = vector.shape_cast %parallel_loop3A_761 : vector<1x16xf32> to vector<16xf32>
      %parallel_loop3A_763 = arith.constant 0 : i32
      %parallel_loop3A_764 = arith.index_cast %parallel_loop3A_763 : i32 to index
      %parallel_loop3A_765 = arith.index_cast %parallel_loop3A_754 : i32 to index
      %parallel_loop3A_766 = arith.index_cast %parallel_loop3A_758 : i32 to index
      %parallel_loop3A_767 = tpu.vector_load %arg5[%parallel_loop3A_764, %parallel_loop3A_765, %parallel_loop3A_766] {strides = array<i32>} : memref<4x8x1024xf32, #tpu.memory_space<vmem>>, vector<1x1x16xf32>,
      %parallel_loop3A_768 = vector.shape_cast %parallel_loop3A_767 : vector<1x1x16xf32> to vector<16xf32>
      %parallel_loop3A_769 = arith.addf %parallel_loop3A_768, %parallel_loop3A_762 : vector<16xf32>
      %parallel_loop3A_770 = arith.constant 0 : i32
      %parallel_loop3A_771 = arith.index_cast %parallel_loop3A_770 : i32 to index
      %parallel_loop3A_772 = arith.index_cast %parallel_loop3A_754 : i32 to index
      %parallel_loop3A_773 = arith.index_cast %parallel_loop3A_758 : i32 to index
      %parallel_loop3A_774 = tpu.vector_load %arg5[%parallel_loop3A_771, %parallel_loop3A_772, %parallel_loop3A_773] {strides = array<i32>} : memref<4x8x1024xf32, #tpu.memory_space<vmem>>, vector<1x1x16xf32>,
      %parallel_loop3A_775 = vector.shape_cast %parallel_loop3A_774 : vector<1x1x16xf32> to vector<16xf32>
      %parallel_loop3A_776 = vector.shape_cast %parallel_loop3A_769 : vector<16xf32> to vector<1x1x16xf32>
      tpu.vector_store %arg5[%parallel_loop3A_771, %parallel_loop3A_772, %parallel_loop3A_773], %parallel_loop3A_776 {strides = array<i32>} : memref<4x8x1024xf32, #tpu.memory_space<vmem>>, vector<1x1x16xf32>,
      %parallel_loop3A_777 = arith.constant 1 : i32
      %parallel_loop3A_778 = arith.index_cast %parallel_loop3A_777 : i32 to index
      %parallel_loop3A_779 = arith.index_cast %parallel_loop3A_754 : i32 to index
      %parallel_loop3A_780 = arith.index_cast %parallel_loop3A_758 : i32 to index
      %parallel_loop3A_781 = tpu.vector_load %arg5[%parallel_loop3A_778, %parallel_loop3A_779, %parallel_loop3A_780] {strides = array<i32>} : memref<4x8x1024xf32, #tpu.memory_space<vmem>>, vector<1x1x16xf32>,
      %parallel_loop3A_782 = vector.shape_cast %parallel_loop3A_781 : vector<1x1x16xf32> to vector<16xf32>
      %parallel_loop3A_783 = arith.addf %parallel_loop3A_782, %parallel_loop3A_762 : vector<16xf32>
      %parallel_loop3A_784 = arith.constant 1 : i32
      %parallel_loop3A_785 = arith.index_cast %parallel_loop3A_784 : i32 to index
      %parallel_loop3A_786 = arith.index_cast %parallel_loop3A_754 : i32 to index
      %parallel_loop3A_787 = arith.index_cast %parallel_loop3A_758 : i32 to index
      %parallel_loop3A_788 = tpu.vector_load %arg5[%parallel_loop3A_785, %parallel_loop3A_786, %parallel_loop3A_787] {strides = array<i32>} : memref<4x8x1024xf32, #tpu.memory_space<vmem>>, vector<1x1x16xf32>,
      %parallel_loop3A_789 = vector.shape_cast %parallel_loop3A_788 : vector<1x1x16xf32> to vector<16xf32>
      %parallel_loop3A_790 = vector.shape_cast %parallel_loop3A_783 : vector<16xf32> to vector<1x1x16xf32>
      tpu.vector_store %arg5[%parallel_loop3A_785, %parallel_loop3A_786, %parallel_loop3A_787], %parallel_loop3A_790 {strides = array<i32>} : memref<4x8x1024xf32, #tpu.memory_space<vmem>>, vector<1x1x16xf32>,
      %parallel_loop3A_791 = arith.constant 2 : i32
      %parallel_loop3A_792 = arith.index_cast %parallel_loop3A_791 : i32 to index
      %parallel_loop3A_793 = arith.index_cast %parallel_loop3A_754 : i32 to index
      %parallel_loop3A_794 = arith.index_cast %parallel_loop3A_758 : i32 to index
      %parallel_loop3A_795 = tpu.vector_load %arg5[%parallel_loop3A_792, %parallel_loop3A_793, %parallel_loop3A_794] {strides = array<i32>} : memref<4x8x1024xf32, #tpu.memory_space<vmem>>, vector<1x1x16xf32>,
      %parallel_loop3A_796 = vector.shape_cast %parallel_loop3A_795 : vector<1x1x16xf32> to vector<16xf32>
      %parallel_loop3A_797 = arith.addf %parallel_loop3A_796, %parallel_loop3A_762 : vector<16xf32>
      %parallel_loop3A_798 = arith.constant 2 : i32
      %parallel_loop3A_799 = arith.index_cast %parallel_loop3A_798 : i32 to index
      %parallel_loop3A_800 = arith.index_cast %parallel_loop3A_754 : i32 to index
      %parallel_loop3A_801 = arith.index_cast %parallel_loop3A_758 : i32 to index
      %parallel_loop3A_802 = tpu.vector_load %arg5[%parallel_loop3A_799, %parallel_loop3A_800, %parallel_loop3A_801] {strides = array<i32>} : memref<4x8x1024xf32, #tpu.memory_space<vmem>>, vector<1x1x16xf32>,
      %parallel_loop3A_803 = vector.shape_cast %parallel_loop3A_802 : vector<1x1x16xf32> to vector<16xf32>
      %parallel_loop3A_804 = vector.shape_cast %parallel_loop3A_797 : vector<16xf32> to vector<1x1x16xf32>
      tpu.vector_store %arg5[%parallel_loop3A_799, %parallel_loop3A_800, %parallel_loop3A_801], %parallel_loop3A_804 {strides = array<i32>} : memref<4x8x1024xf32, #tpu.memory_space<vmem>>, vector<1x1x16xf32>,
      %parallel_loop3A_805 = arith.constant 3 : i32
      %parallel_loop3A_806 = arith.index_cast %parallel_loop3A_805 : i32 to index
      %parallel_loop3A_807 = arith.index_cast %parallel_loop3A_754 : i32 to index
      %parallel_loop3A_808 = arith.index_cast %parallel_loop3A_758 : i32 to index
      %parallel_loop3A_809 = tpu.vector_load %arg5[%parallel_loop3A_806, %parallel_loop3A_807, %parallel_loop3A_808] {strides = array<i32>} : memref<4x8x1024xf32, #tpu.memory_space<vmem>>, vector<1x1x16xf32>,
      %parallel_loop3A_810 = vector.shape_cast %parallel_loop3A_809 : vector<1x1x16xf32> to vector<16xf32>
      %parallel_loop3A_811 = arith.addf %parallel_loop3A_810, %parallel_loop3A_762 : vector<16xf32>
      %parallel_loop3A_812 = arith.constant 3 : i32
      %parallel_loop3A_813 = arith.index_cast %parallel_loop3A_812 : i32 to index
      %parallel_loop3A_814 = arith.index_cast %parallel_loop3A_754 : i32 to index
      %parallel_loop3A_815 = arith.index_cast %parallel_loop3A_758 : i32 to index
      %parallel_loop3A_816 = tpu.vector_load %arg5[%parallel_loop3A_813, %parallel_loop3A_814, %parallel_loop3A_815] {strides = array<i32>} : memref<4x8x1024xf32, #tpu.memory_space<vmem>>, vector<1x1x16xf32>,
      %parallel_loop3A_817 = vector.shape_cast %parallel_loop3A_816 : vector<1x1x16xf32> to vector<16xf32>
      %parallel_loop3A_818 = vector.shape_cast %parallel_loop3A_811 : vector<16xf32> to vector<1x1x16xf32>
      tpu.vector_store %arg5[%parallel_loop3A_813, %parallel_loop3A_814, %parallel_loop3A_815], %parallel_loop3A_818 {strides = array<i32>} : memref<4x8x1024xf32, #tpu.memory_space<vmem>>, vector<1x1x16xf32>,
    } {sc.loop_unroll_factor = 8 : i64, sc.parallel_access}
    %add3A_607 = arith.constant 96 : i32
    %add3A_608 = arith.addi %mul3A_2, %add3A_607 : i32
    %dma_start3A_609 = arith.constant 0 : i32
    %dma_start3A_610 = arith.constant 0 : i32
    %dma_start3A_611 = tpu.memref_slice %arg4[%dma_start3A_609, %add3A_608, %dma_start3A_610] : memref<4x4096x1024xf32, #tpu.memory_space<hbm>> -> memref<4x8x1024xf32, #tpu.memory_space<hbm>>
    %dma_start3A_612 = arith.constant 0 : i32
    %dma_start3A_613 = arith.constant 0 : i32
    %dma_start3A_614 = tpu.memref_slice %arg4[%dma_start3A_612, %add3A_608, %dma_start3A_613] : memref<4x4096x1024xf32, #tpu.memory_space<hbm>> -> memref<4x8x1024xf32, #tpu.memory_space<hbm>>
    tpu.enqueue_dma source(%arg5 : memref<4x8x1024xf32, #tpu.memory_space<vmem>>) target(%dma_start3A_614 : memref<4x8x1024xf32, #tpu.memory_space<hbm>>) target_semaphore(%arg14 : memref<!tpu.dma_semaphore, #tpu.memory_space<semaphore_mem>>)
    %add3A_615 = arith.constant 120 : i32
    %add3A_616 = arith.addi %mul3A_2, %add3A_615 : i32
    %dma_start3A_617 = arith.constant 0 : i32
    %dma_start3A_618 = tpu.memref_slice %arg3[%add3A_616, %dma_start3A_617] : memref<8192x1024xf32, #tpu.memory_space<hbm>> -> memref<8x1024xf32, #tpu.memory_space<hbm>>
    %dma_start3A_619 = arith.constant 0 : i32
    %dma_start3A_620 = tpu.memref_slice %arg3[%add3A_616, %dma_start3A_619] : memref<8192x1024xf32, #tpu.memory_space<hbm>> -> memref<8x1024xf32, #tpu.memory_space<hbm>>
    tpu.enqueue_dma source(%dma_start3A_620 : memref<8x1024xf32, #tpu.memory_space<hbm>>) target(%arg8 : memref<8x1024xf32, #tpu.memory_space<vmem>>) target_semaphore(%arg17 : memref<!tpu.dma_semaphore, #tpu.memory_space<semaphore_mem>>)
    %dma_wait3A_621 = arith.constant 0 : i32
    %dma_wait3A_622 = arith.constant 0 : i32
    %dma_wait3A_623 = arith.constant 0 : i32
    %dma_wait3A_624 = tpu.memref_slice %arg4[%dma_wait3A_621, %dma_wait3A_622, %dma_wait3A_623] : memref<4x4096x1024xf32, #tpu.memory_space<hbm>> -> memref<4x8x1024xf32, #tpu.memory_space<hbm>>
    %dma_wait3A_625 = arith.constant 0 : i32
    %dma_wait3A_626 = arith.constant 0 : i32
    %dma_wait3A_627 = arith.constant 0 : i32
    %dma_wait3A_628 = tpu.memref_slice %arg4[%dma_wait3A_625, %dma_wait3A_626, %dma_wait3A_627] : memref<4x4096x1024xf32, #tpu.memory_space<hbm>> -> memref<4x8x1024xf32, #tpu.memory_space<hbm>>
    tpu.wait_dma2 semaphore(%arg16 : memref<!tpu.dma_semaphore, #tpu.memory_space<semaphore_mem>>) src(%arg7 : memref<4x8x1024xf32, #tpu.memory_space<vmem>>) dst(%dma_wait3A_628 : memref<4x8x1024xf32, #tpu.memory_space<hbm>>)
    %add3A_629 = arith.constant 112 : i32
    %add3A_630 = arith.addi %mul3A_2, %add3A_629 : i32
    %dma_start3A_631 = arith.constant 0 : i32
    %dma_start3A_632 = arith.constant 0 : i32
    %dma_start3A_633 = tpu.memref_slice %arg2[%dma_start3A_631, %add3A_630, %dma_start3A_632] : memref<4x4096x1024xf32, #tpu.memory_space<hbm>> -> memref<4x8x1024xf32, #tpu.memory_space<hbm>>
    %dma_start3A_634 = arith.constant 0 : i32
    %dma_start3A_635 = arith.constant 0 : i32
    %dma_start3A_636 = tpu.memref_slice %arg2[%dma_start3A_634, %add3A_630, %dma_start3A_635] : memref<4x4096x1024xf32, #tpu.memory_space<hbm>> -> memref<4x8x1024xf32, #tpu.memory_space<hbm>>
    tpu.enqueue_dma source(%dma_start3A_636 : memref<4x8x1024xf32, #tpu.memory_space<hbm>>) target(%arg7 : memref<4x8x1024xf32, #tpu.memory_space<vmem>>) target_semaphore(%arg13 : memref<!tpu.dma_semaphore, #tpu.memory_space<semaphore_mem>>)
    %dma_wait3A_637 = arith.constant 0 : i32
    %dma_wait3A_638 = arith.constant 0 : i32
    %dma_wait3A_639 = tpu.memref_slice %arg3[%dma_wait3A_637, %dma_wait3A_638] : memref<8192x1024xf32, #tpu.memory_space<hbm>> -> memref<8x1024xf32, #tpu.memory_space<hbm>>
    %dma_wait3A_640 = arith.constant 0 : i32
    %dma_wait3A_641 = arith.constant 0 : i32
    %dma_wait3A_642 = tpu.memref_slice %arg3[%dma_wait3A_640, %dma_wait3A_641] : memref<8192x1024xf32, #tpu.memory_space<hbm>> -> memref<8x1024xf32, #tpu.memory_space<hbm>>
    tpu.wait_dma2 semaphore(%arg18 : memref<!tpu.dma_semaphore, #tpu.memory_space<semaphore_mem>>) src(%dma_wait3A_642 : memref<8x1024xf32, #tpu.memory_space<hbm>>) dst(%arg9 : memref<8x1024xf32, #tpu.memory_space<vmem>>)
    %dma_wait3A_643 = arith.constant 0 : i32
    %dma_wait3A_644 = arith.constant 0 : i32
    %dma_wait3A_645 = arith.constant 0 : i32
    %dma_wait3A_646 = tpu.memref_slice %arg2[%dma_wait3A_643, %dma_wait3A_644, %dma_wait3A_645] : memref<4x4096x1024xf32, #tpu.memory_space<hbm>> -> memref<4x8x1024xf32, #tpu.memory_space<hbm>>
    %dma_wait3A_647 = arith.constant 0 : i32
    %dma_wait3A_648 = arith.constant 0 : i32
    %dma_wait3A_649 = arith.constant 0 : i32
    %dma_wait3A_650 = tpu.memref_slice %arg2[%dma_wait3A_647, %dma_wait3A_648, %dma_wait3A_649] : memref<4x4096x1024xf32, #tpu.memory_space<hbm>> -> memref<4x8x1024xf32, #tpu.memory_space<hbm>>
    tpu.wait_dma2 semaphore(%arg12 : memref<!tpu.dma_semaphore, #tpu.memory_space<semaphore_mem>>) src(%dma_wait3A_650 : memref<4x8x1024xf32, #tpu.memory_space<hbm>>) dst(%arg6 : memref<4x8x1024xf32, #tpu.memory_space<vmem>>)
    %parallel_loop3A_651 = arith.constant 0 : i32
    %parallel_loop3A_652 = arith.constant 512 : i32
    %parallel_loop3A_653 = arith.constant 1 : i32
    scf.for %parallel_loop3A_752 = %parallel_loop3A_651 to %parallel_loop3A_652 step %parallel_loop3A_653  : i32 {
      %parallel_loop3A_753 = arith.constant 64 : i32
      %parallel_loop3A_754 = arith.divsi %parallel_loop3A_752, %parallel_loop3A_753 : i32
      %parallel_loop3A_755 = arith.constant 64 : i32
      %parallel_loop3A_756 = arith.remsi %parallel_loop3A_752, %parallel_loop3A_755 : i32
      %parallel_loop3A_757 = arith.constant 16 : i32
      %parallel_loop3A_758 = arith.muli %parallel_loop3A_756, %parallel_loop3A_757 : i32
      %parallel_loop3A_759 = arith.index_cast %parallel_loop3A_754 : i32 to index
      %parallel_loop3A_760 = arith.index_cast %parallel_loop3A_758 : i32 to index
      %parallel_loop3A_761 = tpu.vector_load %arg9[%parallel_loop3A_759, %parallel_loop3A_760] {strides = array<i32>} : memref<8x1024xf32, #tpu.memory_space<vmem>>, vector<1x16xf32>,
      %parallel_loop3A_762 = vector.shape_cast %parallel_loop3A_761 : vector<1x16xf32> to vector<16xf32>
      %parallel_loop3A_763 = arith.constant 0 : i32
      %parallel_loop3A_764 = arith.index_cast %parallel_loop3A_763 : i32 to index
      %parallel_loop3A_765 = arith.index_cast %parallel_loop3A_754 : i32 to index
      %parallel_loop3A_766 = arith.index_cast %parallel_loop3A_758 : i32 to index
      %parallel_loop3A_767 = tpu.vector_load %arg6[%parallel_loop3A_764, %parallel_loop3A_765, %parallel_loop3A_766] {strides = array<i32>} : memref<4x8x1024xf32, #tpu.memory_space<vmem>>, vector<1x1x16xf32>,
      %parallel_loop3A_768 = vector.shape_cast %parallel_loop3A_767 : vector<1x1x16xf32> to vector<16xf32>
      %parallel_loop3A_769 = arith.addf %parallel_loop3A_768, %parallel_loop3A_762 : vector<16xf32>
      %parallel_loop3A_770 = arith.constant 0 : i32
      %parallel_loop3A_771 = arith.index_cast %parallel_loop3A_770 : i32 to index
      %parallel_loop3A_772 = arith.index_cast %parallel_loop3A_754 : i32 to index
      %parallel_loop3A_773 = arith.index_cast %parallel_loop3A_758 : i32 to index
      %parallel_loop3A_774 = tpu.vector_load %arg6[%parallel_loop3A_771, %parallel_loop3A_772, %parallel_loop3A_773] {strides = array<i32>} : memref<4x8x1024xf32, #tpu.memory_space<vmem>>, vector<1x1x16xf32>,
      %parallel_loop3A_775 = vector.shape_cast %parallel_loop3A_774 : vector<1x1x16xf32> to vector<16xf32>
      %parallel_loop3A_776 = vector.shape_cast %parallel_loop3A_769 : vector<16xf32> to vector<1x1x16xf32>
      tpu.vector_store %arg6[%parallel_loop3A_771, %parallel_loop3A_772, %parallel_loop3A_773], %parallel_loop3A_776 {strides = array<i32>} : memref<4x8x1024xf32, #tpu.memory_space<vmem>>, vector<1x1x16xf32>,
      %parallel_loop3A_777 = arith.constant 1 : i32
      %parallel_loop3A_778 = arith.index_cast %parallel_loop3A_777 : i32 to index
      %parallel_loop3A_779 = arith.index_cast %parallel_loop3A_754 : i32 to index
      %parallel_loop3A_780 = arith.index_cast %parallel_loop3A_758 : i32 to index
      %parallel_loop3A_781 = tpu.vector_load %arg6[%parallel_loop3A_778, %parallel_loop3A_779, %parallel_loop3A_780] {strides = array<i32>} : memref<4x8x1024xf32, #tpu.memory_space<vmem>>, vector<1x1x16xf32>,
      %parallel_loop3A_782 = vector.shape_cast %parallel_loop3A_781 : vector<1x1x16xf32> to vector<16xf32>
      %parallel_loop3A_783 = arith.addf %parallel_loop3A_782, %parallel_loop3A_762 : vector<16xf32>
      %parallel_loop3A_784 = arith.constant 1 : i32
      %parallel_loop3A_785 = arith.index_cast %parallel_loop3A_784 : i32 to index
      %parallel_loop3A_786 = arith.index_cast %parallel_loop3A_754 : i32 to index
      %parallel_loop3A_787 = arith.index_cast %parallel_loop3A_758 : i32 to index
      %parallel_loop3A_788 = tpu.vector_load %arg6[%parallel_loop3A_785, %parallel_loop3A_786, %parallel_loop3A_787] {strides = array<i32>} : memref<4x8x1024xf32, #tpu.memory_space<vmem>>, vector<1x1x16xf32>,
      %parallel_loop3A_789 = vector.shape_cast %parallel_loop3A_788 : vector<1x1x16xf32> to vector<16xf32>
      %parallel_loop3A_790 = vector.shape_cast %parallel_loop3A_783 : vector<16xf32> to vector<1x1x16xf32>
      tpu.vector_store %arg6[%parallel_loop3A_785, %parallel_loop3A_786, %parallel_loop3A_787], %parallel_loop3A_790 {strides = array<i32>} : memref<4x8x1024xf32, #tpu.memory_space<vmem>>, vector<1x1x16xf32>,
      %parallel_loop3A_791 = arith.constant 2 : i32
      %parallel_loop3A_792 = arith.index_cast %parallel_loop3A_791 : i32 to index
      %parallel_loop3A_793 = arith.index_cast %parallel_loop3A_754 : i32 to index
      %parallel_loop3A_794 = arith.index_cast %parallel_loop3A_758 : i32 to index
      %parallel_loop3A_795 = tpu.vector_load %arg6[%parallel_loop3A_792, %parallel_loop3A_793, %parallel_loop3A_794] {strides = array<i32>} : memref<4x8x1024xf32, #tpu.memory_space<vmem>>, vector<1x1x16xf32>,
      %parallel_loop3A_796 = vector.shape_cast %parallel_loop3A_795 : vector<1x1x16xf32> to vector<16xf32>
      %parallel_loop3A_797 = arith.addf %parallel_loop3A_796, %parallel_loop3A_762 : vector<16xf32>
      %parallel_loop3A_798 = arith.constant 2 : i32
      %parallel_loop3A_799 = arith.index_cast %parallel_loop3A_798 : i32 to index
      %parallel_loop3A_800 = arith.index_cast %parallel_loop3A_754 : i32 to index
      %parallel_loop3A_801 = arith.index_cast %parallel_loop3A_758 : i32 to index
      %parallel_loop3A_802 = tpu.vector_load %arg6[%parallel_loop3A_799, %parallel_loop3A_800, %parallel_loop3A_801] {strides = array<i32>} : memref<4x8x1024xf32, #tpu.memory_space<vmem>>, vector<1x1x16xf32>,
      %parallel_loop3A_803 = vector.shape_cast %parallel_loop3A_802 : vector<1x1x16xf32> to vector<16xf32>
      %parallel_loop3A_804 = vector.shape_cast %parallel_loop3A_797 : vector<16xf32> to vector<1x1x16xf32>
      tpu.vector_store %arg6[%parallel_loop3A_799, %parallel_loop3A_800, %parallel_loop3A_801], %parallel_loop3A_804 {strides = array<i32>} : memref<4x8x1024xf32, #tpu.memory_space<vmem>>, vector<1x1x16xf32>,
      %parallel_loop3A_805 = arith.constant 3 : i32
      %parallel_loop3A_806 = arith.index_cast %parallel_loop3A_805 : i32 to index
      %parallel_loop3A_807 = arith.index_cast %parallel_loop3A_754 : i32 to index
      %parallel_loop3A_808 = arith.index_cast %parallel_loop3A_758 : i32 to index
      %parallel_loop3A_809 = tpu.vector_load %arg6[%parallel_loop3A_806, %parallel_loop3A_807, %parallel_loop3A_808] {strides = array<i32>} : memref<4x8x1024xf32, #tpu.memory_space<vmem>>, vector<1x1x16xf32>,
      %parallel_loop3A_810 = vector.shape_cast %parallel_loop3A_809 : vector<1x1x16xf32> to vector<16xf32>
      %parallel_loop3A_811 = arith.addf %parallel_loop3A_810, %parallel_loop3A_762 : vector<16xf32>
      %parallel_loop3A_812 = arith.constant 3 : i32
      %parallel_loop3A_813 = arith.index_cast %parallel_loop3A_812 : i32 to index
      %parallel_loop3A_814 = arith.index_cast %parallel_loop3A_754 : i32 to index
      %parallel_loop3A_815 = arith.index_cast %parallel_loop3A_758 : i32 to index
      %parallel_loop3A_816 = tpu.vector_load %arg6[%parallel_loop3A_813, %parallel_loop3A_814, %parallel_loop3A_815] {strides = array<i32>} : memref<4x8x1024xf32, #tpu.memory_space<vmem>>, vector<1x1x16xf32>,
      %parallel_loop3A_817 = vector.shape_cast %parallel_loop3A_816 : vector<1x1x16xf32> to vector<16xf32>
      %parallel_loop3A_818 = vector.shape_cast %parallel_loop3A_811 : vector<16xf32> to vector<1x1x16xf32>
      tpu.vector_store %arg6[%parallel_loop3A_813, %parallel_loop3A_814, %parallel_loop3A_815], %parallel_loop3A_818 {strides = array<i32>} : memref<4x8x1024xf32, #tpu.memory_space<vmem>>, vector<1x1x16xf32>,
    } {sc.loop_unroll_factor = 8 : i64, sc.parallel_access}
    %add3A_654 = arith.constant 104 : i32
    %add3A_655 = arith.addi %mul3A_2, %add3A_654 : i32
    %dma_start3A_656 = arith.constant 0 : i32
    %dma_start3A_657 = arith.constant 0 : i32
    %dma_start3A_658 = tpu.memref_slice %arg4[%dma_start3A_656, %add3A_655, %dma_start3A_657] : memref<4x4096x1024xf32, #tpu.memory_space<hbm>> -> memref<4x8x1024xf32, #tpu.memory_space<hbm>>
    %dma_start3A_659 = arith.constant 0 : i32
    %dma_start3A_660 = arith.constant 0 : i32
    %dma_start3A_661 = tpu.memref_slice %arg4[%dma_start3A_659, %add3A_655, %dma_start3A_660] : memref<4x4096x1024xf32, #tpu.memory_space<hbm>> -> memref<4x8x1024xf32, #tpu.memory_space<hbm>>
    tpu.enqueue_dma source(%arg6 : memref<4x8x1024xf32, #tpu.memory_space<vmem>>) target(%dma_start3A_661 : memref<4x8x1024xf32, #tpu.memory_space<hbm>>) target_semaphore(%arg15 : memref<!tpu.dma_semaphore, #tpu.memory_space<semaphore_mem>>)
    %dma_wait3A_662 = arith.constant 0 : i32
    %dma_wait3A_663 = arith.constant 0 : i32
    %dma_wait3A_664 = arith.constant 0 : i32
    %dma_wait3A_665 = tpu.memref_slice %arg4[%dma_wait3A_662, %dma_wait3A_663, %dma_wait3A_664] : memref<4x4096x1024xf32, #tpu.memory_space<hbm>> -> memref<4x8x1024xf32, #tpu.memory_space<hbm>>
    %dma_wait3A_666 = arith.constant 0 : i32
    %dma_wait3A_667 = arith.constant 0 : i32
    %dma_wait3A_668 = arith.constant 0 : i32
    %dma_wait3A_669 = tpu.memref_slice %arg4[%dma_wait3A_666, %dma_wait3A_667, %dma_wait3A_668] : memref<4x4096x1024xf32, #tpu.memory_space<hbm>> -> memref<4x8x1024xf32, #tpu.memory_space<hbm>>
    tpu.wait_dma2 semaphore(%arg14 : memref<!tpu.dma_semaphore, #tpu.memory_space<semaphore_mem>>) src(%arg5 : memref<4x8x1024xf32, #tpu.memory_space<vmem>>) dst(%dma_wait3A_669 : memref<4x8x1024xf32, #tpu.memory_space<hbm>>)
    %add3A_670 = arith.constant 120 : i32
    %add3A_671 = arith.addi %mul3A_2, %add3A_670 : i32
    %dma_start3A_672 = arith.constant 0 : i32
    %dma_start3A_673 = arith.constant 0 : i32
    %dma_start3A_674 = tpu.memref_slice %arg2[%dma_start3A_672, %add3A_671, %dma_start3A_673] : memref<4x4096x1024xf32, #tpu.memory_space<hbm>> -> memref<4x8x1024xf32, #tpu.memory_space<hbm>>
    %dma_start3A_675 = arith.constant 0 : i32
    %dma_start3A_676 = arith.constant 0 : i32
    %dma_start3A_677 = tpu.memref_slice %arg2[%dma_start3A_675, %add3A_671, %dma_start3A_676] : memref<4x4096x1024xf32, #tpu.memory_space<hbm>> -> memref<4x8x1024xf32, #tpu.memory_space<hbm>>
    tpu.enqueue_dma source(%dma_start3A_677 : memref<4x8x1024xf32, #tpu.memory_space<hbm>>) target(%arg5 : memref<4x8x1024xf32, #tpu.memory_space<vmem>>) target_semaphore(%arg11 : memref<!tpu.dma_semaphore, #tpu.memory_space<semaphore_mem>>)
    %dma_wait3A_678 = arith.constant 0 : i32
    %dma_wait3A_679 = arith.constant 0 : i32
    %dma_wait3A_680 = tpu.memref_slice %arg3[%dma_wait3A_678, %dma_wait3A_679] : memref<8192x1024xf32, #tpu.memory_space<hbm>> -> memref<8x1024xf32, #tpu.memory_space<hbm>>
    %dma_wait3A_681 = arith.constant 0 : i32
    %dma_wait3A_682 = arith.constant 0 : i32
    %dma_wait3A_683 = tpu.memref_slice %arg3[%dma_wait3A_681, %dma_wait3A_682] : memref<8192x1024xf32, #tpu.memory_space<hbm>> -> memref<8x1024xf32, #tpu.memory_space<hbm>>
    tpu.wait_dma2 semaphore(%arg19 : memref<!tpu.dma_semaphore, #tpu.memory_space<semaphore_mem>>) src(%dma_wait3A_683 : memref<8x1024xf32, #tpu.memory_space<hbm>>) dst(%arg10 : memref<8x1024xf32, #tpu.memory_space<vmem>>)
    %dma_wait3A_684 = arith.constant 0 : i32
    %dma_wait3A_685 = arith.constant 0 : i32
    %dma_wait3A_686 = arith.constant 0 : i32
    %dma_wait3A_687 = tpu.memref_slice %arg2[%dma_wait3A_684, %dma_wait3A_685, %dma_wait3A_686] : memref<4x4096x1024xf32, #tpu.memory_space<hbm>> -> memref<4x8x1024xf32, #tpu.memory_space<hbm>>
    %dma_wait3A_688 = arith.constant 0 : i32
    %dma_wait3A_689 = arith.constant 0 : i32
    %dma_wait3A_690 = arith.constant 0 : i32
    %dma_wait3A_691 = tpu.memref_slice %arg2[%dma_wait3A_688, %dma_wait3A_689, %dma_wait3A_690] : memref<4x4096x1024xf32, #tpu.memory_space<hbm>> -> memref<4x8x1024xf32, #tpu.memory_space<hbm>>
    tpu.wait_dma2 semaphore(%arg13 : memref<!tpu.dma_semaphore, #tpu.memory_space<semaphore_mem>>) src(%dma_wait3A_691 : memref<4x8x1024xf32, #tpu.memory_space<hbm>>) dst(%arg7 : memref<4x8x1024xf32, #tpu.memory_space<vmem>>)
    %parallel_loop3A_692 = arith.constant 0 : i32
    %parallel_loop3A_693 = arith.constant 512 : i32
    %parallel_loop3A_694 = arith.constant 1 : i32
    scf.for %parallel_loop3A_752 = %parallel_loop3A_692 to %parallel_loop3A_693 step %parallel_loop3A_694  : i32 {
      %parallel_loop3A_753 = arith.constant 64 : i32
      %parallel_loop3A_754 = arith.divsi %parallel_loop3A_752, %parallel_loop3A_753 : i32
      %parallel_loop3A_755 = arith.constant 64 : i32
      %parallel_loop3A_756 = arith.remsi %parallel_loop3A_752, %parallel_loop3A_755 : i32
      %parallel_loop3A_757 = arith.constant 16 : i32
      %parallel_loop3A_758 = arith.muli %parallel_loop3A_756, %parallel_loop3A_757 : i32
      %parallel_loop3A_759 = arith.index_cast %parallel_loop3A_754 : i32 to index
      %parallel_loop3A_760 = arith.index_cast %parallel_loop3A_758 : i32 to index
      %parallel_loop3A_761 = tpu.vector_load %arg10[%parallel_loop3A_759, %parallel_loop3A_760] {strides = array<i32>} : memref<8x1024xf32, #tpu.memory_space<vmem>>, vector<1x16xf32>,
      %parallel_loop3A_762 = vector.shape_cast %parallel_loop3A_761 : vector<1x16xf32> to vector<16xf32>
      %parallel_loop3A_763 = arith.constant 0 : i32
      %parallel_loop3A_764 = arith.index_cast %parallel_loop3A_763 : i32 to index
      %parallel_loop3A_765 = arith.index_cast %parallel_loop3A_754 : i32 to index
      %parallel_loop3A_766 = arith.index_cast %parallel_loop3A_758 : i32 to index
      %parallel_loop3A_767 = tpu.vector_load %arg7[%parallel_loop3A_764, %parallel_loop3A_765, %parallel_loop3A_766] {strides = array<i32>} : memref<4x8x1024xf32, #tpu.memory_space<vmem>>, vector<1x1x16xf32>,
      %parallel_loop3A_768 = vector.shape_cast %parallel_loop3A_767 : vector<1x1x16xf32> to vector<16xf32>
      %parallel_loop3A_769 = arith.addf %parallel_loop3A_768, %parallel_loop3A_762 : vector<16xf32>
      %parallel_loop3A_770 = arith.constant 0 : i32
      %parallel_loop3A_771 = arith.index_cast %parallel_loop3A_770 : i32 to index
      %parallel_loop3A_772 = arith.index_cast %parallel_loop3A_754 : i32 to index
      %parallel_loop3A_773 = arith.index_cast %parallel_loop3A_758 : i32 to index
      %parallel_loop3A_774 = tpu.vector_load %arg7[%parallel_loop3A_771, %parallel_loop3A_772, %parallel_loop3A_773] {strides = array<i32>} : memref<4x8x1024xf32, #tpu.memory_space<vmem>>, vector<1x1x16xf32>,
      %parallel_loop3A_775 = vector.shape_cast %parallel_loop3A_774 : vector<1x1x16xf32> to vector<16xf32>
      %parallel_loop3A_776 = vector.shape_cast %parallel_loop3A_769 : vector<16xf32> to vector<1x1x16xf32>
      tpu.vector_store %arg7[%parallel_loop3A_771, %parallel_loop3A_772, %parallel_loop3A_773], %parallel_loop3A_776 {strides = array<i32>} : memref<4x8x1024xf32, #tpu.memory_space<vmem>>, vector<1x1x16xf32>,
      %parallel_loop3A_777 = arith.constant 1 : i32
      %parallel_loop3A_778 = arith.index_cast %parallel_loop3A_777 : i32 to index
      %parallel_loop3A_779 = arith.index_cast %parallel_loop3A_754 : i32 to index
      %parallel_loop3A_780 = arith.index_cast %parallel_loop3A_758 : i32 to index
      %parallel_loop3A_781 = tpu.vector_load %arg7[%parallel_loop3A_778, %parallel_loop3A_779, %parallel_loop3A_780] {strides = array<i32>} : memref<4x8x1024xf32, #tpu.memory_space<vmem>>, vector<1x1x16xf32>,
      %parallel_loop3A_782 = vector.shape_cast %parallel_loop3A_781 : vector<1x1x16xf32> to vector<16xf32>
      %parallel_loop3A_783 = arith.addf %parallel_loop3A_782, %parallel_loop3A_762 : vector<16xf32>
      %parallel_loop3A_784 = arith.constant 1 : i32
      %parallel_loop3A_785 = arith.index_cast %parallel_loop3A_784 : i32 to index
      %parallel_loop3A_786 = arith.index_cast %parallel_loop3A_754 : i32 to index
      %parallel_loop3A_787 = arith.index_cast %parallel_loop3A_758 : i32 to index
      %parallel_loop3A_788 = tpu.vector_load %arg7[%parallel_loop3A_785, %parallel_loop3A_786, %parallel_loop3A_787] {strides = array<i32>} : memref<4x8x1024xf32, #tpu.memory_space<vmem>>, vector<1x1x16xf32>,
      %parallel_loop3A_789 = vector.shape_cast %parallel_loop3A_788 : vector<1x1x16xf32> to vector<16xf32>
      %parallel_loop3A_790 = vector.shape_cast %parallel_loop3A_783 : vector<16xf32> to vector<1x1x16xf32>
      tpu.vector_store %arg7[%parallel_loop3A_785, %parallel_loop3A_786, %parallel_loop3A_787], %parallel_loop3A_790 {strides = array<i32>} : memref<4x8x1024xf32, #tpu.memory_space<vmem>>, vector<1x1x16xf32>,
      %parallel_loop3A_791 = arith.constant 2 : i32
      %parallel_loop3A_792 = arith.index_cast %parallel_loop3A_791 : i32 to index
      %parallel_loop3A_793 = arith.index_cast %parallel_loop3A_754 : i32 to index
      %parallel_loop3A_794 = arith.index_cast %parallel_loop3A_758 : i32 to index
      %parallel_loop3A_795 = tpu.vector_load %arg7[%parallel_loop3A_792, %parallel_loop3A_793, %parallel_loop3A_794] {strides = array<i32>} : memref<4x8x1024xf32, #tpu.memory_space<vmem>>, vector<1x1x16xf32>,
      %parallel_loop3A_796 = vector.shape_cast %parallel_loop3A_795 : vector<1x1x16xf32> to vector<16xf32>
      %parallel_loop3A_797 = arith.addf %parallel_loop3A_796, %parallel_loop3A_762 : vector<16xf32>
      %parallel_loop3A_798 = arith.constant 2 : i32
      %parallel_loop3A_799 = arith.index_cast %parallel_loop3A_798 : i32 to index
      %parallel_loop3A_800 = arith.index_cast %parallel_loop3A_754 : i32 to index
      %parallel_loop3A_801 = arith.index_cast %parallel_loop3A_758 : i32 to index
      %parallel_loop3A_802 = tpu.vector_load %arg7[%parallel_loop3A_799, %parallel_loop3A_800, %parallel_loop3A_801] {strides = array<i32>} : memref<4x8x1024xf32, #tpu.memory_space<vmem>>, vector<1x1x16xf32>,
      %parallel_loop3A_803 = vector.shape_cast %parallel_loop3A_802 : vector<1x1x16xf32> to vector<16xf32>
      %parallel_loop3A_804 = vector.shape_cast %parallel_loop3A_797 : vector<16xf32> to vector<1x1x16xf32>
      tpu.vector_store %arg7[%parallel_loop3A_799, %parallel_loop3A_800, %parallel_loop3A_801], %parallel_loop3A_804 {strides = array<i32>} : memref<4x8x1024xf32, #tpu.memory_space<vmem>>, vector<1x1x16xf32>,
      %parallel_loop3A_805 = arith.constant 3 : i32
      %parallel_loop3A_806 = arith.index_cast %parallel_loop3A_805 : i32 to index
      %parallel_loop3A_807 = arith.index_cast %parallel_loop3A_754 : i32 to index
      %parallel_loop3A_808 = arith.index_cast %parallel_loop3A_758 : i32 to index
      %parallel_loop3A_809 = tpu.vector_load %arg7[%parallel_loop3A_806, %parallel_loop3A_807, %parallel_loop3A_808] {strides = array<i32>} : memref<4x8x1024xf32, #tpu.memory_space<vmem>>, vector<1x1x16xf32>,
      %parallel_loop3A_810 = vector.shape_cast %parallel_loop3A_809 : vector<1x1x16xf32> to vector<16xf32>
      %parallel_loop3A_811 = arith.addf %parallel_loop3A_810, %parallel_loop3A_762 : vector<16xf32>
      %parallel_loop3A_812 = arith.constant 3 : i32
      %parallel_loop3A_813 = arith.index_cast %parallel_loop3A_812 : i32 to index
      %parallel_loop3A_814 = arith.index_cast %parallel_loop3A_754 : i32 to index
      %parallel_loop3A_815 = arith.index_cast %parallel_loop3A_758 : i32 to index
      %parallel_loop3A_816 = tpu.vector_load %arg7[%parallel_loop3A_813, %parallel_loop3A_814, %parallel_loop3A_815] {strides = array<i32>} : memref<4x8x1024xf32, #tpu.memory_space<vmem>>, vector<1x1x16xf32>,
      %parallel_loop3A_817 = vector.shape_cast %parallel_loop3A_816 : vector<1x1x16xf32> to vector<16xf32>
      %parallel_loop3A_818 = vector.shape_cast %parallel_loop3A_811 : vector<16xf32> to vector<1x1x16xf32>
      tpu.vector_store %arg7[%parallel_loop3A_813, %parallel_loop3A_814, %parallel_loop3A_815], %parallel_loop3A_818 {strides = array<i32>} : memref<4x8x1024xf32, #tpu.memory_space<vmem>>, vector<1x1x16xf32>,
    } {sc.loop_unroll_factor = 8 : i64, sc.parallel_access}
    %add3A_695 = arith.constant 112 : i32
    %add3A_696 = arith.addi %mul3A_2, %add3A_695 : i32
    %dma_start3A_697 = arith.constant 0 : i32
    %dma_start3A_698 = arith.constant 0 : i32
    %dma_start3A_699 = tpu.memref_slice %arg4[%dma_start3A_697, %add3A_696, %dma_start3A_698] : memref<4x4096x1024xf32, #tpu.memory_space<hbm>> -> memref<4x8x1024xf32, #tpu.memory_space<hbm>>
    %dma_start3A_700 = arith.constant 0 : i32
    %dma_start3A_701 = arith.constant 0 : i32
    %dma_start3A_702 = tpu.memref_slice %arg4[%dma_start3A_700, %add3A_696, %dma_start3A_701] : memref<4x4096x1024xf32, #tpu.memory_space<hbm>> -> memref<4x8x1024xf32, #tpu.memory_space<hbm>>
    tpu.enqueue_dma source(%arg7 : memref<4x8x1024xf32, #tpu.memory_space<vmem>>) target(%dma_start3A_702 : memref<4x8x1024xf32, #tpu.memory_space<hbm>>) target_semaphore(%arg16 : memref<!tpu.dma_semaphore, #tpu.memory_space<semaphore_mem>>)
    %dma_wait3A_703 = arith.constant 0 : i32
    %dma_wait3A_704 = arith.constant 0 : i32
    %dma_wait3A_705 = tpu.memref_slice %arg3[%dma_wait3A_703, %dma_wait3A_704] : memref<8192x1024xf32, #tpu.memory_space<hbm>> -> memref<8x1024xf32, #tpu.memory_space<hbm>>
    %dma_wait3A_706 = arith.constant 0 : i32
    %dma_wait3A_707 = arith.constant 0 : i32
    %dma_wait3A_708 = tpu.memref_slice %arg3[%dma_wait3A_706, %dma_wait3A_707] : memref<8192x1024xf32, #tpu.memory_space<hbm>> -> memref<8x1024xf32, #tpu.memory_space<hbm>>
    tpu.wait_dma2 semaphore(%arg17 : memref<!tpu.dma_semaphore, #tpu.memory_space<semaphore_mem>>) src(%dma_wait3A_708 : memref<8x1024xf32, #tpu.memory_space<hbm>>) dst(%arg8 : memref<8x1024xf32, #tpu.memory_space<vmem>>)
    %dma_wait3A_709 = arith.constant 0 : i32
    %dma_wait3A_710 = arith.constant 0 : i32
    %dma_wait3A_711 = arith.constant 0 : i32
    %dma_wait3A_712 = tpu.memref_slice %arg2[%dma_wait3A_709, %dma_wait3A_710, %dma_wait3A_711] : memref<4x4096x1024xf32, #tpu.memory_space<hbm>> -> memref<4x8x1024xf32, #tpu.memory_space<hbm>>
    %dma_wait3A_713 = arith.constant 0 : i32
    %dma_wait3A_714 = arith.constant 0 : i32
    %dma_wait3A_715 = arith.constant 0 : i32
    %dma_wait3A_716 = tpu.memref_slice %arg2[%dma_wait3A_713, %dma_wait3A_714, %dma_wait3A_715] : memref<4x4096x1024xf32, #tpu.memory_space<hbm>> -> memref<4x8x1024xf32, #tpu.memory_space<hbm>>
    tpu.wait_dma2 semaphore(%arg11 : memref<!tpu.dma_semaphore, #tpu.memory_space<semaphore_mem>>) src(%dma_wait3A_716 : memref<4x8x1024xf32, #tpu.memory_space<hbm>>) dst(%arg5 : memref<4x8x1024xf32, #tpu.memory_space<vmem>>)
    %parallel_loop3A_717 = arith.constant 0 : i32
    %parallel_loop3A_718 = arith.constant 512 : i32
    %parallel_loop3A_719 = arith.constant 1 : i32
    scf.for %parallel_loop3A_752 = %parallel_loop3A_717 to %parallel_loop3A_718 step %parallel_loop3A_719  : i32 {
      %parallel_loop3A_753 = arith.constant 64 : i32
      %parallel_loop3A_754 = arith.divsi %parallel_loop3A_752, %parallel_loop3A_753 : i32
      %parallel_loop3A_755 = arith.constant 64 : i32
      %parallel_loop3A_756 = arith.remsi %parallel_loop3A_752, %parallel_loop3A_755 : i32
      %parallel_loop3A_757 = arith.constant 16 : i32
      %parallel_loop3A_758 = arith.muli %parallel_loop3A_756, %parallel_loop3A_757 : i32
      %parallel_loop3A_759 = arith.index_cast %parallel_loop3A_754 : i32 to index
      %parallel_loop3A_760 = arith.index_cast %parallel_loop3A_758 : i32 to index
      %parallel_loop3A_761 = tpu.vector_load %arg8[%parallel_loop3A_759, %parallel_loop3A_760] {strides = array<i32>} : memref<8x1024xf32, #tpu.memory_space<vmem>>, vector<1x16xf32>,
      %parallel_loop3A_762 = vector.shape_cast %parallel_loop3A_761 : vector<1x16xf32> to vector<16xf32>
      %parallel_loop3A_763 = arith.constant 0 : i32
      %parallel_loop3A_764 = arith.index_cast %parallel_loop3A_763 : i32 to index
      %parallel_loop3A_765 = arith.index_cast %parallel_loop3A_754 : i32 to index
      %parallel_loop3A_766 = arith.index_cast %parallel_loop3A_758 : i32 to index
      %parallel_loop3A_767 = tpu.vector_load %arg5[%parallel_loop3A_764, %parallel_loop3A_765, %parallel_loop3A_766] {strides = array<i32>} : memref<4x8x1024xf32, #tpu.memory_space<vmem>>, vector<1x1x16xf32>,
      %parallel_loop3A_768 = vector.shape_cast %parallel_loop3A_767 : vector<1x1x16xf32> to vector<16xf32>
      %parallel_loop3A_769 = arith.addf %parallel_loop3A_768, %parallel_loop3A_762 : vector<16xf32>
      %parallel_loop3A_770 = arith.constant 0 : i32
      %parallel_loop3A_771 = arith.index_cast %parallel_loop3A_770 : i32 to index
      %parallel_loop3A_772 = arith.index_cast %parallel_loop3A_754 : i32 to index
      %parallel_loop3A_773 = arith.index_cast %parallel_loop3A_758 : i32 to index
      %parallel_loop3A_774 = tpu.vector_load %arg5[%parallel_loop3A_771, %parallel_loop3A_772, %parallel_loop3A_773] {strides = array<i32>} : memref<4x8x1024xf32, #tpu.memory_space<vmem>>, vector<1x1x16xf32>,
      %parallel_loop3A_775 = vector.shape_cast %parallel_loop3A_774 : vector<1x1x16xf32> to vector<16xf32>
      %parallel_loop3A_776 = vector.shape_cast %parallel_loop3A_769 : vector<16xf32> to vector<1x1x16xf32>
      tpu.vector_store %arg5[%parallel_loop3A_771, %parallel_loop3A_772, %parallel_loop3A_773], %parallel_loop3A_776 {strides = array<i32>} : memref<4x8x1024xf32, #tpu.memory_space<vmem>>, vector<1x1x16xf32>,
      %parallel_loop3A_777 = arith.constant 1 : i32
      %parallel_loop3A_778 = arith.index_cast %parallel_loop3A_777 : i32 to index
      %parallel_loop3A_779 = arith.index_cast %parallel_loop3A_754 : i32 to index
      %parallel_loop3A_780 = arith.index_cast %parallel_loop3A_758 : i32 to index
      %parallel_loop3A_781 = tpu.vector_load %arg5[%parallel_loop3A_778, %parallel_loop3A_779, %parallel_loop3A_780] {strides = array<i32>} : memref<4x8x1024xf32, #tpu.memory_space<vmem>>, vector<1x1x16xf32>,
      %parallel_loop3A_782 = vector.shape_cast %parallel_loop3A_781 : vector<1x1x16xf32> to vector<16xf32>
      %parallel_loop3A_783 = arith.addf %parallel_loop3A_782, %parallel_loop3A_762 : vector<16xf32>
      %parallel_loop3A_784 = arith.constant 1 : i32
      %parallel_loop3A_785 = arith.index_cast %parallel_loop3A_784 : i32 to index
      %parallel_loop3A_786 = arith.index_cast %parallel_loop3A_754 : i32 to index
      %parallel_loop3A_787 = arith.index_cast %parallel_loop3A_758 : i32 to index
      %parallel_loop3A_788 = tpu.vector_load %arg5[%parallel_loop3A_785, %parallel_loop3A_786, %parallel_loop3A_787] {strides = array<i32>} : memref<4x8x1024xf32, #tpu.memory_space<vmem>>, vector<1x1x16xf32>,
      %parallel_loop3A_789 = vector.shape_cast %parallel_loop3A_788 : vector<1x1x16xf32> to vector<16xf32>
      %parallel_loop3A_790 = vector.shape_cast %parallel_loop3A_783 : vector<16xf32> to vector<1x1x16xf32>
      tpu.vector_store %arg5[%parallel_loop3A_785, %parallel_loop3A_786, %parallel_loop3A_787], %parallel_loop3A_790 {strides = array<i32>} : memref<4x8x1024xf32, #tpu.memory_space<vmem>>, vector<1x1x16xf32>,
      %parallel_loop3A_791 = arith.constant 2 : i32
      %parallel_loop3A_792 = arith.index_cast %parallel_loop3A_791 : i32 to index
      %parallel_loop3A_793 = arith.index_cast %parallel_loop3A_754 : i32 to index
      %parallel_loop3A_794 = arith.index_cast %parallel_loop3A_758 : i32 to index
      %parallel_loop3A_795 = tpu.vector_load %arg5[%parallel_loop3A_792, %parallel_loop3A_793, %parallel_loop3A_794] {strides = array<i32>} : memref<4x8x1024xf32, #tpu.memory_space<vmem>>, vector<1x1x16xf32>,
      %parallel_loop3A_796 = vector.shape_cast %parallel_loop3A_795 : vector<1x1x16xf32> to vector<16xf32>
      %parallel_loop3A_797 = arith.addf %parallel_loop3A_796, %parallel_loop3A_762 : vector<16xf32>
      %parallel_loop3A_798 = arith.constant 2 : i32
      %parallel_loop3A_799 = arith.index_cast %parallel_loop3A_798 : i32 to index
      %parallel_loop3A_800 = arith.index_cast %parallel_loop3A_754 : i32 to index
      %parallel_loop3A_801 = arith.index_cast %parallel_loop3A_758 : i32 to index
      %parallel_loop3A_802 = tpu.vector_load %arg5[%parallel_loop3A_799, %parallel_loop3A_800, %parallel_loop3A_801] {strides = array<i32>} : memref<4x8x1024xf32, #tpu.memory_space<vmem>>, vector<1x1x16xf32>,
      %parallel_loop3A_803 = vector.shape_cast %parallel_loop3A_802 : vector<1x1x16xf32> to vector<16xf32>
      %parallel_loop3A_804 = vector.shape_cast %parallel_loop3A_797 : vector<16xf32> to vector<1x1x16xf32>
      tpu.vector_store %arg5[%parallel_loop3A_799, %parallel_loop3A_800, %parallel_loop3A_801], %parallel_loop3A_804 {strides = array<i32>} : memref<4x8x1024xf32, #tpu.memory_space<vmem>>, vector<1x1x16xf32>,
      %parallel_loop3A_805 = arith.constant 3 : i32
      %parallel_loop3A_806 = arith.index_cast %parallel_loop3A_805 : i32 to index
      %parallel_loop3A_807 = arith.index_cast %parallel_loop3A_754 : i32 to index
      %parallel_loop3A_808 = arith.index_cast %parallel_loop3A_758 : i32 to index
      %parallel_loop3A_809 = tpu.vector_load %arg5[%parallel_loop3A_806, %parallel_loop3A_807, %parallel_loop3A_808] {strides = array<i32>} : memref<4x8x1024xf32, #tpu.memory_space<vmem>>, vector<1x1x16xf32>,
      %parallel_loop3A_810 = vector.shape_cast %parallel_loop3A_809 : vector<1x1x16xf32> to vector<16xf32>
      %parallel_loop3A_811 = arith.addf %parallel_loop3A_810, %parallel_loop3A_762 : vector<16xf32>
      %parallel_loop3A_812 = arith.constant 3 : i32
      %parallel_loop3A_813 = arith.index_cast %parallel_loop3A_812 : i32 to index
      %parallel_loop3A_814 = arith.index_cast %parallel_loop3A_754 : i32 to index
      %parallel_loop3A_815 = arith.index_cast %parallel_loop3A_758 : i32 to index
      %parallel_loop3A_816 = tpu.vector_load %arg5[%parallel_loop3A_813, %parallel_loop3A_814, %parallel_loop3A_815] {strides = array<i32>} : memref<4x8x1024xf32, #tpu.memory_space<vmem>>, vector<1x1x16xf32>,
      %parallel_loop3A_817 = vector.shape_cast %parallel_loop3A_816 : vector<1x1x16xf32> to vector<16xf32>
      %parallel_loop3A_818 = vector.shape_cast %parallel_loop3A_811 : vector<16xf32> to vector<1x1x16xf32>
      tpu.vector_store %arg5[%parallel_loop3A_813, %parallel_loop3A_814, %parallel_loop3A_815], %parallel_loop3A_818 {strides = array<i32>} : memref<4x8x1024xf32, #tpu.memory_space<vmem>>, vector<1x1x16xf32>,
    } {sc.loop_unroll_factor = 8 : i64, sc.parallel_access}
    %add3A_720 = arith.constant 120 : i32
    %add3A_721 = arith.addi %mul3A_2, %add3A_720 : i32
    %dma_start3A_722 = arith.constant 0 : i32
    %dma_start3A_723 = arith.constant 0 : i32
    %dma_start3A_724 = tpu.memref_slice %arg4[%dma_start3A_722, %add3A_721, %dma_start3A_723] : memref<4x4096x1024xf32, #tpu.memory_space<hbm>> -> memref<4x8x1024xf32, #tpu.memory_space<hbm>>
    %dma_start3A_725 = arith.constant 0 : i32
    %dma_start3A_726 = arith.constant 0 : i32
    %dma_start3A_727 = tpu.memref_slice %arg4[%dma_start3A_725, %add3A_721, %dma_start3A_726] : memref<4x4096x1024xf32, #tpu.memory_space<hbm>> -> memref<4x8x1024xf32, #tpu.memory_space<hbm>>
    tpu.enqueue_dma source(%arg5 : memref<4x8x1024xf32, #tpu.memory_space<vmem>>) target(%dma_start3A_727 : memref<4x8x1024xf32, #tpu.memory_space<hbm>>) target_semaphore(%arg14 : memref<!tpu.dma_semaphore, #tpu.memory_space<semaphore_mem>>)
    %dma_wait3A_728 = arith.constant 0 : i32
    %dma_wait3A_729 = arith.constant 0 : i32
    %dma_wait3A_730 = arith.constant 0 : i32
    %dma_wait3A_731 = tpu.memref_slice %arg4[%dma_wait3A_728, %dma_wait3A_729, %dma_wait3A_730] : memref<4x4096x1024xf32, #tpu.memory_space<hbm>> -> memref<4x8x1024xf32, #tpu.memory_space<hbm>>
    %dma_wait3A_732 = arith.constant 0 : i32
    %dma_wait3A_733 = arith.constant 0 : i32
    %dma_wait3A_734 = arith.constant 0 : i32
    %dma_wait3A_735 = tpu.memref_slice %arg4[%dma_wait3A_732, %dma_wait3A_733, %dma_wait3A_734] : memref<4x4096x1024xf32, #tpu.memory_space<hbm>> -> memref<4x8x1024xf32, #tpu.memory_space<hbm>>
    tpu.wait_dma2 semaphore(%arg15 : memref<!tpu.dma_semaphore, #tpu.memory_space<semaphore_mem>>) src(%arg6 : memref<4x8x1024xf32, #tpu.memory_space<vmem>>) dst(%dma_wait3A_735 : memref<4x8x1024xf32, #tpu.memory_space<hbm>>)
    %dma_wait3A_736 = arith.constant 0 : i32
    %dma_wait3A_737 = arith.constant 0 : i32
    %dma_wait3A_738 = arith.constant 0 : i32
    %dma_wait3A_739 = tpu.memref_slice %arg4[%dma_wait3A_736, %dma_wait3A_737, %dma_wait3A_738] : memref<4x4096x1024xf32, #tpu.memory_space<hbm>> -> memref<4x8x1024xf32, #tpu.memory_space<hbm>>
    %dma_wait3A_740 = arith.constant 0 : i32
    %dma_wait3A_741 = arith.constant 0 : i32
    %dma_wait3A_742 = arith.constant 0 : i32
    %dma_wait3A_743 = tpu.memref_slice %arg4[%dma_wait3A_740, %dma_wait3A_741, %dma_wait3A_742] : memref<4x4096x1024xf32, #tpu.memory_space<hbm>> -> memref<4x8x1024xf32, #tpu.memory_space<hbm>>
    tpu.wait_dma2 semaphore(%arg16 : memref<!tpu.dma_semaphore, #tpu.memory_space<semaphore_mem>>) src(%arg7 : memref<4x8x1024xf32, #tpu.memory_space<vmem>>) dst(%dma_wait3A_743 : memref<4x8x1024xf32, #tpu.memory_space<hbm>>)
    %dma_wait3A_744 = arith.constant 0 : i32
    %dma_wait3A_745 = arith.constant 0 : i32
    %dma_wait3A_746 = arith.constant 0 : i32
    %dma_wait3A_747 = tpu.memref_slice %arg4[%dma_wait3A_744, %dma_wait3A_745, %dma_wait3A_746] : memref<4x4096x1024xf32, #tpu.memory_space<hbm>> -> memref<4x8x1024xf32, #tpu.memory_space<hbm>>
    %dma_wait3A_748 = arith.constant 0 : i32
    %dma_wait3A_749 = arith.constant 0 : i32
    %dma_wait3A_750 = arith.constant 0 : i32
    %dma_wait3A_751 = tpu.memref_slice %arg4[%dma_wait3A_748, %dma_wait3A_749, %dma_wait3A_750] : memref<4x4096x1024xf32, #tpu.memory_space<hbm>> -> memref<4x8x1024xf32, #tpu.memory_space<hbm>>
    tpu.wait_dma2 semaphore(%arg14 : memref<!tpu.dma_semaphore, #tpu.memory_space<semaphore_mem>>) src(%arg5 : memref<4x8x1024xf32, #tpu.memory_space<vmem>>) dst(%dma_wait3A_751 : memref<4x8x1024xf32, #tpu.memory_space<hbm>>)
    return
  }
}

</mosaic_0001>

<sc_bundles>
// kernel: kernel.3.cloned.1.call-start
scs
__scs_entry_jumppad:
0x0: {  	(pc) =	sbr.rel $0x88, $3  }
0x1: {  	(tag) =	ssettag $0x0;
	lr =	simm.s32 $0x1  }
0x2: {  	[smem:$0x3F9F] =	sst lr;
	_ =	strace $0xD0000000  }
0x3: {  	_ = 	snop  }
0x4: {  	_ = 	snop  }
0x5: {  	_ = 	snop  }
0x6: {  	_ = 	snop  }
0x7: {  	_ = 	snop  }
__scs_overlays_trampoline_lowered:
0x8: {  	[smem:$0x3FAE] =	sst s0  }
0x9: {  	[smem:$0x3FAF] =	sst s1  }
0xa: {  	[smem:$0x3FB0] =	sst s2  }
0xb: {  	[smem:$0x3FB1] =	sst s3  }
0xc: {  	[smem:$0x3FB2] =	sst s4  }
0xd: {  	[smem:$0x3FB3] =	sst s5  }
0xe: {  	[smem:$0x3FB4] =	sst s6  }
0xf: {  	[smem:$0x3FB5] =	sst s7  }
0x10: {  	[smem:$0x3FB6] =	sst s8  }
0x11: {  	[smem:$0x3FB7] =	sst s9;
	s0 =	simm.s32 @!p0 $0x0  }
0x12: {  	s1 =	sld [smem:$0x3F9D];
	s0 =	simm.s32 @p0 $0x1  }
0x13: {  	[smem:$0x3FB8] =	sst s0;
	s0 =	simm.s32 @!p1 $0x0  }
0x14: {  	s2 =	sld [smem:$0x3F9C];
	s0 =	simm.s32 @p1 $0x1  }
0x15: {  	[smem:$0x3FB9] =	sst s0;
	s0 =	simm.s32 @!p2 $0x0  }
0x16: {  	s3 =	sld [smem:$0x3FDB];
	s0 =	simm.s32 @p2 $0x1  }
0x17: {  	s4 =	simm.s32 $0x1BF5;
	[smem:$0x3FBB] =	sst s0  }
0x18: {  	s0 =	sld [smem:$0x3F9E];
	_ =	swait.ge [sflag:s4], $0x0  }
0x19: {  	s7 =	sld [smem:$0x3F9F]  }
0x1a: {  	s8 =	sadd.s32 $0xFFFFE003, lr  }
0x1b: {  	s9 =	sadd.s32 $0xFFFFFEF7, lr;
	s5 =	simm.s32 $0xFFFFFFFF;
	p2 =	slt.u32 s8, $0xFFFFF086  }
0x1c: {  	p1 =	slt.u32 s9, $0xF7A;
	s5 =	simm.s32 @!p2 $0x0  }
0x1d: {  	s5 =	simm.s32 @p1 $0x1;
	p0 =	seq.s32 s7, s2  }
0x1e: {  	s7 =	smul.u32 @!p0 $0xF7A, s2;
	p2 =	seq.s32 @!p0 s5, $0x0  }
0x1f: {  	s9 =	smul.u32 $0xF7A, s1;
	s8 =	simm.s32 @!p0 $0x1BF5;
	p2 =	por !p2, p0  }
0x20: {  	[sflag:s8] =	ssyncset.s32 @!p0 $0xFFFFF086;
	s6 =	sadd.s32 @!p0 s3, s7;
	s7 =	simm.s32 @!p0 $0x108  }
0x21: {  	s3 =	sadd.s32 s3, s9;
	s6 =	sadd.s32 @!p0 $0x88, s6;
	s7 =	simm.s32 @p2 $0x1082  }
0x22: {  	[simem:s7], [sflag:s8] =	dma.local @!p0 [hbm:s6], $0xF7A  }
0x23: {  	s9 =	sor.u32 $0xD0000000, s2;
	s6 =	simm.s32 $0x108;
	_ =	swait.ge @!p0 [sflag:s8], $0x0  }
0x24: {  	s3 =	sadd.s32 $0x88, s3;
	s6 =	simm.s32 @!p1 $0x1082;
	[sflag:s4] =	ssyncset.s32 $0xFFFFF086  }
0x25: {  	[simem:s6], [sflag:s4] =	dma.local [hbm:s3], $0xF7A  }
0x26: {  	[smem:$0x3F9F] =	sst s1;
	(tag) =	ssettag s2;
	_ =	strace s9  }
0x27: {  	s1 =	sld [smem:$0x3FAF]  }
0x28: {  	s2 =	sld [smem:$0x3FB0]  }
0x29: {  	s4 =	sld [smem:$0x3FB2]  }
0x2a: {  	p0 =	seq.s32 s5, $0x0;
	s5 =	sld [smem:$0x3FB3]  }
0x2b: {  	s6 =	sld [smem:$0x3FB4]  }
0x2c: {  	s7 =	sld [smem:$0x3FB5]  }
0x2d: {  	s3 =	simm.s32 $0x108;
	s8 =	sld [smem:$0x3FB6]  }
0x2e: {  	s3 =	simm.s32 @!p0 $0x1082;
	s9 =	sld [smem:$0x3FB7]  }
0x2f: {  	lr =	sadd.s32 s0, s3;
	s0 =	sld [smem:$0x3FAE]  }
0x30: {  	s3 =	sld [smem:$0x3FB1]  }
0x31: {  	[smem:$0x3FBA] =	sst s10  }
0x32: {  	s10 =	sld [smem:$0x3FB8];
	_ =	sdelay $0x3  }
0x33: {  	p0 =	seq.s32 s10, $0x1;
	s10 =	sld [smem:$0x3FBA];
	_ =	sdelay $0x3  }
0x34: {  	[smem:$0x3FBA] =	sst s10  }
0x35: {  	s10 =	sld [smem:$0x3FB9];
	_ =	sdelay $0x3  }
0x36: {  	p1 =	seq.s32 s10, $0x1;
	s10 =	sld [smem:$0x3FBA];
	_ =	sdelay $0x3  }
0x37: {  	[smem:$0x3FBA] =	sst s10  }
0x38: {  	s10 =	sld [smem:$0x3FBB]  }
0x39: {  	_ = 	snop;
	(pc) =	sbr.ind lr, $3  }
0x3a: {  	_ = 	snop  }
0x3b: {  	_ = 	snop  }
0x3c: {  	p2 =	seq.s32 s10, $0x1;
	s10 =	sld [smem:$0x3FBA]  }
0x3d: {  	_ =	shalt  }
0x3e: {  	_ =	shalt  }
0x3f: {  	_ =	shalt  }
0x40: {  	_ =	shalt  }
0x41: {  	_ =	shalt  }
0x42: {  	_ =	shalt  }
0x43: {  	_ =	shalt  }
0x44: {  	_ =	shalt  }
0x45: {  	_ =	shalt  }
0x46: {  	_ =	shalt  }
0x47: {  	_ =	shalt  }
0x48: {  	_ =	shalt  }
0x49: {  	_ =	shalt  }
0x4a: {  	_ =	shalt  }
0x4b: {  	_ =	shalt  }
0x4c: {  	_ =	shalt  }
0x4d: {  	_ =	shalt  }
0x4e: {  	_ =	shalt  }
0x4f: {  	_ =	shalt  }
0x50: {  	_ =	shalt  }
0x51: {  	_ =	shalt  }
0x52: {  	_ =	shalt  }
0x53: {  	_ =	shalt  }
0x54: {  	_ =	shalt  }
0x55: {  	_ =	shalt  }
0x56: {  	_ =	shalt  }
0x57: {  	_ =	shalt  }
0x58: {  	_ =	shalt  }
0x59: {  	_ =	shalt  }
0x5a: {  	_ =	shalt  }
0x5b: {  	_ =	shalt  }
0x5c: {  	_ =	shalt  }
0x5d: {  	_ =	shalt  }
0x5e: {  	_ =	shalt  }
0x5f: {  	_ =	shalt  }
0x60: {  	_ =	shalt  }
0x61: {  	_ =	shalt  }
0x62: {  	_ =	shalt  }
0x63: {  	_ =	shalt  }
0x64: {  	_ =	shalt  }
0x65: {  	_ =	shalt  }
0x66: {  	_ =	shalt  }
0x67: {  	_ =	shalt  }
0x68: {  	_ =	shalt  }
0x69: {  	_ =	shalt  }
0x6a: {  	_ =	shalt  }
0x6b: {  	_ =	shalt  }
0x6c: {  	_ =	shalt  }
0x6d: {  	_ =	shalt  }
0x6e: {  	_ =	shalt  }
0x6f: {  	_ =	shalt  }
0x70: {  	_ =	shalt  }
0x71: {  	_ =	shalt  }
0x72: {  	_ =	shalt  }
0x73: {  	_ =	shalt  }
0x74: {  	_ =	shalt  }
0x75: {  	_ =	shalt  }
0x76: {  	_ =	shalt  }
0x77: {  	_ =	shalt  }
0x78: {  	_ =	shalt  }
0x79: {  	_ =	shalt  }
0x7a: {  	_ =	shalt  }
0x7b: {  	_ =	shalt  }
0x7c: {  	_ =	shalt  }
0x7d: {  	_ =	shalt  }
0x7e: {  	_ =	shalt  }
0x7f: {  	_ =	shalt  }
0x80: {  	_ =	shalt  }
0x81: {  	_ =	shalt  }
0x82: {  	_ =	shalt  }
0x83: {  	_ =	shalt  }
0x84: {  	_ =	shalt  }
0x85: {  	_ =	shalt  }
0x86: {  	_ =	shalt  }
0x87: {  	_ =	shalt  }
.Lfunc_end0:
.L_simem_size_0:
called_computation_lowered:
.L_overlay_start_0:
0x88: {  	s2 =	sld [smem:$0x3FD9]  }
0x89: {  	s3 =	sld [smem:$0x3FFE];
	_ =	sdelay $0x1  }
0x8a: {  	s1 =	srdreg.scid  }
0x8b: {  	s0 =	sand.u32 $0x1, s1  }
0x8c: {  	s18 =	sshll.u32 s0, $0xA;
	s2 =	sadd.s32 s3, s2  }
0x8d: {  	s2 =	sadd.s32 s2, s18  }
0x8e: {  	[smem:$0x3FC6] =	sst s2  }
0x8f: {  	_ = 	snop  }
0x90: {  	s2 =	sld [smem:$0x3FC9]  }
0x91: {  	s19 =	sld [smem:$0x3FC8]  }
0x92: {  	s4 =	sld [smem:$0x3FD0];
	(tm) =	ssettm $0x1  }
0x93: {  	s5 =	sld [smem:$0x3FFB];
	_ =	sdelay $0x3  }
0x94: {  	_ =	strace s5  }
0x95: {  	s5 =	sld [smem:$0x3FFC];
	_ =	sdelay $0x3  }
0x96: {  	_ =	strace s5  }
0x97: {  	s5 =	sld [smem:$0x3FFD];
	_ =	sdelay $0x3  }
0x98: {  	_ =	strace s5  }
0x99: {  	_ =	strace $0x8FFFFFFF  }
0x9a: {  	s20 =	sld [smem:$0x3FDB];
	_ =	sdelay $0x1  }
0x9b: {  	s6 =	simm.s32 $_scs_section_size  }
0x9c: {  	s7 =	simm.s32 $_size__tile_overlayer_lowered;
	s8 =	simm.s32 $_tile_overlayer_lowered  }
0x9d: {  	s23 =	simm.s32 $0x1BFF;
	s22 =	sshll.u32 s8, $0x1;
	s5 =	sadd.s32 s6, s20  }
0x9e: {  	s9 =	simm.s32 $0x0;
	s21 =	sshll.u32 s7, $0x1;
	s7 =	sadd.s32 s22, s5  }
0x9f: {  	[timem:s9], [sflag:s23] =	dma.local [hbm:s7], s21  }
0xa0: {  	_ =	swait.ge [sflag:s23], s21  }
0xa1: {  	s6 =	ssub.s32 $0x0, s21;
	[sflag:s23] =	ssyncset.done $0x0  }
0xa2: {  	[sflag:s23] =	ssyncadd.s32 s6;
	_ =	sdelay $0x1  }
0xa3: {  	s24 =	simm.s32 $0x1B8B  }
0xa4: {  	_ =	swait.ge [sflag:s24], $0x1  }
0xa5: {  	[sflag:s24] =	ssyncset.done $0x0  }
0xa6: {  	s25 =	simm.s32 $0x1B8E;
	[sflag:s24] =	ssyncadd.s32 $0xFFFFFFFF  }
0xa7: {  	s26 =	simm.s32 $execute0_lowered;
	[smem:$0x3FD2] =	sst s25  }
0xa8: {  	s6 =	sshll.u32 s26, $0x1;
	_ =	strace $0x80000046;
	[dreg:$0x1] =	wrdreg $0xFFFFFFFF  }
0xa9: {  	s28 =	simm.s32 $_size_execute0_lowered;
	s5 =	sadd.s32 s5, s6;
	[dreg:$0x0] =	wrdreg $0x0  }
0xaa: {  	s6 =	sshll.u32 s28, $0x1;
	[dreg:$0x2] =	wrdreg s5  }
0xab: {  	[dreg:$0x3] =	wrdreg s6  }
0xac: {  	[dreg:$0x4] =	wrdreg $0xC0  }
0xad: {  	_ =	task [dreg:s9], $0x5FFFF  }
0xae: {  	[dreg:$0x1] =	wrdreg $0xFFFFFFFF  }
0xaf: {  	[dreg:$0x0] =	wrdreg $0x60  }
0xb0: {  	[dreg:$0x2] =	wrdreg s2  }
0xb1: {  	[dreg:$0x3] =	wrdreg s19  }
0xb2: {  	[dreg:$0x4] =	wrdreg s4  }
0xb3: {  	[dreg:$0x5] =	wrdreg $0x9  }
0xb4: {  	_ =	task.clear_ibuf [dreg:s9], $0x6FFFF;
	_ =	strace $0x90000046  }
0xb5: {  	s29 =	simm.s32 $0x9;
	_ =	strace $0x80000048  }
0xb6: {  	_ =	swait.ge [sflag:s29], $0x1  }
0xb7: {  	[sflag:s29] =	ssyncadd.s32 $0xFFFFFFFF  }
0xb8: {  	_ =	strace $0x90000048  }
0xb9: {  	_ =	sfence  }
0xba: {  	s30 =	sld [smem:$0x0];
	_ =	sdelay $0x2  }
0xbb: {  	s31 =	sshll.u32 s1, $0xD;
	s1 =	sshrl.u32 s1, $0x2  }
0xbc: {  	s3 =	sand.u32 $0x4000, s31;
	s1 =	sadd.s32 s1, s30  }
0xbd: {  	s0 =	sor.u32 s3, s0;
	s1 =	sshll.u32 s1, $0x11  }
0xbe: {  	s0 =	sor.u32 s1, s0  }
0xbf: {  	s0 =	sadd.s32 $0x8F2B, s0  }
0xc0: {  	[sflag:s0] =	ssyncadd.remote.s32 $0x1  }
0xc1: {  	_ =	sfence.sel $0xFFFF  }
0xc2: {  	[dreg:$0x0] =	wrdreg $0xFFFFFFFF;
	(pc) =	sbr.abs _section_cstart, $3  }
0xc3: {  	[dreg:$0x1] =	wrdreg $0xFFFFFFFF  }
0xc4: {  	_ =	task.clear_ibuf [dreg:s9], $0x2FFFF;
	_ =	strace $0x9FFFFFFF  }
0xc5: {  	(tm) =	ssettm $0x7FFFFFFF  }
tec
execute0_lowered:
.L_overlay_start_1:
0x0: {  	(tag) =	ssettag $0x1  }
0x1: {  	s4 =	srdreg.scid  }
0x2: {  	s2 =	rddreg [dreg:$0x0];
	s6 =	stileid.u32;
	s4 =	sand.u32 $0x1, s4  }
0x3: {  	s6 =	sshll.u32 s6, $0xF;
	s5 =	ssub.s32 $0x2, s4;
	s4 =	sshll.u32 s4, $0xE  }
0x4: {  	s3 =	rddreg [dreg:$0x1];
	s6 =	sor.u32 s4, s6  }
0x5: {  	s0 =	rddreg [dreg:$0x2];
	s1 =	simm.s32 $0x0;
	s16 =	sor.u32 $0x400, s6  }
0x6: {  	[smem:$0x7FF] =	sst s1;
	s8 =	sadd.s32 s3, s16  }
0x7: {  	s17 =	sor.u32 $0x800, s6;
	s18 =	sadd.s32 s2, s16;
	[dreg:$0x4] =	wrdreg s8  }
0x8: {  	s7 =	sshrl.u32 s5, $0x1;
	s19 =	sadd.s32 s3, s17;
	[dreg:$0x5] =	wrdreg s18  }
0x9: {  	s21 =	sor.u32 $0xC00, s6;
	s20 =	sadd.s32 s2, s17;
	[dreg:$0x6] =	wrdreg s19  }
0xa: {  	s4 =	ssub.s32 s5, s7;
	s10 =	sadd.s32 s3, s21;
	[dreg:$0x7] =	wrdreg s20  }
0xb: {  	s9 =	sor.u32 $0x1000, s6;
	s5 =	sadd.s32 s0, s16;
	[dreg:$0x8] =	wrdreg s10  }
0xc: {  	s22 =	sadd.s32 s3, s9;
	[dreg:$0x9] =	wrdreg s5  }
0xd: {  	s23 =	sadd.s32 s2, s21;
	[dreg:$0xa] =	wrdreg s22  }
0xe: {  	s25 =	sor.u32 $0x1400, s6;
	s24 =	sadd.s32 s0, s17;
	[dreg:$0xb] =	wrdreg s23  }
0xf: {  	s11 =	sor.u32 $0x1800, s6;
	s26 =	sadd.s32 s3, s25;
	[dreg:$0xc] =	wrdreg s24  }
0x10: {  	s12 =	sadd.s32 s3, s11;
	[dreg:$0xd] =	wrdreg s26  }
0x11: {  	s13 =	sadd.s32 s2, s25;
	[dreg:$0x10] =	wrdreg s12  }
0x12: {  	s14 =	sadd.s32 s0, s9;
	[dreg:$0x11] =	wrdreg s13  }
0x13: {  	s16 =	sadd.s32 s2, s11;
	[dreg:$0x12] =	wrdreg s14  }
0x14: {  	s17 =	sadd.s32 s0, s11;
	[dreg:$0x13] =	wrdreg s16  }
0x15: {  	s10 =	sadd.s32 s2, s9;
	[dreg:$0x15] =	wrdreg s17  }
0x16: {  	s8 =	sadd.s32 s0, s21;
	[dreg:$0xe] =	wrdreg s10  }
0x17: {  	s15 =	sor.u32 $0x1C00, s6;
	s5 =	sadd.s32 s0, s25;
	[dreg:$0xf] =	wrdreg s8  }
0x18: {  	s18 =	sadd.s32 s3, s15;
	[dreg:$0x14] =	wrdreg s5  }
0x19: {  	s19 =	sadd.s32 s2, s15;
	[dreg:$0x16] =	wrdreg s18  }
0x1a: {  	s20 =	sadd.s32 s0, s15;
	s21 =	sor.u32 $0x2000, s6;
	[dreg:$0x17] =	wrdreg s19  }
0x1b: {  	[dreg:$0x18] =	wrdreg s20;
	s22 =	sadd.s32 s3, s21  }
0x1c: {  	s24 =	sadd.s32 s2, s21;
	[dreg:$0x19] =	wrdreg s22  }
0x1d: {  	s23 =	sor.u32 $0x2400, s6;
	s5 =	sadd.s32 s0, s21;
	[dreg:$0x1a] =	wrdreg s24  }
0x1e: {  	s25 =	sadd.s32 s3, s23;
	[dreg:$0x1b] =	wrdreg s5  }
0x1f: {  	s9 =	sadd.s32 s2, s23;
	[dreg:$0x1c] =	wrdreg s25  }
0x20: {  	s26 =	sor.u32 $0x2800, s6;
	s7 =	sadd.s32 s0, s23;
	[dreg:$0x1d] =	wrdreg s9  }
0x21: {  	s10 =	sadd.s32 s3, s26;
	[dreg:$0x1e] =	wrdreg s7  }
0x22: {  	s12 =	sor.u32 $0x2C00, s6;
	s11 =	sadd.s32 s2, s26;
	[dreg:$0x1f] =	wrdreg s10  }
0x23: {  	s13 =	sadd.s32 s3, s12;
	[smem:$0x7EF] =	sst s11  }
0x24: {  	s14 =	sor.u32 $0x3000, s6;
	s15 =	sadd.s32 s2, s12;
	[smem:$0x7F1] =	sst s13  }
0x25: {  	s16 =	sadd.s32 s3, s14;
	[smem:$0x7F2] =	sst s15  }
0x26: {  	s17 =	sadd.s32 s2, s14;
	[smem:$0x7F4] =	sst s16  }
0x27: {  	s28 =	simm.s32 $0x10000;
	s18 =	sadd.s32 s0, s14;
	[smem:$0x7F5] =	sst s17  }
0x28: {  	s29 =	simm.s32 $0x7;
	s19 =	sadd.s32 s3, s6;
	[smem:$0x7F6] =	sst s18  }
0x29: {  	s30 =	simm.s32 $0x1;
	s20 =	sadd.s32 s2, s6;
	[smem:$0x7F7] =	sst s19  }
0x2a: {  	s31 =	simm.s32 $0x8;
	s21 =	sadd.s32 s0, s6;
	[smem:$0x7F8] =	sst s20  }
0x2b: {  	s23 =	sor.u32 $0x3800, s6;
	s5 =	sadd.s32 s0, s26;
	[smem:$0x7F9] =	sst s21  }
0x2c: {  	s22 =	sor.u32 $0x3400, s6;
	s6 =	sor.u32 $0x3C00, s6;
	s25 =	sadd.s32 s3, s23  }
0x2d: {  	s16 =	sadd.s32 s2, s23;
	s18 =	sadd.s32 s0, s23;
	s20 =	smax.u32 s4, $0x1  }
0x2e: {  	s21 =	simm.s32 $0x18000;
	s23 =	simm.s32 $0x400000;
	s4 =	simm.s32 $0x3  }
0x2f: {  	s7 =	simm.s32 $0x0;
	[smem:$0x7F0] =	sst s5;
	s5 =	sadd.s32 s0, s12  }
0x30: {  	s24 =	sadd.s32 s3, s22;
	[smem:$0x7FB] =	sst s25;
	s3 =	sadd.s32 s3, s6  }
0x31: {  	s26 =	sadd.s32 s2, s22;
	s15 =	sadd.s32 s0, s22;
	s17 =	sadd.s32 s2, s6  }
0x32: {  	s19 =	sadd.s32 s0, s6;
	s22 =	simm.s32 $0x2000;
	[smem:$0x7F3] =	sst s5  }
0x33: {  	s25 =	simm.s32 $0x8000;
	s0 =	simm.s32 $0x2;
	[smem:$0x7FA] =	sst s24  }
0x34: {  	s2 =	simm.s32 $0x4;
	s6 =	simm.s32 $0x6;
	[smem:$0x7FC] =	sst s3  }
0x35: {  	[smem:$0x7FD] =	sst s26;
	s24 =	simm.s32 $0x1A000;
	s26 =	simm.s32 $0x1C000  }
0x36: {  	s3 =	simm.s32 $0x9;
	s5 =	simm.s32 $0x5;
	_ =	strace $0x80000047  }
.LBB2_1:
0x37: {  	s8 =	sld [smem:$0x7F7];
	_ =	sdelay $0x1  }
0x38: {  	s9 =	sld [smem:$0x7F8]  }
0x39: {  	[tilespmem:s21], [sflag:$0x7] =	stream.linear.gather [hbm4b:s8+s1], $0x2000, $0x38;
	[tilespmem:$0x1E000] =	vst v63  }
0x3a: {  	_ = 	snop  }
0x3b: {  	[tilespmem:s1], [sflag:$0x1] =	stream.strided.gather [hbm4b:s9+s22], $0x8000, s23, s22, $0x38;
	[tilespmem:$0x1E000] =	vst v63  }
0x3c: {  	s10 =	rddreg [dreg:$0x4]  }
0x3d: {  	[tilespmem:s24], [sflag:$0x8] =	stream.linear.gather [hbm4b:s10+s1], $0x2000, $0x38;
	[tilespmem:$0x1E000] =	vst v63  }
0x3e: {  	s11 =	rddreg [dreg:$0x5]  }
0x3f: {  	[tilespmem:s25], [sflag:$0x2] =	stream.strided.gather [hbm4b:s11+s22], $0x8000, s23, s22, $0x38;
	[tilespmem:$0x1E000] =	vst v63  }
0x40: {  	s12 =	rddreg [dreg:$0x6]  }
0x41: {  	[tilespmem:s26], [sflag:$0x9] =	stream.linear.gather [hbm4b:s12+s1], $0x2000, $0x38;
	[tilespmem:$0x1E000] =	vst v63  }
0x42: {  	s13 =	rddreg [dreg:$0x7]  }
0x43: {  	[tilespmem:s28], [sflag:$0x3] =	stream.strided.gather [hbm4b:s13+s22], $0x8000, s23, s22, $0x38;
	[tilespmem:$0x1E000] =	vst v63  }
0x44: {  	_ =	swait.ge [sflag:s29], $0x2000  }
0x45: {  	[sflag:s29] =	ssyncset.done $0x0  }
0x46: {  	[sflag:s29] =	ssyncadd.s32 $0xFFFFE000  }
0x47: {  	s14 =	sand.u32 $0x1C00, s1;
	_ =	swait.ge [sflag:s30], $0x8000  }
0x48: {  	s9 =	sor.u32 s14, s1;
	[sflag:s30] =	ssyncset.done $0x0  }
0x49: {  	s9 =	sor.u32 $0x70, s9;
	[sflag:s30] =	ssyncadd.s32 $0xFFFF8000  }
0x4a: {  	v0 =	vld [tilespmem:s9+$0x18000]  }
0x4b: {  	v1 =	vld [tilespmem:s9+$0x0];
	_ =	sdelay $0x1  }
0x4c: {  	s10 =	sand.u32 $0x380, s1  }
0x4d: {  	s8 =	sor.u32 s10, s14  }
0x4e: {  	v4 =	vld [tilespmem:s8+$0x18000]  }
0x4f: {  	v5 =	vld [tilespmem:s8+$0x0];
	v1 =	vadd.f32 v1, v0  }
0x50: {  	v6 =	vld [tilespmem:s8+$0x2000]  }
0x51: {  	v7 =	vld [tilespmem:s8+$0x4000];
	[tilespmem:s9+$0x0] =	vst v1  }
0x52: {  	v1 =	vld [tilespmem:s8+$0x6070]  }
0x53: {  	v2 =	vld [tilespmem:s8+$0x2070]  }
0x54: {  	v3 =	vld [tilespmem:s8+$0x4070]  }
0x55: {  	v8 =	vld [tilespmem:s8+$0x6000]  }
0x56: {  	v9 =	vld [tilespmem:s8+$0x18010]  }
0x57: {  	v10 =	vld [tilespmem:s8+$0x10];
	v1 =	vadd.f32 v1, v0  }
0x58: {  	v11 =	vld [tilespmem:s8+$0x2010];
	v2 =	vadd.f32 v2, v0  }
0x59: {  	v63 =	vld [tilespmem:s8+$0x18030];
	v0 =	vadd.f32 v3, v0;
	[tilespmem:s8+$0x6070] =	vst v1  }
0x5a: {  	v3 =	vld [tilespmem:s8+$0x6010];
	[tilespmem:s8+$0x2070] =	vst v2;
	v2 =	vadd.f32 v5, v4  }
0x5b: {  	v1 =	vld [tilespmem:s8+$0x4010];
	[tilespmem:s8+$0x4070] =	vst v0;
	v0 =	vadd.f32 v6, v4  }
0x5c: {  	v5 =	vld [tilespmem:s8+$0x18020];
	[tilespmem:s8+$0x0] =	vst v2;
	v2 =	vadd.f32 v7, v4  }
0x5d: {  	v6 =	vld [tilespmem:s8+$0x20];
	[tilespmem:s8+$0x2000] =	vst v0;
	v0 =	vadd.f32 v8, v4  }
0x5e: {  	v4 =	vld [tilespmem:s8+$0x2020];
	[tilespmem:s8+$0x4000] =	vst v2;
	v2 =	vadd.f32 v10, v9  }
0x5f: {  	v7 =	vld [tilespmem:s8+$0x4020];
	[tilespmem:s8+$0x6000] =	vst v0;
	v0 =	vadd.f32 v11, v9  }
0x60: {  	v8 =	vld [tilespmem:s8+$0x6020];
	v1 =	vadd.f32 v1, v9;
	[tilespmem:s8+$0x10] =	vst v2  }
0x61: {  	[tilespmem:s8+$0x2010] =	vst v0;
	v0 =	vadd.f32 v3, v9;
	v2 =	vld [tilespmem:s8+$0x30]  }
0x62: {  	v3 =	vld [tilespmem:s8+$0x2030];
	[tilespmem:s8+$0x4010] =	vst v1;
	v1 =	vadd.f32 v6, v5  }
0x63: {  	v6 =	vld [tilespmem:s8+$0x4030];
	[tilespmem:s8+$0x6010] =	vst v0;
	v0 =	vadd.f32 v4, v5  }
0x64: {  	[tilespmem:s8+$0x20] =	vst v1;
	v1 =	vadd.f32 v7, v5;
	v7 =	vld [tilespmem:s8+$0x6030]  }
0x65: {  	v4 =	vld [tilespmem:s8+$0x40];
	v5 =	vadd.f32 v8, v5;
	[tilespmem:s8+$0x2020] =	vst v0  }
0x66: {  	v0 =	vld [tilespmem:s8+$0x18040];
	[tilespmem:s8+$0x4020] =	vst v1;
	v1 =	vadd.f32 v2, v63  }
0x67: {  	[tilespmem:s8+$0x6020] =	vst v5;
	v3 =	vadd.f32 v3, v63;
	v2 =	vld [tilespmem:s8+$0x2040]  }
0x68: {  	v6 =	vadd.f32 v6, v63;
	[tilespmem:s8+$0x30] =	vst v1;
	v1 =	vld [tilespmem:s8+$0x4040]  }
0x69: {  	s10 =	simm.s32 $0x400;
	s11 =	simm.s32 $0x0;
	s9 =	simm.s32 $0x0;
	[tilespmem:s8+$0x2030] =	vst v3;
	v3 =	vld [tilespmem:s8+$0x6040];
	v5 =	vadd.f32 v7, v63  }
.LBB2_2:
0x6a: {  	s12 =	sand.u32 $0x1C00, s10;
	[tilespmem:s8+$0x4030] =	vst v6;
	v6 =	vld [tilespmem:s8+$0x18050];
	s11 =	sadd.s32 $0x10, s11  }
0x6b: {  	s9 =	sadd.s32 $0x8, s9;
	s13 =	sor.u32 s12, s11;
	[tilespmem:s8+$0x6030] =	vst v5;
	v4 =	vadd.f32 v4, v0;
	v5 =	vld [tilespmem:s8+$0x50]  }
0x6c: {  	p0 =	slt.u32 s9, $0x1F8;
	s13 =	sor.u32 $0x70, s13;
	v2 =	vadd.f32 v2, v0;
	v7 =	vld [tilespmem:s8+$0x2050]  }
0x6d: {  	v8 =	vld [tilespmem:s13+$0x18000];
	[tilespmem:s8+$0x40] =	vst v4;
	v1 =	vadd.f32 v1, v0  }
0x6e: {  	v4 =	vld [tilespmem:s13+$0x0];
	[tilespmem:s8+$0x2040] =	vst v2;
	v0 =	vadd.f32 v3, v0  }
0x6f: {  	[tilespmem:s8+$0x4040] =	vst v1;
	v1 =	vld [tilespmem:s8+$0x4050]  }
0x70: {  	[tilespmem:s8+$0x6040] =	vst v0;
	v0 =	vadd.f32 v5, v6;
	v2 =	vld [tilespmem:s8+$0x6050]  }
0x71: {  	v3 =	vadd.f32 v7, v6;
	v5 =	vld [tilespmem:s8+$0x18060]  }
0x72: {  	[tilespmem:s8+$0x50] =	vst v0;
	v0 =	vld [tilespmem:s8+$0x60]  }
0x73: {  	v4 =	vadd.f32 v4, v8;
	[tilespmem:s8+$0x2050] =	vst v3;
	v3 =	vld [tilespmem:s8+$0x2060]  }
0x74: {  	s14 =	sand.u32 $0x380, s11;
	v1 =	vadd.f32 v1, v6;
	v7 =	vld [tilespmem:s8+$0x4060]  }
0x75: {  	s12 =	sor.u32 s14, s12;
	[tilespmem:s13+$0x0] =	vst v4;
	v2 =	vadd.f32 v2, v6;
	v4 =	vld [tilespmem:s8+$0x6060]  }
0x76: {  	v6 =	vld [tilespmem:s12+$0x6070];
	[tilespmem:s8+$0x4050] =	vst v1  }
0x77: {  	v1 =	vld [tilespmem:s12+$0x2070];
	[tilespmem:s8+$0x6050] =	vst v2;
	v0 =	vadd.f32 v0, v5  }
0x78: {  	v2 =	vld [tilespmem:s12+$0x4070];
	v3 =	vadd.f32 v3, v5  }
0x79: {  	v9 =	vld [tilespmem:s12+$0x18000];
	[tilespmem:s8+$0x60] =	vst v0;
	v0 =	vadd.f32 v7, v5  }
0x7a: {  	v7 =	vld [tilespmem:s12+$0x0];
	[tilespmem:s8+$0x2060] =	vst v3;
	v3 =	vadd.f32 v4, v5  }
0x7b: {  	v4 =	vld [tilespmem:s12+$0x2000];
	v5 =	vadd.f32 v6, v8;
	[tilespmem:s8+$0x4060] =	vst v0  }
0x7c: {  	v0 =	vld [tilespmem:s12+$0x4000];
	v1 =	vadd.f32 v1, v8;
	[tilespmem:s8+$0x6060] =	vst v3;
	s8 =	smov.u32 s12  }
0x7d: {  	v3 =	vld [tilespmem:s8+$0x6000];
	v2 =	vadd.f32 v2, v8;
	[tilespmem:s8+$0x6070] =	vst v5  }
0x7e: {  	v5 =	vld [tilespmem:s8+$0x18010];
	[tilespmem:s8+$0x2070] =	vst v1  }
0x7f: {  	v1 =	vadd.f32 v7, v9;
	v6 =	vld [tilespmem:s8+$0x10];
	[tilespmem:s8+$0x4070] =	vst v2  }
0x80: {  	v2 =	vadd.f32 v4, v9;
	v4 =	vld [tilespmem:s8+$0x2010]  }
0x81: {  	[tilespmem:s8+$0x0] =	vst v1;
	v0 =	vadd.f32 v0, v9;
	v1 =	vld [tilespmem:s8+$0x4010]  }
0x82: {  	[tilespmem:s8+$0x2000] =	vst v2;
	v2 =	vadd.f32 v3, v9;
	v3 =	vld [tilespmem:s8+$0x6010]  }
0x83: {  	[tilespmem:s8+$0x4000] =	vst v0;
	v0 =	vld [tilespmem:s8+$0x18020]  }
0x84: {  	[tilespmem:s8+$0x6000] =	vst v2;
	v2 =	vadd.f32 v6, v5;
	v6 =	vld [tilespmem:s8+$0x20]  }
0x85: {  	v4 =	vadd.f32 v4, v5;
	v7 =	vld [tilespmem:s8+$0x2020]  }
0x86: {  	[tilespmem:s8+$0x10] =	vst v2;
	v1 =	vadd.f32 v1, v5;
	v2 =	vld [tilespmem:s8+$0x4020]  }
0x87: {  	[tilespmem:s8+$0x2010] =	vst v4;
	v3 =	vadd.f32 v3, v5;
	v4 =	vld [tilespmem:s8+$0x6020]  }
0x88: {  	[tilespmem:s8+$0x4010] =	vst v1;
	v5 =	vld [tilespmem:s8+$0x18030]  }
0x89: {  	[tilespmem:s8+$0x6010] =	vst v3;
	v1 =	vadd.f32 v6, v0;
	v3 =	vld [tilespmem:s8+$0x30]  }
0x8a: {  	v6 =	vadd.f32 v7, v0;
	v7 =	vld [tilespmem:s8+$0x2030]  }
0x8b: {  	[tilespmem:s8+$0x20] =	vst v1;
	v1 =	vadd.f32 v2, v0;
	v8 =	vld [tilespmem:s8+$0x4030]  }
0x8c: {  	[tilespmem:s8+$0x2020] =	vst v6;
	v2 =	vadd.f32 v4, v0;
	v9 =	vld [tilespmem:s8+$0x6030]  }
.Ltmp0:
0x8d: {  	[tilespmem:s8+$0x4020] =	vst v1;
	v0 =	vld [tilespmem:s8+$0x18040];
	(pc) =	sbr.rel @p0 .LBB2_2-.Ltmp0, $4  }
0x8e: {  	[tilespmem:s8+$0x6020] =	vst v2;
	v1 =	vadd.f32 v3, v5;
	v4 =	vld [tilespmem:s8+$0x40]  }
0x8f: {  	v3 =	vadd.f32 v7, v5;
	v2 =	vld [tilespmem:s8+$0x2040]  }
0x90: {  	[tilespmem:s8+$0x30] =	vst v1;
	v6 =	vadd.f32 v8, v5;
	v1 =	vld [tilespmem:s8+$0x4040]  }
0x91: {  	s10 =	sadd.s32 $0x400, s10;
	[tilespmem:s8+$0x2030] =	vst v3;
	v5 =	vadd.f32 v9, v5;
	v3 =	vld [tilespmem:s8+$0x6040]  }
0x92: {  	v7 =	vld [tilespmem:s8+$0x18050]  }
0x93: {  	v8 =	vld [tilespmem:s8+$0x50]  }
0x94: {  	v9 =	vld [tilespmem:s8+$0x2050]  }
0x95: {  	[tilespmem:s8+$0x4030] =	vst v6;
	v6 =	vld [tilespmem:s8+$0x4050];
	v4 =	vadd.f32 v4, v0  }
0x96: {  	[tilespmem:s8+$0x6030] =	vst v5;
	v5 =	vld [tilespmem:s8+$0x6050];
	v2 =	vadd.f32 v2, v0  }
0x97: {  	[tilespmem:s8+$0x40] =	vst v4;
	v1 =	vadd.f32 v1, v0;
	v4 =	vld [tilespmem:s8+$0x18060]  }
0x98: {  	[tilespmem:s8+$0x2040] =	vst v2;
	v0 =	vadd.f32 v3, v0;
	v2 =	vld [tilespmem:s8+$0x60]  }
0x99: {  	v3 =	vld [tilespmem:s8+$0x2060];
	[tilespmem:s8+$0x4040] =	vst v1;
	v1 =	vadd.f32 v8, v7  }
0x9a: {  	v8 =	vld [tilespmem:s8+$0x4060];
	[tilespmem:s8+$0x6040] =	vst v0;
	v0 =	vadd.f32 v9, v7  }
0x9b: {  	[tilespmem:s8+$0x50] =	vst v1;
	v1 =	vadd.f32 v6, v7;
	v6 =	vld [tilespmem:s8+$0x6060]  }
0x9c: {  	[tilespmem:s8+$0x2050] =	vst v0;
	v0 =	vadd.f32 v5, v7  }
0x9d: {  	[tilespmem:s8+$0x4050] =	vst v1;
	v1 =	vadd.f32 v2, v4  }
0x9e: {  	[tilespmem:s8+$0x6050] =	vst v0;
	v0 =	vadd.f32 v3, v4  }
0x9f: {  	[tilespmem:s8+$0x60] =	vst v1;
	v1 =	vadd.f32 v8, v4  }
0xa0: {  	[tilespmem:s8+$0x2060] =	vst v0;
	v0 =	vadd.f32 v6, v4  }
0xa1: {  	[tilespmem:s8+$0x4060] =	vst v1  }
0xa2: {  	[tilespmem:s8+$0x6060] =	vst v0  }
0xa3: {  	s8 =	sld [smem:$0x7F9];
	_ =	sdelay $0x1  }
0xa4: {  	s9 =	simm.s32 $0x0  }
0xa5: {  	[hbm4b:s8+s22] =	stream.strided.scatter [tilespmem:s9], [sflag:$0x4], $0x8000, s23, s22, $0x38;
	[tilespmem:$0x1E000] =	vst v63  }
0xa6: {  	s13 =	rddreg [dreg:$0x8]  }
0xa7: {  	[tilespmem:s21], [sflag:$0x7] =	stream.linear.gather [hbm4b:s13+s9], $0x2000, $0x38;
	[tilespmem:$0x1E000] =	vst v63  }
0xa8: {  	_ =	swait.ge [sflag:s31], $0x2000  }
0xa9: {  	[sflag:s31] =	ssyncset.done $0x0  }
0xaa: {  	[sflag:s31] =	ssyncadd.s32 $0xFFFFE000  }
0xab: {  	s14 =	sand.u32 $0x1C00, s9;
	_ =	swait.ge [sflag:s0], $0x8000  }
0xac: {  	s10 =	sor.u32 s14, s9;
	[sflag:s0] =	ssyncset.done $0x0  }
0xad: {  	s10 =	sor.u32 $0x70, s10;
	[sflag:s0] =	ssyncadd.s32 $0xFFFF8000  }
0xae: {  	v0 =	vld [tilespmem:s10+$0x1A000]  }
0xaf: {  	v1 =	vld [tilespmem:s10+$0x8000];
	_ =	sdelay $0x1  }
0xb0: {  	s11 =	sand.u32 $0x380, s9  }
0xb1: {  	s8 =	sor.u32 s11, s14  }
0xb2: {  	v4 =	vld [tilespmem:s8+$0x1A000]  }
0xb3: {  	v5 =	vld [tilespmem:s8+$0x8000];
	v1 =	vadd.f32 v1, v0  }
0xb4: {  	v6 =	vld [tilespmem:s8+$0xA000]  }
0xb5: {  	v7 =	vld [tilespmem:s8+$0xC000];
	[tilespmem:s10+$0x8000] =	vst v1  }
0xb6: {  	v1 =	vld [tilespmem:s8+$0xE070]  }
0xb7: {  	v2 =	vld [tilespmem:s8+$0xA070]  }
0xb8: {  	v3 =	vld [tilespmem:s8+$0xC070]  }
0xb9: {  	v8 =	vld [tilespmem:s8+$0xE000]  }
0xba: {  	v62 =	vld [tilespmem:s8+$0x1A010]  }
0xbb: {  	v10 =	vld [tilespmem:s8+$0x8010];
	v1 =	vadd.f32 v1, v0  }
0xbc: {  	v11 =	vld [tilespmem:s8+$0xA010];
	v2 =	vadd.f32 v2, v0  }
0xbd: {  	v63 =	vld [tilespmem:s8+$0x1A030];
	v0 =	vadd.f32 v3, v0;
	[tilespmem:s8+$0xE070] =	vst v1  }
0xbe: {  	v3 =	vld [tilespmem:s8+$0xE010];
	[tilespmem:s8+$0xA070] =	vst v2;
	v2 =	vadd.f32 v5, v4  }
0xbf: {  	v1 =	vld [tilespmem:s8+$0xC010];
	[tilespmem:s8+$0xC070] =	vst v0;
	v0 =	vadd.f32 v6, v4  }
0xc0: {  	v5 =	vld [tilespmem:s8+$0x1A020];
	[tilespmem:s8+$0x8000] =	vst v2;
	v2 =	vadd.f32 v7, v4  }
0xc1: {  	v6 =	vld [tilespmem:s8+$0x8020];
	[tilespmem:s8+$0xA000] =	vst v0;
	v0 =	vadd.f32 v8, v4  }
0xc2: {  	v4 =	vld [tilespmem:s8+$0xA020];
	[tilespmem:s8+$0xC000] =	vst v2;
	v2 =	vadd.f32 v10, v62  }
0xc3: {  	v7 =	vld [tilespmem:s8+$0xC020];
	[tilespmem:s8+$0xE000] =	vst v0;
	v0 =	vadd.f32 v11, v62  }
0xc4: {  	v8 =	vld [tilespmem:s8+$0xE020];
	v1 =	vadd.f32 v1, v62;
	[tilespmem:s8+$0x8010] =	vst v2  }
0xc5: {  	[tilespmem:s8+$0xA010] =	vst v0;
	v0 =	vadd.f32 v3, v62;
	v2 =	vld [tilespmem:s8+$0x8030]  }
0xc6: {  	v3 =	vld [tilespmem:s8+$0xA030];
	[tilespmem:s8+$0xC010] =	vst v1;
	v1 =	vadd.f32 v6, v5  }
0xc7: {  	v6 =	vld [tilespmem:s8+$0xC030];
	[tilespmem:s8+$0xE010] =	vst v0;
	v0 =	vadd.f32 v4, v5  }
0xc8: {  	[tilespmem:s8+$0x8020] =	vst v1;
	v1 =	vadd.f32 v7, v5;
	v7 =	vld [tilespmem:s8+$0xE030]  }
0xc9: {  	v4 =	vld [tilespmem:s8+$0x8040];
	v5 =	vadd.f32 v8, v5;
	[tilespmem:s8+$0xA020] =	vst v0  }
0xca: {  	v0 =	vld [tilespmem:s8+$0x1A040];
	[tilespmem:s8+$0xC020] =	vst v1;
	v1 =	vadd.f32 v2, v63  }
0xcb: {  	[tilespmem:s8+$0xE020] =	vst v5;
	v3 =	vadd.f32 v3, v63;
	v2 =	vld [tilespmem:s8+$0xA040]  }
0xcc: {  	v6 =	vadd.f32 v6, v63;
	[tilespmem:s8+$0x8030] =	vst v1;
	v1 =	vld [tilespmem:s8+$0xC040]  }
0xcd: {  	s11 =	simm.s32 $0x400;
	s10 =	simm.s32 $0x0;
	[tilespmem:s8+$0xA030] =	vst v3;
	v3 =	vld [tilespmem:s8+$0xE040];
	v5 =	vadd.f32 v7, v63  }
.LBB2_4:
0xce: {  	s12 =	sand.u32 $0x1C00, s11;
	[tilespmem:s8+$0xC030] =	vst v6;
	v6 =	vld [tilespmem:s8+$0x1A050];
	s9 =	sadd.s32 $0x10, s9  }
0xcf: {  	s10 =	sadd.s32 $0x8, s10;
	s13 =	sor.u32 s12, s9;
	[tilespmem:s8+$0xE030] =	vst v5;
	v4 =	vadd.f32 v4, v0;
	v5 =	vld [tilespmem:s8+$0x8050]  }
0xd0: {  	p0 =	slt.u32 s10, $0x1F8;
	s13 =	sor.u32 $0x70, s13;
	v2 =	vadd.f32 v2, v0;
	v7 =	vld [tilespmem:s8+$0xA050]  }
0xd1: {  	v8 =	vld [tilespmem:s13+$0x1A000];
	[tilespmem:s8+$0x8040] =	vst v4;
	v1 =	vadd.f32 v1, v0  }
0xd2: {  	v4 =	vld [tilespmem:s13+$0x8000];
	[tilespmem:s8+$0xA040] =	vst v2;
	v0 =	vadd.f32 v3, v0  }
0xd3: {  	[tilespmem:s8+$0xC040] =	vst v1;
	v1 =	vld [tilespmem:s8+$0xC050]  }
0xd4: {  	[tilespmem:s8+$0xE040] =	vst v0;
	v0 =	vadd.f32 v5, v6;
	v2 =	vld [tilespmem:s8+$0xE050]  }
0xd5: {  	v3 =	vadd.f32 v7, v6;
	v5 =	vld [tilespmem:s8+$0x1A060]  }
0xd6: {  	[tilespmem:s8+$0x8050] =	vst v0;
	v0 =	vld [tilespmem:s8+$0x8060]  }
0xd7: {  	v4 =	vadd.f32 v4, v8;
	[tilespmem:s8+$0xA050] =	vst v3;
	v3 =	vld [tilespmem:s8+$0xA060]  }
0xd8: {  	s14 =	sand.u32 $0x380, s9;
	v1 =	vadd.f32 v1, v6;
	v7 =	vld [tilespmem:s8+$0xC060]  }
0xd9: {  	s12 =	sor.u32 s14, s12;
	[tilespmem:s13+$0x8000] =	vst v4;
	v2 =	vadd.f32 v2, v6;
	v4 =	vld [tilespmem:s8+$0xE060]  }
0xda: {  	v6 =	vld [tilespmem:s12+$0xE070];
	[tilespmem:s8+$0xC050] =	vst v1  }
0xdb: {  	v1 =	vld [tilespmem:s12+$0xA070];
	[tilespmem:s8+$0xE050] =	vst v2;
	v0 =	vadd.f32 v0, v5  }
0xdc: {  	v2 =	vld [tilespmem:s12+$0xC070];
	v3 =	vadd.f32 v3, v5  }
0xdd: {  	v9 =	vld [tilespmem:s12+$0x1A000];
	[tilespmem:s8+$0x8060] =	vst v0;
	v0 =	vadd.f32 v7, v5  }
0xde: {  	v7 =	vld [tilespmem:s12+$0x8000];
	[tilespmem:s8+$0xA060] =	vst v3;
	v3 =	vadd.f32 v4, v5  }
0xdf: {  	v4 =	vld [tilespmem:s12+$0xA000];
	v5 =	vadd.f32 v6, v8;
	[tilespmem:s8+$0xC060] =	vst v0  }
0xe0: {  	v0 =	vld [tilespmem:s12+$0xC000];
	v1 =	vadd.f32 v1, v8;
	[tilespmem:s8+$0xE060] =	vst v3;
	s8 =	smov.u32 s12  }
0xe1: {  	v3 =	vld [tilespmem:s8+$0xE000];
	v2 =	vadd.f32 v2, v8;
	[tilespmem:s8+$0xE070] =	vst v5  }
0xe2: {  	v5 =	vld [tilespmem:s8+$0x1A010];
	[tilespmem:s8+$0xA070] =	vst v1  }
0xe3: {  	v1 =	vadd.f32 v7, v9;
	v6 =	vld [tilespmem:s8+$0x8010];
	[tilespmem:s8+$0xC070] =	vst v2  }
0xe4: {  	v2 =	vadd.f32 v4, v9;
	v4 =	vld [tilespmem:s8+$0xA010]  }
0xe5: {  	[tilespmem:s8+$0x8000] =	vst v1;
	v0 =	vadd.f32 v0, v9;
	v1 =	vld [tilespmem:s8+$0xC010]  }
0xe6: {  	[tilespmem:s8+$0xA000] =	vst v2;
	v2 =	vadd.f32 v3, v9;
	v3 =	vld [tilespmem:s8+$0xE010]  }
0xe7: {  	[tilespmem:s8+$0xC000] =	vst v0;
	v0 =	vld [tilespmem:s8+$0x1A020]  }
0xe8: {  	[tilespmem:s8+$0xE000] =	vst v2;
	v2 =	vadd.f32 v6, v5;
	v6 =	vld [tilespmem:s8+$0x8020]  }
0xe9: {  	v4 =	vadd.f32 v4, v5;
	v7 =	vld [tilespmem:s8+$0xA020]  }
0xea: {  	[tilespmem:s8+$0x8010] =	vst v2;
	v1 =	vadd.f32 v1, v5;
	v2 =	vld [tilespmem:s8+$0xC020]  }
0xeb: {  	[tilespmem:s8+$0xA010] =	vst v4;
	v3 =	vadd.f32 v3, v5;
	v4 =	vld [tilespmem:s8+$0xE020]  }
0xec: {  	[tilespmem:s8+$0xC010] =	vst v1;
	v5 =	vld [tilespmem:s8+$0x1A030]  }
0xed: {  	[tilespmem:s8+$0xE010] =	vst v3;
	v1 =	vadd.f32 v6, v0;
	v3 =	vld [tilespmem:s8+$0x8030]  }
0xee: {  	v6 =	vadd.f32 v7, v0;
	v7 =	vld [tilespmem:s8+$0xA030]  }
0xef: {  	[tilespmem:s8+$0x8020] =	vst v1;
	v1 =	vadd.f32 v2, v0;
	v8 =	vld [tilespmem:s8+$0xC030]  }
0xf0: {  	[tilespmem:s8+$0xA020] =	vst v6;
	v2 =	vadd.f32 v4, v0;
	v9 =	vld [tilespmem:s8+$0xE030]  }
.Ltmp1:
0xf1: {  	[tilespmem:s8+$0xC020] =	vst v1;
	v0 =	vld [tilespmem:s8+$0x1A040];
	(pc) =	sbr.rel @p0 .LBB2_4-.Ltmp1, $4  }
0xf2: {  	[tilespmem:s8+$0xE020] =	vst v2;
	v1 =	vadd.f32 v3, v5;
	v4 =	vld [tilespmem:s8+$0x8040]  }
0xf3: {  	v3 =	vadd.f32 v7, v5;
	v2 =	vld [tilespmem:s8+$0xA040]  }
0xf4: {  	[tilespmem:s8+$0x8030] =	vst v1;
	v6 =	vadd.f32 v8, v5;
	v1 =	vld [tilespmem:s8+$0xC040]  }
0xf5: {  	s11 =	sadd.s32 $0x400, s11;
	[tilespmem:s8+$0xA030] =	vst v3;
	v5 =	vadd.f32 v9, v5;
	v3 =	vld [tilespmem:s8+$0xE040]  }
0xf6: {  	v7 =	vld [tilespmem:s8+$0x1A050]  }
0xf7: {  	v8 =	vld [tilespmem:s8+$0x8050]  }
0xf8: {  	v9 =	vld [tilespmem:s8+$0xA050]  }
0xf9: {  	[tilespmem:s8+$0xC030] =	vst v6;
	v6 =	vld [tilespmem:s8+$0xC050];
	v4 =	vadd.f32 v4, v0  }
0xfa: {  	[tilespmem:s8+$0xE030] =	vst v5;
	v5 =	vld [tilespmem:s8+$0xE050];
	v2 =	vadd.f32 v2, v0  }
0xfb: {  	[tilespmem:s8+$0x8040] =	vst v4;
	v1 =	vadd.f32 v1, v0;
	v4 =	vld [tilespmem:s8+$0x1A060]  }
0xfc: {  	[tilespmem:s8+$0xA040] =	vst v2;
	v0 =	vadd.f32 v3, v0;
	v2 =	vld [tilespmem:s8+$0x8060]  }
0xfd: {  	v3 =	vld [tilespmem:s8+$0xA060];
	[tilespmem:s8+$0xC040] =	vst v1;
	v1 =	vadd.f32 v8, v7  }
0xfe: {  	v8 =	vld [tilespmem:s8+$0xC060];
	[tilespmem:s8+$0xE040] =	vst v0;
	v0 =	vadd.f32 v9, v7  }
0xff: {  	[tilespmem:s8+$0x8050] =	vst v1;
	v1 =	vadd.f32 v6, v7;
	v6 =	vld [tilespmem:s8+$0xE060]  }
0x100: {  	[tilespmem:s8+$0xA050] =	vst v0;
	v0 =	vadd.f32 v5, v7  }
0x101: {  	[tilespmem:s8+$0xC050] =	vst v1;
	v1 =	vadd.f32 v2, v4  }
0x102: {  	[tilespmem:s8+$0xE050] =	vst v0;
	v0 =	vadd.f32 v3, v4  }
0x103: {  	[tilespmem:s8+$0x8060] =	vst v1;
	v1 =	vadd.f32 v8, v4  }
0x104: {  	[tilespmem:s8+$0xA060] =	vst v0;
	v0 =	vadd.f32 v6, v4  }
0x105: {  	[tilespmem:s8+$0xC060] =	vst v1  }
0x106: {  	[tilespmem:s8+$0xE060] =	vst v0  }
0x107: {  	s8 =	rddreg [dreg:$0x9]  }
0x108: {  	[hbm4b:s8+s22] =	stream.strided.scatter [tilespmem:s25], [sflag:$0x5], $0x8000, s23, s22, $0x38;
	[tilespmem:$0x1E000] =	vst v63  }
0x109: {  	s9 =	simm.s32 $0x0;
	s12 =	rddreg [dreg:$0xa]  }
0x10a: {  	[tilespmem:s24], [sflag:$0x8] =	stream.linear.gather [hbm4b:s12+s9], $0x2000, $0x38;
	[tilespmem:$0x1E000] =	vst v63  }
0x10b: {  	_ =	swait.ge [sflag:s2], $0x8000  }
0x10c: {  	[sflag:s2] =	ssyncset.done $0x0  }
0x10d: {  	s13 =	rddreg [dreg:$0xb];
	[sflag:s2] =	ssyncadd.s32 $0xFFFF8000  }
0x10e: {  	[tilespmem:s9], [sflag:$0x1] =	stream.strided.gather [hbm4b:s13+s22], $0x8000, s23, s22, $0x38;
	[tilespmem:$0x1E000] =	vst v63  }
0x10f: {  	_ =	swait.ge [sflag:s3], $0x2000  }
0x110: {  	[sflag:s3] =	ssyncset.done $0x0  }
0x111: {  	[sflag:s3] =	ssyncadd.s32 $0xFFFFE000  }
0x112: {  	s14 =	sand.u32 $0x1C00, s9;
	_ =	swait.ge [sflag:s4], $0x8000  }
0x113: {  	s10 =	sor.u32 s14, s9;
	[sflag:s4] =	ssyncset.done $0x0  }
0x114: {  	s10 =	sor.u32 $0x70, s10;
	[sflag:s4] =	ssyncadd.s32 $0xFFFF8000  }
0x115: {  	v0 =	vld [tilespmem:s10+$0x1C000]  }
0x116: {  	v1 =	vld [tilespmem:s10+$0x10000];
	_ =	sdelay $0x1  }
0x117: {  	s11 =	sand.u32 $0x380, s9  }
0x118: {  	s8 =	sor.u32 s11, s14  }
0x119: {  	v4 =	vld [tilespmem:s8+$0x1C000]  }
0x11a: {  	v5 =	vld [tilespmem:s8+$0x10000];
	v1 =	vadd.f32 v1, v0  }
0x11b: {  	v6 =	vld [tilespmem:s8+$0x12000]  }
0x11c: {  	v7 =	vld [tilespmem:s8+$0x14000];
	[tilespmem:s10+$0x10000] =	vst v1  }
0x11d: {  	v1 =	vld [tilespmem:s8+$0x16070]  }
0x11e: {  	v2 =	vld [tilespmem:s8+$0x12070]  }
0x11f: {  	v3 =	vld [tilespmem:s8+$0x14070]  }
0x120: {  	v8 =	vld [tilespmem:s8+$0x16000]  }
0x121: {  	v62 =	vld [tilespmem:s8+$0x1C010]  }
0x122: {  	v10 =	vld [tilespmem:s8+$0x10010];
	v1 =	vadd.f32 v1, v0  }
0x123: {  	v11 =	vld [tilespmem:s8+$0x12010];
	v2 =	vadd.f32 v2, v0  }
0x124: {  	v63 =	vld [tilespmem:s8+$0x1C030];
	v0 =	vadd.f32 v3, v0;
	[tilespmem:s8+$0x16070] =	vst v1  }
0x125: {  	v3 =	vld [tilespmem:s8+$0x16010];
	[tilespmem:s8+$0x12070] =	vst v2;
	v2 =	vadd.f32 v5, v4  }
0x126: {  	v1 =	vld [tilespmem:s8+$0x14010];
	[tilespmem:s8+$0x14070] =	vst v0;
	v0 =	vadd.f32 v6, v4  }
0x127: {  	v5 =	vld [tilespmem:s8+$0x1C020];
	[tilespmem:s8+$0x10000] =	vst v2;
	v2 =	vadd.f32 v7, v4  }
0x128: {  	v6 =	vld [tilespmem:s8+$0x10020];
	[tilespmem:s8+$0x12000] =	vst v0;
	v0 =	vadd.f32 v8, v4  }
0x129: {  	v4 =	vld [tilespmem:s8+$0x12020];
	[tilespmem:s8+$0x14000] =	vst v2;
	v2 =	vadd.f32 v10, v62  }
0x12a: {  	v7 =	vld [tilespmem:s8+$0x14020];
	[tilespmem:s8+$0x16000] =	vst v0;
	v0 =	vadd.f32 v11, v62  }
0x12b: {  	v8 =	vld [tilespmem:s8+$0x16020];
	v1 =	vadd.f32 v1, v62;
	[tilespmem:s8+$0x10010] =	vst v2  }
0x12c: {  	[tilespmem:s8+$0x12010] =	vst v0;
	v0 =	vadd.f32 v3, v62;
	v2 =	vld [tilespmem:s8+$0x10030]  }
0x12d: {  	v3 =	vld [tilespmem:s8+$0x12030];
	[tilespmem:s8+$0x14010] =	vst v1;
	v1 =	vadd.f32 v6, v5  }
0x12e: {  	v6 =	vld [tilespmem:s8+$0x14030];
	[tilespmem:s8+$0x16010] =	vst v0;
	v0 =	vadd.f32 v4, v5  }
0x12f: {  	[tilespmem:s8+$0x10020] =	vst v1;
	v1 =	vadd.f32 v7, v5;
	v7 =	vld [tilespmem:s8+$0x16030]  }
0x130: {  	v4 =	vld [tilespmem:s8+$0x10040];
	v5 =	vadd.f32 v8, v5;
	[tilespmem:s8+$0x12020] =	vst v0  }
0x131: {  	v0 =	vld [tilespmem:s8+$0x1C040];
	[tilespmem:s8+$0x14020] =	vst v1;
	v1 =	vadd.f32 v2, v63  }
0x132: {  	[tilespmem:s8+$0x16020] =	vst v5;
	v3 =	vadd.f32 v3, v63;
	v2 =	vld [tilespmem:s8+$0x12040]  }
0x133: {  	v6 =	vadd.f32 v6, v63;
	[tilespmem:s8+$0x10030] =	vst v1;
	v1 =	vld [tilespmem:s8+$0x14040]  }
0x134: {  	s11 =	simm.s32 $0x400;
	s10 =	simm.s32 $0x0;
	[tilespmem:s8+$0x12030] =	vst v3;
	v3 =	vld [tilespmem:s8+$0x16040];
	v5 =	vadd.f32 v7, v63  }
.LBB2_6:
0x135: {  	s12 =	sand.u32 $0x1C00, s11;
	[tilespmem:s8+$0x14030] =	vst v6;
	v6 =	vld [tilespmem:s8+$0x1C050];
	s9 =	sadd.s32 $0x10, s9  }
0x136: {  	s10 =	sadd.s32 $0x8, s10;
	s13 =	sor.u32 s12, s9;
	[tilespmem:s8+$0x16030] =	vst v5;
	v4 =	vadd.f32 v4, v0;
	v5 =	vld [tilespmem:s8+$0x10050]  }
0x137: {  	p0 =	slt.u32 s10, $0x1F8;
	s13 =	sor.u32 $0x70, s13;
	v2 =	vadd.f32 v2, v0;
	v7 =	vld [tilespmem:s8+$0x12050]  }
0x138: {  	v8 =	vld [tilespmem:s13+$0x1C000];
	[tilespmem:s8+$0x10040] =	vst v4;
	v1 =	vadd.f32 v1, v0  }
0x139: {  	v4 =	vld [tilespmem:s13+$0x10000];
	[tilespmem:s8+$0x12040] =	vst v2;
	v0 =	vadd.f32 v3, v0  }
0x13a: {  	[tilespmem:s8+$0x14040] =	vst v1;
	v1 =	vld [tilespmem:s8+$0x14050]  }
0x13b: {  	[tilespmem:s8+$0x16040] =	vst v0;
	v0 =	vadd.f32 v5, v6;
	v2 =	vld [tilespmem:s8+$0x16050]  }
0x13c: {  	v3 =	vadd.f32 v7, v6;
	v5 =	vld [tilespmem:s8+$0x1C060]  }
0x13d: {  	[tilespmem:s8+$0x10050] =	vst v0;
	v0 =	vld [tilespmem:s8+$0x10060]  }
0x13e: {  	v4 =	vadd.f32 v4, v8;
	[tilespmem:s8+$0x12050] =	vst v3;
	v3 =	vld [tilespmem:s8+$0x12060]  }
0x13f: {  	s14 =	sand.u32 $0x380, s9;
	v1 =	vadd.f32 v1, v6;
	v7 =	vld [tilespmem:s8+$0x14060]  }
0x140: {  	s12 =	sor.u32 s14, s12;
	[tilespmem:s13+$0x10000] =	vst v4;
	v2 =	vadd.f32 v2, v6;
	v4 =	vld [tilespmem:s8+$0x16060]  }
0x141: {  	v6 =	vld [tilespmem:s12+$0x16070];
	[tilespmem:s8+$0x14050] =	vst v1  }
0x142: {  	v1 =	vld [tilespmem:s12+$0x12070];
	[tilespmem:s8+$0x16050] =	vst v2;
	v0 =	vadd.f32 v0, v5  }
0x143: {  	v2 =	vld [tilespmem:s12+$0x14070];
	v3 =	vadd.f32 v3, v5  }
0x144: {  	v9 =	vld [tilespmem:s12+$0x1C000];
	[tilespmem:s8+$0x10060] =	vst v0;
	v0 =	vadd.f32 v7, v5  }
0x145: {  	v7 =	vld [tilespmem:s12+$0x10000];
	[tilespmem:s8+$0x12060] =	vst v3;
	v3 =	vadd.f32 v4, v5  }
0x146: {  	v4 =	vld [tilespmem:s12+$0x12000];
	v5 =	vadd.f32 v6, v8;
	[tilespmem:s8+$0x14060] =	vst v0  }
0x147: {  	v0 =	vld [tilespmem:s12+$0x14000];
	v1 =	vadd.f32 v1, v8;
	[tilespmem:s8+$0x16060] =	vst v3;
	s8 =	smov.u32 s12  }
0x148: {  	v3 =	vld [tilespmem:s8+$0x16000];
	v2 =	vadd.f32 v2, v8;
	[tilespmem:s8+$0x16070] =	vst v5  }
0x149: {  	v5 =	vld [tilespmem:s8+$0x1C010];
	[tilespmem:s8+$0x12070] =	vst v1  }
0x14a: {  	v1 =	vadd.f32 v7, v9;
	v6 =	vld [tilespmem:s8+$0x10010];
	[tilespmem:s8+$0x14070] =	vst v2  }
0x14b: {  	v2 =	vadd.f32 v4, v9;
	v4 =	vld [tilespmem:s8+$0x12010]  }
0x14c: {  	[tilespmem:s8+$0x10000] =	vst v1;
	v0 =	vadd.f32 v0, v9;
	v1 =	vld [tilespmem:s8+$0x14010]  }
0x14d: {  	[tilespmem:s8+$0x12000] =	vst v2;
	v2 =	vadd.f32 v3, v9;
	v3 =	vld [tilespmem:s8+$0x16010]  }
0x14e: {  	[tilespmem:s8+$0x14000] =	vst v0;
	v0 =	vld [tilespmem:s8+$0x1C020]  }
0x14f: {  	[tilespmem:s8+$0x16000] =	vst v2;
	v2 =	vadd.f32 v6, v5;
	v6 =	vld [tilespmem:s8+$0x10020]  }
0x150: {  	v4 =	vadd.f32 v4, v5;
	v7 =	vld [tilespmem:s8+$0x12020]  }
0x151: {  	[tilespmem:s8+$0x10010] =	vst v2;
	v1 =	vadd.f32 v1, v5;
	v2 =	vld [tilespmem:s8+$0x14020]  }
0x152: {  	[tilespmem:s8+$0x12010] =	vst v4;
	v3 =	vadd.f32 v3, v5;
	v4 =	vld [tilespmem:s8+$0x16020]  }
0x153: {  	[tilespmem:s8+$0x14010] =	vst v1;
	v5 =	vld [tilespmem:s8+$0x1C030]  }
0x154: {  	[tilespmem:s8+$0x16010] =	vst v3;
	v1 =	vadd.f32 v6, v0;
	v3 =	vld [tilespmem:s8+$0x10030]  }
0x155: {  	v6 =	vadd.f32 v7, v0;
	v7 =	vld [tilespmem:s8+$0x12030]  }
0x156: {  	[tilespmem:s8+$0x10020] =	vst v1;
	v1 =	vadd.f32 v2, v0;
	v8 =	vld [tilespmem:s8+$0x14030]  }
0x157: {  	[tilespmem:s8+$0x12020] =	vst v6;
	v2 =	vadd.f32 v4, v0;
	v9 =	vld [tilespmem:s8+$0x16030]  }
.Ltmp2:
0x158: {  	[tilespmem:s8+$0x14020] =	vst v1;
	v0 =	vld [tilespmem:s8+$0x1C040];
	(pc) =	sbr.rel @p0 .LBB2_6-.Ltmp2, $4  }
0x159: {  	[tilespmem:s8+$0x16020] =	vst v2;
	v1 =	vadd.f32 v3, v5;
	v4 =	vld [tilespmem:s8+$0x10040]  }
0x15a: {  	v3 =	vadd.f32 v7, v5;
	v2 =	vld [tilespmem:s8+$0x12040]  }
0x15b: {  	[tilespmem:s8+$0x10030] =	vst v1;
	v6 =	vadd.f32 v8, v5;
	v1 =	vld [tilespmem:s8+$0x14040]  }
0x15c: {  	s11 =	sadd.s32 $0x400, s11;
	[tilespmem:s8+$0x12030] =	vst v3;
	v5 =	vadd.f32 v9, v5;
	v3 =	vld [tilespmem:s8+$0x16040]  }
0x15d: {  	v7 =	vld [tilespmem:s8+$0x1C050]  }
0x15e: {  	v8 =	vld [tilespmem:s8+$0x10050]  }
0x15f: {  	v9 =	vld [tilespmem:s8+$0x12050]  }
0x160: {  	[tilespmem:s8+$0x14030] =	vst v6;
	v6 =	vld [tilespmem:s8+$0x14050];
	v4 =	vadd.f32 v4, v0  }
0x161: {  	[tilespmem:s8+$0x16030] =	vst v5;
	v5 =	vld [tilespmem:s8+$0x16050];
	v2 =	vadd.f32 v2, v0  }
0x162: {  	[tilespmem:s8+$0x10040] =	vst v4;
	v1 =	vadd.f32 v1, v0;
	v4 =	vld [tilespmem:s8+$0x1C060]  }
0x163: {  	[tilespmem:s8+$0x12040] =	vst v2;
	v0 =	vadd.f32 v3, v0;
	v2 =	vld [tilespmem:s8+$0x10060]  }
0x164: {  	v3 =	vld [tilespmem:s8+$0x12060];
	[tilespmem:s8+$0x14040] =	vst v1;
	v1 =	vadd.f32 v8, v7  }
0x165: {  	v8 =	vld [tilespmem:s8+$0x14060];
	[tilespmem:s8+$0x16040] =	vst v0;
	v0 =	vadd.f32 v9, v7  }
0x166: {  	[tilespmem:s8+$0x10050] =	vst v1;
	v1 =	vadd.f32 v6, v7;
	v6 =	vld [tilespmem:s8+$0x16060]  }
0x167: {  	[tilespmem:s8+$0x12050] =	vst v0;
	v0 =	vadd.f32 v5, v7  }
0x168: {  	[tilespmem:s8+$0x14050] =	vst v1;
	v1 =	vadd.f32 v2, v4  }
0x169: {  	[tilespmem:s8+$0x16050] =	vst v0;
	v0 =	vadd.f32 v3, v4  }
0x16a: {  	[tilespmem:s8+$0x10060] =	vst v1;
	v1 =	vadd.f32 v8, v4  }
0x16b: {  	[tilespmem:s8+$0x12060] =	vst v0;
	v0 =	vadd.f32 v6, v4  }
0x16c: {  	[tilespmem:s8+$0x14060] =	vst v1  }
0x16d: {  	[tilespmem:s8+$0x16060] =	vst v0  }
0x16e: {  	s8 =	rddreg [dreg:$0xc]  }
0x16f: {  	[hbm4b:s8+s22] =	stream.strided.scatter [tilespmem:s28], [sflag:$0x6], $0x8000, s23, s22, $0x38;
	[tilespmem:$0x1E000] =	vst v63  }
0x170: {  	s9 =	simm.s32 $0x0;
	s12 =	rddreg [dreg:$0xd]  }
0x171: {  	[tilespmem:s26], [sflag:$0x9] =	stream.linear.gather [hbm4b:s12+s9], $0x2000, $0x38;
	[tilespmem:$0x1E000] =	vst v63  }
0x172: {  	_ =	swait.ge [sflag:s5], $0x8000  }
0x173: {  	[sflag:s5] =	ssyncset.done $0x0  }
0x174: {  	s13 =	rddreg [dreg:$0xe];
	[sflag:s5] =	ssyncadd.s32 $0xFFFF8000  }
0x175: {  	[tilespmem:s25], [sflag:$0x2] =	stream.strided.gather [hbm4b:s13+s22], $0x8000, s23, s22, $0x38;
	[tilespmem:$0x1E000] =	vst v63  }
0x176: {  	_ =	swait.ge [sflag:s29], $0x2000  }
0x177: {  	[sflag:s29] =	ssyncset.done $0x0  }
0x178: {  	[sflag:s29] =	ssyncadd.s32 $0xFFFFE000  }
0x179: {  	s14 =	sand.u32 $0x1C00, s9;
	_ =	swait.ge [sflag:s30], $0x8000  }
0x17a: {  	s10 =	sor.u32 s14, s9;
	[sflag:s30] =	ssyncset.done $0x0  }
0x17b: {  	s10 =	sor.u32 $0x70, s10;
	[sflag:s30] =	ssyncadd.s32 $0xFFFF8000  }
0x17c: {  	v0 =	vld [tilespmem:s10+$0x18000]  }
0x17d: {  	v1 =	vld [tilespmem:s10+$0x0];
	_ =	sdelay $0x1  }
0x17e: {  	s11 =	sand.u32 $0x380, s9  }
0x17f: {  	s8 =	sor.u32 s11, s14  }
0x180: {  	v4 =	vld [tilespmem:s8+$0x18000]  }
0x181: {  	v5 =	vld [tilespmem:s8+$0x0];
	v1 =	vadd.f32 v1, v0  }
0x182: {  	v6 =	vld [tilespmem:s8+$0x2000]  }
0x183: {  	v7 =	vld [tilespmem:s8+$0x4000];
	[tilespmem:s10+$0x0] =	vst v1  }
0x184: {  	v1 =	vld [tilespmem:s8+$0x6070]  }
0x185: {  	v2 =	vld [tilespmem:s8+$0x2070]  }
0x186: {  	v3 =	vld [tilespmem:s8+$0x4070]  }
0x187: {  	v8 =	vld [tilespmem:s8+$0x6000]  }
0x188: {  	v62 =	vld [tilespmem:s8+$0x18010]  }
0x189: {  	v10 =	vld [tilespmem:s8+$0x10];
	v1 =	vadd.f32 v1, v0  }
0x18a: {  	v11 =	vld [tilespmem:s8+$0x2010];
	v2 =	vadd.f32 v2, v0  }
0x18b: {  	v63 =	vld [tilespmem:s8+$0x18030];
	v0 =	vadd.f32 v3, v0;
	[tilespmem:s8+$0x6070] =	vst v1  }
0x18c: {  	v3 =	vld [tilespmem:s8+$0x6010];
	[tilespmem:s8+$0x2070] =	vst v2;
	v2 =	vadd.f32 v5, v4  }
0x18d: {  	v1 =	vld [tilespmem:s8+$0x4010];
	[tilespmem:s8+$0x4070] =	vst v0;
	v0 =	vadd.f32 v6, v4  }
0x18e: {  	v5 =	vld [tilespmem:s8+$0x18020];
	[tilespmem:s8+$0x0] =	vst v2;
	v2 =	vadd.f32 v7, v4  }
0x18f: {  	v6 =	vld [tilespmem:s8+$0x20];
	[tilespmem:s8+$0x2000] =	vst v0;
	v0 =	vadd.f32 v8, v4  }
0x190: {  	v4 =	vld [tilespmem:s8+$0x2020];
	[tilespmem:s8+$0x4000] =	vst v2;
	v2 =	vadd.f32 v10, v62  }
0x191: {  	v7 =	vld [tilespmem:s8+$0x4020];
	[tilespmem:s8+$0x6000] =	vst v0;
	v0 =	vadd.f32 v11, v62  }
0x192: {  	v8 =	vld [tilespmem:s8+$0x6020];
	v1 =	vadd.f32 v1, v62;
	[tilespmem:s8+$0x10] =	vst v2  }
0x193: {  	[tilespmem:s8+$0x2010] =	vst v0;
	v0 =	vadd.f32 v3, v62;
	v2 =	vld [tilespmem:s8+$0x30]  }
0x194: {  	v3 =	vld [tilespmem:s8+$0x2030];
	[tilespmem:s8+$0x4010] =	vst v1;
	v1 =	vadd.f32 v6, v5  }
0x195: {  	v6 =	vld [tilespmem:s8+$0x4030];
	[tilespmem:s8+$0x6010] =	vst v0;
	v0 =	vadd.f32 v4, v5  }
0x196: {  	[tilespmem:s8+$0x20] =	vst v1;
	v1 =	vadd.f32 v7, v5;
	v7 =	vld [tilespmem:s8+$0x6030]  }
0x197: {  	v4 =	vld [tilespmem:s8+$0x40];
	v5 =	vadd.f32 v8, v5;
	[tilespmem:s8+$0x2020] =	vst v0  }
0x198: {  	v0 =	vld [tilespmem:s8+$0x18040];
	[tilespmem:s8+$0x4020] =	vst v1;
	v1 =	vadd.f32 v2, v63  }
0x199: {  	[tilespmem:s8+$0x6020] =	vst v5;
	v3 =	vadd.f32 v3, v63;
	v2 =	vld [tilespmem:s8+$0x2040]  }
0x19a: {  	v6 =	vadd.f32 v6, v63;
	[tilespmem:s8+$0x30] =	vst v1;
	v1 =	vld [tilespmem:s8+$0x4040]  }
0x19b: {  	s11 =	simm.s32 $0x400;
	s10 =	simm.s32 $0x0;
	[tilespmem:s8+$0x2030] =	vst v3;
	v3 =	vld [tilespmem:s8+$0x6040];
	v5 =	vadd.f32 v7, v63  }
.LBB2_8:
0x19c: {  	s12 =	sand.u32 $0x1C00, s11;
	[tilespmem:s8+$0x4030] =	vst v6;
	v6 =	vld [tilespmem:s8+$0x18050];
	s9 =	sadd.s32 $0x10, s9  }
0x19d: {  	s10 =	sadd.s32 $0x8, s10;
	s13 =	sor.u32 s12, s9;
	[tilespmem:s8+$0x6030] =	vst v5;
	v4 =	vadd.f32 v4, v0;
	v5 =	vld [tilespmem:s8+$0x50]  }
0x19e: {  	p0 =	slt.u32 s10, $0x1F8;
	s13 =	sor.u32 $0x70, s13;
	v2 =	vadd.f32 v2, v0;
	v7 =	vld [tilespmem:s8+$0x2050]  }
0x19f: {  	v8 =	vld [tilespmem:s13+$0x18000];
	[tilespmem:s8+$0x40] =	vst v4;
	v1 =	vadd.f32 v1, v0  }
0x1a0: {  	v4 =	vld [tilespmem:s13+$0x0];
	[tilespmem:s8+$0x2040] =	vst v2;
	v0 =	vadd.f32 v3, v0  }
0x1a1: {  	[tilespmem:s8+$0x4040] =	vst v1;
	v1 =	vld [tilespmem:s8+$0x4050]  }
0x1a2: {  	[tilespmem:s8+$0x6040] =	vst v0;
	v0 =	vadd.f32 v5, v6;
	v2 =	vld [tilespmem:s8+$0x6050]  }
0x1a3: {  	v3 =	vadd.f32 v7, v6;
	v5 =	vld [tilespmem:s8+$0x18060]  }
0x1a4: {  	[tilespmem:s8+$0x50] =	vst v0;
	v0 =	vld [tilespmem:s8+$0x60]  }
0x1a5: {  	v4 =	vadd.f32 v4, v8;
	[tilespmem:s8+$0x2050] =	vst v3;
	v3 =	vld [tilespmem:s8+$0x2060]  }
0x1a6: {  	s14 =	sand.u32 $0x380, s9;
	v1 =	vadd.f32 v1, v6;
	v7 =	vld [tilespmem:s8+$0x4060]  }
0x1a7: {  	s12 =	sor.u32 s14, s12;
	[tilespmem:s13+$0x0] =	vst v4;
	v2 =	vadd.f32 v2, v6;
	v4 =	vld [tilespmem:s8+$0x6060]  }
0x1a8: {  	v6 =	vld [tilespmem:s12+$0x6070];
	[tilespmem:s8+$0x4050] =	vst v1  }
0x1a9: {  	v1 =	vld [tilespmem:s12+$0x2070];
	[tilespmem:s8+$0x6050] =	vst v2;
	v0 =	vadd.f32 v0, v5  }
0x1aa: {  	v2 =	vld [tilespmem:s12+$0x4070];
	v3 =	vadd.f32 v3, v5  }
0x1ab: {  	v9 =	vld [tilespmem:s12+$0x18000];
	[tilespmem:s8+$0x60] =	vst v0;
	v0 =	vadd.f32 v7, v5  }
0x1ac: {  	v7 =	vld [tilespmem:s12+$0x0];
	[tilespmem:s8+$0x2060] =	vst v3;
	v3 =	vadd.f32 v4, v5  }
0x1ad: {  	v4 =	vld [tilespmem:s12+$0x2000];
	v5 =	vadd.f32 v6, v8;
	[tilespmem:s8+$0x4060] =	vst v0  }
0x1ae: {  	v0 =	vld [tilespmem:s12+$0x4000];
	v1 =	vadd.f32 v1, v8;
	[tilespmem:s8+$0x6060] =	vst v3;
	s8 =	smov.u32 s12  }
0x1af: {  	v3 =	vld [tilespmem:s8+$0x6000];
	v2 =	vadd.f32 v2, v8;
	[tilespmem:s8+$0x6070] =	vst v5  }
0x1b0: {  	v5 =	vld [tilespmem:s8+$0x18010];
	[tilespmem:s8+$0x2070] =	vst v1  }
0x1b1: {  	v1 =	vadd.f32 v7, v9;
	v6 =	vld [tilespmem:s8+$0x10];
	[tilespmem:s8+$0x4070] =	vst v2  }
0x1b2: {  	v2 =	vadd.f32 v4, v9;
	v4 =	vld [tilespmem:s8+$0x2010]  }
0x1b3: {  	[tilespmem:s8+$0x0] =	vst v1;
	v0 =	vadd.f32 v0, v9;
	v1 =	vld [tilespmem:s8+$0x4010]  }
0x1b4: {  	[tilespmem:s8+$0x2000] =	vst v2;
	v2 =	vadd.f32 v3, v9;
	v3 =	vld [tilespmem:s8+$0x6010]  }
0x1b5: {  	[tilespmem:s8+$0x4000] =	vst v0;
	v0 =	vld [tilespmem:s8+$0x18020]  }
0x1b6: {  	[tilespmem:s8+$0x6000] =	vst v2;
	v2 =	vadd.f32 v6, v5;
	v6 =	vld [tilespmem:s8+$0x20]  }
0x1b7: {  	v4 =	vadd.f32 v4, v5;
	v7 =	vld [tilespmem:s8+$0x2020]  }
0x1b8: {  	[tilespmem:s8+$0x10] =	vst v2;
	v1 =	vadd.f32 v1, v5;
	v2 =	vld [tilespmem:s8+$0x4020]  }
0x1b9: {  	[tilespmem:s8+$0x2010] =	vst v4;
	v3 =	vadd.f32 v3, v5;
	v4 =	vld [tilespmem:s8+$0x6020]  }
0x1ba: {  	[tilespmem:s8+$0x4010] =	vst v1;
	v5 =	vld [tilespmem:s8+$0x18030]  }
0x1bb: {  	[tilespmem:s8+$0x6010] =	vst v3;
	v1 =	vadd.f32 v6, v0;
	v3 =	vld [tilespmem:s8+$0x30]  }
0x1bc: {  	v6 =	vadd.f32 v7, v0;
	v7 =	vld [tilespmem:s8+$0x2030]  }
0x1bd: {  	[tilespmem:s8+$0x20] =	vst v1;
	v1 =	vadd.f32 v2, v0;
	v8 =	vld [tilespmem:s8+$0x4030]  }
0x1be: {  	[tilespmem:s8+$0x2020] =	vst v6;
	v2 =	vadd.f32 v4, v0;
	v9 =	vld [tilespmem:s8+$0x6030]  }
.Ltmp3:
0x1bf: {  	[tilespmem:s8+$0x4020] =	vst v1;
	v0 =	vld [tilespmem:s8+$0x18040];
	(pc) =	sbr.rel @p0 .LBB2_8-.Ltmp3, $4  }
0x1c0: {  	[tilespmem:s8+$0x6020] =	vst v2;
	v1 =	vadd.f32 v3, v5;
	v4 =	vld [tilespmem:s8+$0x40]  }
0x1c1: {  	v3 =	vadd.f32 v7, v5;
	v2 =	vld [tilespmem:s8+$0x2040]  }
0x1c2: {  	[tilespmem:s8+$0x30] =	vst v1;
	v6 =	vadd.f32 v8, v5;
	v1 =	vld [tilespmem:s8+$0x4040]  }
0x1c3: {  	s11 =	sadd.s32 $0x400, s11;
	[tilespmem:s8+$0x2030] =	vst v3;
	v5 =	vadd.f32 v9, v5;
	v3 =	vld [tilespmem:s8+$0x6040]  }
0x1c4: {  	v7 =	vld [tilespmem:s8+$0x18050]  }
0x1c5: {  	v8 =	vld [tilespmem:s8+$0x50]  }
0x1c6: {  	v9 =	vld [tilespmem:s8+$0x2050]  }
0x1c7: {  	[tilespmem:s8+$0x4030] =	vst v6;
	v6 =	vld [tilespmem:s8+$0x4050];
	v4 =	vadd.f32 v4, v0  }
0x1c8: {  	[tilespmem:s8+$0x6030] =	vst v5;
	v5 =	vld [tilespmem:s8+$0x6050];
	v2 =	vadd.f32 v2, v0  }
0x1c9: {  	[tilespmem:s8+$0x40] =	vst v4;
	v1 =	vadd.f32 v1, v0;
	v4 =	vld [tilespmem:s8+$0x18060]  }
0x1ca: {  	[tilespmem:s8+$0x2040] =	vst v2;
	v0 =	vadd.f32 v3, v0;
	v2 =	vld [tilespmem:s8+$0x60]  }
0x1cb: {  	v3 =	vld [tilespmem:s8+$0x2060];
	[tilespmem:s8+$0x4040] =	vst v1;
	v1 =	vadd.f32 v8, v7  }
0x1cc: {  	v8 =	vld [tilespmem:s8+$0x4060];
	[tilespmem:s8+$0x6040] =	vst v0;
	v0 =	vadd.f32 v9, v7  }
0x1cd: {  	[tilespmem:s8+$0x50] =	vst v1;
	v1 =	vadd.f32 v6, v7;
	v6 =	vld [tilespmem:s8+$0x6060]  }
0x1ce: {  	[tilespmem:s8+$0x2050] =	vst v0;
	v0 =	vadd.f32 v5, v7  }
0x1cf: {  	[tilespmem:s8+$0x4050] =	vst v1;
	v1 =	vadd.f32 v2, v4  }
0x1d0: {  	[tilespmem:s8+$0x6050] =	vst v0;
	v0 =	vadd.f32 v3, v4  }
0x1d1: {  	[tilespmem:s8+$0x60] =	vst v1;
	v1 =	vadd.f32 v8, v4  }
0x1d2: {  	[tilespmem:s8+$0x2060] =	vst v0;
	v0 =	vadd.f32 v6, v4  }
0x1d3: {  	[tilespmem:s8+$0x4060] =	vst v1  }
0x1d4: {  	[tilespmem:s8+$0x6060] =	vst v0  }
0x1d5: {  	s9 =	simm.s32 $0x0;
	s8 =	rddreg [dreg:$0xf]  }
0x1d6: {  	[hbm4b:s8+s22] =	stream.strided.scatter [tilespmem:s9], [sflag:$0x4], $0x8000, s23, s22, $0x38;
	[tilespmem:$0x1E000] =	vst v63  }
0x1d7: {  	s12 =	rddreg [dreg:$0x10]  }
0x1d8: {  	[tilespmem:s21], [sflag:$0x7] =	stream.linear.gather [hbm4b:s12+s9], $0x2000, $0x38;
	[tilespmem:$0x1E000] =	vst v63  }
0x1d9: {  	_ =	swait.ge [sflag:s6], $0x8000  }
0x1da: {  	[sflag:s6] =	ssyncset.done $0x0  }
0x1db: {  	s13 =	rddreg [dreg:$0x11];
	[sflag:s6] =	ssyncadd.s32 $0xFFFF8000  }
0x1dc: {  	[tilespmem:s28], [sflag:$0x3] =	stream.strided.gather [hbm4b:s13+s22], $0x8000, s23, s22, $0x38;
	[tilespmem:$0x1E000] =	vst v63  }
0x1dd: {  	_ =	swait.ge [sflag:s31], $0x2000  }
0x1de: {  	[sflag:s31] =	ssyncset.done $0x0  }
0x1df: {  	[sflag:s31] =	ssyncadd.s32 $0xFFFFE000  }
0x1e0: {  	s14 =	sand.u32 $0x1C00, s9;
	_ =	swait.ge [sflag:s0], $0x8000  }
0x1e1: {  	s10 =	sor.u32 s14, s9;
	[sflag:s0] =	ssyncset.done $0x0  }
0x1e2: {  	s10 =	sor.u32 $0x70, s10;
	[sflag:s0] =	ssyncadd.s32 $0xFFFF8000  }
0x1e3: {  	v0 =	vld [tilespmem:s10+$0x1A000]  }
0x1e4: {  	v1 =	vld [tilespmem:s10+$0x8000];
	_ =	sdelay $0x1  }
0x1e5: {  	s11 =	sand.u32 $0x380, s9  }
0x1e6: {  	s8 =	sor.u32 s11, s14  }
0x1e7: {  	v4 =	vld [tilespmem:s8+$0x1A000]  }
0x1e8: {  	v5 =	vld [tilespmem:s8+$0x8000];
	v1 =	vadd.f32 v1, v0  }
0x1e9: {  	v6 =	vld [tilespmem:s8+$0xA000]  }
0x1ea: {  	v7 =	vld [tilespmem:s8+$0xC000];
	[tilespmem:s10+$0x8000] =	vst v1  }
0x1eb: {  	v1 =	vld [tilespmem:s8+$0xE070]  }
0x1ec: {  	v2 =	vld [tilespmem:s8+$0xA070]  }
0x1ed: {  	v3 =	vld [tilespmem:s8+$0xC070]  }
0x1ee: {  	v8 =	vld [tilespmem:s8+$0xE000]  }
0x1ef: {  	v62 =	vld [tilespmem:s8+$0x1A010]  }
0x1f0: {  	v10 =	vld [tilespmem:s8+$0x8010];
	v1 =	vadd.f32 v1, v0  }
0x1f1: {  	v11 =	vld [tilespmem:s8+$0xA010];
	v2 =	vadd.f32 v2, v0  }
0x1f2: {  	v63 =	vld [tilespmem:s8+$0x1A030];
	v0 =	vadd.f32 v3, v0;
	[tilespmem:s8+$0xE070] =	vst v1  }
0x1f3: {  	v3 =	vld [tilespmem:s8+$0xE010];
	[tilespmem:s8+$0xA070] =	vst v2;
	v2 =	vadd.f32 v5, v4  }
0x1f4: {  	v1 =	vld [tilespmem:s8+$0xC010];
	[tilespmem:s8+$0xC070] =	vst v0;
	v0 =	vadd.f32 v6, v4  }
0x1f5: {  	v5 =	vld [tilespmem:s8+$0x1A020];
	[tilespmem:s8+$0x8000] =	vst v2;
	v2 =	vadd.f32 v7, v4  }
0x1f6: {  	v6 =	vld [tilespmem:s8+$0x8020];
	[tilespmem:s8+$0xA000] =	vst v0;
	v0 =	vadd.f32 v8, v4  }
0x1f7: {  	v4 =	vld [tilespmem:s8+$0xA020];
	[tilespmem:s8+$0xC000] =	vst v2;
	v2 =	vadd.f32 v10, v62  }
0x1f8: {  	v7 =	vld [tilespmem:s8+$0xC020];
	[tilespmem:s8+$0xE000] =	vst v0;
	v0 =	vadd.f32 v11, v62  }
0x1f9: {  	v8 =	vld [tilespmem:s8+$0xE020];
	v1 =	vadd.f32 v1, v62;
	[tilespmem:s8+$0x8010] =	vst v2  }
0x1fa: {  	[tilespmem:s8+$0xA010] =	vst v0;
	v0 =	vadd.f32 v3, v62;
	v2 =	vld [tilespmem:s8+$0x8030]  }
0x1fb: {  	v3 =	vld [tilespmem:s8+$0xA030];
	[tilespmem:s8+$0xC010] =	vst v1;
	v1 =	vadd.f32 v6, v5  }
0x1fc: {  	v6 =	vld [tilespmem:s8+$0xC030];
	[tilespmem:s8+$0xE010] =	vst v0;
	v0 =	vadd.f32 v4, v5  }
0x1fd: {  	[tilespmem:s8+$0x8020] =	vst v1;
	v1 =	vadd.f32 v7, v5;
	v7 =	vld [tilespmem:s8+$0xE030]  }
0x1fe: {  	v4 =	vld [tilespmem:s8+$0x8040];
	v5 =	vadd.f32 v8, v5;
	[tilespmem:s8+$0xA020] =	vst v0  }
0x1ff: {  	v0 =	vld [tilespmem:s8+$0x1A040];
	[tilespmem:s8+$0xC020] =	vst v1;
	v1 =	vadd.f32 v2, v63  }
0x200: {  	[tilespmem:s8+$0xE020] =	vst v5;
	v3 =	vadd.f32 v3, v63;
	v2 =	vld [tilespmem:s8+$0xA040]  }
0x201: {  	v6 =	vadd.f32 v6, v63;
	[tilespmem:s8+$0x8030] =	vst v1;
	v1 =	vld [tilespmem:s8+$0xC040]  }
0x202: {  	s11 =	simm.s32 $0x400;
	s10 =	simm.s32 $0x0;
	[tilespmem:s8+$0xA030] =	vst v3;
	v3 =	vld [tilespmem:s8+$0xE040];
	v5 =	vadd.f32 v7, v63  }
.LBB2_10:
0x203: {  	s12 =	sand.u32 $0x1C00, s11;
	[tilespmem:s8+$0xC030] =	vst v6;
	v6 =	vld [tilespmem:s8+$0x1A050];
	s9 =	sadd.s32 $0x10, s9  }
0x204: {  	s10 =	sadd.s32 $0x8, s10;
	s13 =	sor.u32 s12, s9;
	[tilespmem:s8+$0xE030] =	vst v5;
	v4 =	vadd.f32 v4, v0;
	v5 =	vld [tilespmem:s8+$0x8050]  }
0x205: {  	p0 =	slt.u32 s10, $0x1F8;
	s13 =	sor.u32 $0x70, s13;
	v2 =	vadd.f32 v2, v0;
	v7 =	vld [tilespmem:s8+$0xA050]  }
0x206: {  	v8 =	vld [tilespmem:s13+$0x1A000];
	[tilespmem:s8+$0x8040] =	vst v4;
	v1 =	vadd.f32 v1, v0  }
0x207: {  	v4 =	vld [tilespmem:s13+$0x8000];
	[tilespmem:s8+$0xA040] =	vst v2;
	v0 =	vadd.f32 v3, v0  }
0x208: {  	[tilespmem:s8+$0xC040] =	vst v1;
	v1 =	vld [tilespmem:s8+$0xC050]  }
0x209: {  	[tilespmem:s8+$0xE040] =	vst v0;
	v0 =	vadd.f32 v5, v6;
	v2 =	vld [tilespmem:s8+$0xE050]  }
0x20a: {  	v3 =	vadd.f32 v7, v6;
	v5 =	vld [tilespmem:s8+$0x1A060]  }
0x20b: {  	[tilespmem:s8+$0x8050] =	vst v0;
	v0 =	vld [tilespmem:s8+$0x8060]  }
0x20c: {  	v4 =	vadd.f32 v4, v8;
	[tilespmem:s8+$0xA050] =	vst v3;
	v3 =	vld [tilespmem:s8+$0xA060]  }
0x20d: {  	s14 =	sand.u32 $0x380, s9;
	v1 =	vadd.f32 v1, v6;
	v7 =	vld [tilespmem:s8+$0xC060]  }
0x20e: {  	s12 =	sor.u32 s14, s12;
	[tilespmem:s13+$0x8000] =	vst v4;
	v2 =	vadd.f32 v2, v6;
	v4 =	vld [tilespmem:s8+$0xE060]  }
0x20f: {  	v6 =	vld [tilespmem:s12+$0xE070];
	[tilespmem:s8+$0xC050] =	vst v1  }
0x210: {  	v1 =	vld [tilespmem:s12+$0xA070];
	[tilespmem:s8+$0xE050] =	vst v2;
	v0 =	vadd.f32 v0, v5  }
0x211: {  	v2 =	vld [tilespmem:s12+$0xC070];
	v3 =	vadd.f32 v3, v5  }
0x212: {  	v9 =	vld [tilespmem:s12+$0x1A000];
	[tilespmem:s8+$0x8060] =	vst v0;
	v0 =	vadd.f32 v7, v5  }
0x213: {  	v7 =	vld [tilespmem:s12+$0x8000];
	[tilespmem:s8+$0xA060] =	vst v3;
	v3 =	vadd.f32 v4, v5  }
0x214: {  	v4 =	vld [tilespmem:s12+$0xA000];
	v5 =	vadd.f32 v6, v8;
	[tilespmem:s8+$0xC060] =	vst v0  }
0x215: {  	v0 =	vld [tilespmem:s12+$0xC000];
	v1 =	vadd.f32 v1, v8;
	[tilespmem:s8+$0xE060] =	vst v3;
	s8 =	smov.u32 s12  }
0x216: {  	v3 =	vld [tilespmem:s8+$0xE000];
	v2 =	vadd.f32 v2, v8;
	[tilespmem:s8+$0xE070] =	vst v5  }
0x217: {  	v5 =	vld [tilespmem:s8+$0x1A010];
	[tilespmem:s8+$0xA070] =	vst v1  }
0x218: {  	v1 =	vadd.f32 v7, v9;
	v6 =	vld [tilespmem:s8+$0x8010];
	[tilespmem:s8+$0xC070] =	vst v2  }
0x219: {  	v2 =	vadd.f32 v4, v9;
	v4 =	vld [tilespmem:s8+$0xA010]  }
0x21a: {  	[tilespmem:s8+$0x8000] =	vst v1;
	v0 =	vadd.f32 v0, v9;
	v1 =	vld [tilespmem:s8+$0xC010]  }
0x21b: {  	[tilespmem:s8+$0xA000] =	vst v2;
	v2 =	vadd.f32 v3, v9;
	v3 =	vld [tilespmem:s8+$0xE010]  }
0x21c: {  	[tilespmem:s8+$0xC000] =	vst v0;
	v0 =	vld [tilespmem:s8+$0x1A020]  }
0x21d: {  	[tilespmem:s8+$0xE000] =	vst v2;
	v2 =	vadd.f32 v6, v5;
	v6 =	vld [tilespmem:s8+$0x8020]  }
0x21e: {  	v4 =	vadd.f32 v4, v5;
	v7 =	vld [tilespmem:s8+$0xA020]  }
0x21f: {  	[tilespmem:s8+$0x8010] =	vst v2;
	v1 =	vadd.f32 v1, v5;
	v2 =	vld [tilespmem:s8+$0xC020]  }
0x220: {  	[tilespmem:s8+$0xA010] =	vst v4;
	v3 =	vadd.f32 v3, v5;
	v4 =	vld [tilespmem:s8+$0xE020]  }
0x221: {  	[tilespmem:s8+$0xC010] =	vst v1;
	v5 =	vld [tilespmem:s8+$0x1A030]  }
0x222: {  	[tilespmem:s8+$0xE010] =	vst v3;
	v1 =	vadd.f32 v6, v0;
	v3 =	vld [tilespmem:s8+$0x8030]  }
0x223: {  	v6 =	vadd.f32 v7, v0;
	v7 =	vld [tilespmem:s8+$0xA030]  }
0x224: {  	[tilespmem:s8+$0x8020] =	vst v1;
	v1 =	vadd.f32 v2, v0;
	v8 =	vld [tilespmem:s8+$0xC030]  }
0x225: {  	[tilespmem:s8+$0xA020] =	vst v6;
	v2 =	vadd.f32 v4, v0;
	v9 =	vld [tilespmem:s8+$0xE030]  }
.Ltmp4:
0x226: {  	[tilespmem:s8+$0xC020] =	vst v1;
	v0 =	vld [tilespmem:s8+$0x1A040];
	(pc) =	sbr.rel @p0 .LBB2_10-.Ltmp4, $4  }
0x227: {  	[tilespmem:s8+$0xE020] =	vst v2;
	v1 =	vadd.f32 v3, v5;
	v4 =	vld [tilespmem:s8+$0x8040]  }
0x228: {  	v3 =	vadd.f32 v7, v5;
	v2 =	vld [tilespmem:s8+$0xA040]  }
0x229: {  	[tilespmem:s8+$0x8030] =	vst v1;
	v6 =	vadd.f32 v8, v5;
	v1 =	vld [tilespmem:s8+$0xC040]  }
0x22a: {  	s11 =	sadd.s32 $0x400, s11;
	[tilespmem:s8+$0xA030] =	vst v3;
	v5 =	vadd.f32 v9, v5;
	v3 =	vld [tilespmem:s8+$0xE040]  }
0x22b: {  	v7 =	vld [tilespmem:s8+$0x1A050]  }
0x22c: {  	v8 =	vld [tilespmem:s8+$0x8050]  }
0x22d: {  	v9 =	vld [tilespmem:s8+$0xA050]  }
0x22e: {  	[tilespmem:s8+$0xC030] =	vst v6;
	v6 =	vld [tilespmem:s8+$0xC050];
	v4 =	vadd.f32 v4, v0  }
0x22f: {  	[tilespmem:s8+$0xE030] =	vst v5;
	v5 =	vld [tilespmem:s8+$0xE050];
	v2 =	vadd.f32 v2, v0  }
0x230: {  	[tilespmem:s8+$0x8040] =	vst v4;
	v1 =	vadd.f32 v1, v0;
	v4 =	vld [tilespmem:s8+$0x1A060]  }
0x231: {  	[tilespmem:s8+$0xA040] =	vst v2;
	v0 =	vadd.f32 v3, v0;
	v2 =	vld [tilespmem:s8+$0x8060]  }
0x232: {  	v3 =	vld [tilespmem:s8+$0xA060];
	[tilespmem:s8+$0xC040] =	vst v1;
	v1 =	vadd.f32 v8, v7  }
0x233: {  	v8 =	vld [tilespmem:s8+$0xC060];
	[tilespmem:s8+$0xE040] =	vst v0;
	v0 =	vadd.f32 v9, v7  }
0x234: {  	[tilespmem:s8+$0x8050] =	vst v1;
	v1 =	vadd.f32 v6, v7;
	v6 =	vld [tilespmem:s8+$0xE060]  }
0x235: {  	[tilespmem:s8+$0xA050] =	vst v0;
	v0 =	vadd.f32 v5, v7  }
0x236: {  	[tilespmem:s8+$0xC050] =	vst v1;
	v1 =	vadd.f32 v2, v4  }
0x237: {  	[tilespmem:s8+$0xE050] =	vst v0;
	v0 =	vadd.f32 v3, v4  }
0x238: {  	[tilespmem:s8+$0x8060] =	vst v1;
	v1 =	vadd.f32 v8, v4  }
0x239: {  	[tilespmem:s8+$0xA060] =	vst v0;
	v0 =	vadd.f32 v6, v4  }
0x23a: {  	[tilespmem:s8+$0xC060] =	vst v1  }
0x23b: {  	[tilespmem:s8+$0xE060] =	vst v0  }
0x23c: {  	s8 =	rddreg [dreg:$0x12]  }
0x23d: {  	[hbm4b:s8+s22] =	stream.strided.scatter [tilespmem:s25], [sflag:$0x5], $0x8000, s23, s22, $0x38;
	[tilespmem:$0x1E000] =	vst v63  }
0x23e: {  	s9 =	simm.s32 $0x0;
	s12 =	rddreg [dreg:$0x16]  }
0x23f: {  	[tilespmem:s24], [sflag:$0x8] =	stream.linear.gather [hbm4b:s12+s9], $0x2000, $0x38;
	[tilespmem:$0x1E000] =	vst v63  }
0x240: {  	_ =	swait.ge [sflag:s2], $0x8000  }
0x241: {  	[sflag:s2] =	ssyncset.done $0x0  }
0x242: {  	s13 =	rddreg [dreg:$0x13];
	[sflag:s2] =	ssyncadd.s32 $0xFFFF8000  }
0x243: {  	[tilespmem:s9], [sflag:$0x1] =	stream.strided.gather [hbm4b:s13+s22], $0x8000, s23, s22, $0x38;
	[tilespmem:$0x1E000] =	vst v63  }
0x244: {  	_ =	swait.ge [sflag:s3], $0x2000  }
0x245: {  	[sflag:s3] =	ssyncset.done $0x0  }
0x246: {  	[sflag:s3] =	ssyncadd.s32 $0xFFFFE000  }
0x247: {  	s14 =	sand.u32 $0x1C00, s9;
	_ =	swait.ge [sflag:s4], $0x8000  }
0x248: {  	s10 =	sor.u32 s14, s9;
	[sflag:s4] =	ssyncset.done $0x0  }
0x249: {  	s10 =	sor.u32 $0x70, s10;
	[sflag:s4] =	ssyncadd.s32 $0xFFFF8000  }
0x24a: {  	v0 =	vld [tilespmem:s10+$0x1C000]  }
0x24b: {  	v1 =	vld [tilespmem:s10+$0x10000];
	_ =	sdelay $0x1  }
0x24c: {  	s11 =	sand.u32 $0x380, s9  }
0x24d: {  	s8 =	sor.u32 s11, s14  }
0x24e: {  	v4 =	vld [tilespmem:s8+$0x1C000]  }
0x24f: {  	v5 =	vld [tilespmem:s8+$0x10000];
	v1 =	vadd.f32 v1, v0  }
0x250: {  	v6 =	vld [tilespmem:s8+$0x12000]  }
0x251: {  	v7 =	vld [tilespmem:s8+$0x14000];
	[tilespmem:s10+$0x10000] =	vst v1  }
0x252: {  	v1 =	vld [tilespmem:s8+$0x16070]  }
0x253: {  	v2 =	vld [tilespmem:s8+$0x12070]  }
0x254: {  	v3 =	vld [tilespmem:s8+$0x14070]  }
0x255: {  	v8 =	vld [tilespmem:s8+$0x16000]  }
0x256: {  	v62 =	vld [tilespmem:s8+$0x1C010]  }
0x257: {  	v10 =	vld [tilespmem:s8+$0x10010];
	v1 =	vadd.f32 v1, v0  }
0x258: {  	v11 =	vld [tilespmem:s8+$0x12010];
	v2 =	vadd.f32 v2, v0  }
0x259: {  	v63 =	vld [tilespmem:s8+$0x1C030];
	v0 =	vadd.f32 v3, v0;
	[tilespmem:s8+$0x16070] =	vst v1  }
0x25a: {  	v3 =	vld [tilespmem:s8+$0x16010];
	[tilespmem:s8+$0x12070] =	vst v2;
	v2 =	vadd.f32 v5, v4  }
0x25b: {  	v1 =	vld [tilespmem:s8+$0x14010];
	[tilespmem:s8+$0x14070] =	vst v0;
	v0 =	vadd.f32 v6, v4  }
0x25c: {  	v5 =	vld [tilespmem:s8+$0x1C020];
	[tilespmem:s8+$0x10000] =	vst v2;
	v2 =	vadd.f32 v7, v4  }
0x25d: {  	v6 =	vld [tilespmem:s8+$0x10020];
	[tilespmem:s8+$0x12000] =	vst v0;
	v0 =	vadd.f32 v8, v4  }
0x25e: {  	v4 =	vld [tilespmem:s8+$0x12020];
	[tilespmem:s8+$0x14000] =	vst v2;
	v2 =	vadd.f32 v10, v62  }
0x25f: {  	v7 =	vld [tilespmem:s8+$0x14020];
	[tilespmem:s8+$0x16000] =	vst v0;
	v0 =	vadd.f32 v11, v62  }
0x260: {  	v8 =	vld [tilespmem:s8+$0x16020];
	v1 =	vadd.f32 v1, v62;
	[tilespmem:s8+$0x10010] =	vst v2  }
0x261: {  	[tilespmem:s8+$0x12010] =	vst v0;
	v0 =	vadd.f32 v3, v62;
	v2 =	vld [tilespmem:s8+$0x10030]  }
0x262: {  	v3 =	vld [tilespmem:s8+$0x12030];
	[tilespmem:s8+$0x14010] =	vst v1;
	v1 =	vadd.f32 v6, v5  }
0x263: {  	v6 =	vld [tilespmem:s8+$0x14030];
	[tilespmem:s8+$0x16010] =	vst v0;
	v0 =	vadd.f32 v4, v5  }
0x264: {  	[tilespmem:s8+$0x10020] =	vst v1;
	v1 =	vadd.f32 v7, v5;
	v7 =	vld [tilespmem:s8+$0x16030]  }
0x265: {  	v4 =	vld [tilespmem:s8+$0x10040];
	v5 =	vadd.f32 v8, v5;
	[tilespmem:s8+$0x12020] =	vst v0  }
0x266: {  	v0 =	vld [tilespmem:s8+$0x1C040];
	[tilespmem:s8+$0x14020] =	vst v1;
	v1 =	vadd.f32 v2, v63  }
0x267: {  	[tilespmem:s8+$0x16020] =	vst v5;
	v3 =	vadd.f32 v3, v63;
	v2 =	vld [tilespmem:s8+$0x12040]  }
0x268: {  	v6 =	vadd.f32 v6, v63;
	[tilespmem:s8+$0x10030] =	vst v1;
	v1 =	vld [tilespmem:s8+$0x14040]  }
0x269: {  	s11 =	simm.s32 $0x400;
	s10 =	simm.s32 $0x0;
	[tilespmem:s8+$0x12030] =	vst v3;
	v3 =	vld [tilespmem:s8+$0x16040];
	v5 =	vadd.f32 v7, v63  }
.LBB2_12:
0x26a: {  	s12 =	sand.u32 $0x1C00, s11;
	[tilespmem:s8+$0x14030] =	vst v6;
	v6 =	vld [tilespmem:s8+$0x1C050];
	s9 =	sadd.s32 $0x10, s9  }
0x26b: {  	s10 =	sadd.s32 $0x8, s10;
	s13 =	sor.u32 s12, s9;
	[tilespmem:s8+$0x16030] =	vst v5;
	v4 =	vadd.f32 v4, v0;
	v5 =	vld [tilespmem:s8+$0x10050]  }
0x26c: {  	p0 =	slt.u32 s10, $0x1F8;
	s13 =	sor.u32 $0x70, s13;
	v2 =	vadd.f32 v2, v0;
	v7 =	vld [tilespmem:s8+$0x12050]  }
0x26d: {  	v8 =	vld [tilespmem:s13+$0x1C000];
	[tilespmem:s8+$0x10040] =	vst v4;
	v1 =	vadd.f32 v1, v0  }
0x26e: {  	v4 =	vld [tilespmem:s13+$0x10000];
	[tilespmem:s8+$0x12040] =	vst v2;
	v0 =	vadd.f32 v3, v0  }
0x26f: {  	[tilespmem:s8+$0x14040] =	vst v1;
	v1 =	vld [tilespmem:s8+$0x14050]  }
0x270: {  	[tilespmem:s8+$0x16040] =	vst v0;
	v0 =	vadd.f32 v5, v6;
	v2 =	vld [tilespmem:s8+$0x16050]  }
0x271: {  	v3 =	vadd.f32 v7, v6;
	v5 =	vld [tilespmem:s8+$0x1C060]  }
0x272: {  	[tilespmem:s8+$0x10050] =	vst v0;
	v0 =	vld [tilespmem:s8+$0x10060]  }
0x273: {  	v4 =	vadd.f32 v4, v8;
	[tilespmem:s8+$0x12050] =	vst v3;
	v3 =	vld [tilespmem:s8+$0x12060]  }
0x274: {  	s14 =	sand.u32 $0x380, s9;
	v1 =	vadd.f32 v1, v6;
	v7 =	vld [tilespmem:s8+$0x14060]  }
0x275: {  	s12 =	sor.u32 s14, s12;
	[tilespmem:s13+$0x10000] =	vst v4;
	v2 =	vadd.f32 v2, v6;
	v4 =	vld [tilespmem:s8+$0x16060]  }
0x276: {  	v6 =	vld [tilespmem:s12+$0x16070];
	[tilespmem:s8+$0x14050] =	vst v1  }
0x277: {  	v1 =	vld [tilespmem:s12+$0x12070];
	[tilespmem:s8+$0x16050] =	vst v2;
	v0 =	vadd.f32 v0, v5  }
0x278: {  	v2 =	vld [tilespmem:s12+$0x14070];
	v3 =	vadd.f32 v3, v5  }
0x279: {  	v9 =	vld [tilespmem:s12+$0x1C000];
	[tilespmem:s8+$0x10060] =	vst v0;
	v0 =	vadd.f32 v7, v5  }
0x27a: {  	v7 =	vld [tilespmem:s12+$0x10000];
	[tilespmem:s8+$0x12060] =	vst v3;
	v3 =	vadd.f32 v4, v5  }
0x27b: {  	v4 =	vld [tilespmem:s12+$0x12000];
	v5 =	vadd.f32 v6, v8;
	[tilespmem:s8+$0x14060] =	vst v0  }
0x27c: {  	v0 =	vld [tilespmem:s12+$0x14000];
	v1 =	vadd.f32 v1, v8;
	[tilespmem:s8+$0x16060] =	vst v3;
	s8 =	smov.u32 s12  }
0x27d: {  	v3 =	vld [tilespmem:s8+$0x16000];
	v2 =	vadd.f32 v2, v8;
	[tilespmem:s8+$0x16070] =	vst v5  }
0x27e: {  	v5 =	vld [tilespmem:s8+$0x1C010];
	[tilespmem:s8+$0x12070] =	vst v1  }
0x27f: {  	v1 =	vadd.f32 v7, v9;
	v6 =	vld [tilespmem:s8+$0x10010];
	[tilespmem:s8+$0x14070] =	vst v2  }
0x280: {  	v2 =	vadd.f32 v4, v9;
	v4 =	vld [tilespmem:s8+$0x12010]  }
0x281: {  	[tilespmem:s8+$0x10000] =	vst v1;
	v0 =	vadd.f32 v0, v9;
	v1 =	vld [tilespmem:s8+$0x14010]  }
0x282: {  	[tilespmem:s8+$0x12000] =	vst v2;
	v2 =	vadd.f32 v3, v9;
	v3 =	vld [tilespmem:s8+$0x16010]  }
0x283: {  	[tilespmem:s8+$0x14000] =	vst v0;
	v0 =	vld [tilespmem:s8+$0x1C020]  }
0x284: {  	[tilespmem:s8+$0x16000] =	vst v2;
	v2 =	vadd.f32 v6, v5;
	v6 =	vld [tilespmem:s8+$0x10020]  }
0x285: {  	v4 =	vadd.f32 v4, v5;
	v7 =	vld [tilespmem:s8+$0x12020]  }
0x286: {  	[tilespmem:s8+$0x10010] =	vst v2;
	v1 =	vadd.f32 v1, v5;
	v2 =	vld [tilespmem:s8+$0x14020]  }
0x287: {  	[tilespmem:s8+$0x12010] =	vst v4;
	v3 =	vadd.f32 v3, v5;
	v4 =	vld [tilespmem:s8+$0x16020]  }
0x288: {  	[tilespmem:s8+$0x14010] =	vst v1;
	v5 =	vld [tilespmem:s8+$0x1C030]  }
0x289: {  	[tilespmem:s8+$0x16010] =	vst v3;
	v1 =	vadd.f32 v6, v0;
	v3 =	vld [tilespmem:s8+$0x10030]  }
0x28a: {  	v6 =	vadd.f32 v7, v0;
	v7 =	vld [tilespmem:s8+$0x12030]  }
0x28b: {  	[tilespmem:s8+$0x10020] =	vst v1;
	v1 =	vadd.f32 v2, v0;
	v8 =	vld [tilespmem:s8+$0x14030]  }
0x28c: {  	[tilespmem:s8+$0x12020] =	vst v6;
	v2 =	vadd.f32 v4, v0;
	v9 =	vld [tilespmem:s8+$0x16030]  }
.Ltmp5:
0x28d: {  	[tilespmem:s8+$0x14020] =	vst v1;
	v0 =	vld [tilespmem:s8+$0x1C040];
	(pc) =	sbr.rel @p0 .LBB2_12-.Ltmp5, $4  }
0x28e: {  	[tilespmem:s8+$0x16020] =	vst v2;
	v1 =	vadd.f32 v3, v5;
	v4 =	vld [tilespmem:s8+$0x10040]  }
0x28f: {  	v3 =	vadd.f32 v7, v5;
	v2 =	vld [tilespmem:s8+$0x12040]  }
0x290: {  	[tilespmem:s8+$0x10030] =	vst v1;
	v6 =	vadd.f32 v8, v5;
	v1 =	vld [tilespmem:s8+$0x14040]  }
0x291: {  	s11 =	sadd.s32 $0x400, s11;
	[tilespmem:s8+$0x12030] =	vst v3;
	v5 =	vadd.f32 v9, v5;
	v3 =	vld [tilespmem:s8+$0x16040]  }
0x292: {  	v7 =	vld [tilespmem:s8+$0x1C050]  }
0x293: {  	v8 =	vld [tilespmem:s8+$0x10050]  }
0x294: {  	v9 =	vld [tilespmem:s8+$0x12050]  }
0x295: {  	[tilespmem:s8+$0x14030] =	vst v6;
	v6 =	vld [tilespmem:s8+$0x14050];
	v4 =	vadd.f32 v4, v0  }
0x296: {  	[tilespmem:s8+$0x16030] =	vst v5;
	v5 =	vld [tilespmem:s8+$0x16050];
	v2 =	vadd.f32 v2, v0  }
0x297: {  	[tilespmem:s8+$0x10040] =	vst v4;
	v1 =	vadd.f32 v1, v0;
	v4 =	vld [tilespmem:s8+$0x1C060]  }
0x298: {  	[tilespmem:s8+$0x12040] =	vst v2;
	v0 =	vadd.f32 v3, v0;
	v2 =	vld [tilespmem:s8+$0x10060]  }
0x299: {  	v3 =	vld [tilespmem:s8+$0x12060];
	[tilespmem:s8+$0x14040] =	vst v1;
	v1 =	vadd.f32 v8, v7  }
0x29a: {  	v8 =	vld [tilespmem:s8+$0x14060];
	[tilespmem:s8+$0x16040] =	vst v0;
	v0 =	vadd.f32 v9, v7  }
0x29b: {  	[tilespmem:s8+$0x10050] =	vst v1;
	v1 =	vadd.f32 v6, v7;
	v6 =	vld [tilespmem:s8+$0x16060]  }
0x29c: {  	[tilespmem:s8+$0x12050] =	vst v0;
	v0 =	vadd.f32 v5, v7  }
0x29d: {  	[tilespmem:s8+$0x14050] =	vst v1;
	v1 =	vadd.f32 v2, v4  }
0x29e: {  	[tilespmem:s8+$0x16050] =	vst v0;
	v0 =	vadd.f32 v3, v4  }
0x29f: {  	[tilespmem:s8+$0x10060] =	vst v1;
	v1 =	vadd.f32 v8, v4  }
0x2a0: {  	[tilespmem:s8+$0x12060] =	vst v0;
	v0 =	vadd.f32 v6, v4  }
0x2a1: {  	[tilespmem:s8+$0x14060] =	vst v1  }
0x2a2: {  	[tilespmem:s8+$0x16060] =	vst v0  }
0x2a3: {  	s8 =	rddreg [dreg:$0x14]  }
0x2a4: {  	[hbm4b:s8+s22] =	stream.strided.scatter [tilespmem:s28], [sflag:$0x6], $0x8000, s23, s22, $0x38;
	[tilespmem:$0x1E000] =	vst v63  }
0x2a5: {  	s9 =	simm.s32 $0x0;
	s12 =	rddreg [dreg:$0x19]  }
0x2a6: {  	[tilespmem:s26], [sflag:$0x9] =	stream.linear.gather [hbm4b:s12+s9], $0x2000, $0x38;
	[tilespmem:$0x1E000] =	vst v63  }
0x2a7: {  	_ =	swait.ge [sflag:s5], $0x8000  }
0x2a8: {  	[sflag:s5] =	ssyncset.done $0x0  }
0x2a9: {  	s13 =	rddreg [dreg:$0x17];
	[sflag:s5] =	ssyncadd.s32 $0xFFFF8000  }
0x2aa: {  	[tilespmem:s25], [sflag:$0x2] =	stream.strided.gather [hbm4b:s13+s22], $0x8000, s23, s22, $0x38;
	[tilespmem:$0x1E000] =	vst v63  }
0x2ab: {  	_ =	swait.ge [sflag:s29], $0x2000  }
0x2ac: {  	[sflag:s29] =	ssyncset.done $0x0  }
0x2ad: {  	[sflag:s29] =	ssyncadd.s32 $0xFFFFE000  }
0x2ae: {  	s14 =	sand.u32 $0x1C00, s9;
	_ =	swait.ge [sflag:s30], $0x8000  }
0x2af: {  	s10 =	sor.u32 s14, s9;
	[sflag:s30] =	ssyncset.done $0x0  }
0x2b0: {  	s10 =	sor.u32 $0x70, s10;
	[sflag:s30] =	ssyncadd.s32 $0xFFFF8000  }
0x2b1: {  	v0 =	vld [tilespmem:s10+$0x18000]  }
0x2b2: {  	v1 =	vld [tilespmem:s10+$0x0];
	_ =	sdelay $0x1  }
0x2b3: {  	s11 =	sand.u32 $0x380, s9  }
0x2b4: {  	s8 =	sor.u32 s11, s14  }
0x2b5: {  	v4 =	vld [tilespmem:s8+$0x18000]  }
0x2b6: {  	v5 =	vld [tilespmem:s8+$0x0];
	v1 =	vadd.f32 v1, v0  }
0x2b7: {  	v6 =	vld [tilespmem:s8+$0x2000]  }
0x2b8: {  	v7 =	vld [tilespmem:s8+$0x4000];
	[tilespmem:s10+$0x0] =	vst v1  }
0x2b9: {  	v1 =	vld [tilespmem:s8+$0x6070]  }
0x2ba: {  	v2 =	vld [tilespmem:s8+$0x2070]  }
0x2bb: {  	v3 =	vld [tilespmem:s8+$0x4070]  }
0x2bc: {  	v8 =	vld [tilespmem:s8+$0x6000]  }
0x2bd: {  	v62 =	vld [tilespmem:s8+$0x18010]  }
0x2be: {  	v10 =	vld [tilespmem:s8+$0x10];
	v1 =	vadd.f32 v1, v0  }
0x2bf: {  	v11 =	vld [tilespmem:s8+$0x2010];
	v2 =	vadd.f32 v2, v0  }
0x2c0: {  	v63 =	vld [tilespmem:s8+$0x18030];
	v0 =	vadd.f32 v3, v0;
	[tilespmem:s8+$0x6070] =	vst v1  }
0x2c1: {  	v3 =	vld [tilespmem:s8+$0x6010];
	[tilespmem:s8+$0x2070] =	vst v2;
	v2 =	vadd.f32 v5, v4  }
0x2c2: {  	v1 =	vld [tilespmem:s8+$0x4010];
	[tilespmem:s8+$0x4070] =	vst v0;
	v0 =	vadd.f32 v6, v4  }
0x2c3: {  	v5 =	vld [tilespmem:s8+$0x18020];
	[tilespmem:s8+$0x0] =	vst v2;
	v2 =	vadd.f32 v7, v4  }
0x2c4: {  	v6 =	vld [tilespmem:s8+$0x20];
	[tilespmem:s8+$0x2000] =	vst v0;
	v0 =	vadd.f32 v8, v4  }
0x2c5: {  	v4 =	vld [tilespmem:s8+$0x2020];
	[tilespmem:s8+$0x4000] =	vst v2;
	v2 =	vadd.f32 v10, v62  }
0x2c6: {  	v7 =	vld [tilespmem:s8+$0x4020];
	[tilespmem:s8+$0x6000] =	vst v0;
	v0 =	vadd.f32 v11, v62  }
0x2c7: {  	v8 =	vld [tilespmem:s8+$0x6020];
	v1 =	vadd.f32 v1, v62;
	[tilespmem:s8+$0x10] =	vst v2  }
0x2c8: {  	[tilespmem:s8+$0x2010] =	vst v0;
	v0 =	vadd.f32 v3, v62;
	v2 =	vld [tilespmem:s8+$0x30]  }
0x2c9: {  	v3 =	vld [tilespmem:s8+$0x2030];
	[tilespmem:s8+$0x4010] =	vst v1;
	v1 =	vadd.f32 v6, v5  }
0x2ca: {  	v6 =	vld [tilespmem:s8+$0x4030];
	[tilespmem:s8+$0x6010] =	vst v0;
	v0 =	vadd.f32 v4, v5  }
0x2cb: {  	[tilespmem:s8+$0x20] =	vst v1;
	v1 =	vadd.f32 v7, v5;
	v7 =	vld [tilespmem:s8+$0x6030]  }
0x2cc: {  	v4 =	vld [tilespmem:s8+$0x40];
	v5 =	vadd.f32 v8, v5;
	[tilespmem:s8+$0x2020] =	vst v0  }
0x2cd: {  	v0 =	vld [tilespmem:s8+$0x18040];
	[tilespmem:s8+$0x4020] =	vst v1;
	v1 =	vadd.f32 v2, v63  }
0x2ce: {  	[tilespmem:s8+$0x6020] =	vst v5;
	v3 =	vadd.f32 v3, v63;
	v2 =	vld [tilespmem:s8+$0x2040]  }
0x2cf: {  	v6 =	vadd.f32 v6, v63;
	[tilespmem:s8+$0x30] =	vst v1;
	v1 =	vld [tilespmem:s8+$0x4040]  }
0x2d0: {  	s11 =	simm.s32 $0x400;
	s10 =	simm.s32 $0x0;
	[tilespmem:s8+$0x2030] =	vst v3;
	v3 =	vld [tilespmem:s8+$0x6040];
	v5 =	vadd.f32 v7, v63  }
.LBB2_14:
0x2d1: {  	s12 =	sand.u32 $0x1C00, s11;
	[tilespmem:s8+$0x4030] =	vst v6;
	v6 =	vld [tilespmem:s8+$0x18050];
	s9 =	sadd.s32 $0x10, s9  }
0x2d2: {  	s10 =	sadd.s32 $0x8, s10;
	s13 =	sor.u32 s12, s9;
	[tilespmem:s8+$0x6030] =	vst v5;
	v4 =	vadd.f32 v4, v0;
	v5 =	vld [tilespmem:s8+$0x50]  }
0x2d3: {  	p0 =	slt.u32 s10, $0x1F8;
	s13 =	sor.u32 $0x70, s13;
	v2 =	vadd.f32 v2, v0;
	v7 =	vld [tilespmem:s8+$0x2050]  }
0x2d4: {  	v8 =	vld [tilespmem:s13+$0x18000];
	[tilespmem:s8+$0x40] =	vst v4;
	v1 =	vadd.f32 v1, v0  }
0x2d5: {  	v4 =	vld [tilespmem:s13+$0x0];
	[tilespmem:s8+$0x2040] =	vst v2;
	v0 =	vadd.f32 v3, v0  }
0x2d6: {  	[tilespmem:s8+$0x4040] =	vst v1;
	v1 =	vld [tilespmem:s8+$0x4050]  }
0x2d7: {  	[tilespmem:s8+$0x6040] =	vst v0;
	v0 =	vadd.f32 v5, v6;
	v2 =	vld [tilespmem:s8+$0x6050]  }
0x2d8: {  	v3 =	vadd.f32 v7, v6;
	v5 =	vld [tilespmem:s8+$0x18060]  }
0x2d9: {  	[tilespmem:s8+$0x50] =	vst v0;
	v0 =	vld [tilespmem:s8+$0x60]  }
0x2da: {  	v4 =	vadd.f32 v4, v8;
	[tilespmem:s8+$0x2050] =	vst v3;
	v3 =	vld [tilespmem:s8+$0x2060]  }
0x2db: {  	s14 =	sand.u32 $0x380, s9;
	v1 =	vadd.f32 v1, v6;
	v7 =	vld [tilespmem:s8+$0x4060]  }
0x2dc: {  	s12 =	sor.u32 s14, s12;
	[tilespmem:s13+$0x0] =	vst v4;
	v2 =	vadd.f32 v2, v6;
	v4 =	vld [tilespmem:s8+$0x6060]  }
0x2dd: {  	v6 =	vld [tilespmem:s12+$0x6070];
	[tilespmem:s8+$0x4050] =	vst v1  }
0x2de: {  	v1 =	vld [tilespmem:s12+$0x2070];
	[tilespmem:s8+$0x6050] =	vst v2;
	v0 =	vadd.f32 v0, v5  }
0x2df: {  	v2 =	vld [tilespmem:s12+$0x4070];
	v3 =	vadd.f32 v3, v5  }
0x2e0: {  	v9 =	vld [tilespmem:s12+$0x18000];
	[tilespmem:s8+$0x60] =	vst v0;
	v0 =	vadd.f32 v7, v5  }
0x2e1: {  	v7 =	vld [tilespmem:s12+$0x0];
	[tilespmem:s8+$0x2060] =	vst v3;
	v3 =	vadd.f32 v4, v5  }
0x2e2: {  	v4 =	vld [tilespmem:s12+$0x2000];
	v5 =	vadd.f32 v6, v8;
	[tilespmem:s8+$0x4060] =	vst v0  }
0x2e3: {  	v0 =	vld [tilespmem:s12+$0x4000];
	v1 =	vadd.f32 v1, v8;
	[tilespmem:s8+$0x6060] =	vst v3;
	s8 =	smov.u32 s12  }
0x2e4: {  	v3 =	vld [tilespmem:s8+$0x6000];
	v2 =	vadd.f32 v2, v8;
	[tilespmem:s8+$0x6070] =	vst v5  }
0x2e5: {  	v5 =	vld [tilespmem:s8+$0x18010];
	[tilespmem:s8+$0x2070] =	vst v1  }
0x2e6: {  	v1 =	vadd.f32 v7, v9;
	v6 =	vld [tilespmem:s8+$0x10];
	[tilespmem:s8+$0x4070] =	vst v2  }
0x2e7: {  	v2 =	vadd.f32 v4, v9;
	v4 =	vld [tilespmem:s8+$0x2010]  }
0x2e8: {  	[tilespmem:s8+$0x0] =	vst v1;
	v0 =	vadd.f32 v0, v9;
	v1 =	vld [tilespmem:s8+$0x4010]  }
0x2e9: {  	[tilespmem:s8+$0x2000] =	vst v2;
	v2 =	vadd.f32 v3, v9;
	v3 =	vld [tilespmem:s8+$0x6010]  }
0x2ea: {  	[tilespmem:s8+$0x4000] =	vst v0;
	v0 =	vld [tilespmem:s8+$0x18020]  }
0x2eb: {  	[tilespmem:s8+$0x6000] =	vst v2;
	v2 =	vadd.f32 v6, v5;
	v6 =	vld [tilespmem:s8+$0x20]  }
0x2ec: {  	v4 =	vadd.f32 v4, v5;
	v7 =	vld [tilespmem:s8+$0x2020]  }
0x2ed: {  	[tilespmem:s8+$0x10] =	vst v2;
	v1 =	vadd.f32 v1, v5;
	v2 =	vld [tilespmem:s8+$0x4020]  }
0x2ee: {  	[tilespmem:s8+$0x2010] =	vst v4;
	v3 =	vadd.f32 v3, v5;
	v4 =	vld [tilespmem:s8+$0x6020]  }
0x2ef: {  	[tilespmem:s8+$0x4010] =	vst v1;
	v5 =	vld [tilespmem:s8+$0x18030]  }
0x2f0: {  	[tilespmem:s8+$0x6010] =	vst v3;
	v1 =	vadd.f32 v6, v0;
	v3 =	vld [tilespmem:s8+$0x30]  }
0x2f1: {  	v6 =	vadd.f32 v7, v0;
	v7 =	vld [tilespmem:s8+$0x2030]  }
0x2f2: {  	[tilespmem:s8+$0x20] =	vst v1;
	v1 =	vadd.f32 v2, v0;
	v8 =	vld [tilespmem:s8+$0x4030]  }
0x2f3: {  	[tilespmem:s8+$0x2020] =	vst v6;
	v2 =	vadd.f32 v4, v0;
	v9 =	vld [tilespmem:s8+$0x6030]  }
.Ltmp6:
0x2f4: {  	[tilespmem:s8+$0x4020] =	vst v1;
	v0 =	vld [tilespmem:s8+$0x18040];
	(pc) =	sbr.rel @p0 .LBB2_14-.Ltmp6, $4  }
0x2f5: {  	[tilespmem:s8+$0x6020] =	vst v2;
	v1 =	vadd.f32 v3, v5;
	v4 =	vld [tilespmem:s8+$0x40]  }
0x2f6: {  	v3 =	vadd.f32 v7, v5;
	v2 =	vld [tilespmem:s8+$0x2040]  }
0x2f7: {  	[tilespmem:s8+$0x30] =	vst v1;
	v6 =	vadd.f32 v8, v5;
	v1 =	vld [tilespmem:s8+$0x4040]  }
0x2f8: {  	s11 =	sadd.s32 $0x400, s11;
	[tilespmem:s8+$0x2030] =	vst v3;
	v5 =	vadd.f32 v9, v5;
	v3 =	vld [tilespmem:s8+$0x6040]  }
0x2f9: {  	v7 =	vld [tilespmem:s8+$0x18050]  }
0x2fa: {  	v8 =	vld [tilespmem:s8+$0x50]  }
0x2fb: {  	v9 =	vld [tilespmem:s8+$0x2050]  }
0x2fc: {  	[tilespmem:s8+$0x4030] =	vst v6;
	v6 =	vld [tilespmem:s8+$0x4050];
	v4 =	vadd.f32 v4, v0  }
0x2fd: {  	[tilespmem:s8+$0x6030] =	vst v5;
	v5 =	vld [tilespmem:s8+$0x6050];
	v2 =	vadd.f32 v2, v0  }
0x2fe: {  	[tilespmem:s8+$0x40] =	vst v4;
	v1 =	vadd.f32 v1, v0;
	v4 =	vld [tilespmem:s8+$0x18060]  }
0x2ff: {  	[tilespmem:s8+$0x2040] =	vst v2;
	v0 =	vadd.f32 v3, v0;
	v2 =	vld [tilespmem:s8+$0x60]  }
0x300: {  	v3 =	vld [tilespmem:s8+$0x2060];
	[tilespmem:s8+$0x4040] =	vst v1;
	v1 =	vadd.f32 v8, v7  }
0x301: {  	v8 =	vld [tilespmem:s8+$0x4060];
	[tilespmem:s8+$0x6040] =	vst v0;
	v0 =	vadd.f32 v9, v7  }
0x302: {  	[tilespmem:s8+$0x50] =	vst v1;
	v1 =	vadd.f32 v6, v7;
	v6 =	vld [tilespmem:s8+$0x6060]  }
0x303: {  	[tilespmem:s8+$0x2050] =	vst v0;
	v0 =	vadd.f32 v5, v7  }
0x304: {  	[tilespmem:s8+$0x4050] =	vst v1;
	v1 =	vadd.f32 v2, v4  }
0x305: {  	[tilespmem:s8+$0x6050] =	vst v0;
	v0 =	vadd.f32 v3, v4  }
0x306: {  	[tilespmem:s8+$0x60] =	vst v1;
	v1 =	vadd.f32 v8, v4  }
0x307: {  	[tilespmem:s8+$0x2060] =	vst v0;
	v0 =	vadd.f32 v6, v4  }
0x308: {  	[tilespmem:s8+$0x4060] =	vst v1  }
0x309: {  	[tilespmem:s8+$0x6060] =	vst v0  }
0x30a: {  	s9 =	simm.s32 $0x0;
	s8 =	rddreg [dreg:$0x15]  }
0x30b: {  	[hbm4b:s8+s22] =	stream.strided.scatter [tilespmem:s9], [sflag:$0x4], $0x8000, s23, s22, $0x38;
	[tilespmem:$0x1E000] =	vst v63  }
0x30c: {  	s12 =	rddreg [dreg:$0x1c]  }
0x30d: {  	[tilespmem:s21], [sflag:$0x7] =	stream.linear.gather [hbm4b:s12+s9], $0x2000, $0x38;
	[tilespmem:$0x1E000] =	vst v63  }
0x30e: {  	_ =	swait.ge [sflag:s6], $0x8000  }
0x30f: {  	[sflag:s6] =	ssyncset.done $0x0  }
0x310: {  	s13 =	rddreg [dreg:$0x1a];
	[sflag:s6] =	ssyncadd.s32 $0xFFFF8000  }
0x311: {  	[tilespmem:s28], [sflag:$0x3] =	stream.strided.gather [hbm4b:s13+s22], $0x8000, s23, s22, $0x38;
	[tilespmem:$0x1E000] =	vst v63  }
0x312: {  	_ =	swait.ge [sflag:s31], $0x2000  }
0x313: {  	[sflag:s31] =	ssyncset.done $0x0  }
0x314: {  	[sflag:s31] =	ssyncadd.s32 $0xFFFFE000  }
0x315: {  	s14 =	sand.u32 $0x1C00, s9;
	_ =	swait.ge [sflag:s0], $0x8000  }
0x316: {  	s10 =	sor.u32 s14, s9;
	[sflag:s0] =	ssyncset.done $0x0  }
0x317: {  	s10 =	sor.u32 $0x70, s10;
	[sflag:s0] =	ssyncadd.s32 $0xFFFF8000  }
0x318: {  	v0 =	vld [tilespmem:s10+$0x1A000]  }
0x319: {  	v1 =	vld [tilespmem:s10+$0x8000];
	_ =	sdelay $0x1  }
0x31a: {  	s11 =	sand.u32 $0x380, s9  }
0x31b: {  	s8 =	sor.u32 s11, s14  }
0x31c: {  	v4 =	vld [tilespmem:s8+$0x1A000]  }
0x31d: {  	v5 =	vld [tilespmem:s8+$0x8000];
	v1 =	vadd.f32 v1, v0  }
0x31e: {  	v6 =	vld [tilespmem:s8+$0xA000]  }
0x31f: {  	v7 =	vld [tilespmem:s8+$0xC000];
	[tilespmem:s10+$0x8000] =	vst v1  }
0x320: {  	v1 =	vld [tilespmem:s8+$0xE070]  }
0x321: {  	v2 =	vld [tilespmem:s8+$0xA070]  }
0x322: {  	v3 =	vld [tilespmem:s8+$0xC070]  }
0x323: {  	v8 =	vld [tilespmem:s8+$0xE000]  }
0x324: {  	v62 =	vld [tilespmem:s8+$0x1A010]  }
0x325: {  	v10 =	vld [tilespmem:s8+$0x8010];
	v1 =	vadd.f32 v1, v0  }
0x326: {  	v11 =	vld [tilespmem:s8+$0xA010];
	v2 =	vadd.f32 v2, v0  }
0x327: {  	v63 =	vld [tilespmem:s8+$0x1A030];
	v0 =	vadd.f32 v3, v0;
	[tilespmem:s8+$0xE070] =	vst v1  }
0x328: {  	v3 =	vld [tilespmem:s8+$0xE010];
	[tilespmem:s8+$0xA070] =	vst v2;
	v2 =	vadd.f32 v5, v4  }
0x329: {  	v1 =	vld [tilespmem:s8+$0xC010];
	[tilespmem:s8+$0xC070] =	vst v0;
	v0 =	vadd.f32 v6, v4  }
0x32a: {  	v5 =	vld [tilespmem:s8+$0x1A020];
	[tilespmem:s8+$0x8000] =	vst v2;
	v2 =	vadd.f32 v7, v4  }
0x32b: {  	v6 =	vld [tilespmem:s8+$0x8020];
	[tilespmem:s8+$0xA000] =	vst v0;
	v0 =	vadd.f32 v8, v4  }
0x32c: {  	v4 =	vld [tilespmem:s8+$0xA020];
	[tilespmem:s8+$0xC000] =	vst v2;
	v2 =	vadd.f32 v10, v62  }
0x32d: {  	v7 =	vld [tilespmem:s8+$0xC020];
	[tilespmem:s8+$0xE000] =	vst v0;
	v0 =	vadd.f32 v11, v62  }
0x32e: {  	v8 =	vld [tilespmem:s8+$0xE020];
	v1 =	vadd.f32 v1, v62;
	[tilespmem:s8+$0x8010] =	vst v2  }
0x32f: {  	[tilespmem:s8+$0xA010] =	vst v0;
	v0 =	vadd.f32 v3, v62;
	v2 =	vld [tilespmem:s8+$0x8030]  }
0x330: {  	v3 =	vld [tilespmem:s8+$0xA030];
	[tilespmem:s8+$0xC010] =	vst v1;
	v1 =	vadd.f32 v6, v5  }
0x331: {  	v6 =	vld [tilespmem:s8+$0xC030];
	[tilespmem:s8+$0xE010] =	vst v0;
	v0 =	vadd.f32 v4, v5  }
0x332: {  	[tilespmem:s8+$0x8020] =	vst v1;
	v1 =	vadd.f32 v7, v5;
	v7 =	vld [tilespmem:s8+$0xE030]  }
0x333: {  	v4 =	vld [tilespmem:s8+$0x8040];
	v5 =	vadd.f32 v8, v5;
	[tilespmem:s8+$0xA020] =	vst v0  }
0x334: {  	v0 =	vld [tilespmem:s8+$0x1A040];
	[tilespmem:s8+$0xC020] =	vst v1;
	v1 =	vadd.f32 v2, v63  }
0x335: {  	[tilespmem:s8+$0xE020] =	vst v5;
	v3 =	vadd.f32 v3, v63;
	v2 =	vld [tilespmem:s8+$0xA040]  }
0x336: {  	v6 =	vadd.f32 v6, v63;
	[tilespmem:s8+$0x8030] =	vst v1;
	v1 =	vld [tilespmem:s8+$0xC040]  }
0x337: {  	s11 =	simm.s32 $0x400;
	s10 =	simm.s32 $0x0;
	[tilespmem:s8+$0xA030] =	vst v3;
	v3 =	vld [tilespmem:s8+$0xE040];
	v5 =	vadd.f32 v7, v63  }
.LBB2_16:
0x338: {  	s12 =	sand.u32 $0x1C00, s11;
	[tilespmem:s8+$0xC030] =	vst v6;
	v6 =	vld [tilespmem:s8+$0x1A050];
	s9 =	sadd.s32 $0x10, s9  }
0x339: {  	s10 =	sadd.s32 $0x8, s10;
	s13 =	sor.u32 s12, s9;
	[tilespmem:s8+$0xE030] =	vst v5;
	v4 =	vadd.f32 v4, v0;
	v5 =	vld [tilespmem:s8+$0x8050]  }
0x33a: {  	p0 =	slt.u32 s10, $0x1F8;
	s13 =	sor.u32 $0x70, s13;
	v2 =	vadd.f32 v2, v0;
	v7 =	vld [tilespmem:s8+$0xA050]  }
0x33b: {  	v8 =	vld [tilespmem:s13+$0x1A000];
	[tilespmem:s8+$0x8040] =	vst v4;
	v1 =	vadd.f32 v1, v0  }
0x33c: {  	v4 =	vld [tilespmem:s13+$0x8000];
	[tilespmem:s8+$0xA040] =	vst v2;
	v0 =	vadd.f32 v3, v0  }
0x33d: {  	[tilespmem:s8+$0xC040] =	vst v1;
	v1 =	vld [tilespmem:s8+$0xC050]  }
0x33e: {  	[tilespmem:s8+$0xE040] =	vst v0;
	v0 =	vadd.f32 v5, v6;
	v2 =	vld [tilespmem:s8+$0xE050]  }
0x33f: {  	v3 =	vadd.f32 v7, v6;
	v5 =	vld [tilespmem:s8+$0x1A060]  }
0x340: {  	[tilespmem:s8+$0x8050] =	vst v0;
	v0 =	vld [tilespmem:s8+$0x8060]  }
0x341: {  	v4 =	vadd.f32 v4, v8;
	[tilespmem:s8+$0xA050] =	vst v3;
	v3 =	vld [tilespmem:s8+$0xA060]  }
0x342: {  	s14 =	sand.u32 $0x380, s9;
	v1 =	vadd.f32 v1, v6;
	v7 =	vld [tilespmem:s8+$0xC060]  }
0x343: {  	s12 =	sor.u32 s14, s12;
	[tilespmem:s13+$0x8000] =	vst v4;
	v2 =	vadd.f32 v2, v6;
	v4 =	vld [tilespmem:s8+$0xE060]  }
0x344: {  	v6 =	vld [tilespmem:s12+$0xE070];
	[tilespmem:s8+$0xC050] =	vst v1  }
0x345: {  	v1 =	vld [tilespmem:s12+$0xA070];
	[tilespmem:s8+$0xE050] =	vst v2;
	v0 =	vadd.f32 v0, v5  }
0x346: {  	v2 =	vld [tilespmem:s12+$0xC070];
	v3 =	vadd.f32 v3, v5  }
0x347: {  	v9 =	vld [tilespmem:s12+$0x1A000];
	[tilespmem:s8+$0x8060] =	vst v0;
	v0 =	vadd.f32 v7, v5  }
0x348: {  	v7 =	vld [tilespmem:s12+$0x8000];
	[tilespmem:s8+$0xA060] =	vst v3;
	v3 =	vadd.f32 v4, v5  }
0x349: {  	v4 =	vld [tilespmem:s12+$0xA000];
	v5 =	vadd.f32 v6, v8;
	[tilespmem:s8+$0xC060] =	vst v0  }
0x34a: {  	v0 =	vld [tilespmem:s12+$0xC000];
	v1 =	vadd.f32 v1, v8;
	[tilespmem:s8+$0xE060] =	vst v3;
	s8 =	smov.u32 s12  }
0x34b: {  	v3 =	vld [tilespmem:s8+$0xE000];
	v2 =	vadd.f32 v2, v8;
	[tilespmem:s8+$0xE070] =	vst v5  }
0x34c: {  	v5 =	vld [tilespmem:s8+$0x1A010];
	[tilespmem:s8+$0xA070] =	vst v1  }
0x34d: {  	v1 =	vadd.f32 v7, v9;
	v6 =	vld [tilespmem:s8+$0x8010];
	[tilespmem:s8+$0xC070] =	vst v2  }
0x34e: {  	v2 =	vadd.f32 v4, v9;
	v4 =	vld [tilespmem:s8+$0xA010]  }
0x34f: {  	[tilespmem:s8+$0x8000] =	vst v1;
	v0 =	vadd.f32 v0, v9;
	v1 =	vld [tilespmem:s8+$0xC010]  }
0x350: {  	[tilespmem:s8+$0xA000] =	vst v2;
	v2 =	vadd.f32 v3, v9;
	v3 =	vld [tilespmem:s8+$0xE010]  }
0x351: {  	[tilespmem:s8+$0xC000] =	vst v0;
	v0 =	vld [tilespmem:s8+$0x1A020]  }
0x352: {  	[tilespmem:s8+$0xE000] =	vst v2;
	v2 =	vadd.f32 v6, v5;
	v6 =	vld [tilespmem:s8+$0x8020]  }
0x353: {  	v4 =	vadd.f32 v4, v5;
	v7 =	vld [tilespmem:s8+$0xA020]  }
0x354: {  	[tilespmem:s8+$0x8010] =	vst v2;
	v1 =	vadd.f32 v1, v5;
	v2 =	vld [tilespmem:s8+$0xC020]  }
0x355: {  	[tilespmem:s8+$0xA010] =	vst v4;
	v3 =	vadd.f32 v3, v5;
	v4 =	vld [tilespmem:s8+$0xE020]  }
0x356: {  	[tilespmem:s8+$0xC010] =	vst v1;
	v5 =	vld [tilespmem:s8+$0x1A030]  }
0x357: {  	[tilespmem:s8+$0xE010] =	vst v3;
	v1 =	vadd.f32 v6, v0;
	v3 =	vld [tilespmem:s8+$0x8030]  }
0x358: {  	v6 =	vadd.f32 v7, v0;
	v7 =	vld [tilespmem:s8+$0xA030]  }
0x359: {  	[tilespmem:s8+$0x8020] =	vst v1;
	v1 =	vadd.f32 v2, v0;
	v8 =	vld [tilespmem:s8+$0xC030]  }
0x35a: {  	[tilespmem:s8+$0xA020] =	vst v6;
	v2 =	vadd.f32 v4, v0;
	v9 =	vld [tilespmem:s8+$0xE030]  }
.Ltmp7:
0x35b: {  	[tilespmem:s8+$0xC020] =	vst v1;
	v0 =	vld [tilespmem:s8+$0x1A040];
	(pc) =	sbr.rel @p0 .LBB2_16-.Ltmp7, $4  }
0x35c: {  	[tilespmem:s8+$0xE020] =	vst v2;
	v1 =	vadd.f32 v3, v5;
	v4 =	vld [tilespmem:s8+$0x8040]  }
0x35d: {  	v3 =	vadd.f32 v7, v5;
	v2 =	vld [tilespmem:s8+$0xA040]  }
0x35e: {  	[tilespmem:s8+$0x8030] =	vst v1;
	v6 =	vadd.f32 v8, v5;
	v1 =	vld [tilespmem:s8+$0xC040]  }
0x35f: {  	s11 =	sadd.s32 $0x400, s11;
	[tilespmem:s8+$0xA030] =	vst v3;
	v5 =	vadd.f32 v9, v5;
	v3 =	vld [tilespmem:s8+$0xE040]  }
0x360: {  	v7 =	vld [tilespmem:s8+$0x1A050]  }
0x361: {  	v8 =	vld [tilespmem:s8+$0x8050]  }
0x362: {  	v9 =	vld [tilespmem:s8+$0xA050]  }
0x363: {  	[tilespmem:s8+$0xC030] =	vst v6;
	v6 =	vld [tilespmem:s8+$0xC050];
	v4 =	vadd.f32 v4, v0  }
0x364: {  	[tilespmem:s8+$0xE030] =	vst v5;
	v5 =	vld [tilespmem:s8+$0xE050];
	v2 =	vadd.f32 v2, v0  }
0x365: {  	[tilespmem:s8+$0x8040] =	vst v4;
	v1 =	vadd.f32 v1, v0;
	v4 =	vld [tilespmem:s8+$0x1A060]  }
0x366: {  	[tilespmem:s8+$0xA040] =	vst v2;
	v0 =	vadd.f32 v3, v0;
	v2 =	vld [tilespmem:s8+$0x8060]  }
0x367: {  	v3 =	vld [tilespmem:s8+$0xA060];
	[tilespmem:s8+$0xC040] =	vst v1;
	v1 =	vadd.f32 v8, v7  }
0x368: {  	v8 =	vld [tilespmem:s8+$0xC060];
	[tilespmem:s8+$0xE040] =	vst v0;
	v0 =	vadd.f32 v9, v7  }
0x369: {  	[tilespmem:s8+$0x8050] =	vst v1;
	v1 =	vadd.f32 v6, v7;
	v6 =	vld [tilespmem:s8+$0xE060]  }
0x36a: {  	[tilespmem:s8+$0xA050] =	vst v0;
	v0 =	vadd.f32 v5, v7  }
0x36b: {  	[tilespmem:s8+$0xC050] =	vst v1;
	v1 =	vadd.f32 v2, v4  }
0x36c: {  	[tilespmem:s8+$0xE050] =	vst v0;
	v0 =	vadd.f32 v3, v4  }
0x36d: {  	[tilespmem:s8+$0x8060] =	vst v1;
	v1 =	vadd.f32 v8, v4  }
0x36e: {  	[tilespmem:s8+$0xA060] =	vst v0;
	v0 =	vadd.f32 v6, v4  }
0x36f: {  	[tilespmem:s8+$0xC060] =	vst v1  }
0x370: {  	[tilespmem:s8+$0xE060] =	vst v0  }
0x371: {  	s8 =	rddreg [dreg:$0x18]  }
0x372: {  	[hbm4b:s8+s22] =	stream.strided.scatter [tilespmem:s25], [sflag:$0x5], $0x8000, s23, s22, $0x38;
	[tilespmem:$0x1E000] =	vst v63  }
0x373: {  	s9 =	simm.s32 $0x0;
	s12 =	rddreg [dreg:$0x1f]  }
0x374: {  	[tilespmem:s24], [sflag:$0x8] =	stream.linear.gather [hbm4b:s12+s9], $0x2000, $0x38;
	[tilespmem:$0x1E000] =	vst v63  }
0x375: {  	_ =	swait.ge [sflag:s2], $0x8000  }
0x376: {  	[sflag:s2] =	ssyncset.done $0x0  }
0x377: {  	s13 =	rddreg [dreg:$0x1d];
	[sflag:s2] =	ssyncadd.s32 $0xFFFF8000  }
0x378: {  	[tilespmem:s9], [sflag:$0x1] =	stream.strided.gather [hbm4b:s13+s22], $0x8000, s23, s22, $0x38;
	[tilespmem:$0x1E000] =	vst v63  }
0x379: {  	_ =	swait.ge [sflag:s3], $0x2000  }
0x37a: {  	[sflag:s3] =	ssyncset.done $0x0  }
0x37b: {  	[sflag:s3] =	ssyncadd.s32 $0xFFFFE000  }
0x37c: {  	s14 =	sand.u32 $0x1C00, s9;
	_ =	swait.ge [sflag:s4], $0x8000  }
0x37d: {  	s10 =	sor.u32 s14, s9;
	[sflag:s4] =	ssyncset.done $0x0  }
0x37e: {  	s10 =	sor.u32 $0x70, s10;
	[sflag:s4] =	ssyncadd.s32 $0xFFFF8000  }
0x37f: {  	v0 =	vld [tilespmem:s10+$0x1C000]  }
0x380: {  	v1 =	vld [tilespmem:s10+$0x10000];
	_ =	sdelay $0x1  }
0x381: {  	s11 =	sand.u32 $0x380, s9  }
0x382: {  	s8 =	sor.u32 s11, s14  }
0x383: {  	v4 =	vld [tilespmem:s8+$0x1C000]  }
0x384: {  	v5 =	vld [tilespmem:s8+$0x10000];
	v1 =	vadd.f32 v1, v0  }
0x385: {  	v6 =	vld [tilespmem:s8+$0x12000]  }
0x386: {  	v7 =	vld [tilespmem:s8+$0x14000];
	[tilespmem:s10+$0x10000] =	vst v1  }
0x387: {  	v1 =	vld [tilespmem:s8+$0x16070]  }
0x388: {  	v2 =	vld [tilespmem:s8+$0x12070]  }
0x389: {  	v3 =	vld [tilespmem:s8+$0x14070]  }
0x38a: {  	v8 =	vld [tilespmem:s8+$0x16000]  }
0x38b: {  	v62 =	vld [tilespmem:s8+$0x1C010]  }
0x38c: {  	v10 =	vld [tilespmem:s8+$0x10010];
	v1 =	vadd.f32 v1, v0  }
0x38d: {  	v11 =	vld [tilespmem:s8+$0x12010];
	v2 =	vadd.f32 v2, v0  }
0x38e: {  	v63 =	vld [tilespmem:s8+$0x1C030];
	v0 =	vadd.f32 v3, v0;
	[tilespmem:s8+$0x16070] =	vst v1  }
0x38f: {  	v3 =	vld [tilespmem:s8+$0x16010];
	[tilespmem:s8+$0x12070] =	vst v2;
	v2 =	vadd.f32 v5, v4  }
0x390: {  	v1 =	vld [tilespmem:s8+$0x14010];
	[tilespmem:s8+$0x14070] =	vst v0;
	v0 =	vadd.f32 v6, v4  }
0x391: {  	v5 =	vld [tilespmem:s8+$0x1C020];
	[tilespmem:s8+$0x10000] =	vst v2;
	v2 =	vadd.f32 v7, v4  }
0x392: {  	v6 =	vld [tilespmem:s8+$0x10020];
	[tilespmem:s8+$0x12000] =	vst v0;
	v0 =	vadd.f32 v8, v4  }
0x393: {  	v4 =	vld [tilespmem:s8+$0x12020];
	[tilespmem:s8+$0x14000] =	vst v2;
	v2 =	vadd.f32 v10, v62  }
0x394: {  	v7 =	vld [tilespmem:s8+$0x14020];
	[tilespmem:s8+$0x16000] =	vst v0;
	v0 =	vadd.f32 v11, v62  }
0x395: {  	v8 =	vld [tilespmem:s8+$0x16020];
	v1 =	vadd.f32 v1, v62;
	[tilespmem:s8+$0x10010] =	vst v2  }
0x396: {  	[tilespmem:s8+$0x12010] =	vst v0;
	v0 =	vadd.f32 v3, v62;
	v2 =	vld [tilespmem:s8+$0x10030]  }
0x397: {  	v3 =	vld [tilespmem:s8+$0x12030];
	[tilespmem:s8+$0x14010] =	vst v1;
	v1 =	vadd.f32 v6, v5  }
0x398: {  	v6 =	vld [tilespmem:s8+$0x14030];
	[tilespmem:s8+$0x16010] =	vst v0;
	v0 =	vadd.f32 v4, v5  }
0x399: {  	[tilespmem:s8+$0x10020] =	vst v1;
	v1 =	vadd.f32 v7, v5;
	v7 =	vld [tilespmem:s8+$0x16030]  }
0x39a: {  	v4 =	vld [tilespmem:s8+$0x10040];
	v5 =	vadd.f32 v8, v5;
	[tilespmem:s8+$0x12020] =	vst v0  }
0x39b: {  	v0 =	vld [tilespmem:s8+$0x1C040];
	[tilespmem:s8+$0x14020] =	vst v1;
	v1 =	vadd.f32 v2, v63  }
0x39c: {  	[tilespmem:s8+$0x16020] =	vst v5;
	v3 =	vadd.f32 v3, v63;
	v2 =	vld [tilespmem:s8+$0x12040]  }
0x39d: {  	v6 =	vadd.f32 v6, v63;
	[tilespmem:s8+$0x10030] =	vst v1;
	v1 =	vld [tilespmem:s8+$0x14040]  }
0x39e: {  	s11 =	simm.s32 $0x400;
	s10 =	simm.s32 $0x0;
	[tilespmem:s8+$0x12030] =	vst v3;
	v3 =	vld [tilespmem:s8+$0x16040];
	v5 =	vadd.f32 v7, v63  }
.LBB2_18:
0x39f: {  	s12 =	sand.u32 $0x1C00, s11;
	[tilespmem:s8+$0x14030] =	vst v6;
	v6 =	vld [tilespmem:s8+$0x1C050];
	s9 =	sadd.s32 $0x10, s9  }
0x3a0: {  	s10 =	sadd.s32 $0x8, s10;
	s13 =	sor.u32 s12, s9;
	[tilespmem:s8+$0x16030] =	vst v5;
	v4 =	vadd.f32 v4, v0;
	v5 =	vld [tilespmem:s8+$0x10050]  }
0x3a1: {  	p0 =	slt.u32 s10, $0x1F8;
	s13 =	sor.u32 $0x70, s13;
	v2 =	vadd.f32 v2, v0;
	v7 =	vld [tilespmem:s8+$0x12050]  }
0x3a2: {  	v8 =	vld [tilespmem:s13+$0x1C000];
	[tilespmem:s8+$0x10040] =	vst v4;
	v1 =	vadd.f32 v1, v0  }
0x3a3: {  	v4 =	vld [tilespmem:s13+$0x10000];
	[tilespmem:s8+$0x12040] =	vst v2;
	v0 =	vadd.f32 v3, v0  }
0x3a4: {  	[tilespmem:s8+$0x14040] =	vst v1;
	v1 =	vld [tilespmem:s8+$0x14050]  }
0x3a5: {  	[tilespmem:s8+$0x16040] =	vst v0;
	v0 =	vadd.f32 v5, v6;
	v2 =	vld [tilespmem:s8+$0x16050]  }
0x3a6: {  	v3 =	vadd.f32 v7, v6;
	v5 =	vld [tilespmem:s8+$0x1C060]  }
0x3a7: {  	[tilespmem:s8+$0x10050] =	vst v0;
	v0 =	vld [tilespmem:s8+$0x10060]  }
0x3a8: {  	v4 =	vadd.f32 v4, v8;
	[tilespmem:s8+$0x12050] =	vst v3;
	v3 =	vld [tilespmem:s8+$0x12060]  }
0x3a9: {  	s14 =	sand.u32 $0x380, s9;
	v1 =	vadd.f32 v1, v6;
	v7 =	vld [tilespmem:s8+$0x14060]  }
0x3aa: {  	s12 =	sor.u32 s14, s12;
	[tilespmem:s13+$0x10000] =	vst v4;
	v2 =	vadd.f32 v2, v6;
	v4 =	vld [tilespmem:s8+$0x16060]  }
0x3ab: {  	v6 =	vld [tilespmem:s12+$0x16070];
	[tilespmem:s8+$0x14050] =	vst v1  }
0x3ac: {  	v1 =	vld [tilespmem:s12+$0x12070];
	[tilespmem:s8+$0x16050] =	vst v2;
	v0 =	vadd.f32 v0, v5  }
0x3ad: {  	v2 =	vld [tilespmem:s12+$0x14070];
	v3 =	vadd.f32 v3, v5  }
0x3ae: {  	v9 =	vld [tilespmem:s12+$0x1C000];
	[tilespmem:s8+$0x10060] =	vst v0;
	v0 =	vadd.f32 v7, v5  }
0x3af: {  	v7 =	vld [tilespmem:s12+$0x10000];
	[tilespmem:s8+$0x12060] =	vst v3;
	v3 =	vadd.f32 v4, v5  }
0x3b0: {  	v4 =	vld [tilespmem:s12+$0x12000];
	v5 =	vadd.f32 v6, v8;
	[tilespmem:s8+$0x14060] =	vst v0  }
0x3b1: {  	v0 =	vld [tilespmem:s12+$0x14000];
	v1 =	vadd.f32 v1, v8;
	[tilespmem:s8+$0x16060] =	vst v3;
	s8 =	smov.u32 s12  }
0x3b2: {  	v3 =	vld [tilespmem:s8+$0x16000];
	v2 =	vadd.f32 v2, v8;
	[tilespmem:s8+$0x16070] =	vst v5  }
0x3b3: {  	v5 =	vld [tilespmem:s8+$0x1C010];
	[tilespmem:s8+$0x12070] =	vst v1  }
0x3b4: {  	v1 =	vadd.f32 v7, v9;
	v6 =	vld [tilespmem:s8+$0x10010];
	[tilespmem:s8+$0x14070] =	vst v2  }
0x3b5: {  	v2 =	vadd.f32 v4, v9;
	v4 =	vld [tilespmem:s8+$0x12010]  }
0x3b6: {  	[tilespmem:s8+$0x10000] =	vst v1;
	v0 =	vadd.f32 v0, v9;
	v1 =	vld [tilespmem:s8+$0x14010]  }
0x3b7: {  	[tilespmem:s8+$0x12000] =	vst v2;
	v2 =	vadd.f32 v3, v9;
	v3 =	vld [tilespmem:s8+$0x16010]  }
0x3b8: {  	[tilespmem:s8+$0x14000] =	vst v0;
	v0 =	vld [tilespmem:s8+$0x1C020]  }
0x3b9: {  	[tilespmem:s8+$0x16000] =	vst v2;
	v2 =	vadd.f32 v6, v5;
	v6 =	vld [tilespmem:s8+$0x10020]  }
0x3ba: {  	v4 =	vadd.f32 v4, v5;
	v7 =	vld [tilespmem:s8+$0x12020]  }
0x3bb: {  	[tilespmem:s8+$0x10010] =	vst v2;
	v1 =	vadd.f32 v1, v5;
	v2 =	vld [tilespmem:s8+$0x14020]  }
0x3bc: {  	[tilespmem:s8+$0x12010] =	vst v4;
	v3 =	vadd.f32 v3, v5;
	v4 =	vld [tilespmem:s8+$0x16020]  }
0x3bd: {  	[tilespmem:s8+$0x14010] =	vst v1;
	v5 =	vld [tilespmem:s8+$0x1C030]  }
0x3be: {  	[tilespmem:s8+$0x16010] =	vst v3;
	v1 =	vadd.f32 v6, v0;
	v3 =	vld [tilespmem:s8+$0x10030]  }
0x3bf: {  	v6 =	vadd.f32 v7, v0;
	v7 =	vld [tilespmem:s8+$0x12030]  }
0x3c0: {  	[tilespmem:s8+$0x10020] =	vst v1;
	v1 =	vadd.f32 v2, v0;
	v8 =	vld [tilespmem:s8+$0x14030]  }
0x3c1: {  	[tilespmem:s8+$0x12020] =	vst v6;
	v2 =	vadd.f32 v4, v0;
	v9 =	vld [tilespmem:s8+$0x16030]  }
.Ltmp8:
0x3c2: {  	[tilespmem:s8+$0x14020] =	vst v1;
	v0 =	vld [tilespmem:s8+$0x1C040];
	(pc) =	sbr.rel @p0 .LBB2_18-.Ltmp8, $4  }
0x3c3: {  	[tilespmem:s8+$0x16020] =	vst v2;
	v1 =	vadd.f32 v3, v5;
	v4 =	vld [tilespmem:s8+$0x10040]  }
0x3c4: {  	v3 =	vadd.f32 v7, v5;
	v2 =	vld [tilespmem:s8+$0x12040]  }
0x3c5: {  	[tilespmem:s8+$0x10030] =	vst v1;
	v6 =	vadd.f32 v8, v5;
	v1 =	vld [tilespmem:s8+$0x14040]  }
0x3c6: {  	s11 =	sadd.s32 $0x400, s11;
	[tilespmem:s8+$0x12030] =	vst v3;
	v5 =	vadd.f32 v9, v5;
	v3 =	vld [tilespmem:s8+$0x16040]  }
0x3c7: {  	v7 =	vld [tilespmem:s8+$0x1C050]  }
0x3c8: {  	v8 =	vld [tilespmem:s8+$0x10050]  }
0x3c9: {  	v9 =	vld [tilespmem:s8+$0x12050]  }
0x3ca: {  	[tilespmem:s8+$0x14030] =	vst v6;
	v6 =	vld [tilespmem:s8+$0x14050];
	v4 =	vadd.f32 v4, v0  }
0x3cb: {  	[tilespmem:s8+$0x16030] =	vst v5;
	v5 =	vld [tilespmem:s8+$0x16050];
	v2 =	vadd.f32 v2, v0  }
0x3cc: {  	[tilespmem:s8+$0x10040] =	vst v4;
	v1 =	vadd.f32 v1, v0;
	v4 =	vld [tilespmem:s8+$0x1C060]  }
0x3cd: {  	[tilespmem:s8+$0x12040] =	vst v2;
	v0 =	vadd.f32 v3, v0;
	v2 =	vld [tilespmem:s8+$0x10060]  }
0x3ce: {  	v3 =	vld [tilespmem:s8+$0x12060];
	[tilespmem:s8+$0x14040] =	vst v1;
	v1 =	vadd.f32 v8, v7  }
0x3cf: {  	v8 =	vld [tilespmem:s8+$0x14060];
	[tilespmem:s8+$0x16040] =	vst v0;
	v0 =	vadd.f32 v9, v7  }
0x3d0: {  	[tilespmem:s8+$0x10050] =	vst v1;
	v1 =	vadd.f32 v6, v7;
	v6 =	vld [tilespmem:s8+$0x16060]  }
0x3d1: {  	[tilespmem:s8+$0x12050] =	vst v0;
	v0 =	vadd.f32 v5, v7  }
0x3d2: {  	[tilespmem:s8+$0x14050] =	vst v1;
	v1 =	vadd.f32 v2, v4  }
0x3d3: {  	[tilespmem:s8+$0x16050] =	vst v0;
	v0 =	vadd.f32 v3, v4  }
0x3d4: {  	[tilespmem:s8+$0x10060] =	vst v1;
	v1 =	vadd.f32 v8, v4  }
0x3d5: {  	[tilespmem:s8+$0x12060] =	vst v0;
	v0 =	vadd.f32 v6, v4  }
0x3d6: {  	[tilespmem:s8+$0x14060] =	vst v1  }
0x3d7: {  	[tilespmem:s8+$0x16060] =	vst v0  }
0x3d8: {  	s8 =	rddreg [dreg:$0x1b]  }
0x3d9: {  	s12 =	sld [smem:$0x7F1]  }
0x3da: {  	[hbm4b:s8+s22] =	stream.strided.scatter [tilespmem:s28], [sflag:$0x6], $0x8000, s23, s22, $0x38;
	[tilespmem:$0x1E000] =	vst v63  }
0x3db: {  	s9 =	simm.s32 $0x0  }
0x3dc: {  	[tilespmem:s26], [sflag:$0x9] =	stream.linear.gather [hbm4b:s12+s9], $0x2000, $0x38;
	[tilespmem:$0x1E000] =	vst v63  }
0x3dd: {  	_ =	swait.ge [sflag:s5], $0x8000  }
0x3de: {  	s13 =	sld [smem:$0x7EF]  }
0x3df: {  	[sflag:s5] =	ssyncset.done $0x0  }
0x3e0: {  	[sflag:s5] =	ssyncadd.s32 $0xFFFF8000  }
0x3e1: {  	[tilespmem:s25], [sflag:$0x2] =	stream.strided.gather [hbm4b:s13+s22], $0x8000, s23, s22, $0x38;
	[tilespmem:$0x1E000] =	vst v63  }
0x3e2: {  	_ =	swait.ge [sflag:s29], $0x2000  }
0x3e3: {  	[sflag:s29] =	ssyncset.done $0x0  }
0x3e4: {  	[sflag:s29] =	ssyncadd.s32 $0xFFFFE000  }
0x3e5: {  	s14 =	sand.u32 $0x1C00, s9;
	_ =	swait.ge [sflag:s30], $0x8000  }
0x3e6: {  	s10 =	sor.u32 s14, s9;
	[sflag:s30] =	ssyncset.done $0x0  }
0x3e7: {  	s10 =	sor.u32 $0x70, s10;
	[sflag:s30] =	ssyncadd.s32 $0xFFFF8000  }
0x3e8: {  	v0 =	vld [tilespmem:s10+$0x18000]  }
0x3e9: {  	v1 =	vld [tilespmem:s10+$0x0];
	_ =	sdelay $0x1  }
0x3ea: {  	s11 =	sand.u32 $0x380, s9  }
0x3eb: {  	s8 =	sor.u32 s11, s14  }
0x3ec: {  	v4 =	vld [tilespmem:s8+$0x18000]  }
0x3ed: {  	v5 =	vld [tilespmem:s8+$0x0];
	v1 =	vadd.f32 v1, v0  }
0x3ee: {  	v6 =	vld [tilespmem:s8+$0x2000]  }
0x3ef: {  	v7 =	vld [tilespmem:s8+$0x4000];
	[tilespmem:s10+$0x0] =	vst v1  }
0x3f0: {  	v1 =	vld [tilespmem:s8+$0x6070]  }
0x3f1: {  	v2 =	vld [tilespmem:s8+$0x2070]  }
0x3f2: {  	v3 =	vld [tilespmem:s8+$0x4070]  }
0x3f3: {  	v8 =	vld [tilespmem:s8+$0x6000]  }
0x3f4: {  	v62 =	vld [tilespmem:s8+$0x18010]  }
0x3f5: {  	v10 =	vld [tilespmem:s8+$0x10];
	v1 =	vadd.f32 v1, v0  }
0x3f6: {  	v11 =	vld [tilespmem:s8+$0x2010];
	v2 =	vadd.f32 v2, v0  }
0x3f7: {  	v63 =	vld [tilespmem:s8+$0x18030];
	v0 =	vadd.f32 v3, v0;
	[tilespmem:s8+$0x6070] =	vst v1  }
0x3f8: {  	v3 =	vld [tilespmem:s8+$0x6010];
	[tilespmem:s8+$0x2070] =	vst v2;
	v2 =	vadd.f32 v5, v4  }
0x3f9: {  	v1 =	vld [tilespmem:s8+$0x4010];
	[tilespmem:s8+$0x4070] =	vst v0;
	v0 =	vadd.f32 v6, v4  }
0x3fa: {  	v5 =	vld [tilespmem:s8+$0x18020];
	[tilespmem:s8+$0x0] =	vst v2;
	v2 =	vadd.f32 v7, v4  }
0x3fb: {  	v6 =	vld [tilespmem:s8+$0x20];
	[tilespmem:s8+$0x2000] =	vst v0;
	v0 =	vadd.f32 v8, v4  }
0x3fc: {  	v4 =	vld [tilespmem:s8+$0x2020];
	[tilespmem:s8+$0x4000] =	vst v2;
	v2 =	vadd.f32 v10, v62  }
0x3fd: {  	v7 =	vld [tilespmem:s8+$0x4020];
	[tilespmem:s8+$0x6000] =	vst v0;
	v0 =	vadd.f32 v11, v62  }
0x3fe: {  	v8 =	vld [tilespmem:s8+$0x6020];
	v1 =	vadd.f32 v1, v62;
	[tilespmem:s8+$0x10] =	vst v2  }
0x3ff: {  	[tilespmem:s8+$0x2010] =	vst v0;
	v0 =	vadd.f32 v3, v62;
	v2 =	vld [tilespmem:s8+$0x30]  }
0x400: {  	v3 =	vld [tilespmem:s8+$0x2030];
	[tilespmem:s8+$0x4010] =	vst v1;
	v1 =	vadd.f32 v6, v5  }
0x401: {  	v6 =	vld [tilespmem:s8+$0x4030];
	[tilespmem:s8+$0x6010] =	vst v0;
	v0 =	vadd.f32 v4, v5  }
0x402: {  	[tilespmem:s8+$0x20] =	vst v1;
	v1 =	vadd.f32 v7, v5;
	v7 =	vld [tilespmem:s8+$0x6030]  }
0x403: {  	v4 =	vld [tilespmem:s8+$0x40];
	v5 =	vadd.f32 v8, v5;
	[tilespmem:s8+$0x2020] =	vst v0  }
0x404: {  	v0 =	vld [tilespmem:s8+$0x18040];
	[tilespmem:s8+$0x4020] =	vst v1;
	v1 =	vadd.f32 v2, v63  }
0x405: {  	[tilespmem:s8+$0x6020] =	vst v5;
	v3 =	vadd.f32 v3, v63;
	v2 =	vld [tilespmem:s8+$0x2040]  }
0x406: {  	v6 =	vadd.f32 v6, v63;
	[tilespmem:s8+$0x30] =	vst v1;
	v1 =	vld [tilespmem:s8+$0x4040]  }
0x407: {  	s11 =	simm.s32 $0x400;
	s10 =	simm.s32 $0x0;
	[tilespmem:s8+$0x2030] =	vst v3;
	v3 =	vld [tilespmem:s8+$0x6040];
	v5 =	vadd.f32 v7, v63  }
.LBB2_20:
0x408: {  	s12 =	sand.u32 $0x1C00, s11;
	[tilespmem:s8+$0x4030] =	vst v6;
	v6 =	vld [tilespmem:s8+$0x18050];
	s9 =	sadd.s32 $0x10, s9  }
0x409: {  	s10 =	sadd.s32 $0x8, s10;
	s13 =	sor.u32 s12, s9;
	[tilespmem:s8+$0x6030] =	vst v5;
	v4 =	vadd.f32 v4, v0;
	v5 =	vld [tilespmem:s8+$0x50]  }
0x40a: {  	p0 =	slt.u32 s10, $0x1F8;
	s13 =	sor.u32 $0x70, s13;
	v2 =	vadd.f32 v2, v0;
	v7 =	vld [tilespmem:s8+$0x2050]  }
0x40b: {  	v8 =	vld [tilespmem:s13+$0x18000];
	[tilespmem:s8+$0x40] =	vst v4;
	v1 =	vadd.f32 v1, v0  }
0x40c: {  	v4 =	vld [tilespmem:s13+$0x0];
	[tilespmem:s8+$0x2040] =	vst v2;
	v0 =	vadd.f32 v3, v0  }
0x40d: {  	[tilespmem:s8+$0x4040] =	vst v1;
	v1 =	vld [tilespmem:s8+$0x4050]  }
0x40e: {  	[tilespmem:s8+$0x6040] =	vst v0;
	v0 =	vadd.f32 v5, v6;
	v2 =	vld [tilespmem:s8+$0x6050]  }
0x40f: {  	v3 =	vadd.f32 v7, v6;
	v5 =	vld [tilespmem:s8+$0x18060]  }
0x410: {  	[tilespmem:s8+$0x50] =	vst v0;
	v0 =	vld [tilespmem:s8+$0x60]  }
0x411: {  	v4 =	vadd.f32 v4, v8;
	[tilespmem:s8+$0x2050] =	vst v3;
	v3 =	vld [tilespmem:s8+$0x2060]  }
0x412: {  	s14 =	sand.u32 $0x380, s9;
	v1 =	vadd.f32 v1, v6;
	v7 =	vld [tilespmem:s8+$0x4060]  }
0x413: {  	s12 =	sor.u32 s14, s12;
	[tilespmem:s13+$0x0] =	vst v4;
	v2 =	vadd.f32 v2, v6;
	v4 =	vld [tilespmem:s8+$0x6060]  }
0x414: {  	v6 =	vld [tilespmem:s12+$0x6070];
	[tilespmem:s8+$0x4050] =	vst v1  }
0x415: {  	v1 =	vld [tilespmem:s12+$0x2070];
	[tilespmem:s8+$0x6050] =	vst v2;
	v0 =	vadd.f32 v0, v5  }
0x416: {  	v2 =	vld [tilespmem:s12+$0x4070];
	v3 =	vadd.f32 v3, v5  }
0x417: {  	v9 =	vld [tilespmem:s12+$0x18000];
	[tilespmem:s8+$0x60] =	vst v0;
	v0 =	vadd.f32 v7, v5  }
0x418: {  	v7 =	vld [tilespmem:s12+$0x0];
	[tilespmem:s8+$0x2060] =	vst v3;
	v3 =	vadd.f32 v4, v5  }
0x419: {  	v4 =	vld [tilespmem:s12+$0x2000];
	v5 =	vadd.f32 v6, v8;
	[tilespmem:s8+$0x4060] =	vst v0  }
0x41a: {  	v0 =	vld [tilespmem:s12+$0x4000];
	v1 =	vadd.f32 v1, v8;
	[tilespmem:s8+$0x6060] =	vst v3;
	s8 =	smov.u32 s12  }
0x41b: {  	v3 =	vld [tilespmem:s8+$0x6000];
	v2 =	vadd.f32 v2, v8;
	[tilespmem:s8+$0x6070] =	vst v5  }
0x41c: {  	v5 =	vld [tilespmem:s8+$0x18010];
	[tilespmem:s8+$0x2070] =	vst v1  }
0x41d: {  	v1 =	vadd.f32 v7, v9;
	v6 =	vld [tilespmem:s8+$0x10];
	[tilespmem:s8+$0x4070] =	vst v2  }
0x41e: {  	v2 =	vadd.f32 v4, v9;
	v4 =	vld [tilespmem:s8+$0x2010]  }
0x41f: {  	[tilespmem:s8+$0x0] =	vst v1;
	v0 =	vadd.f32 v0, v9;
	v1 =	vld [tilespmem:s8+$0x4010]  }
0x420: {  	[tilespmem:s8+$0x2000] =	vst v2;
	v2 =	vadd.f32 v3, v9;
	v3 =	vld [tilespmem:s8+$0x6010]  }
0x421: {  	[tilespmem:s8+$0x4000] =	vst v0;
	v0 =	vld [tilespmem:s8+$0x18020]  }
0x422: {  	[tilespmem:s8+$0x6000] =	vst v2;
	v2 =	vadd.f32 v6, v5;
	v6 =	vld [tilespmem:s8+$0x20]  }
0x423: {  	v4 =	vadd.f32 v4, v5;
	v7 =	vld [tilespmem:s8+$0x2020]  }
0x424: {  	[tilespmem:s8+$0x10] =	vst v2;
	v1 =	vadd.f32 v1, v5;
	v2 =	vld [tilespmem:s8+$0x4020]  }
0x425: {  	[tilespmem:s8+$0x2010] =	vst v4;
	v3 =	vadd.f32 v3, v5;
	v4 =	vld [tilespmem:s8+$0x6020]  }
0x426: {  	[tilespmem:s8+$0x4010] =	vst v1;
	v5 =	vld [tilespmem:s8+$0x18030]  }
0x427: {  	[tilespmem:s8+$0x6010] =	vst v3;
	v1 =	vadd.f32 v6, v0;
	v3 =	vld [tilespmem:s8+$0x30]  }
0x428: {  	v6 =	vadd.f32 v7, v0;
	v7 =	vld [tilespmem:s8+$0x2030]  }
0x429: {  	[tilespmem:s8+$0x20] =	vst v1;
	v1 =	vadd.f32 v2, v0;
	v8 =	vld [tilespmem:s8+$0x4030]  }
0x42a: {  	[tilespmem:s8+$0x2020] =	vst v6;
	v2 =	vadd.f32 v4, v0;
	v9 =	vld [tilespmem:s8+$0x6030]  }
.Ltmp9:
0x42b: {  	[tilespmem:s8+$0x4020] =	vst v1;
	v0 =	vld [tilespmem:s8+$0x18040];
	(pc) =	sbr.rel @p0 .LBB2_20-.Ltmp9, $4  }
0x42c: {  	[tilespmem:s8+$0x6020] =	vst v2;
	v1 =	vadd.f32 v3, v5;
	v4 =	vld [tilespmem:s8+$0x40]  }
0x42d: {  	v3 =	vadd.f32 v7, v5;
	v2 =	vld [tilespmem:s8+$0x2040]  }
0x42e: {  	[tilespmem:s8+$0x30] =	vst v1;
	v6 =	vadd.f32 v8, v5;
	v1 =	vld [tilespmem:s8+$0x4040]  }
0x42f: {  	s11 =	sadd.s32 $0x400, s11;
	[tilespmem:s8+$0x2030] =	vst v3;
	v5 =	vadd.f32 v9, v5;
	v3 =	vld [tilespmem:s8+$0x6040]  }
0x430: {  	v7 =	vld [tilespmem:s8+$0x18050]  }
0x431: {  	v8 =	vld [tilespmem:s8+$0x50]  }
0x432: {  	v9 =	vld [tilespmem:s8+$0x2050]  }
0x433: {  	[tilespmem:s8+$0x4030] =	vst v6;
	v6 =	vld [tilespmem:s8+$0x4050];
	v4 =	vadd.f32 v4, v0  }
0x434: {  	[tilespmem:s8+$0x6030] =	vst v5;
	v5 =	vld [tilespmem:s8+$0x6050];
	v2 =	vadd.f32 v2, v0  }
0x435: {  	[tilespmem:s8+$0x40] =	vst v4;
	v1 =	vadd.f32 v1, v0;
	v4 =	vld [tilespmem:s8+$0x18060]  }
0x436: {  	[tilespmem:s8+$0x2040] =	vst v2;
	v0 =	vadd.f32 v3, v0;
	v2 =	vld [tilespmem:s8+$0x60]  }
0x437: {  	v3 =	vld [tilespmem:s8+$0x2060];
	[tilespmem:s8+$0x4040] =	vst v1;
	v1 =	vadd.f32 v8, v7  }
0x438: {  	v8 =	vld [tilespmem:s8+$0x4060];
	[tilespmem:s8+$0x6040] =	vst v0;
	v0 =	vadd.f32 v9, v7  }
0x439: {  	[tilespmem:s8+$0x50] =	vst v1;
	v1 =	vadd.f32 v6, v7;
	v6 =	vld [tilespmem:s8+$0x6060]  }
0x43a: {  	[tilespmem:s8+$0x2050] =	vst v0;
	v0 =	vadd.f32 v5, v7  }
0x43b: {  	[tilespmem:s8+$0x4050] =	vst v1;
	v1 =	vadd.f32 v2, v4  }
0x43c: {  	[tilespmem:s8+$0x6050] =	vst v0;
	v0 =	vadd.f32 v3, v4  }
0x43d: {  	[tilespmem:s8+$0x60] =	vst v1;
	v1 =	vadd.f32 v8, v4  }
0x43e: {  	[tilespmem:s8+$0x2060] =	vst v0;
	v0 =	vadd.f32 v6, v4  }
0x43f: {  	[tilespmem:s8+$0x4060] =	vst v1  }
0x440: {  	[tilespmem:s8+$0x6060] =	vst v0  }
0x441: {  	s8 =	rddreg [dreg:$0x1e]  }
0x442: {  	s9 =	simm.s32 $0x0;
	s12 =	sld [smem:$0x7F4]  }
0x443: {  	[hbm4b:s8+s22] =	stream.strided.scatter [tilespmem:s9], [sflag:$0x4], $0x8000, s23, s22, $0x38;
	[tilespmem:$0x1E000] =	vst v63  }
0x444: {  	_ = 	snop  }
0x445: {  	[tilespmem:s21], [sflag:$0x7] =	stream.linear.gather [hbm4b:s12+s9], $0x2000, $0x38;
	[tilespmem:$0x1E000] =	vst v63  }
0x446: {  	_ =	swait.ge [sflag:s6], $0x8000  }
0x447: {  	s13 =	sld [smem:$0x7F2]  }
0x448: {  	[sflag:s6] =	ssyncset.done $0x0  }
0x449: {  	[sflag:s6] =	ssyncadd.s32 $0xFFFF8000  }
0x44a: {  	[tilespmem:s28], [sflag:$0x3] =	stream.strided.gather [hbm4b:s13+s22], $0x8000, s23, s22, $0x38;
	[tilespmem:$0x1E000] =	vst v63  }
0x44b: {  	_ =	swait.ge [sflag:s31], $0x2000  }
0x44c: {  	[sflag:s31] =	ssyncset.done $0x0  }
0x44d: {  	[sflag:s31] =	ssyncadd.s32 $0xFFFFE000  }
0x44e: {  	s14 =	sand.u32 $0x1C00, s9;
	_ =	swait.ge [sflag:s0], $0x8000  }
0x44f: {  	s10 =	sor.u32 s14, s9;
	[sflag:s0] =	ssyncset.done $0x0  }
0x450: {  	s10 =	sor.u32 $0x70, s10;
	[sflag:s0] =	ssyncadd.s32 $0xFFFF8000  }
0x451: {  	v0 =	vld [tilespmem:s10+$0x1A000]  }
0x452: {  	v1 =	vld [tilespmem:s10+$0x8000];
	_ =	sdelay $0x1  }
0x453: {  	s11 =	sand.u32 $0x380, s9  }
0x454: {  	s8 =	sor.u32 s11, s14  }
0x455: {  	v4 =	vld [tilespmem:s8+$0x1A000]  }
0x456: {  	v5 =	vld [tilespmem:s8+$0x8000];
	v1 =	vadd.f32 v1, v0  }
0x457: {  	v6 =	vld [tilespmem:s8+$0xA000]  }
0x458: {  	v7 =	vld [tilespmem:s8+$0xC000];
	[tilespmem:s10+$0x8000] =	vst v1  }
0x459: {  	v1 =	vld [tilespmem:s8+$0xE070]  }
0x45a: {  	v2 =	vld [tilespmem:s8+$0xA070]  }
0x45b: {  	v3 =	vld [tilespmem:s8+$0xC070]  }
0x45c: {  	v8 =	vld [tilespmem:s8+$0xE000]  }
0x45d: {  	v62 =	vld [tilespmem:s8+$0x1A010]  }
0x45e: {  	v10 =	vld [tilespmem:s8+$0x8010];
	v1 =	vadd.f32 v1, v0  }
0x45f: {  	v11 =	vld [tilespmem:s8+$0xA010];
	v2 =	vadd.f32 v2, v0  }
0x460: {  	v63 =	vld [tilespmem:s8+$0x1A030];
	v0 =	vadd.f32 v3, v0;
	[tilespmem:s8+$0xE070] =	vst v1  }
0x461: {  	v3 =	vld [tilespmem:s8+$0xE010];
	[tilespmem:s8+$0xA070] =	vst v2;
	v2 =	vadd.f32 v5, v4  }
0x462: {  	v1 =	vld [tilespmem:s8+$0xC010];
	[tilespmem:s8+$0xC070] =	vst v0;
	v0 =	vadd.f32 v6, v4  }
0x463: {  	v5 =	vld [tilespmem:s8+$0x1A020];
	[tilespmem:s8+$0x8000] =	vst v2;
	v2 =	vadd.f32 v7, v4  }
0x464: {  	v6 =	vld [tilespmem:s8+$0x8020];
	[tilespmem:s8+$0xA000] =	vst v0;
	v0 =	vadd.f32 v8, v4  }
0x465: {  	v4 =	vld [tilespmem:s8+$0xA020];
	[tilespmem:s8+$0xC000] =	vst v2;
	v2 =	vadd.f32 v10, v62  }
0x466: {  	v7 =	vld [tilespmem:s8+$0xC020];
	[tilespmem:s8+$0xE000] =	vst v0;
	v0 =	vadd.f32 v11, v62  }
0x467: {  	v8 =	vld [tilespmem:s8+$0xE020];
	v1 =	vadd.f32 v1, v62;
	[tilespmem:s8+$0x8010] =	vst v2  }
0x468: {  	[tilespmem:s8+$0xA010] =	vst v0;
	v0 =	vadd.f32 v3, v62;
	v2 =	vld [tilespmem:s8+$0x8030]  }
0x469: {  	v3 =	vld [tilespmem:s8+$0xA030];
	[tilespmem:s8+$0xC010] =	vst v1;
	v1 =	vadd.f32 v6, v5  }
0x46a: {  	v6 =	vld [tilespmem:s8+$0xC030];
	[tilespmem:s8+$0xE010] =	vst v0;
	v0 =	vadd.f32 v4, v5  }
0x46b: {  	[tilespmem:s8+$0x8020] =	vst v1;
	v1 =	vadd.f32 v7, v5;
	v7 =	vld [tilespmem:s8+$0xE030]  }
0x46c: {  	v4 =	vld [tilespmem:s8+$0x8040];
	v5 =	vadd.f32 v8, v5;
	[tilespmem:s8+$0xA020] =	vst v0  }
0x46d: {  	v0 =	vld [tilespmem:s8+$0x1A040];
	[tilespmem:s8+$0xC020] =	vst v1;
	v1 =	vadd.f32 v2, v63  }
0x46e: {  	[tilespmem:s8+$0xE020] =	vst v5;
	v3 =	vadd.f32 v3, v63;
	v2 =	vld [tilespmem:s8+$0xA040]  }
0x46f: {  	v6 =	vadd.f32 v6, v63;
	[tilespmem:s8+$0x8030] =	vst v1;
	v1 =	vld [tilespmem:s8+$0xC040]  }
0x470: {  	s11 =	simm.s32 $0x400;
	s10 =	simm.s32 $0x0;
	[tilespmem:s8+$0xA030] =	vst v3;
	v3 =	vld [tilespmem:s8+$0xE040];
	v5 =	vadd.f32 v7, v63  }
.LBB2_22:
0x471: {  	s12 =	sand.u32 $0x1C00, s11;
	[tilespmem:s8+$0xC030] =	vst v6;
	v6 =	vld [tilespmem:s8+$0x1A050];
	s9 =	sadd.s32 $0x10, s9  }
0x472: {  	s10 =	sadd.s32 $0x8, s10;
	s13 =	sor.u32 s12, s9;
	[tilespmem:s8+$0xE030] =	vst v5;
	v4 =	vadd.f32 v4, v0;
	v5 =	vld [tilespmem:s8+$0x8050]  }
0x473: {  	p0 =	slt.u32 s10, $0x1F8;
	s13 =	sor.u32 $0x70, s13;
	v2 =	vadd.f32 v2, v0;
	v7 =	vld [tilespmem:s8+$0xA050]  }
0x474: {  	v8 =	vld [tilespmem:s13+$0x1A000];
	[tilespmem:s8+$0x8040] =	vst v4;
	v1 =	vadd.f32 v1, v0  }
0x475: {  	v4 =	vld [tilespmem:s13+$0x8000];
	[tilespmem:s8+$0xA040] =	vst v2;
	v0 =	vadd.f32 v3, v0  }
0x476: {  	[tilespmem:s8+$0xC040] =	vst v1;
	v1 =	vld [tilespmem:s8+$0xC050]  }
0x477: {  	[tilespmem:s8+$0xE040] =	vst v0;
	v0 =	vadd.f32 v5, v6;
	v2 =	vld [tilespmem:s8+$0xE050]  }
0x478: {  	v3 =	vadd.f32 v7, v6;
	v5 =	vld [tilespmem:s8+$0x1A060]  }
0x479: {  	[tilespmem:s8+$0x8050] =	vst v0;
	v0 =	vld [tilespmem:s8+$0x8060]  }
0x47a: {  	v4 =	vadd.f32 v4, v8;
	[tilespmem:s8+$0xA050] =	vst v3;
	v3 =	vld [tilespmem:s8+$0xA060]  }
0x47b: {  	s14 =	sand.u32 $0x380, s9;
	v1 =	vadd.f32 v1, v6;
	v7 =	vld [tilespmem:s8+$0xC060]  }
0x47c: {  	s12 =	sor.u32 s14, s12;
	[tilespmem:s13+$0x8000] =	vst v4;
	v2 =	vadd.f32 v2, v6;
	v4 =	vld [tilespmem:s8+$0xE060]  }
0x47d: {  	v6 =	vld [tilespmem:s12+$0xE070];
	[tilespmem:s8+$0xC050] =	vst v1  }
0x47e: {  	v1 =	vld [tilespmem:s12+$0xA070];
	[tilespmem:s8+$0xE050] =	vst v2;
	v0 =	vadd.f32 v0, v5  }
0x47f: {  	v2 =	vld [tilespmem:s12+$0xC070];
	v3 =	vadd.f32 v3, v5  }
0x480: {  	v9 =	vld [tilespmem:s12+$0x1A000];
	[tilespmem:s8+$0x8060] =	vst v0;
	v0 =	vadd.f32 v7, v5  }
0x481: {  	v7 =	vld [tilespmem:s12+$0x8000];
	[tilespmem:s8+$0xA060] =	vst v3;
	v3 =	vadd.f32 v4, v5  }
0x482: {  	v4 =	vld [tilespmem:s12+$0xA000];
	v5 =	vadd.f32 v6, v8;
	[tilespmem:s8+$0xC060] =	vst v0  }
0x483: {  	v0 =	vld [tilespmem:s12+$0xC000];
	v1 =	vadd.f32 v1, v8;
	[tilespmem:s8+$0xE060] =	vst v3;
	s8 =	smov.u32 s12  }
0x484: {  	v3 =	vld [tilespmem:s8+$0xE000];
	v2 =	vadd.f32 v2, v8;
	[tilespmem:s8+$0xE070] =	vst v5  }
0x485: {  	v5 =	vld [tilespmem:s8+$0x1A010];
	[tilespmem:s8+$0xA070] =	vst v1  }
0x486: {  	v1 =	vadd.f32 v7, v9;
	v6 =	vld [tilespmem:s8+$0x8010];
	[tilespmem:s8+$0xC070] =	vst v2  }
0x487: {  	v2 =	vadd.f32 v4, v9;
	v4 =	vld [tilespmem:s8+$0xA010]  }
0x488: {  	[tilespmem:s8+$0x8000] =	vst v1;
	v0 =	vadd.f32 v0, v9;
	v1 =	vld [tilespmem:s8+$0xC010]  }
0x489: {  	[tilespmem:s8+$0xA000] =	vst v2;
	v2 =	vadd.f32 v3, v9;
	v3 =	vld [tilespmem:s8+$0xE010]  }
0x48a: {  	[tilespmem:s8+$0xC000] =	vst v0;
	v0 =	vld [tilespmem:s8+$0x1A020]  }
0x48b: {  	[tilespmem:s8+$0xE000] =	vst v2;
	v2 =	vadd.f32 v6, v5;
	v6 =	vld [tilespmem:s8+$0x8020]  }
0x48c: {  	v4 =	vadd.f32 v4, v5;
	v7 =	vld [tilespmem:s8+$0xA020]  }
0x48d: {  	[tilespmem:s8+$0x8010] =	vst v2;
	v1 =	vadd.f32 v1, v5;
	v2 =	vld [tilespmem:s8+$0xC020]  }
0x48e: {  	[tilespmem:s8+$0xA010] =	vst v4;
	v3 =	vadd.f32 v3, v5;
	v4 =	vld [tilespmem:s8+$0xE020]  }
0x48f: {  	[tilespmem:s8+$0xC010] =	vst v1;
	v5 =	vld [tilespmem:s8+$0x1A030]  }
0x490: {  	[tilespmem:s8+$0xE010] =	vst v3;
	v1 =	vadd.f32 v6, v0;
	v3 =	vld [tilespmem:s8+$0x8030]  }
0x491: {  	v6 =	vadd.f32 v7, v0;
	v7 =	vld [tilespmem:s8+$0xA030]  }
0x492: {  	[tilespmem:s8+$0x8020] =	vst v1;
	v1 =	vadd.f32 v2, v0;
	v8 =	vld [tilespmem:s8+$0xC030]  }
0x493: {  	[tilespmem:s8+$0xA020] =	vst v6;
	v2 =	vadd.f32 v4, v0;
	v9 =	vld [tilespmem:s8+$0xE030]  }
.Ltmp10:
0x494: {  	[tilespmem:s8+$0xC020] =	vst v1;
	v0 =	vld [tilespmem:s8+$0x1A040];
	(pc) =	sbr.rel @p0 .LBB2_22-.Ltmp10, $4  }
0x495: {  	[tilespmem:s8+$0xE020] =	vst v2;
	v1 =	vadd.f32 v3, v5;
	v4 =	vld [tilespmem:s8+$0x8040]  }
0x496: {  	v3 =	vadd.f32 v7, v5;
	v2 =	vld [tilespmem:s8+$0xA040]  }
0x497: {  	[tilespmem:s8+$0x8030] =	vst v1;
	v6 =	vadd.f32 v8, v5;
	v1 =	vld [tilespmem:s8+$0xC040]  }
0x498: {  	s11 =	sadd.s32 $0x400, s11;
	[tilespmem:s8+$0xA030] =	vst v3;
	v5 =	vadd.f32 v9, v5;
	v3 =	vld [tilespmem:s8+$0xE040]  }
0x499: {  	v7 =	vld [tilespmem:s8+$0x1A050]  }
0x49a: {  	v8 =	vld [tilespmem:s8+$0x8050]  }
0x49b: {  	v9 =	vld [tilespmem:s8+$0xA050]  }
0x49c: {  	[tilespmem:s8+$0xC030] =	vst v6;
	v6 =	vld [tilespmem:s8+$0xC050];
	v4 =	vadd.f32 v4, v0  }
0x49d: {  	[tilespmem:s8+$0xE030] =	vst v5;
	v5 =	vld [tilespmem:s8+$0xE050];
	v2 =	vadd.f32 v2, v0  }
0x49e: {  	[tilespmem:s8+$0x8040] =	vst v4;
	v1 =	vadd.f32 v1, v0;
	v4 =	vld [tilespmem:s8+$0x1A060]  }
0x49f: {  	[tilespmem:s8+$0xA040] =	vst v2;
	v0 =	vadd.f32 v3, v0;
	v2 =	vld [tilespmem:s8+$0x8060]  }
0x4a0: {  	v3 =	vld [tilespmem:s8+$0xA060];
	[tilespmem:s8+$0xC040] =	vst v1;
	v1 =	vadd.f32 v8, v7  }
0x4a1: {  	v8 =	vld [tilespmem:s8+$0xC060];
	[tilespmem:s8+$0xE040] =	vst v0;
	v0 =	vadd.f32 v9, v7  }
0x4a2: {  	[tilespmem:s8+$0x8050] =	vst v1;
	v1 =	vadd.f32 v6, v7;
	v6 =	vld [tilespmem:s8+$0xE060]  }
0x4a3: {  	[tilespmem:s8+$0xA050] =	vst v0;
	v0 =	vadd.f32 v5, v7  }
0x4a4: {  	[tilespmem:s8+$0xC050] =	vst v1;
	v1 =	vadd.f32 v2, v4  }
0x4a5: {  	[tilespmem:s8+$0xE050] =	vst v0;
	v0 =	vadd.f32 v3, v4  }
0x4a6: {  	[tilespmem:s8+$0x8060] =	vst v1;
	v1 =	vadd.f32 v8, v4  }
0x4a7: {  	[tilespmem:s8+$0xA060] =	vst v0;
	v0 =	vadd.f32 v6, v4  }
0x4a8: {  	[tilespmem:s8+$0xC060] =	vst v1  }
0x4a9: {  	[tilespmem:s8+$0xE060] =	vst v0  }
0x4aa: {  	s8 =	sld [smem:$0x7F0];
	_ =	sdelay $0x1  }
0x4ab: {  	s12 =	sld [smem:$0x7FA]  }
0x4ac: {  	[hbm4b:s8+s22] =	stream.strided.scatter [tilespmem:s25], [sflag:$0x5], $0x8000, s23, s22, $0x38;
	[tilespmem:$0x1E000] =	vst v63  }
0x4ad: {  	s9 =	simm.s32 $0x0  }
0x4ae: {  	[tilespmem:s24], [sflag:$0x8] =	stream.linear.gather [hbm4b:s12+s9], $0x2000, $0x38;
	[tilespmem:$0x1E000] =	vst v63  }
0x4af: {  	_ =	swait.ge [sflag:s2], $0x8000  }
0x4b0: {  	s13 =	sld [smem:$0x7F5]  }
0x4b1: {  	[sflag:s2] =	ssyncset.done $0x0  }
0x4b2: {  	[sflag:s2] =	ssyncadd.s32 $0xFFFF8000  }
0x4b3: {  	[tilespmem:s9], [sflag:$0x1] =	stream.strided.gather [hbm4b:s13+s22], $0x8000, s23, s22, $0x38;
	[tilespmem:$0x1E000] =	vst v63  }
0x4b4: {  	_ =	swait.ge [sflag:s3], $0x2000  }
0x4b5: {  	[sflag:s3] =	ssyncset.done $0x0  }
0x4b6: {  	[sflag:s3] =	ssyncadd.s32 $0xFFFFE000  }
0x4b7: {  	s14 =	sand.u32 $0x1C00, s9;
	_ =	swait.ge [sflag:s4], $0x8000  }
0x4b8: {  	s10 =	sor.u32 s14, s9;
	[sflag:s4] =	ssyncset.done $0x0  }
0x4b9: {  	s10 =	sor.u32 $0x70, s10;
	[sflag:s4] =	ssyncadd.s32 $0xFFFF8000  }
0x4ba: {  	v0 =	vld [tilespmem:s10+$0x1C000]  }
0x4bb: {  	v1 =	vld [tilespmem:s10+$0x10000];
	_ =	sdelay $0x1  }
0x4bc: {  	s11 =	sand.u32 $0x380, s9  }
0x4bd: {  	s8 =	sor.u32 s11, s14  }
0x4be: {  	v4 =	vld [tilespmem:s8+$0x1C000]  }
0x4bf: {  	v5 =	vld [tilespmem:s8+$0x10000];
	v1 =	vadd.f32 v1, v0  }
0x4c0: {  	v6 =	vld [tilespmem:s8+$0x12000]  }
0x4c1: {  	v7 =	vld [tilespmem:s8+$0x14000];
	[tilespmem:s10+$0x10000] =	vst v1  }
0x4c2: {  	v1 =	vld [tilespmem:s8+$0x16070]  }
0x4c3: {  	v2 =	vld [tilespmem:s8+$0x12070]  }
0x4c4: {  	v3 =	vld [tilespmem:s8+$0x14070]  }
0x4c5: {  	v8 =	vld [tilespmem:s8+$0x16000]  }
0x4c6: {  	v62 =	vld [tilespmem:s8+$0x1C010]  }
0x4c7: {  	v10 =	vld [tilespmem:s8+$0x10010];
	v1 =	vadd.f32 v1, v0  }
0x4c8: {  	v11 =	vld [tilespmem:s8+$0x12010];
	v2 =	vadd.f32 v2, v0  }
0x4c9: {  	v63 =	vld [tilespmem:s8+$0x1C030];
	v0 =	vadd.f32 v3, v0;
	[tilespmem:s8+$0x16070] =	vst v1  }
0x4ca: {  	v3 =	vld [tilespmem:s8+$0x16010];
	[tilespmem:s8+$0x12070] =	vst v2;
	v2 =	vadd.f32 v5, v4  }
0x4cb: {  	v1 =	vld [tilespmem:s8+$0x14010];
	[tilespmem:s8+$0x14070] =	vst v0;
	v0 =	vadd.f32 v6, v4  }
0x4cc: {  	v5 =	vld [tilespmem:s8+$0x1C020];
	[tilespmem:s8+$0x10000] =	vst v2;
	v2 =	vadd.f32 v7, v4  }
0x4cd: {  	v6 =	vld [tilespmem:s8+$0x10020];
	[tilespmem:s8+$0x12000] =	vst v0;
	v0 =	vadd.f32 v8, v4  }
0x4ce: {  	v4 =	vld [tilespmem:s8+$0x12020];
	[tilespmem:s8+$0x14000] =	vst v2;
	v2 =	vadd.f32 v10, v62  }
0x4cf: {  	v7 =	vld [tilespmem:s8+$0x14020];
	[tilespmem:s8+$0x16000] =	vst v0;
	v0 =	vadd.f32 v11, v62  }
0x4d0: {  	v8 =	vld [tilespmem:s8+$0x16020];
	v1 =	vadd.f32 v1, v62;
	[tilespmem:s8+$0x10010] =	vst v2  }
0x4d1: {  	[tilespmem:s8+$0x12010] =	vst v0;
	v0 =	vadd.f32 v3, v62;
	v2 =	vld [tilespmem:s8+$0x10030]  }
0x4d2: {  	v3 =	vld [tilespmem:s8+$0x12030];
	[tilespmem:s8+$0x14010] =	vst v1;
	v1 =	vadd.f32 v6, v5  }
0x4d3: {  	v6 =	vld [tilespmem:s8+$0x14030];
	[tilespmem:s8+$0x16010] =	vst v0;
	v0 =	vadd.f32 v4, v5  }
0x4d4: {  	[tilespmem:s8+$0x10020] =	vst v1;
	v1 =	vadd.f32 v7, v5;
	v7 =	vld [tilespmem:s8+$0x16030]  }
0x4d5: {  	v4 =	vld [tilespmem:s8+$0x10040];
	v5 =	vadd.f32 v8, v5;
	[tilespmem:s8+$0x12020] =	vst v0  }
0x4d6: {  	v0 =	vld [tilespmem:s8+$0x1C040];
	[tilespmem:s8+$0x14020] =	vst v1;
	v1 =	vadd.f32 v2, v63  }
0x4d7: {  	[tilespmem:s8+$0x16020] =	vst v5;
	v3 =	vadd.f32 v3, v63;
	v2 =	vld [tilespmem:s8+$0x12040]  }
0x4d8: {  	v6 =	vadd.f32 v6, v63;
	[tilespmem:s8+$0x10030] =	vst v1;
	v1 =	vld [tilespmem:s8+$0x14040]  }
0x4d9: {  	s11 =	simm.s32 $0x400;
	s10 =	simm.s32 $0x0;
	[tilespmem:s8+$0x12030] =	vst v3;
	v3 =	vld [tilespmem:s8+$0x16040];
	v5 =	vadd.f32 v7, v63  }
.LBB2_24:
0x4da: {  	s12 =	sand.u32 $0x1C00, s11;
	[tilespmem:s8+$0x14030] =	vst v6;
	v6 =	vld [tilespmem:s8+$0x1C050];
	s9 =	sadd.s32 $0x10, s9  }
0x4db: {  	s10 =	sadd.s32 $0x8, s10;
	s13 =	sor.u32 s12, s9;
	[tilespmem:s8+$0x16030] =	vst v5;
	v4 =	vadd.f32 v4, v0;
	v5 =	vld [tilespmem:s8+$0x10050]  }
0x4dc: {  	p0 =	slt.u32 s10, $0x1F8;
	s13 =	sor.u32 $0x70, s13;
	v2 =	vadd.f32 v2, v0;
	v7 =	vld [tilespmem:s8+$0x12050]  }
0x4dd: {  	v8 =	vld [tilespmem:s13+$0x1C000];
	[tilespmem:s8+$0x10040] =	vst v4;
	v1 =	vadd.f32 v1, v0  }
0x4de: {  	v4 =	vld [tilespmem:s13+$0x10000];
	[tilespmem:s8+$0x12040] =	vst v2;
	v0 =	vadd.f32 v3, v0  }
0x4df: {  	[tilespmem:s8+$0x14040] =	vst v1;
	v1 =	vld [tilespmem:s8+$0x14050]  }
0x4e0: {  	[tilespmem:s8+$0x16040] =	vst v0;
	v0 =	vadd.f32 v5, v6;
	v2 =	vld [tilespmem:s8+$0x16050]  }
0x4e1: {  	v3 =	vadd.f32 v7, v6;
	v5 =	vld [tilespmem:s8+$0x1C060]  }
0x4e2: {  	[tilespmem:s8+$0x10050] =	vst v0;
	v0 =	vld [tilespmem:s8+$0x10060]  }
0x4e3: {  	v4 =	vadd.f32 v4, v8;
	[tilespmem:s8+$0x12050] =	vst v3;
	v3 =	vld [tilespmem:s8+$0x12060]  }
0x4e4: {  	s14 =	sand.u32 $0x380, s9;
	v1 =	vadd.f32 v1, v6;
	v7 =	vld [tilespmem:s8+$0x14060]  }
0x4e5: {  	s12 =	sor.u32 s14, s12;
	[tilespmem:s13+$0x10000] =	vst v4;
	v2 =	vadd.f32 v2, v6;
	v4 =	vld [tilespmem:s8+$0x16060]  }
0x4e6: {  	v6 =	vld [tilespmem:s12+$0x16070];
	[tilespmem:s8+$0x14050] =	vst v1  }
0x4e7: {  	v1 =	vld [tilespmem:s12+$0x12070];
	[tilespmem:s8+$0x16050] =	vst v2;
	v0 =	vadd.f32 v0, v5  }
0x4e8: {  	v2 =	vld [tilespmem:s12+$0x14070];
	v3 =	vadd.f32 v3, v5  }
0x4e9: {  	v9 =	vld [tilespmem:s12+$0x1C000];
	[tilespmem:s8+$0x10060] =	vst v0;
	v0 =	vadd.f32 v7, v5  }
0x4ea: {  	v7 =	vld [tilespmem:s12+$0x10000];
	[tilespmem:s8+$0x12060] =	vst v3;
	v3 =	vadd.f32 v4, v5  }
0x4eb: {  	v4 =	vld [tilespmem:s12+$0x12000];
	v5 =	vadd.f32 v6, v8;
	[tilespmem:s8+$0x14060] =	vst v0  }
0x4ec: {  	v0 =	vld [tilespmem:s12+$0x14000];
	v1 =	vadd.f32 v1, v8;
	[tilespmem:s8+$0x16060] =	vst v3;
	s8 =	smov.u32 s12  }
0x4ed: {  	v3 =	vld [tilespmem:s8+$0x16000];
	v2 =	vadd.f32 v2, v8;
	[tilespmem:s8+$0x16070] =	vst v5  }
0x4ee: {  	v5 =	vld [tilespmem:s8+$0x1C010];
	[tilespmem:s8+$0x12070] =	vst v1  }
0x4ef: {  	v1 =	vadd.f32 v7, v9;
	v6 =	vld [tilespmem:s8+$0x10010];
	[tilespmem:s8+$0x14070] =	vst v2  }
0x4f0: {  	v2 =	vadd.f32 v4, v9;
	v4 =	vld [tilespmem:s8+$0x12010]  }
0x4f1: {  	[tilespmem:s8+$0x10000] =	vst v1;
	v0 =	vadd.f32 v0, v9;
	v1 =	vld [tilespmem:s8+$0x14010]  }
0x4f2: {  	[tilespmem:s8+$0x12000] =	vst v2;
	v2 =	vadd.f32 v3, v9;
	v3 =	vld [tilespmem:s8+$0x16010]  }
0x4f3: {  	[tilespmem:s8+$0x14000] =	vst v0;
	v0 =	vld [tilespmem:s8+$0x1C020]  }
0x4f4: {  	[tilespmem:s8+$0x16000] =	vst v2;
	v2 =	vadd.f32 v6, v5;
	v6 =	vld [tilespmem:s8+$0x10020]  }
0x4f5: {  	v4 =	vadd.f32 v4, v5;
	v7 =	vld [tilespmem:s8+$0x12020]  }
0x4f6: {  	[tilespmem:s8+$0x10010] =	vst v2;
	v1 =	vadd.f32 v1, v5;
	v2 =	vld [tilespmem:s8+$0x14020]  }
0x4f7: {  	[tilespmem:s8+$0x12010] =	vst v4;
	v3 =	vadd.f32 v3, v5;
	v4 =	vld [tilespmem:s8+$0x16020]  }
0x4f8: {  	[tilespmem:s8+$0x14010] =	vst v1;
	v5 =	vld [tilespmem:s8+$0x1C030]  }
0x4f9: {  	[tilespmem:s8+$0x16010] =	vst v3;
	v1 =	vadd.f32 v6, v0;
	v3 =	vld [tilespmem:s8+$0x10030]  }
0x4fa: {  	v6 =	vadd.f32 v7, v0;
	v7 =	vld [tilespmem:s8+$0x12030]  }
0x4fb: {  	[tilespmem:s8+$0x10020] =	vst v1;
	v1 =	vadd.f32 v2, v0;
	v8 =	vld [tilespmem:s8+$0x14030]  }
0x4fc: {  	[tilespmem:s8+$0x12020] =	vst v6;
	v2 =	vadd.f32 v4, v0;
	v9 =	vld [tilespmem:s8+$0x16030]  }
.Ltmp11:
0x4fd: {  	[tilespmem:s8+$0x14020] =	vst v1;
	v0 =	vld [tilespmem:s8+$0x1C040];
	(pc) =	sbr.rel @p0 .LBB2_24-.Ltmp11, $4  }
0x4fe: {  	[tilespmem:s8+$0x16020] =	vst v2;
	v1 =	vadd.f32 v3, v5;
	v4 =	vld [tilespmem:s8+$0x10040]  }
0x4ff: {  	v3 =	vadd.f32 v7, v5;
	v2 =	vld [tilespmem:s8+$0x12040]  }
0x500: {  	[tilespmem:s8+$0x10030] =	vst v1;
	v6 =	vadd.f32 v8, v5;
	v1 =	vld [tilespmem:s8+$0x14040]  }
0x501: {  	s11 =	sadd.s32 $0x400, s11;
	[tilespmem:s8+$0x12030] =	vst v3;
	v5 =	vadd.f32 v9, v5;
	v3 =	vld [tilespmem:s8+$0x16040]  }
0x502: {  	v7 =	vld [tilespmem:s8+$0x1C050]  }
0x503: {  	v8 =	vld [tilespmem:s8+$0x10050]  }
0x504: {  	v9 =	vld [tilespmem:s8+$0x12050]  }
0x505: {  	[tilespmem:s8+$0x14030] =	vst v6;
	v6 =	vld [tilespmem:s8+$0x14050];
	v4 =	vadd.f32 v4, v0  }
0x506: {  	[tilespmem:s8+$0x16030] =	vst v5;
	v5 =	vld [tilespmem:s8+$0x16050];
	v2 =	vadd.f32 v2, v0  }
0x507: {  	[tilespmem:s8+$0x10040] =	vst v4;
	v1 =	vadd.f32 v1, v0;
	v4 =	vld [tilespmem:s8+$0x1C060]  }
0x508: {  	[tilespmem:s8+$0x12040] =	vst v2;
	v0 =	vadd.f32 v3, v0;
	v2 =	vld [tilespmem:s8+$0x10060]  }
0x509: {  	v3 =	vld [tilespmem:s8+$0x12060];
	[tilespmem:s8+$0x14040] =	vst v1;
	v1 =	vadd.f32 v8, v7  }
0x50a: {  	v8 =	vld [tilespmem:s8+$0x14060];
	[tilespmem:s8+$0x16040] =	vst v0;
	v0 =	vadd.f32 v9, v7  }
0x50b: {  	[tilespmem:s8+$0x10050] =	vst v1;
	v1 =	vadd.f32 v6, v7;
	v6 =	vld [tilespmem:s8+$0x16060]  }
0x50c: {  	[tilespmem:s8+$0x12050] =	vst v0;
	v0 =	vadd.f32 v5, v7  }
0x50d: {  	[tilespmem:s8+$0x14050] =	vst v1;
	v1 =	vadd.f32 v2, v4  }
0x50e: {  	[tilespmem:s8+$0x16050] =	vst v0;
	v0 =	vadd.f32 v3, v4  }
0x50f: {  	[tilespmem:s8+$0x10060] =	vst v1;
	v1 =	vadd.f32 v8, v4  }
0x510: {  	[tilespmem:s8+$0x12060] =	vst v0;
	v0 =	vadd.f32 v6, v4  }
0x511: {  	[tilespmem:s8+$0x14060] =	vst v1  }
0x512: {  	[tilespmem:s8+$0x16060] =	vst v0  }
0x513: {  	s8 =	sld [smem:$0x7F3];
	_ =	sdelay $0x1  }
0x514: {  	s12 =	sld [smem:$0x7FB]  }
0x515: {  	[hbm4b:s8+s22] =	stream.strided.scatter [tilespmem:s28], [sflag:$0x6], $0x8000, s23, s22, $0x38;
	[tilespmem:$0x1E000] =	vst v63  }
0x516: {  	s9 =	simm.s32 $0x0  }
0x517: {  	[tilespmem:s26], [sflag:$0x9] =	stream.linear.gather [hbm4b:s12+s9], $0x2000, $0x38;
	[tilespmem:$0x1E000] =	vst v63  }
0x518: {  	_ =	swait.ge [sflag:s5], $0x8000  }
0x519: {  	s13 =	sld [smem:$0x7FD]  }
0x51a: {  	[sflag:s5] =	ssyncset.done $0x0  }
0x51b: {  	[sflag:s5] =	ssyncadd.s32 $0xFFFF8000  }
0x51c: {  	[tilespmem:s25], [sflag:$0x2] =	stream.strided.gather [hbm4b:s13+s22], $0x8000, s23, s22, $0x38;
	[tilespmem:$0x1E000] =	vst v63  }
0x51d: {  	_ =	swait.ge [sflag:s29], $0x2000  }
0x51e: {  	[sflag:s29] =	ssyncset.done $0x0  }
0x51f: {  	[sflag:s29] =	ssyncadd.s32 $0xFFFFE000  }
0x520: {  	s14 =	sand.u32 $0x1C00, s9;
	_ =	swait.ge [sflag:s30], $0x8000  }
0x521: {  	s10 =	sor.u32 s14, s9;
	[sflag:s30] =	ssyncset.done $0x0  }
0x522: {  	s10 =	sor.u32 $0x70, s10;
	[sflag:s30] =	ssyncadd.s32 $0xFFFF8000  }
0x523: {  	v0 =	vld [tilespmem:s10+$0x18000]  }
0x524: {  	v1 =	vld [tilespmem:s10+$0x0];
	_ =	sdelay $0x1  }
0x525: {  	s11 =	sand.u32 $0x380, s9  }
0x526: {  	s8 =	sor.u32 s11, s14  }
0x527: {  	v4 =	vld [tilespmem:s8+$0x18000]  }
0x528: {  	v5 =	vld [tilespmem:s8+$0x0];
	v1 =	vadd.f32 v1, v0  }
0x529: {  	v6 =	vld [tilespmem:s8+$0x2000]  }
0x52a: {  	v7 =	vld [tilespmem:s8+$0x4000];
	[tilespmem:s10+$0x0] =	vst v1  }
0x52b: {  	v1 =	vld [tilespmem:s8+$0x6070]  }
0x52c: {  	v2 =	vld [tilespmem:s8+$0x2070]  }
0x52d: {  	v3 =	vld [tilespmem:s8+$0x4070]  }
0x52e: {  	v8 =	vld [tilespmem:s8+$0x6000]  }
0x52f: {  	v62 =	vld [tilespmem:s8+$0x18010]  }
0x530: {  	v10 =	vld [tilespmem:s8+$0x10];
	v1 =	vadd.f32 v1, v0  }
0x531: {  	v11 =	vld [tilespmem:s8+$0x2010];
	v2 =	vadd.f32 v2, v0  }
0x532: {  	v63 =	vld [tilespmem:s8+$0x18030];
	v0 =	vadd.f32 v3, v0;
	[tilespmem:s8+$0x6070] =	vst v1  }
0x533: {  	v3 =	vld [tilespmem:s8+$0x6010];
	[tilespmem:s8+$0x2070] =	vst v2;
	v2 =	vadd.f32 v5, v4  }
0x534: {  	v1 =	vld [tilespmem:s8+$0x4010];
	[tilespmem:s8+$0x4070] =	vst v0;
	v0 =	vadd.f32 v6, v4  }
0x535: {  	v5 =	vld [tilespmem:s8+$0x18020];
	[tilespmem:s8+$0x0] =	vst v2;
	v2 =	vadd.f32 v7, v4  }
0x536: {  	v6 =	vld [tilespmem:s8+$0x20];
	[tilespmem:s8+$0x2000] =	vst v0;
	v0 =	vadd.f32 v8, v4  }
0x537: {  	v4 =	vld [tilespmem:s8+$0x2020];
	[tilespmem:s8+$0x4000] =	vst v2;
	v2 =	vadd.f32 v10, v62  }
0x538: {  	v7 =	vld [tilespmem:s8+$0x4020];
	[tilespmem:s8+$0x6000] =	vst v0;
	v0 =	vadd.f32 v11, v62  }
0x539: {  	v8 =	vld [tilespmem:s8+$0x6020];
	v1 =	vadd.f32 v1, v62;
	[tilespmem:s8+$0x10] =	vst v2  }
0x53a: {  	[tilespmem:s8+$0x2010] =	vst v0;
	v0 =	vadd.f32 v3, v62;
	v2 =	vld [tilespmem:s8+$0x30]  }
0x53b: {  	v3 =	vld [tilespmem:s8+$0x2030];
	[tilespmem:s8+$0x4010] =	vst v1;
	v1 =	vadd.f32 v6, v5  }
0x53c: {  	v6 =	vld [tilespmem:s8+$0x4030];
	[tilespmem:s8+$0x6010] =	vst v0;
	v0 =	vadd.f32 v4, v5  }
0x53d: {  	[tilespmem:s8+$0x20] =	vst v1;
	v1 =	vadd.f32 v7, v5;
	v7 =	vld [tilespmem:s8+$0x6030]  }
0x53e: {  	v4 =	vld [tilespmem:s8+$0x40];
	v5 =	vadd.f32 v8, v5;
	[tilespmem:s8+$0x2020] =	vst v0  }
0x53f: {  	v0 =	vld [tilespmem:s8+$0x18040];
	[tilespmem:s8+$0x4020] =	vst v1;
	v1 =	vadd.f32 v2, v63  }
0x540: {  	[tilespmem:s8+$0x6020] =	vst v5;
	v3 =	vadd.f32 v3, v63;
	v2 =	vld [tilespmem:s8+$0x2040]  }
0x541: {  	v6 =	vadd.f32 v6, v63;
	[tilespmem:s8+$0x30] =	vst v1;
	v1 =	vld [tilespmem:s8+$0x4040]  }
0x542: {  	s11 =	simm.s32 $0x400;
	s10 =	simm.s32 $0x0;
	[tilespmem:s8+$0x2030] =	vst v3;
	v3 =	vld [tilespmem:s8+$0x6040];
	v5 =	vadd.f32 v7, v63  }
.LBB2_26:
0x543: {  	s12 =	sand.u32 $0x1C00, s11;
	[tilespmem:s8+$0x4030] =	vst v6;
	v6 =	vld [tilespmem:s8+$0x18050];
	s9 =	sadd.s32 $0x10, s9  }
0x544: {  	s10 =	sadd.s32 $0x8, s10;
	s13 =	sor.u32 s12, s9;
	[tilespmem:s8+$0x6030] =	vst v5;
	v4 =	vadd.f32 v4, v0;
	v5 =	vld [tilespmem:s8+$0x50]  }
0x545: {  	p0 =	slt.u32 s10, $0x1F8;
	s13 =	sor.u32 $0x70, s13;
	v2 =	vadd.f32 v2, v0;
	v7 =	vld [tilespmem:s8+$0x2050]  }
0x546: {  	v8 =	vld [tilespmem:s13+$0x18000];
	[tilespmem:s8+$0x40] =	vst v4;
	v1 =	vadd.f32 v1, v0  }
0x547: {  	v4 =	vld [tilespmem:s13+$0x0];
	[tilespmem:s8+$0x2040] =	vst v2;
	v0 =	vadd.f32 v3, v0  }
0x548: {  	[tilespmem:s8+$0x4040] =	vst v1;
	v1 =	vld [tilespmem:s8+$0x4050]  }
0x549: {  	[tilespmem:s8+$0x6040] =	vst v0;
	v0 =	vadd.f32 v5, v6;
	v2 =	vld [tilespmem:s8+$0x6050]  }
0x54a: {  	v3 =	vadd.f32 v7, v6;
	v5 =	vld [tilespmem:s8+$0x18060]  }
0x54b: {  	[tilespmem:s8+$0x50] =	vst v0;
	v0 =	vld [tilespmem:s8+$0x60]  }
0x54c: {  	v4 =	vadd.f32 v4, v8;
	[tilespmem:s8+$0x2050] =	vst v3;
	v3 =	vld [tilespmem:s8+$0x2060]  }
0x54d: {  	s14 =	sand.u32 $0x380, s9;
	v1 =	vadd.f32 v1, v6;
	v7 =	vld [tilespmem:s8+$0x4060]  }
0x54e: {  	s12 =	sor.u32 s14, s12;
	[tilespmem:s13+$0x0] =	vst v4;
	v2 =	vadd.f32 v2, v6;
	v4 =	vld [tilespmem:s8+$0x6060]  }
0x54f: {  	v6 =	vld [tilespmem:s12+$0x6070];
	[tilespmem:s8+$0x4050] =	vst v1  }
0x550: {  	v1 =	vld [tilespmem:s12+$0x2070];
	[tilespmem:s8+$0x6050] =	vst v2;
	v0 =	vadd.f32 v0, v5  }
0x551: {  	v2 =	vld [tilespmem:s12+$0x4070];
	v3 =	vadd.f32 v3, v5  }
0x552: {  	v9 =	vld [tilespmem:s12+$0x18000];
	[tilespmem:s8+$0x60] =	vst v0;
	v0 =	vadd.f32 v7, v5  }
0x553: {  	v7 =	vld [tilespmem:s12+$0x0];
	[tilespmem:s8+$0x2060] =	vst v3;
	v3 =	vadd.f32 v4, v5  }
0x554: {  	v4 =	vld [tilespmem:s12+$0x2000];
	v5 =	vadd.f32 v6, v8;
	[tilespmem:s8+$0x4060] =	vst v0  }
0x555: {  	v0 =	vld [tilespmem:s12+$0x4000];
	v1 =	vadd.f32 v1, v8;
	[tilespmem:s8+$0x6060] =	vst v3;
	s8 =	smov.u32 s12  }
0x556: {  	v3 =	vld [tilespmem:s8+$0x6000];
	v2 =	vadd.f32 v2, v8;
	[tilespmem:s8+$0x6070] =	vst v5  }
0x557: {  	v5 =	vld [tilespmem:s8+$0x18010];
	[tilespmem:s8+$0x2070] =	vst v1  }
0x558: {  	v1 =	vadd.f32 v7, v9;
	v6 =	vld [tilespmem:s8+$0x10];
	[tilespmem:s8+$0x4070] =	vst v2  }
0x559: {  	v2 =	vadd.f32 v4, v9;
	v4 =	vld [tilespmem:s8+$0x2010]  }
0x55a: {  	[tilespmem:s8+$0x0] =	vst v1;
	v0 =	vadd.f32 v0, v9;
	v1 =	vld [tilespmem:s8+$0x4010]  }
0x55b: {  	[tilespmem:s8+$0x2000] =	vst v2;
	v2 =	vadd.f32 v3, v9;
	v3 =	vld [tilespmem:s8+$0x6010]  }
0x55c: {  	[tilespmem:s8+$0x4000] =	vst v0;
	v0 =	vld [tilespmem:s8+$0x18020]  }
0x55d: {  	[tilespmem:s8+$0x6000] =	vst v2;
	v2 =	vadd.f32 v6, v5;
	v6 =	vld [tilespmem:s8+$0x20]  }
0x55e: {  	v4 =	vadd.f32 v4, v5;
	v7 =	vld [tilespmem:s8+$0x2020]  }
0x55f: {  	[tilespmem:s8+$0x10] =	vst v2;
	v1 =	vadd.f32 v1, v5;
	v2 =	vld [tilespmem:s8+$0x4020]  }
0x560: {  	[tilespmem:s8+$0x2010] =	vst v4;
	v3 =	vadd.f32 v3, v5;
	v4 =	vld [tilespmem:s8+$0x6020]  }
0x561: {  	[tilespmem:s8+$0x4010] =	vst v1;
	v5 =	vld [tilespmem:s8+$0x18030]  }
0x562: {  	[tilespmem:s8+$0x6010] =	vst v3;
	v1 =	vadd.f32 v6, v0;
	v3 =	vld [tilespmem:s8+$0x30]  }
0x563: {  	v6 =	vadd.f32 v7, v0;
	v7 =	vld [tilespmem:s8+$0x2030]  }
0x564: {  	[tilespmem:s8+$0x20] =	vst v1;
	v1 =	vadd.f32 v2, v0;
	v8 =	vld [tilespmem:s8+$0x4030]  }
0x565: {  	[tilespmem:s8+$0x2020] =	vst v6;
	v2 =	vadd.f32 v4, v0;
	v9 =	vld [tilespmem:s8+$0x6030]  }
.Ltmp12:
0x566: {  	[tilespmem:s8+$0x4020] =	vst v1;
	v0 =	vld [tilespmem:s8+$0x18040];
	(pc) =	sbr.rel @p0 .LBB2_26-.Ltmp12, $4  }
0x567: {  	[tilespmem:s8+$0x6020] =	vst v2;
	v1 =	vadd.f32 v3, v5;
	v4 =	vld [tilespmem:s8+$0x40]  }
0x568: {  	v3 =	vadd.f32 v7, v5;
	v2 =	vld [tilespmem:s8+$0x2040]  }
0x569: {  	[tilespmem:s8+$0x30] =	vst v1;
	v6 =	vadd.f32 v8, v5;
	v1 =	vld [tilespmem:s8+$0x4040]  }
0x56a: {  	s11 =	sadd.s32 $0x400, s11;
	[tilespmem:s8+$0x2030] =	vst v3;
	v5 =	vadd.f32 v9, v5;
	v3 =	vld [tilespmem:s8+$0x6040]  }
0x56b: {  	v7 =	vld [tilespmem:s8+$0x18050]  }
0x56c: {  	v8 =	vld [tilespmem:s8+$0x50]  }
0x56d: {  	v9 =	vld [tilespmem:s8+$0x2050]  }
0x56e: {  	[tilespmem:s8+$0x4030] =	vst v6;
	v6 =	vld [tilespmem:s8+$0x4050];
	v4 =	vadd.f32 v4, v0  }
0x56f: {  	[tilespmem:s8+$0x6030] =	vst v5;
	v5 =	vld [tilespmem:s8+$0x6050];
	v2 =	vadd.f32 v2, v0  }
0x570: {  	[tilespmem:s8+$0x40] =	vst v4;
	v1 =	vadd.f32 v1, v0;
	v4 =	vld [tilespmem:s8+$0x18060]  }
0x571: {  	[tilespmem:s8+$0x2040] =	vst v2;
	v0 =	vadd.f32 v3, v0;
	v2 =	vld [tilespmem:s8+$0x60]  }
0x572: {  	v3 =	vld [tilespmem:s8+$0x2060];
	[tilespmem:s8+$0x4040] =	vst v1;
	v1 =	vadd.f32 v8, v7  }
0x573: {  	v8 =	vld [tilespmem:s8+$0x4060];
	[tilespmem:s8+$0x6040] =	vst v0;
	v0 =	vadd.f32 v9, v7  }
0x574: {  	[tilespmem:s8+$0x50] =	vst v1;
	v1 =	vadd.f32 v6, v7;
	v6 =	vld [tilespmem:s8+$0x6060]  }
0x575: {  	[tilespmem:s8+$0x2050] =	vst v0;
	v0 =	vadd.f32 v5, v7  }
0x576: {  	[tilespmem:s8+$0x4050] =	vst v1;
	v1 =	vadd.f32 v2, v4  }
0x577: {  	[tilespmem:s8+$0x6050] =	vst v0;
	v0 =	vadd.f32 v3, v4  }
0x578: {  	[tilespmem:s8+$0x60] =	vst v1;
	v1 =	vadd.f32 v8, v4  }
0x579: {  	[tilespmem:s8+$0x2060] =	vst v0;
	v0 =	vadd.f32 v6, v4  }
0x57a: {  	[tilespmem:s8+$0x4060] =	vst v1  }
0x57b: {  	[tilespmem:s8+$0x6060] =	vst v0  }
0x57c: {  	s8 =	sld [smem:$0x7F6];
	_ =	sdelay $0x1  }
0x57d: {  	s9 =	simm.s32 $0x0;
	s13 =	sld [smem:$0x7FC]  }
0x57e: {  	[hbm4b:s8+s22] =	stream.strided.scatter [tilespmem:s9], [sflag:$0x4], $0x8000, s23, s22, $0x38;
	[tilespmem:$0x1E000] =	vst v63  }
0x57f: {  	_ = 	snop  }
0x580: {  	[tilespmem:s21], [sflag:$0x7] =	stream.linear.gather [hbm4b:s13+s9], $0x2000, $0x38;
	[tilespmem:$0x1E000] =	vst v63  }
0x581: {  	_ =	swait.ge [sflag:s6], $0x8000  }
0x582: {  	[sflag:s6] =	ssyncset.done $0x0  }
0x583: {  	[sflag:s6] =	ssyncadd.s32 $0xFFFF8000  }
0x584: {  	[tilespmem:s28], [sflag:$0x3] =	stream.strided.gather [hbm4b:s16+s22], $0x8000, s23, s22, $0x38;
	[tilespmem:$0x1E000] =	vst v63  }
0x585: {  	_ =	swait.ge [sflag:s31], $0x2000  }
0x586: {  	[sflag:s31] =	ssyncset.done $0x0  }
0x587: {  	[sflag:s31] =	ssyncadd.s32 $0xFFFFE000  }
0x588: {  	s14 =	sand.u32 $0x1C00, s9;
	_ =	swait.ge [sflag:s0], $0x8000  }
0x589: {  	s10 =	sor.u32 s14, s9;
	[sflag:s0] =	ssyncset.done $0x0  }
0x58a: {  	s10 =	sor.u32 $0x70, s10;
	[sflag:s0] =	ssyncadd.s32 $0xFFFF8000  }
0x58b: {  	v0 =	vld [tilespmem:s10+$0x1A000]  }
0x58c: {  	v1 =	vld [tilespmem:s10+$0x8000];
	_ =	sdelay $0x1  }
0x58d: {  	s11 =	sand.u32 $0x380, s9  }
0x58e: {  	s8 =	sor.u32 s11, s14  }
0x58f: {  	v4 =	vld [tilespmem:s8+$0x1A000]  }
0x590: {  	v5 =	vld [tilespmem:s8+$0x8000];
	v1 =	vadd.f32 v1, v0  }
0x591: {  	v6 =	vld [tilespmem:s8+$0xA000]  }
0x592: {  	v7 =	vld [tilespmem:s8+$0xC000];
	[tilespmem:s10+$0x8000] =	vst v1  }
0x593: {  	v1 =	vld [tilespmem:s8+$0xE070]  }
0x594: {  	v2 =	vld [tilespmem:s8+$0xA070]  }
0x595: {  	v3 =	vld [tilespmem:s8+$0xC070]  }
0x596: {  	v8 =	vld [tilespmem:s8+$0xE000]  }
0x597: {  	v62 =	vld [tilespmem:s8+$0x1A010]  }
0x598: {  	v10 =	vld [tilespmem:s8+$0x8010];
	v1 =	vadd.f32 v1, v0  }
0x599: {  	v11 =	vld [tilespmem:s8+$0xA010];
	v2 =	vadd.f32 v2, v0  }
0x59a: {  	v63 =	vld [tilespmem:s8+$0x1A030];
	v0 =	vadd.f32 v3, v0;
	[tilespmem:s8+$0xE070] =	vst v1  }
0x59b: {  	v3 =	vld [tilespmem:s8+$0xE010];
	[tilespmem:s8+$0xA070] =	vst v2;
	v2 =	vadd.f32 v5, v4  }
0x59c: {  	v1 =	vld [tilespmem:s8+$0xC010];
	[tilespmem:s8+$0xC070] =	vst v0;
	v0 =	vadd.f32 v6, v4  }
0x59d: {  	v5 =	vld [tilespmem:s8+$0x1A020];
	[tilespmem:s8+$0x8000] =	vst v2;
	v2 =	vadd.f32 v7, v4  }
0x59e: {  	v6 =	vld [tilespmem:s8+$0x8020];
	[tilespmem:s8+$0xA000] =	vst v0;
	v0 =	vadd.f32 v8, v4  }
0x59f: {  	v4 =	vld [tilespmem:s8+$0xA020];
	[tilespmem:s8+$0xC000] =	vst v2;
	v2 =	vadd.f32 v10, v62  }
0x5a0: {  	v7 =	vld [tilespmem:s8+$0xC020];
	[tilespmem:s8+$0xE000] =	vst v0;
	v0 =	vadd.f32 v11, v62  }
0x5a1: {  	v8 =	vld [tilespmem:s8+$0xE020];
	v1 =	vadd.f32 v1, v62;
	[tilespmem:s8+$0x8010] =	vst v2  }
0x5a2: {  	[tilespmem:s8+$0xA010] =	vst v0;
	v0 =	vadd.f32 v3, v62;
	v2 =	vld [tilespmem:s8+$0x8030]  }
0x5a3: {  	v3 =	vld [tilespmem:s8+$0xA030];
	[tilespmem:s8+$0xC010] =	vst v1;
	v1 =	vadd.f32 v6, v5  }
0x5a4: {  	v6 =	vld [tilespmem:s8+$0xC030];
	[tilespmem:s8+$0xE010] =	vst v0;
	v0 =	vadd.f32 v4, v5  }
0x5a5: {  	[tilespmem:s8+$0x8020] =	vst v1;
	v1 =	vadd.f32 v7, v5;
	v7 =	vld [tilespmem:s8+$0xE030]  }
0x5a6: {  	v4 =	vld [tilespmem:s8+$0x8040];
	v5 =	vadd.f32 v8, v5;
	[tilespmem:s8+$0xA020] =	vst v0  }
0x5a7: {  	v0 =	vld [tilespmem:s8+$0x1A040];
	[tilespmem:s8+$0xC020] =	vst v1;
	v1 =	vadd.f32 v2, v63  }
0x5a8: {  	[tilespmem:s8+$0xE020] =	vst v5;
	v3 =	vadd.f32 v3, v63;
	v2 =	vld [tilespmem:s8+$0xA040]  }
0x5a9: {  	v6 =	vadd.f32 v6, v63;
	[tilespmem:s8+$0x8030] =	vst v1;
	v1 =	vld [tilespmem:s8+$0xC040]  }
0x5aa: {  	s11 =	simm.s32 $0x400;
	s10 =	simm.s32 $0x0;
	[tilespmem:s8+$0xA030] =	vst v3;
	v3 =	vld [tilespmem:s8+$0xE040];
	v5 =	vadd.f32 v7, v63  }
.LBB2_28:
0x5ab: {  	s12 =	sand.u32 $0x1C00, s11;
	[tilespmem:s8+$0xC030] =	vst v6;
	v6 =	vld [tilespmem:s8+$0x1A050];
	s9 =	sadd.s32 $0x10, s9  }
0x5ac: {  	s10 =	sadd.s32 $0x8, s10;
	s13 =	sor.u32 s12, s9;
	[tilespmem:s8+$0xE030] =	vst v5;
	v4 =	vadd.f32 v4, v0;
	v5 =	vld [tilespmem:s8+$0x8050]  }
0x5ad: {  	p0 =	slt.u32 s10, $0x1F8;
	s13 =	sor.u32 $0x70, s13;
	v2 =	vadd.f32 v2, v0;
	v7 =	vld [tilespmem:s8+$0xA050]  }
0x5ae: {  	v8 =	vld [tilespmem:s13+$0x1A000];
	[tilespmem:s8+$0x8040] =	vst v4;
	v1 =	vadd.f32 v1, v0  }
0x5af: {  	v4 =	vld [tilespmem:s13+$0x8000];
	[tilespmem:s8+$0xA040] =	vst v2;
	v0 =	vadd.f32 v3, v0  }
0x5b0: {  	[tilespmem:s8+$0xC040] =	vst v1;
	v1 =	vld [tilespmem:s8+$0xC050]  }
0x5b1: {  	[tilespmem:s8+$0xE040] =	vst v0;
	v0 =	vadd.f32 v5, v6;
	v2 =	vld [tilespmem:s8+$0xE050]  }
0x5b2: {  	v3 =	vadd.f32 v7, v6;
	v5 =	vld [tilespmem:s8+$0x1A060]  }
0x5b3: {  	[tilespmem:s8+$0x8050] =	vst v0;
	v0 =	vld [tilespmem:s8+$0x8060]  }
0x5b4: {  	v4 =	vadd.f32 v4, v8;
	[tilespmem:s8+$0xA050] =	vst v3;
	v3 =	vld [tilespmem:s8+$0xA060]  }
0x5b5: {  	s14 =	sand.u32 $0x380, s9;
	v1 =	vadd.f32 v1, v6;
	v7 =	vld [tilespmem:s8+$0xC060]  }
0x5b6: {  	s12 =	sor.u32 s14, s12;
	[tilespmem:s13+$0x8000] =	vst v4;
	v2 =	vadd.f32 v2, v6;
	v4 =	vld [tilespmem:s8+$0xE060]  }
0x5b7: {  	v6 =	vld [tilespmem:s12+$0xE070];
	[tilespmem:s8+$0xC050] =	vst v1  }
0x5b8: {  	v1 =	vld [tilespmem:s12+$0xA070];
	[tilespmem:s8+$0xE050] =	vst v2;
	v0 =	vadd.f32 v0, v5  }
0x5b9: {  	v2 =	vld [tilespmem:s12+$0xC070];
	v3 =	vadd.f32 v3, v5  }
0x5ba: {  	v9 =	vld [tilespmem:s12+$0x1A000];
	[tilespmem:s8+$0x8060] =	vst v0;
	v0 =	vadd.f32 v7, v5  }
0x5bb: {  	v7 =	vld [tilespmem:s12+$0x8000];
	[tilespmem:s8+$0xA060] =	vst v3;
	v3 =	vadd.f32 v4, v5  }
0x5bc: {  	v4 =	vld [tilespmem:s12+$0xA000];
	v5 =	vadd.f32 v6, v8;
	[tilespmem:s8+$0xC060] =	vst v0  }
0x5bd: {  	v0 =	vld [tilespmem:s12+$0xC000];
	v1 =	vadd.f32 v1, v8;
	[tilespmem:s8+$0xE060] =	vst v3;
	s8 =	smov.u32 s12  }
0x5be: {  	v3 =	vld [tilespmem:s8+$0xE000];
	v2 =	vadd.f32 v2, v8;
	[tilespmem:s8+$0xE070] =	vst v5  }
0x5bf: {  	v5 =	vld [tilespmem:s8+$0x1A010];
	[tilespmem:s8+$0xA070] =	vst v1  }
0x5c0: {  	v1 =	vadd.f32 v7, v9;
	v6 =	vld [tilespmem:s8+$0x8010];
	[tilespmem:s8+$0xC070] =	vst v2  }
0x5c1: {  	v2 =	vadd.f32 v4, v9;
	v4 =	vld [tilespmem:s8+$0xA010]  }
0x5c2: {  	[tilespmem:s8+$0x8000] =	vst v1;
	v0 =	vadd.f32 v0, v9;
	v1 =	vld [tilespmem:s8+$0xC010]  }
0x5c3: {  	[tilespmem:s8+$0xA000] =	vst v2;
	v2 =	vadd.f32 v3, v9;
	v3 =	vld [tilespmem:s8+$0xE010]  }
0x5c4: {  	[tilespmem:s8+$0xC000] =	vst v0;
	v0 =	vld [tilespmem:s8+$0x1A020]  }
0x5c5: {  	[tilespmem:s8+$0xE000] =	vst v2;
	v2 =	vadd.f32 v6, v5;
	v6 =	vld [tilespmem:s8+$0x8020]  }
0x5c6: {  	v4 =	vadd.f32 v4, v5;
	v7 =	vld [tilespmem:s8+$0xA020]  }
0x5c7: {  	[tilespmem:s8+$0x8010] =	vst v2;
	v1 =	vadd.f32 v1, v5;
	v2 =	vld [tilespmem:s8+$0xC020]  }
0x5c8: {  	[tilespmem:s8+$0xA010] =	vst v4;
	v3 =	vadd.f32 v3, v5;
	v4 =	vld [tilespmem:s8+$0xE020]  }
0x5c9: {  	[tilespmem:s8+$0xC010] =	vst v1;
	v5 =	vld [tilespmem:s8+$0x1A030]  }
0x5ca: {  	[tilespmem:s8+$0xE010] =	vst v3;
	v1 =	vadd.f32 v6, v0;
	v3 =	vld [tilespmem:s8+$0x8030]  }
0x5cb: {  	v6 =	vadd.f32 v7, v0;
	v7 =	vld [tilespmem:s8+$0xA030]  }
0x5cc: {  	[tilespmem:s8+$0x8020] =	vst v1;
	v1 =	vadd.f32 v2, v0;
	v8 =	vld [tilespmem:s8+$0xC030]  }
0x5cd: {  	[tilespmem:s8+$0xA020] =	vst v6;
	v2 =	vadd.f32 v4, v0;
	v9 =	vld [tilespmem:s8+$0xE030]  }
.Ltmp13:
0x5ce: {  	[tilespmem:s8+$0xC020] =	vst v1;
	v0 =	vld [tilespmem:s8+$0x1A040];
	(pc) =	sbr.rel @p0 .LBB2_28-.Ltmp13, $4  }
0x5cf: {  	[tilespmem:s8+$0xE020] =	vst v2;
	v1 =	vadd.f32 v3, v5;
	v4 =	vld [tilespmem:s8+$0x8040]  }
0x5d0: {  	v3 =	vadd.f32 v7, v5;
	v2 =	vld [tilespmem:s8+$0xA040]  }
0x5d1: {  	[tilespmem:s8+$0x8030] =	vst v1;
	v6 =	vadd.f32 v8, v5;
	v1 =	vld [tilespmem:s8+$0xC040]  }
0x5d2: {  	s11 =	sadd.s32 $0x400, s11;
	[tilespmem:s8+$0xA030] =	vst v3;
	v5 =	vadd.f32 v9, v5;
	v3 =	vld [tilespmem:s8+$0xE040]  }
0x5d3: {  	v7 =	vld [tilespmem:s8+$0x1A050]  }
0x5d4: {  	v8 =	vld [tilespmem:s8+$0x8050]  }
0x5d5: {  	v9 =	vld [tilespmem:s8+$0xA050]  }
0x5d6: {  	[tilespmem:s8+$0xC030] =	vst v6;
	v6 =	vld [tilespmem:s8+$0xC050];
	v4 =	vadd.f32 v4, v0  }
0x5d7: {  	[tilespmem:s8+$0xE030] =	vst v5;
	v5 =	vld [tilespmem:s8+$0xE050];
	v2 =	vadd.f32 v2, v0  }
0x5d8: {  	[tilespmem:s8+$0x8040] =	vst v4;
	v1 =	vadd.f32 v1, v0;
	v4 =	vld [tilespmem:s8+$0x1A060]  }
0x5d9: {  	[tilespmem:s8+$0xA040] =	vst v2;
	v0 =	vadd.f32 v3, v0;
	v2 =	vld [tilespmem:s8+$0x8060]  }
0x5da: {  	v3 =	vld [tilespmem:s8+$0xA060];
	[tilespmem:s8+$0xC040] =	vst v1;
	v1 =	vadd.f32 v8, v7  }
0x5db: {  	v8 =	vld [tilespmem:s8+$0xC060];
	[tilespmem:s8+$0xE040] =	vst v0;
	v0 =	vadd.f32 v9, v7  }
0x5dc: {  	[tilespmem:s8+$0x8050] =	vst v1;
	v1 =	vadd.f32 v6, v7;
	v6 =	vld [tilespmem:s8+$0xE060]  }
0x5dd: {  	[tilespmem:s8+$0xA050] =	vst v0;
	v0 =	vadd.f32 v5, v7  }
0x5de: {  	[tilespmem:s8+$0xC050] =	vst v1;
	v1 =	vadd.f32 v2, v4  }
0x5df: {  	[tilespmem:s8+$0xE050] =	vst v0;
	v0 =	vadd.f32 v3, v4  }
0x5e0: {  	[tilespmem:s8+$0x8060] =	vst v1;
	v1 =	vadd.f32 v8, v4  }
0x5e1: {  	[tilespmem:s8+$0xA060] =	vst v0;
	v0 =	vadd.f32 v6, v4  }
0x5e2: {  	[tilespmem:s8+$0xC060] =	vst v1  }
0x5e3: {  	[tilespmem:s8+$0xE060] =	vst v0  }
0x5e4: {  	[hbm4b:s15+s22] =	stream.strided.scatter [tilespmem:s25], [sflag:$0x5], $0x8000, s23, s22, $0x38;
	[tilespmem:$0x1E000] =	vst v63  }
0x5e5: {  	_ =	swait.ge [sflag:s2], $0x8000  }
0x5e6: {  	[sflag:s2] =	ssyncset.done $0x0  }
0x5e7: {  	s9 =	simm.s32 $0x0;
	[sflag:s2] =	ssyncadd.s32 $0xFFFF8000  }
0x5e8: {  	[tilespmem:s9], [sflag:$0x1] =	stream.strided.gather [hbm4b:s17+s22], $0x8000, s23, s22, $0x38;
	[tilespmem:$0x1E000] =	vst v63  }
0x5e9: {  	_ =	swait.ge [sflag:s3], $0x2000  }
0x5ea: {  	[sflag:s3] =	ssyncset.done $0x0  }
0x5eb: {  	[sflag:s3] =	ssyncadd.s32 $0xFFFFE000  }
0x5ec: {  	s14 =	sand.u32 $0x1C00, s9;
	_ =	swait.ge [sflag:s4], $0x8000  }
0x5ed: {  	s10 =	sor.u32 s14, s9;
	[sflag:s4] =	ssyncset.done $0x0  }
0x5ee: {  	s10 =	sor.u32 $0x70, s10;
	[sflag:s4] =	ssyncadd.s32 $0xFFFF8000  }
0x5ef: {  	v0 =	vld [tilespmem:s10+$0x1C000]  }
0x5f0: {  	v1 =	vld [tilespmem:s10+$0x10000];
	_ =	sdelay $0x1  }
0x5f1: {  	s11 =	sand.u32 $0x380, s9  }
0x5f2: {  	s8 =	sor.u32 s11, s14  }
0x5f3: {  	v4 =	vld [tilespmem:s8+$0x1C000]  }
0x5f4: {  	v5 =	vld [tilespmem:s8+$0x10000];
	v1 =	vadd.f32 v1, v0  }
0x5f5: {  	v6 =	vld [tilespmem:s8+$0x12000]  }
0x5f6: {  	v7 =	vld [tilespmem:s8+$0x14000];
	[tilespmem:s10+$0x10000] =	vst v1  }
0x5f7: {  	v1 =	vld [tilespmem:s8+$0x16070]  }
0x5f8: {  	v2 =	vld [tilespmem:s8+$0x12070]  }
0x5f9: {  	v3 =	vld [tilespmem:s8+$0x14070]  }
0x5fa: {  	v8 =	vld [tilespmem:s8+$0x16000]  }
0x5fb: {  	v62 =	vld [tilespmem:s8+$0x1C010]  }
0x5fc: {  	v10 =	vld [tilespmem:s8+$0x10010];
	v1 =	vadd.f32 v1, v0  }
0x5fd: {  	v11 =	vld [tilespmem:s8+$0x12010];
	v2 =	vadd.f32 v2, v0  }
0x5fe: {  	v63 =	vld [tilespmem:s8+$0x1C030];
	v0 =	vadd.f32 v3, v0;
	[tilespmem:s8+$0x16070] =	vst v1  }
0x5ff: {  	v3 =	vld [tilespmem:s8+$0x16010];
	[tilespmem:s8+$0x12070] =	vst v2;
	v2 =	vadd.f32 v5, v4  }
0x600: {  	v1 =	vld [tilespmem:s8+$0x14010];
	[tilespmem:s8+$0x14070] =	vst v0;
	v0 =	vadd.f32 v6, v4  }
0x601: {  	v5 =	vld [tilespmem:s8+$0x1C020];
	[tilespmem:s8+$0x10000] =	vst v2;
	v2 =	vadd.f32 v7, v4  }
0x602: {  	v6 =	vld [tilespmem:s8+$0x10020];
	[tilespmem:s8+$0x12000] =	vst v0;
	v0 =	vadd.f32 v8, v4  }
0x603: {  	v4 =	vld [tilespmem:s8+$0x12020];
	[tilespmem:s8+$0x14000] =	vst v2;
	v2 =	vadd.f32 v10, v62  }
0x604: {  	v7 =	vld [tilespmem:s8+$0x14020];
	[tilespmem:s8+$0x16000] =	vst v0;
	v0 =	vadd.f32 v11, v62  }
0x605: {  	v8 =	vld [tilespmem:s8+$0x16020];
	v1 =	vadd.f32 v1, v62;
	[tilespmem:s8+$0x10010] =	vst v2  }
0x606: {  	[tilespmem:s8+$0x12010] =	vst v0;
	v0 =	vadd.f32 v3, v62;
	v2 =	vld [tilespmem:s8+$0x10030]  }
0x607: {  	v3 =	vld [tilespmem:s8+$0x12030];
	[tilespmem:s8+$0x14010] =	vst v1;
	v1 =	vadd.f32 v6, v5  }
0x608: {  	v6 =	vld [tilespmem:s8+$0x14030];
	[tilespmem:s8+$0x16010] =	vst v0;
	v0 =	vadd.f32 v4, v5  }
0x609: {  	[tilespmem:s8+$0x10020] =	vst v1;
	v1 =	vadd.f32 v7, v5;
	v7 =	vld [tilespmem:s8+$0x16030]  }
0x60a: {  	v4 =	vld [tilespmem:s8+$0x10040];
	v5 =	vadd.f32 v8, v5;
	[tilespmem:s8+$0x12020] =	vst v0  }
0x60b: {  	v0 =	vld [tilespmem:s8+$0x1C040];
	[tilespmem:s8+$0x14020] =	vst v1;
	v1 =	vadd.f32 v2, v63  }
0x60c: {  	[tilespmem:s8+$0x16020] =	vst v5;
	v3 =	vadd.f32 v3, v63;
	v2 =	vld [tilespmem:s8+$0x12040]  }
0x60d: {  	v6 =	vadd.f32 v6, v63;
	[tilespmem:s8+$0x10030] =	vst v1;
	v1 =	vld [tilespmem:s8+$0x14040]  }
0x60e: {  	s11 =	simm.s32 $0x400;
	s10 =	simm.s32 $0x0;
	[tilespmem:s8+$0x12030] =	vst v3;
	v3 =	vld [tilespmem:s8+$0x16040];
	v5 =	vadd.f32 v7, v63  }
.LBB2_30:
0x60f: {  	s12 =	sand.u32 $0x1C00, s11;
	[tilespmem:s8+$0x14030] =	vst v6;
	v6 =	vld [tilespmem:s8+$0x1C050];
	s9 =	sadd.s32 $0x10, s9  }
0x610: {  	s10 =	sadd.s32 $0x8, s10;
	s13 =	sor.u32 s12, s9;
	[tilespmem:s8+$0x16030] =	vst v5;
	v4 =	vadd.f32 v4, v0;
	v5 =	vld [tilespmem:s8+$0x10050]  }
0x611: {  	p0 =	slt.u32 s10, $0x1F8;
	s13 =	sor.u32 $0x70, s13;
	v2 =	vadd.f32 v2, v0;
	v7 =	vld [tilespmem:s8+$0x12050]  }
0x612: {  	v8 =	vld [tilespmem:s13+$0x1C000];
	[tilespmem:s8+$0x10040] =	vst v4;
	v1 =	vadd.f32 v1, v0  }
0x613: {  	v4 =	vld [tilespmem:s13+$0x10000];
	[tilespmem:s8+$0x12040] =	vst v2;
	v0 =	vadd.f32 v3, v0  }
0x614: {  	[tilespmem:s8+$0x14040] =	vst v1;
	v1 =	vld [tilespmem:s8+$0x14050]  }
0x615: {  	[tilespmem:s8+$0x16040] =	vst v0;
	v0 =	vadd.f32 v5, v6;
	v2 =	vld [tilespmem:s8+$0x16050]  }
0x616: {  	v3 =	vadd.f32 v7, v6;
	v5 =	vld [tilespmem:s8+$0x1C060]  }
0x617: {  	[tilespmem:s8+$0x10050] =	vst v0;
	v0 =	vld [tilespmem:s8+$0x10060]  }
0x618: {  	v4 =	vadd.f32 v4, v8;
	[tilespmem:s8+$0x12050] =	vst v3;
	v3 =	vld [tilespmem:s8+$0x12060]  }
0x619: {  	s14 =	sand.u32 $0x380, s9;
	v1 =	vadd.f32 v1, v6;
	v7 =	vld [tilespmem:s8+$0x14060]  }
0x61a: {  	s12 =	sor.u32 s14, s12;
	[tilespmem:s13+$0x10000] =	vst v4;
	v2 =	vadd.f32 v2, v6;
	v4 =	vld [tilespmem:s8+$0x16060]  }
0x61b: {  	v6 =	vld [tilespmem:s12+$0x16070];
	[tilespmem:s8+$0x14050] =	vst v1  }
0x61c: {  	v1 =	vld [tilespmem:s12+$0x12070];
	[tilespmem:s8+$0x16050] =	vst v2;
	v0 =	vadd.f32 v0, v5  }
0x61d: {  	v2 =	vld [tilespmem:s12+$0x14070];
	v3 =	vadd.f32 v3, v5  }
0x61e: {  	v9 =	vld [tilespmem:s12+$0x1C000];
	[tilespmem:s8+$0x10060] =	vst v0;
	v0 =	vadd.f32 v7, v5  }
0x61f: {  	v7 =	vld [tilespmem:s12+$0x10000];
	[tilespmem:s8+$0x12060] =	vst v3;
	v3 =	vadd.f32 v4, v5  }
0x620: {  	v4 =	vld [tilespmem:s12+$0x12000];
	v5 =	vadd.f32 v6, v8;
	[tilespmem:s8+$0x14060] =	vst v0  }
0x621: {  	v0 =	vld [tilespmem:s12+$0x14000];
	v1 =	vadd.f32 v1, v8;
	[tilespmem:s8+$0x16060] =	vst v3;
	s8 =	smov.u32 s12  }
0x622: {  	v3 =	vld [tilespmem:s8+$0x16000];
	v2 =	vadd.f32 v2, v8;
	[tilespmem:s8+$0x16070] =	vst v5  }
0x623: {  	v5 =	vld [tilespmem:s8+$0x1C010];
	[tilespmem:s8+$0x12070] =	vst v1  }
0x624: {  	v1 =	vadd.f32 v7, v9;
	v6 =	vld [tilespmem:s8+$0x10010];
	[tilespmem:s8+$0x14070] =	vst v2  }
0x625: {  	v2 =	vadd.f32 v4, v9;
	v4 =	vld [tilespmem:s8+$0x12010]  }
0x626: {  	[tilespmem:s8+$0x10000] =	vst v1;
	v0 =	vadd.f32 v0, v9;
	v1 =	vld [tilespmem:s8+$0x14010]  }
0x627: {  	[tilespmem:s8+$0x12000] =	vst v2;
	v2 =	vadd.f32 v3, v9;
	v3 =	vld [tilespmem:s8+$0x16010]  }
0x628: {  	[tilespmem:s8+$0x14000] =	vst v0;
	v0 =	vld [tilespmem:s8+$0x1C020]  }
0x629: {  	[tilespmem:s8+$0x16000] =	vst v2;
	v2 =	vadd.f32 v6, v5;
	v6 =	vld [tilespmem:s8+$0x10020]  }
0x62a: {  	v4 =	vadd.f32 v4, v5;
	v7 =	vld [tilespmem:s8+$0x12020]  }
0x62b: {  	[tilespmem:s8+$0x10010] =	vst v2;
	v1 =	vadd.f32 v1, v5;
	v2 =	vld [tilespmem:s8+$0x14020]  }
0x62c: {  	[tilespmem:s8+$0x12010] =	vst v4;
	v3 =	vadd.f32 v3, v5;
	v4 =	vld [tilespmem:s8+$0x16020]  }
0x62d: {  	[tilespmem:s8+$0x14010] =	vst v1;
	v5 =	vld [tilespmem:s8+$0x1C030]  }
0x62e: {  	[tilespmem:s8+$0x16010] =	vst v3;
	v1 =	vadd.f32 v6, v0;
	v3 =	vld [tilespmem:s8+$0x10030]  }
0x62f: {  	v6 =	vadd.f32 v7, v0;
	v7 =	vld [tilespmem:s8+$0x12030]  }
0x630: {  	[tilespmem:s8+$0x10020] =	vst v1;
	v1 =	vadd.f32 v2, v0;
	v8 =	vld [tilespmem:s8+$0x14030]  }
0x631: {  	[tilespmem:s8+$0x12020] =	vst v6;
	v2 =	vadd.f32 v4, v0;
	v9 =	vld [tilespmem:s8+$0x16030]  }
.Ltmp14:
0x632: {  	[tilespmem:s8+$0x14020] =	vst v1;
	v0 =	vld [tilespmem:s8+$0x1C040];
	(pc) =	sbr.rel @p0 .LBB2_30-.Ltmp14, $4  }
0x633: {  	[tilespmem:s8+$0x16020] =	vst v2;
	v1 =	vadd.f32 v3, v5;
	v4 =	vld [tilespmem:s8+$0x10040]  }
0x634: {  	v3 =	vadd.f32 v7, v5;
	v2 =	vld [tilespmem:s8+$0x12040]  }
0x635: {  	[tilespmem:s8+$0x10030] =	vst v1;
	v6 =	vadd.f32 v8, v5;
	v1 =	vld [tilespmem:s8+$0x14040]  }
0x636: {  	s11 =	sadd.s32 $0x400, s11;
	[tilespmem:s8+$0x12030] =	vst v3;
	v5 =	vadd.f32 v9, v5;
	v3 =	vld [tilespmem:s8+$0x16040]  }
0x637: {  	v7 =	vld [tilespmem:s8+$0x1C050]  }
0x638: {  	v8 =	vld [tilespmem:s8+$0x10050]  }
0x639: {  	v9 =	vld [tilespmem:s8+$0x12050]  }
0x63a: {  	[tilespmem:s8+$0x14030] =	vst v6;
	v6 =	vld [tilespmem:s8+$0x14050];
	v4 =	vadd.f32 v4, v0  }
0x63b: {  	[tilespmem:s8+$0x16030] =	vst v5;
	v5 =	vld [tilespmem:s8+$0x16050];
	v2 =	vadd.f32 v2, v0  }
0x63c: {  	[tilespmem:s8+$0x10040] =	vst v4;
	v1 =	vadd.f32 v1, v0;
	v4 =	vld [tilespmem:s8+$0x1C060]  }
0x63d: {  	[tilespmem:s8+$0x12040] =	vst v2;
	v0 =	vadd.f32 v3, v0;
	v2 =	vld [tilespmem:s8+$0x10060]  }
0x63e: {  	v3 =	vld [tilespmem:s8+$0x12060];
	[tilespmem:s8+$0x14040] =	vst v1;
	v1 =	vadd.f32 v8, v7  }
0x63f: {  	v8 =	vld [tilespmem:s8+$0x14060];
	[tilespmem:s8+$0x16040] =	vst v0;
	v0 =	vadd.f32 v9, v7  }
0x640: {  	[tilespmem:s8+$0x10050] =	vst v1;
	v1 =	vadd.f32 v6, v7;
	v6 =	vld [tilespmem:s8+$0x16060]  }
0x641: {  	[tilespmem:s8+$0x12050] =	vst v0;
	v0 =	vadd.f32 v5, v7  }
0x642: {  	[tilespmem:s8+$0x14050] =	vst v1;
	v1 =	vadd.f32 v2, v4  }
0x643: {  	[tilespmem:s8+$0x16050] =	vst v0;
	v0 =	vadd.f32 v3, v4  }
0x644: {  	[tilespmem:s8+$0x10060] =	vst v1;
	v1 =	vadd.f32 v8, v4  }
0x645: {  	[tilespmem:s8+$0x12060] =	vst v0;
	v0 =	vadd.f32 v6, v4  }
0x646: {  	[tilespmem:s8+$0x14060] =	vst v1  }
0x647: {  	[tilespmem:s8+$0x16060] =	vst v0  }
0x648: {  	[hbm4b:s18+s22] =	stream.strided.scatter [tilespmem:s28], [sflag:$0x6], $0x8000, s23, s22, $0x38;
	[tilespmem:$0x1E000] =	vst v63  }
0x649: {  	_ =	swait.ge [sflag:s29], $0x2000  }
0x64a: {  	[sflag:s29] =	ssyncset.done $0x0  }
0x64b: {  	s9 =	simm.s32 $0x0;
	[sflag:s29] =	ssyncadd.s32 $0xFFFFE000  }
0x64c: {  	s14 =	sand.u32 $0x1C00, s9;
	_ =	swait.ge [sflag:s30], $0x8000  }
0x64d: {  	s10 =	sor.u32 s14, s9;
	[sflag:s30] =	ssyncset.done $0x0  }
0x64e: {  	s10 =	sor.u32 $0x70, s10;
	[sflag:s30] =	ssyncadd.s32 $0xFFFF8000  }
0x64f: {  	v0 =	vld [tilespmem:s10+$0x18000]  }
0x650: {  	v1 =	vld [tilespmem:s10+$0x0];
	_ =	sdelay $0x1  }
0x651: {  	s11 =	sand.u32 $0x380, s9  }
0x652: {  	s8 =	sor.u32 s11, s14  }
0x653: {  	v4 =	vld [tilespmem:s8+$0x18000]  }
0x654: {  	v5 =	vld [tilespmem:s8+$0x0];
	v1 =	vadd.f32 v1, v0  }
0x655: {  	v6 =	vld [tilespmem:s8+$0x2000]  }
0x656: {  	v7 =	vld [tilespmem:s8+$0x4000];
	[tilespmem:s10+$0x0] =	vst v1  }
0x657: {  	v1 =	vld [tilespmem:s8+$0x6070]  }
0x658: {  	v2 =	vld [tilespmem:s8+$0x2070]  }
0x659: {  	v3 =	vld [tilespmem:s8+$0x4070]  }
0x65a: {  	v8 =	vld [tilespmem:s8+$0x6000]  }
0x65b: {  	v62 =	vld [tilespmem:s8+$0x18010]  }
0x65c: {  	v10 =	vld [tilespmem:s8+$0x10];
	v1 =	vadd.f32 v1, v0  }
0x65d: {  	v11 =	vld [tilespmem:s8+$0x2010];
	v2 =	vadd.f32 v2, v0  }
0x65e: {  	v63 =	vld [tilespmem:s8+$0x18030];
	v0 =	vadd.f32 v3, v0;
	[tilespmem:s8+$0x6070] =	vst v1  }
0x65f: {  	v3 =	vld [tilespmem:s8+$0x6010];
	[tilespmem:s8+$0x2070] =	vst v2;
	v2 =	vadd.f32 v5, v4  }
0x660: {  	v1 =	vld [tilespmem:s8+$0x4010];
	[tilespmem:s8+$0x4070] =	vst v0;
	v0 =	vadd.f32 v6, v4  }
0x661: {  	v5 =	vld [tilespmem:s8+$0x18020];
	[tilespmem:s8+$0x0] =	vst v2;
	v2 =	vadd.f32 v7, v4  }
0x662: {  	v6 =	vld [tilespmem:s8+$0x20];
	[tilespmem:s8+$0x2000] =	vst v0;
	v0 =	vadd.f32 v8, v4  }
0x663: {  	v4 =	vld [tilespmem:s8+$0x2020];
	[tilespmem:s8+$0x4000] =	vst v2;
	v2 =	vadd.f32 v10, v62  }
0x664: {  	v7 =	vld [tilespmem:s8+$0x4020];
	[tilespmem:s8+$0x6000] =	vst v0;
	v0 =	vadd.f32 v11, v62  }
0x665: {  	v8 =	vld [tilespmem:s8+$0x6020];
	v1 =	vadd.f32 v1, v62;
	[tilespmem:s8+$0x10] =	vst v2  }
0x666: {  	[tilespmem:s8+$0x2010] =	vst v0;
	v0 =	vadd.f32 v3, v62;
	v2 =	vld [tilespmem:s8+$0x30]  }
0x667: {  	v3 =	vld [tilespmem:s8+$0x2030];
	[tilespmem:s8+$0x4010] =	vst v1;
	v1 =	vadd.f32 v6, v5  }
0x668: {  	v6 =	vld [tilespmem:s8+$0x4030];
	[tilespmem:s8+$0x6010] =	vst v0;
	v0 =	vadd.f32 v4, v5  }
0x669: {  	[tilespmem:s8+$0x20] =	vst v1;
	v1 =	vadd.f32 v7, v5;
	v7 =	vld [tilespmem:s8+$0x6030]  }
0x66a: {  	v4 =	vld [tilespmem:s8+$0x40];
	v5 =	vadd.f32 v8, v5;
	[tilespmem:s8+$0x2020] =	vst v0  }
0x66b: {  	v0 =	vld [tilespmem:s8+$0x18040];
	[tilespmem:s8+$0x4020] =	vst v1;
	v1 =	vadd.f32 v2, v63  }
0x66c: {  	[tilespmem:s8+$0x6020] =	vst v5;
	v3 =	vadd.f32 v3, v63;
	v2 =	vld [tilespmem:s8+$0x2040]  }
0x66d: {  	v6 =	vadd.f32 v6, v63;
	[tilespmem:s8+$0x30] =	vst v1;
	v1 =	vld [tilespmem:s8+$0x4040]  }
0x66e: {  	s11 =	simm.s32 $0x400;
	s10 =	simm.s32 $0x0;
	[tilespmem:s8+$0x2030] =	vst v3;
	v3 =	vld [tilespmem:s8+$0x6040];
	v5 =	vadd.f32 v7, v63  }
.LBB2_32:
0x66f: {  	s12 =	sand.u32 $0x1C00, s11;
	[tilespmem:s8+$0x4030] =	vst v6;
	v6 =	vld [tilespmem:s8+$0x18050];
	s9 =	sadd.s32 $0x10, s9  }
0x670: {  	s10 =	sadd.s32 $0x8, s10;
	s13 =	sor.u32 s12, s9;
	[tilespmem:s8+$0x6030] =	vst v5;
	v4 =	vadd.f32 v4, v0;
	v5 =	vld [tilespmem:s8+$0x50]  }
0x671: {  	p0 =	slt.u32 s10, $0x1F8;
	s13 =	sor.u32 $0x70, s13;
	v2 =	vadd.f32 v2, v0;
	v7 =	vld [tilespmem:s8+$0x2050]  }
0x672: {  	v8 =	vld [tilespmem:s13+$0x18000];
	[tilespmem:s8+$0x40] =	vst v4;
	v1 =	vadd.f32 v1, v0  }
0x673: {  	v4 =	vld [tilespmem:s13+$0x0];
	[tilespmem:s8+$0x2040] =	vst v2;
	v0 =	vadd.f32 v3, v0  }
0x674: {  	[tilespmem:s8+$0x4040] =	vst v1;
	v1 =	vld [tilespmem:s8+$0x4050]  }
0x675: {  	[tilespmem:s8+$0x6040] =	vst v0;
	v0 =	vadd.f32 v5, v6;
	v2 =	vld [tilespmem:s8+$0x6050]  }
0x676: {  	v3 =	vadd.f32 v7, v6;
	v5 =	vld [tilespmem:s8+$0x18060]  }
0x677: {  	[tilespmem:s8+$0x50] =	vst v0;
	v0 =	vld [tilespmem:s8+$0x60]  }
0x678: {  	v4 =	vadd.f32 v4, v8;
	[tilespmem:s8+$0x2050] =	vst v3;
	v3 =	vld [tilespmem:s8+$0x2060]  }
0x679: {  	s14 =	sand.u32 $0x380, s9;
	v1 =	vadd.f32 v1, v6;
	v7 =	vld [tilespmem:s8+$0x4060]  }
0x67a: {  	s12 =	sor.u32 s14, s12;
	[tilespmem:s13+$0x0] =	vst v4;
	v2 =	vadd.f32 v2, v6;
	v4 =	vld [tilespmem:s8+$0x6060]  }
0x67b: {  	v6 =	vld [tilespmem:s12+$0x6070];
	[tilespmem:s8+$0x4050] =	vst v1  }
0x67c: {  	v1 =	vld [tilespmem:s12+$0x2070];
	[tilespmem:s8+$0x6050] =	vst v2;
	v0 =	vadd.f32 v0, v5  }
0x67d: {  	v2 =	vld [tilespmem:s12+$0x4070];
	v3 =	vadd.f32 v3, v5  }
0x67e: {  	v9 =	vld [tilespmem:s12+$0x18000];
	[tilespmem:s8+$0x60] =	vst v0;
	v0 =	vadd.f32 v7, v5  }
0x67f: {  	v7 =	vld [tilespmem:s12+$0x0];
	[tilespmem:s8+$0x2060] =	vst v3;
	v3 =	vadd.f32 v4, v5  }
0x680: {  	v4 =	vld [tilespmem:s12+$0x2000];
	v5 =	vadd.f32 v6, v8;
	[tilespmem:s8+$0x4060] =	vst v0  }
0x681: {  	v0 =	vld [tilespmem:s12+$0x4000];
	v1 =	vadd.f32 v1, v8;
	[tilespmem:s8+$0x6060] =	vst v3;
	s8 =	smov.u32 s12  }
0x682: {  	v3 =	vld [tilespmem:s8+$0x6000];
	v2 =	vadd.f32 v2, v8;
	[tilespmem:s8+$0x6070] =	vst v5  }
0x683: {  	v5 =	vld [tilespmem:s8+$0x18010];
	[tilespmem:s8+$0x2070] =	vst v1  }
0x684: {  	v1 =	vadd.f32 v7, v9;
	v6 =	vld [tilespmem:s8+$0x10];
	[tilespmem:s8+$0x4070] =	vst v2  }
0x685: {  	v2 =	vadd.f32 v4, v9;
	v4 =	vld [tilespmem:s8+$0x2010]  }
0x686: {  	[tilespmem:s8+$0x0] =	vst v1;
	v0 =	vadd.f32 v0, v9;
	v1 =	vld [tilespmem:s8+$0x4010]  }
0x687: {  	[tilespmem:s8+$0x2000] =	vst v2;
	v2 =	vadd.f32 v3, v9;
	v3 =	vld [tilespmem:s8+$0x6010]  }
0x688: {  	[tilespmem:s8+$0x4000] =	vst v0;
	v0 =	vld [tilespmem:s8+$0x18020]  }
0x689: {  	[tilespmem:s8+$0x6000] =	vst v2;
	v2 =	vadd.f32 v6, v5;
	v6 =	vld [tilespmem:s8+$0x20]  }
0x68a: {  	v4 =	vadd.f32 v4, v5;
	v7 =	vld [tilespmem:s8+$0x2020]  }
0x68b: {  	[tilespmem:s8+$0x10] =	vst v2;
	v1 =	vadd.f32 v1, v5;
	v2 =	vld [tilespmem:s8+$0x4020]  }
0x68c: {  	[tilespmem:s8+$0x2010] =	vst v4;
	v3 =	vadd.f32 v3, v5;
	v4 =	vld [tilespmem:s8+$0x6020]  }
0x68d: {  	[tilespmem:s8+$0x4010] =	vst v1;
	v5 =	vld [tilespmem:s8+$0x18030]  }
0x68e: {  	[tilespmem:s8+$0x6010] =	vst v3;
	v1 =	vadd.f32 v6, v0;
	v3 =	vld [tilespmem:s8+$0x30]  }
0x68f: {  	v6 =	vadd.f32 v7, v0;
	v7 =	vld [tilespmem:s8+$0x2030]  }
0x690: {  	[tilespmem:s8+$0x20] =	vst v1;
	v1 =	vadd.f32 v2, v0;
	v8 =	vld [tilespmem:s8+$0x4030]  }
0x691: {  	[tilespmem:s8+$0x2020] =	vst v6;
	v2 =	vadd.f32 v4, v0;
	v9 =	vld [tilespmem:s8+$0x6030]  }
.Ltmp15:
0x692: {  	[tilespmem:s8+$0x4020] =	vst v1;
	v0 =	vld [tilespmem:s8+$0x18040];
	(pc) =	sbr.rel @p0 .LBB2_32-.Ltmp15, $4  }
0x693: {  	[tilespmem:s8+$0x6020] =	vst v2;
	v1 =	vadd.f32 v3, v5;
	v4 =	vld [tilespmem:s8+$0x40]  }
0x694: {  	v3 =	vadd.f32 v7, v5;
	v2 =	vld [tilespmem:s8+$0x2040]  }
0x695: {  	[tilespmem:s8+$0x30] =	vst v1;
	v6 =	vadd.f32 v8, v5;
	v1 =	vld [tilespmem:s8+$0x4040]  }
0x696: {  	s11 =	sadd.s32 $0x400, s11;
	[tilespmem:s8+$0x2030] =	vst v3;
	v5 =	vadd.f32 v9, v5;
	v3 =	vld [tilespmem:s8+$0x6040]  }
0x697: {  	v7 =	vld [tilespmem:s8+$0x18050]  }
0x698: {  	v8 =	vld [tilespmem:s8+$0x50]  }
0x699: {  	v9 =	vld [tilespmem:s8+$0x2050]  }
0x69a: {  	[tilespmem:s8+$0x4030] =	vst v6;
	v48 =	vld [tilespmem:s8+$0x4050];
	v4 =	vadd.f32 v4, v0  }
0x69b: {  	v49 =	vld [tilespmem:s8+$0x6050];
	[tilespmem:s8+$0x6030] =	vst v5;
	v2 =	vadd.f32 v2, v0  }
0x69c: {  	v50 =	vld [tilespmem:s8+$0x18060];
	[tilespmem:s8+$0x40] =	vst v4;
	v1 =	vadd.f32 v1, v0  }
0x69d: {  	v52 =	vld [tilespmem:s8+$0x60];
	[tilespmem:s8+$0x2040] =	vst v2;
	v51 =	vadd.f32 v3, v0  }
0x69e: {  	v54 =	vld [tilespmem:s8+$0x2060];
	[tilespmem:s8+$0x4040] =	vst v1;
	v53 =	vadd.f32 v8, v7  }
0x69f: {  	v56 =	vld [tilespmem:s8+$0x4060];
	v55 =	vadd.f32 v9, v7;
	[tilespmem:s8+$0x6040] =	vst v51  }
0x6a0: {  	v58 =	vld [tilespmem:s8+$0x6060];
	v57 =	vadd.f32 v48, v7;
	[tilespmem:s8+$0x50] =	vst v53  }
0x6a1: {  	v59 =	vadd.f32 v49, v7;
	[tilespmem:s8+$0x2050] =	vst v55  }
0x6a2: {  	v60 =	vadd.f32 v52, v50;
	[tilespmem:s8+$0x4050] =	vst v57  }
0x6a3: {  	v61 =	vadd.f32 v54, v50;
	[tilespmem:s8+$0x6050] =	vst v59  }
0x6a4: {  	v62 =	vadd.f32 v56, v50;
	[tilespmem:s8+$0x60] =	vst v60  }
0x6a5: {  	v63 =	vadd.f32 v58, v50;
	[tilespmem:s8+$0x2060] =	vst v61  }
0x6a6: {  	[tilespmem:s8+$0x4060] =	vst v62  }
0x6a7: {  	[tilespmem:s8+$0x6060] =	vst v63  }
0x6a8: {  	[hbm4b:s19+s22] =	stream.strided.scatter [tilespmem:s1], [sflag:$0x4], $0x8000, s23, s22, $0x38;
	[tilespmem:$0x1E000] =	vst v63  }
0x6a9: {  	_ =	swait.ge [sflag:s5], $0x8000  }
0x6aa: {  	[sflag:s5] =	ssyncset.done $0x0  }
0x6ab: {  	s7 =	sadd.s32 $0x1, s7;
	[sflag:s5] =	ssyncadd.s32 $0xFFFF8000  }
0x6ac: {  	p0 =	sne.s32 s7, s20;
	_ =	swait.ge [sflag:s6], $0x8000  }
.Ltmp16:
0x6ad: {  	[sflag:s6] =	ssyncset.done $0x0;
	(pc) =	sbr.rel @p0 .LBB2_1-.Ltmp16, $4  }
0x6ae: {  	[sflag:s6] =	ssyncadd.s32 $0xFFFF8000  }
0x6af: {  	_ =	swait.ge [sflag:s2], $0x8000  }
0x6b0: {  	[sflag:s2] =	ssyncset.done $0x0  }
0x6b1: {  	[sflag:s2] =	ssyncadd.s32 $0xFFFF8000  }
0x6b2: {  	_ =	sfence.sel $0x180000  }
0x6b3: {  	[bflag:$0x0] =	sbarrier.arrive $0xFFFF  }
0x6b4: {  	_ =	strace $0x90000047  }
0x6b5: {  	s0 =	stileid.u32;
	[bflag:$0x2] =	sbarrier.arrive $0xFFFF  }
0x6b6: {  	p0 =	sne.s32 s0, $0x0;
	s0 =	rddreg [dreg:$0x3]  }
0x6b7: {  	s0 =	sadd.s32 @!p0 $0x100000, s0  }
0x6b8: {  	[sflag:s0] =	ssyncadd.tile.s32 @!p0 $0x1;
	_ =	shalt  }
.Lfunc_end2:
_tile_overlayer_lowered:
.L_overlay_start_2:
0x6b9: {  	(tag) =	ssettag $0x2  }
0x6ba: {  	s0 =	rddreg [dreg:$0x0];
	s2 =	stileid.u32  }
0x6bb: {  	s1 =	rddreg [dreg:$0x1];
	p0 =	sne.s32 s2, $0x0  }
0x6bc: {  	s3 =	rddreg [dreg:$0x2];
	[bflag:$0x3] =	sbarrier.arrive $0xFFFF;
	s2 =	simm.s32 @!p0 $0x1C0A  }
0x6bd: {  	[timem:s3], [sflag:s2] =	dma.local @!p0 [hbm:s0], s1  }
0x6be: {  	s0 =	simm.s32 @!p0 $0xA  }
0x6bf: {  	_ =	swait.ge @!p0 [sflag:s0], s1  }
0x6c0: {  	s1 =	ssub.s32 @!p0 $0x0, s1;
	[sflag:s0] =	ssyncset.done @!p0 $0x0  }
0x6c1: {  	[sflag:s0] =	ssyncadd.s32 @!p0 s1  }
0x6c2: {  	[bflag:$0x3] =	sbarrier.arrive $0xFFFF  }
0x6c3: {  	_ =	shalt  }

</sc_bundles>
